<compile_context>
chip_gen: v7x
topology: tpu7x:2x2x1
jax: 0.10.2.dev20260603
libtpu: 0.0.44.dev20260713+nightly
codegen_flags: <defaults>
</compile_context>

<pallas_src>
import jax
import jax.numpy as jnp
from jax import lax
from jax.experimental import pallas as pl
from jax.experimental.pallas import tpu as pltpu, tpu_sc as plsc

N_NODES = 10000
N_PAD = 10240
N_EDGES = 160000
H = 32
FF = 256
HORIZON = 12

NC, NS = 2, 16
NW = NC * NS
EDGE_CHUNK = 8000


def _dot(w, x):
  return lax.dot_general(w, x, (((0,), (0,)), ((), ())),
                         preferred_element_type=jnp.float32)


def _pre_body(x3_ref, encw_ref, encb_ref, w0a_ref, w0b_ref, b0_ref,
              w1a_ref, w1b_ref, b1_ref, wsk_ref, bsk_ref,
              z2_ref, base_ref):
  x3 = x3_ref[...]
  encw = encw_ref[...]
  encb = encb_ref[...]
  h9 = encw * x3[0][None, :] + encb
  h10 = encw * x3[1][None, :] + encb
  h11 = encw * x3[2][None, :] + encb
  b0 = b0_ref[...]
  z1_10 = jnp.maximum(_dot(w0a_ref[...], h9) + _dot(w0b_ref[...], h10) + b0, 0.0)
  z1_11 = jnp.maximum(_dot(w0a_ref[...], h10) + _dot(w0b_ref[...], h11) + b0, 0.0)
  z2 = jnp.maximum(_dot(w1a_ref[...], z1_10) + _dot(w1b_ref[...], z1_11)
                   + b1_ref[...], 0.0)
  z2_ref[...] = z2
  base_ref[...] = h11 + _dot(wsk_ref[...], h11) + bsk_ref[...]


def _full_spec(a):
  return pl.BlockSpec(a.shape, lambda i: (0,) * a.ndim)


def _run_pre(x3, enc_W, enc_b, tc0_W, tc0_b, tc1_W, tc1_b, W_skip, b_skip):
  bn = 2048
  grid = (N_PAD // bn,)
  ws = [enc_W.reshape(H, 1), enc_b.reshape(H, 1),
        tc0_W[0], tc0_W[1], tc0_b.reshape(H, 1),
        tc1_W[0], tc1_W[1], tc1_b.reshape(H, 1),
        W_skip, b_skip.reshape(H, 1)]
  return pl.pallas_call(
      _pre_body,
      grid=grid,
      in_specs=[pl.BlockSpec((3, bn), lambda i: (0, i))]
      + [_full_spec(w) for w in ws],
      out_specs=[
          pl.BlockSpec((H, bn), lambda i: (0, i)),
          pl.BlockSpec((H, bn), lambda i: (0, i)),
      ],
      out_shape=[
          jax.ShapeDtypeStruct((H, N_PAD), jnp.float32),
          jax.ShapeDtypeStruct((H, N_PAD), jnp.float32),
      ],
  )(x3, *ws)


def _sc_body(z_hbm, sd_hbm, w_hbm, out_hbm,
             z_c, degf, degb, af1, af2, ab1, ab2,
             sd_c0, sd_c1, w_c0, w_c1, deg_part, deg_full, sems):
  sd_c = (sd_c0, sd_c1)
  w_c = (w_c0, w_c1)
  sid = lax.axis_index("s")
  wid = sid * NC + lax.axis_index("c")

  pltpu.sync_copy(z_hbm.at[wid], z_c)

  @plsc.parallel_loop(0, N_PAD // 16, unroll=4)
  def _(i):
    zv = jnp.zeros((16,), jnp.float32)
    sl = pl.ds(i * 16, 16)
    degf[sl] = zv
    degb[sl] = zv

  n_chunks = N_EDGES // EDGE_CHUNK
  n_inner = EDGE_CHUNK // 16
  NBUF = 2

  def issue(ci, b):
    base = ci * EDGE_CHUNK
    pltpu.async_copy(sd_hbm.at[pl.ds(base, EDGE_CHUNK)], sd_c[b],
                     sems.at[b, 0])
    pltpu.async_copy(w_hbm.at[pl.ds(base, EDGE_CHUNK)], w_c[b],
                     sems.at[b, 1])

  def drain(b):
    pltpu.make_async_copy(sd_hbm.at[pl.ds(0, EDGE_CHUNK)], sd_c[b],
                          sems.at[b, 0]).wait()
    pltpu.make_async_copy(w_hbm.at[pl.ds(0, EDGE_CHUNK)], w_c[b],
                          sems.at[b, 1]).wait()

  def prime():
    for b in range(NBUF):
      issue(b, b)

  def edge_pass(body):
    def group(g, _):
      for b in range(NBUF):
        ci = g * NBUF + b
        drain(b)

        @plsc.parallel_loop(0, n_inner, unroll=4)
        def _(j):
          sl = pl.ds(j * 16, 16)
          sd = sd_c[b][sl]
          body(lax.bitwise_and(sd, 65535), lax.shift_right_logical(sd, 16),
               w_c[b][sl])

        @pl.when(ci + NBUF < n_chunks)
        def _():
          issue(ci + NBUF, b)
      return 0
    lax.fori_loop(0, n_chunks // NBUF, group, 0)

  def scale_pair(a_ref, b_ref):
    @plsc.parallel_loop(0, N_PAD // 16, unroll=4)
    def _(i):
      sl = pl.ds(i * 16, 16)
      a_ref[sl] = a_ref[sl] * degf[sl]
      b_ref[sl] = b_ref[sl] * degb[sl]

  E_T = N_EDGES // NS
  base_e = sid * E_T
  for b, (off, ln) in enumerate(((0, EDGE_CHUNK), (EDGE_CHUNK, E_T - EDGE_CHUNK))):
    pltpu.sync_copy(sd_hbm.at[pl.ds(base_e + off, ln)],
                    sd_c[b].at[pl.ds(0, ln)])
    pltpu.sync_copy(w_hbm.at[pl.ds(base_e + off, ln)],
                    w_c[b].at[pl.ds(0, ln)])

    @plsc.parallel_loop(0, ln // 16, unroll=4)
    def _(j):
      sl = pl.ds(j * 16, 16)
      sd = sd_c[b][sl]
      w = w_c[b][sl]
      plsc.addupdate_scatter(degf, [lax.shift_right_logical(sd, 16)], w)
      plsc.addupdate_scatter(degb, [lax.bitwise_and(sd, 65535)], w)

  pltpu.sync_copy(degf, deg_part.at[sid, 0])
  pltpu.sync_copy(degb, deg_part.at[sid, 1])
  plsc.subcore_barrier()

  STR = N_PAD // NS
  for k in range(NS):
    pltpu.sync_copy(deg_part.at[k, 0, pl.ds(sid * STR, STR)],
                    af1.at[pl.ds(k * STR, STR)])
    pltpu.sync_copy(deg_part.at[k, 1, pl.ds(sid * STR, STR)],
                    ab1.at[pl.ds(k * STR, STR)])

  @plsc.parallel_loop(0, STR // 16, unroll=2)
  def _(j):
    accf = af1[pl.ds(j * 16, 16)]
    accb = ab1[pl.ds(j * 16, 16)]
    for k in range(1, NS):
      accf = accf + af1[pl.ds(k * STR + j * 16, 16)]
      accb = accb + ab1[pl.ds(k * STR + j * 16, 16)]
    accf = jnp.where(accf > 0.0, 1.0 / accf, 0.0)
    accb = jnp.where(accb > 0.0, 1.0 / accb, 0.0)
    osl = pl.ds(sid * STR + j * 16, 16)
    degf[osl] = accf
    degb[osl] = accb

  pltpu.sync_copy(degf.at[pl.ds(sid * STR, STR)],
                  deg_full.at[0, pl.ds(sid * STR, STR)])
  pltpu.sync_copy(degb.at[pl.ds(sid * STR, STR)],
                  deg_full.at[1, pl.ds(sid * STR, STR)])
  plsc.subcore_barrier()
  pltpu.sync_copy(deg_full.at[0], degf)
  pltpu.sync_copy(deg_full.at[1], degb)

  @plsc.parallel_loop(0, N_PAD // 16, unroll=4)
  def _(i):
    zv = jnp.zeros((16,), jnp.float32)
    sl = pl.ds(i * 16, 16)
    af1[sl] = zv
    af2[sl] = zv
    ab1[sl] = zv
    ab2[sl] = zv

  def hop1_body(s, d, w):
    plsc.addupdate_scatter(af1, [d], w * plsc.load_gather(z_c, [s]))
    plsc.addupdate_scatter(ab1, [s], w * plsc.load_gather(z_c, [d]))
  prime()
  edge_pass(hop1_body)
  prime()

  scale_pair(af1, ab1)

  cp1 = pltpu.async_copy(af1, out_hbm.at[0, wid], sems.at[0, 2])
  cp2 = pltpu.async_copy(ab1, out_hbm.at[2, wid], sems.at[1, 2])

  def hop2_body(s, d, w):
    plsc.addupdate_scatter(af2, [d], w * plsc.load_gather(af1, [s]))
    plsc.addupdate_scatter(ab2, [s], w * plsc.load_gather(ab1, [d]))
  edge_pass(hop2_body)
  scale_pair(af2, ab2)

  cp1.wait()
  cp2.wait()
  pltpu.sync_copy(af2, out_hbm.at[1, wid])
  pltpu.sync_copy(ab2, out_hbm.at[3, wid])


def _run_sc(z2, sd, w):
  f = pl.kernel(
      _sc_body,
      out_type=jax.ShapeDtypeStruct((4, H, N_PAD), jnp.float32),
      mesh=plsc.VectorSubcoreMesh(core_axis_name="c", subcore_axis_name="s"),
      scratch_types=[
          pltpu.VMEM((N_PAD,), jnp.float32),
          pltpu.VMEM((N_PAD,), jnp.float32),
          pltpu.VMEM((N_PAD,), jnp.float32),
          pltpu.VMEM((N_PAD,), jnp.float32),
          pltpu.VMEM((N_PAD,), jnp.float32),
          pltpu.VMEM((N_PAD,), jnp.float32),
          pltpu.VMEM((N_PAD,), jnp.float32),
          pltpu.VMEM((EDGE_CHUNK,), jnp.int32),
          pltpu.VMEM((EDGE_CHUNK,), jnp.int32),
          pltpu.VMEM((EDGE_CHUNK,), jnp.float32),
          pltpu.VMEM((EDGE_CHUNK,), jnp.float32),
          pltpu.VMEM_SHARED((NS, 2, N_PAD), jnp.float32),
          pltpu.VMEM_SHARED((2, N_PAD), jnp.float32),
          pltpu.SemaphoreType.DMA((2, 3)),
      ],
      compiler_params=pltpu.CompilerParams(needs_layout_passes=False),
  )
  return f(z2, sd, w)


def _post_body(z2_ref, dout_ref, base_ref, wd_ref, bd_ref,
               w1_ref, b1_ref, w2_ref, b2_ref, y_ref):
  wd = wd_ref[...]
  d = _dot(wd[0:H], z2_ref[...]) + bd_ref[...]
  dout = dout_ref[...]
  d += _dot(wd[H:2 * H], dout[0])
  d += _dot(wd[2 * H:3 * H], dout[1])
  d += _dot(wd[3 * H:4 * H], dout[2])
  d += _dot(wd[4 * H:5 * H], dout[3])
  hl = base_ref[...] + jnp.maximum(d, 0.0)
  y1 = jnp.maximum(_dot(w1_ref[...], hl) + b1_ref[...], 0.0)
  y_ref[...] = _dot(w2_ref[...], y1) + b2_ref[...]


def _run_post(z2, dout, base, W_diff, b_diff, W1, b1, W2, b2):
  bn = 2048
  grid = (N_PAD // bn,)
  ws = [W_diff, b_diff.reshape(H, 1), W1, b1.reshape(FF, 1),
        W2, b2.reshape(HORIZON, 1)]
  return pl.pallas_call(
      _post_body,
      grid=grid,
      in_specs=[
          pl.BlockSpec((H, bn), lambda i: (0, i)),
          pl.BlockSpec((4, H, bn), lambda i: (0, 0, i)),
          pl.BlockSpec((H, bn), lambda i: (0, i)),
      ] + [_full_spec(w) for w in ws],
      out_specs=pl.BlockSpec((HORIZON, bn), lambda i: (0, i)),
      out_shape=jax.ShapeDtypeStruct((HORIZON, N_PAD), jnp.float32),
  )(z2, dout, base, *ws)


def kernel(x, edge_index, edge_weight, enc_W, enc_b, W_skip, b_skip, tc0_W,
           tc0_b, tc1_W, tc1_b, W_diff, b_diff, W1, b1, W2, b2):
  x3 = x[0, -3:, :, 0]
  x3 = jnp.pad(x3, ((0, 0), (0, N_PAD - N_NODES)))
  z2, base = _run_pre(x3, enc_W, enc_b, tc0_W, tc0_b, tc1_W, tc1_b,
                      W_skip, b_skip)
  ei = edge_index.astype(jnp.int32)
  sd = ei[0] | (ei[1] << 16)
  dout = _run_sc(z2, sd, edge_weight)
  y = _run_post(z2, dout, base, W_diff, b_diff, W1, b1, W2, b2)
  return y[:, :N_NODES][None, :, :, None]

# --- scband reference (transcript-rebuilt; emitter-appended) ---
"""Pipeline reference for scband-stcnmodel-66391604462220 (READ-ONLY COPY).

The authoritative reference and input builder live on the scoring server;
editing this copy changes nothing except your own understanding.
"""

import jax, jax.numpy as jnp
import numpy as np

N_NODES = 10000
N_EDGES = 160000
B, S, C_IN = 1, 12, 1
H = 32
FF = 256
HORIZON = 12
OUT_SIZE = 1
SP_K = 2
DILATION = 1


def setup_inputs(seed: int = 0) -> dict:
    key = jax.random.key(seed)
    ks = jax.random.split(key, 12)
    x = jax.random.normal(ks[0], (B, S, N_NODES, C_IN), dtype=jnp.float32)
    edge_index = jax.random.randint(ks[1], (2, N_EDGES), 0, N_NODES)
    edge_weight = jax.random.uniform(ks[2], (N_EDGES,), dtype=jnp.float32)

    def lin(k, i, o):
        return (jax.random.normal(k, (i, o), dtype=jnp.float32) / np.sqrt(i)).astype(jnp.float32)

    return {
        'x': x,
        'edge_index': edge_index,
        'edge_weight': edge_weight,
        'enc_W': lin(ks[3], C_IN, H), 'enc_b': jnp.zeros((H,), jnp.float32),
        'W_skip': lin(ks[4], H, H), 'b_skip': jnp.zeros((H,), jnp.float32),
        'tc0_W': (jax.random.normal(ks[5], (2, H, H), dtype=jnp.float32) / np.sqrt(2 * H)).astype(jnp.float32),
        'tc0_b': jnp.zeros((H,), jnp.float32),
        'tc1_W': (jax.random.normal(ks[6], (2, H, H), dtype=jnp.float32) / np.sqrt(2 * H)).astype(jnp.float32),
        'tc1_b': jnp.zeros((H,), jnp.float32),
        'W_diff': lin(ks[7], H * (2 * SP_K + 1), H), 'b_diff': jnp.zeros((H,), jnp.float32),
        'W1': lin(ks[8], H, FF), 'b1': jnp.zeros((FF,), jnp.float32),
        'W2': lin(ks[9], FF, HORIZON * OUT_SIZE), 'b2': jnp.zeros((HORIZON * OUT_SIZE,), jnp.float32),
    }


def temporal_conv(h, W, b, dilation):
    # h: [b, s, n, c]; causal 1D conv over time axis (tsl TemporalConv2d with left padding)
    k = W.shape[0]
    pad = (k - 1) * dilation
    hp = jnp.pad(h, ((0, 0), (pad, 0), (0, 0), (0, 0)))
    s = h.shape[1]
    acc = None
    for i in range(k):
        t = jnp.einsum('bsnc,cd->bsnd', hp[:, i * dilation:i * dilation + s], W[i])
        acc = t if acc is None else acc + t
    return acc + b


def diff_conv(h, edge_index, edge_weight, W, b, k, n):
    # tsl DiffConv: root + k-hop forward + k-hop backward diffusion, row-normalized
    src = edge_index[0]
    dst = edge_index[1]

    def norm_w(d_idx):
        deg = jnp.zeros((n,), h.dtype).at[d_idx].add(edge_weight)
        deg_inv = jnp.where(deg > 0, 1.0 / deg, 0.0)
        return edge_weight * deg_inv[d_idx]

    w_fwd = norm_w(dst)
    w_bwd = norm_w(src)
    outs = [h]
    for (s_idx, d_idx, w) in ((src, dst, w_fwd), (dst, src, w_bwd)):
        hs = h
        for _ in range(k):
            msg = jnp.take(hs, s_idx, axis=2) * w[None, None, :, None]
            hs = jnp.zeros_like(h).at[:, :, d_idx, :].add(msg)
            outs.append(hs)
    out = jnp.concatenate(outs, axis=-1)
    return jnp.einsum('bsnf,fo->bsno', out, W) + b


def reference(x, edge_index, edge_weight, enc_W, enc_b, W_skip, b_skip, tc0_W, tc0_b,
              tc1_W, tc1_b, W_diff, b_diff, W1, b1, W2, b2):
    n = x.shape[2]
    # input encoder (exog_size=0 -> plain Linear)
    h = jnp.einsum('bsnc,cd->bsnd', x, enc_W) + enc_b
    # one SpatioTemporalConvNet block with outer residual (x = x + conv(x))
    res = h
    skip = jnp.einsum('bsnc,cd->bsnd', h, W_skip) + b_skip
    z = jax.nn.relu(temporal_conv(h, tc0_W, tc0_b, DILATION))
    z = jax.nn.relu(temporal_conv(z, tc1_W, tc1_b, DILATION))
    z = jax.nn.relu(diff_conv(z, edge_index, edge_weight, W_diff, b_diff, SP_K, n))
    h = res + (z + skip)
    # MLPDecoder (receptive_field=1): last step -> MLP -> rearrange 'b n (h c) -> b h n c'
    hl = h[:, -1]
    y = jax.nn.relu(hl @ W1 + b1)
    y = y @ W2 + b2
    y = y.reshape(y.shape[0], y.shape[1], HORIZON, OUT_SIZE).transpose(0, 2, 1, 3)
    return y

if __name__ == "__main__":
    import jax
    _d = setup_inputs()
    print(jax.jit(kernel)(*tuple(_d.values())))

</pallas_src>

<mosaic_0001>
#map = affine_map<(d0, d1) -> (0, 0)>
#map1 = affine_map<(d0, d1) -> (0)>
#map2 = affine_map<(d0, d1) -> (0, 0, 0)>
module attributes {stable_mosaic.version = 14 : i64} {
  func.func @_sc_body(%arg0: i32, %arg1: i32, %arg2: memref<32x10240xf32, #tpu.memory_space<hbm>>, %arg3: memref<160000xi32, #tpu.memory_space<hbm>>, %arg4: memref<160000xf32, #tpu.memory_space<hbm>>, %arg5: memref<4x32x10240xf32, #tpu.memory_space<hbm>>, %arg6: memref<10240xf32, #tpu.memory_space<vmem>>, %arg7: memref<10240xf32, #tpu.memory_space<vmem>>, %arg8: memref<10240xf32, #tpu.memory_space<vmem>>, %arg9: memref<10240xf32, #tpu.memory_space<vmem>>, %arg10: memref<10240xf32, #tpu.memory_space<vmem>>, %arg11: memref<10240xf32, #tpu.memory_space<vmem>>, %arg12: memref<10240xf32, #tpu.memory_space<vmem>>, %arg13: memref<8000xi32, #tpu.memory_space<vmem>>, %arg14: memref<8000xi32, #tpu.memory_space<vmem>>, %arg15: memref<8000xf32, #tpu.memory_space<vmem>>, %arg16: memref<8000xf32, #tpu.memory_space<vmem>>, %arg17: memref<16x2x10240xf32, #tpu.memory_space<vmem_shared>>, %arg18: memref<2x10240xf32, #tpu.memory_space<vmem_shared>>, %arg19: memref<2x3x!tpu.dma_semaphore, #tpu.memory_space<semaphore_mem>>) attributes {dimension_semantics = [#tpu.dimension_semantics<core_parallel>, #tpu.dimension_semantics<subcore_parallel>], iteration_bounds = array<i64: 2, 16>, scalar_prefetch = 0 : i64, scratch_operands = 14 : i64, tpu.core_type = #tpu.core_type<sc_vector_subcore>, window_params = [{transform_indices = #map}, {transform_indices = #map1}, {transform_indices = #map1}, {transform_indices = #map2}]} {
    %mul3A = arith.constant 2 : i32
    %mul3A_0 = arith.muli %arg1, %mul3A : i32
    %add3A = arith.addi %mul3A_0, %arg0 : i32
    "tpu.region"() ({
      %run_scoped3A_294 = tpu.sem_alloc : memref<!tpu.dma_semaphore, #tpu.memory_space<semaphore_mem>>
      %dma_start3A_295 = arith.constant 0 : i32
      %dma_start3A_296 = tpu.memref_slice %arg2[%add3A, %dma_start3A_295] : memref<32x10240xf32, #tpu.memory_space<hbm>> -> memref<1x10240xf32, #tpu.memory_space<hbm>>
      %dma_start3A_297 = tpu.memref_squeeze %dma_start3A_296 : memref<1x10240xf32, #tpu.memory_space<hbm>> -> memref<10240xf32, #tpu.memory_space<hbm>>
      %dma_start3A_298 = arith.constant 0 : i32
      %dma_start3A_299 = tpu.memref_slice %arg2[%add3A, %dma_start3A_298] : memref<32x10240xf32, #tpu.memory_space<hbm>> -> memref<1x10240xf32, #tpu.memory_space<hbm>>
      %dma_start3A_300 = tpu.memref_squeeze %dma_start3A_299 : memref<1x10240xf32, #tpu.memory_space<hbm>> -> memref<10240xf32, #tpu.memory_space<hbm>>
      tpu.enqueue_dma source(%dma_start3A_300 : memref<10240xf32, #tpu.memory_space<hbm>>) target(%arg6 : memref<10240xf32, #tpu.memory_space<vmem>>) target_semaphore(%run_scoped3A_294 : memref<!tpu.dma_semaphore, #tpu.memory_space<semaphore_mem>>)
      %dma_wait3A_301 = arith.constant 0 : i32
      %dma_wait3A_302 = tpu.memref_slice %arg2[%add3A, %dma_wait3A_301] : memref<32x10240xf32, #tpu.memory_space<hbm>> -> memref<1x10240xf32, #tpu.memory_space<hbm>>
      %dma_wait3A_303 = tpu.memref_squeeze %dma_wait3A_302 : memref<1x10240xf32, #tpu.memory_space<hbm>> -> memref<10240xf32, #tpu.memory_space<hbm>>
      %dma_wait3A_304 = arith.constant 0 : i32
      %dma_wait3A_305 = tpu.memref_slice %arg2[%add3A, %dma_wait3A_304] : memref<32x10240xf32, #tpu.memory_space<hbm>> -> memref<1x10240xf32, #tpu.memory_space<hbm>>
      %dma_wait3A_306 = tpu.memref_squeeze %dma_wait3A_305 : memref<1x10240xf32, #tpu.memory_space<hbm>> -> memref<10240xf32, #tpu.memory_space<hbm>>
      tpu.wait_dma2 semaphore(%run_scoped3A_294 : memref<!tpu.dma_semaphore, #tpu.memory_space<semaphore_mem>>) src(%dma_wait3A_306 : memref<10240xf32, #tpu.memory_space<hbm>>) dst(%arg6 : memref<10240xf32, #tpu.memory_space<vmem>>)
      tpu.yield
    }) : () -> ()
    %parallel_loop3A = arith.constant 0 : i32
    %parallel_loop3A_1 = arith.constant 640 : i32
    %parallel_loop3A_2 = arith.constant 1 : i32
    scf.for %parallel_loop3A_294 = %parallel_loop3A to %parallel_loop3A_1 step %parallel_loop3A_2  : i32 {
      %parallel_loop3A_295 = arith.constant 0.000000e+00 : f32
      %parallel_loop3A_296 = vector.broadcast %parallel_loop3A_295 : f32 to vector<16xf32>
      %parallel_loop3A_297 = arith.constant 16 : i32
      %parallel_loop3A_298 = arith.muli %parallel_loop3A_294, %parallel_loop3A_297 : i32
      %parallel_loop3A_299 = arith.index_cast %parallel_loop3A_298 : i32 to index
      %parallel_loop3A_300 = tpu.vector_load %arg7[%parallel_loop3A_299] {strides = array<i32>} : memref<10240xf32, #tpu.memory_space<vmem>>, vector<16xf32>,
      tpu.vector_store %arg7[%parallel_loop3A_299], %parallel_loop3A_296 {strides = array<i32>} : memref<10240xf32, #tpu.memory_space<vmem>>, vector<16xf32>,
      %parallel_loop3A_301 = arith.index_cast %parallel_loop3A_298 : i32 to index
      %parallel_loop3A_302 = tpu.vector_load %arg8[%parallel_loop3A_301] {strides = array<i32>} : memref<10240xf32, #tpu.memory_space<vmem>>, vector<16xf32>,
      tpu.vector_store %arg8[%parallel_loop3A_301], %parallel_loop3A_296 {strides = array<i32>} : memref<10240xf32, #tpu.memory_space<vmem>>, vector<16xf32>,
    } {sc.loop_unroll_factor = 4 : i64, sc.parallel_access}
    %mul3A_3 = arith.constant 10000 : i32
    %mul3A_4 = arith.muli %arg1, %mul3A_3 : i32
    %add3A_5 = arith.constant 0 : i32
    %add3A_6 = arith.addi %mul3A_4, %add3A_5 : i32
    "tpu.region"() ({
      %run_scoped3A_294 = tpu.sem_alloc : memref<!tpu.dma_semaphore, #tpu.memory_space<semaphore_mem>>
      %dma_start3A_295 = arith.constant 0 : i32
      %dma_start3A_296 = tpu.memref_slice %arg13[%dma_start3A_295] : memref<8000xi32, #tpu.memory_space<vmem>> -> memref<8000xi32, #tpu.memory_space<vmem>>
      %dma_start3A_297 = tpu.memref_slice %arg3[%add3A_6] : memref<160000xi32, #tpu.memory_space<hbm>> -> memref<8000xi32, #tpu.memory_space<hbm>>
      %dma_start3A_298 = arith.constant 0 : i32
      %dma_start3A_299 = tpu.memref_slice %arg13[%dma_start3A_298] : memref<8000xi32, #tpu.memory_space<vmem>> -> memref<8000xi32, #tpu.memory_space<vmem>>
      %dma_start3A_300 = tpu.memref_slice %arg3[%add3A_6] : memref<160000xi32, #tpu.memory_space<hbm>> -> memref<8000xi32, #tpu.memory_space<hbm>>
      tpu.enqueue_dma source(%dma_start3A_300 : memref<8000xi32, #tpu.memory_space<hbm>>) target(%dma_start3A_299 : memref<8000xi32, #tpu.memory_space<vmem>>) target_semaphore(%run_scoped3A_294 : memref<!tpu.dma_semaphore, #tpu.memory_space<semaphore_mem>>)
      %dma_wait3A_301 = arith.constant 0 : i32
      %dma_wait3A_302 = tpu.memref_slice %arg13[%dma_wait3A_301] : memref<8000xi32, #tpu.memory_space<vmem>> -> memref<8000xi32, #tpu.memory_space<vmem>>
      %dma_wait3A_303 = tpu.memref_slice %arg3[%add3A_6] : memref<160000xi32, #tpu.memory_space<hbm>> -> memref<8000xi32, #tpu.memory_space<hbm>>
      %dma_wait3A_304 = arith.constant 0 : i32
      %dma_wait3A_305 = tpu.memref_slice %arg13[%dma_wait3A_304] : memref<8000xi32, #tpu.memory_space<vmem>> -> memref<8000xi32, #tpu.memory_space<vmem>>
      %dma_wait3A_306 = tpu.memref_slice %arg3[%add3A_6] : memref<160000xi32, #tpu.memory_space<hbm>> -> memref<8000xi32, #tpu.memory_space<hbm>>
      tpu.wait_dma2 semaphore(%run_scoped3A_294 : memref<!tpu.dma_semaphore, #tpu.memory_space<semaphore_mem>>) src(%dma_wait3A_306 : memref<8000xi32, #tpu.memory_space<hbm>>) dst(%dma_wait3A_305 : memref<8000xi32, #tpu.memory_space<vmem>>)
      tpu.yield
    }) : () -> ()
    %add3A_7 = arith.constant 0 : i32
    %add3A_8 = arith.addi %mul3A_4, %add3A_7 : i32
    "tpu.region"() ({
      %run_scoped3A_294 = tpu.sem_alloc : memref<!tpu.dma_semaphore, #tpu.memory_space<semaphore_mem>>
      %dma_start3A_295 = arith.constant 0 : i32
      %dma_start3A_296 = tpu.memref_slice %arg15[%dma_start3A_295] : memref<8000xf32, #tpu.memory_space<vmem>> -> memref<8000xf32, #tpu.memory_space<vmem>>
      %dma_start3A_297 = tpu.memref_slice %arg4[%add3A_8] : memref<160000xf32, #tpu.memory_space<hbm>> -> memref<8000xf32, #tpu.memory_space<hbm>>
      %dma_start3A_298 = arith.constant 0 : i32
      %dma_start3A_299 = tpu.memref_slice %arg15[%dma_start3A_298] : memref<8000xf32, #tpu.memory_space<vmem>> -> memref<8000xf32, #tpu.memory_space<vmem>>
      %dma_start3A_300 = tpu.memref_slice %arg4[%add3A_8] : memref<160000xf32, #tpu.memory_space<hbm>> -> memref<8000xf32, #tpu.memory_space<hbm>>
      tpu.enqueue_dma source(%dma_start3A_300 : memref<8000xf32, #tpu.memory_space<hbm>>) target(%dma_start3A_299 : memref<8000xf32, #tpu.memory_space<vmem>>) target_semaphore(%run_scoped3A_294 : memref<!tpu.dma_semaphore, #tpu.memory_space<semaphore_mem>>)
      %dma_wait3A_301 = arith.constant 0 : i32
      %dma_wait3A_302 = tpu.memref_slice %arg15[%dma_wait3A_301] : memref<8000xf32, #tpu.memory_space<vmem>> -> memref<8000xf32, #tpu.memory_space<vmem>>
      %dma_wait3A_303 = tpu.memref_slice %arg4[%add3A_8] : memref<160000xf32, #tpu.memory_space<hbm>> -> memref<8000xf32, #tpu.memory_space<hbm>>
      %dma_wait3A_304 = arith.constant 0 : i32
      %dma_wait3A_305 = tpu.memref_slice %arg15[%dma_wait3A_304] : memref<8000xf32, #tpu.memory_space<vmem>> -> memref<8000xf32, #tpu.memory_space<vmem>>
      %dma_wait3A_306 = tpu.memref_slice %arg4[%add3A_8] : memref<160000xf32, #tpu.memory_space<hbm>> -> memref<8000xf32, #tpu.memory_space<hbm>>
      tpu.wait_dma2 semaphore(%run_scoped3A_294 : memref<!tpu.dma_semaphore, #tpu.memory_space<semaphore_mem>>) src(%dma_wait3A_306 : memref<8000xf32, #tpu.memory_space<hbm>>) dst(%dma_wait3A_305 : memref<8000xf32, #tpu.memory_space<vmem>>)
      tpu.yield
    }) : () -> ()
    %parallel_loop3A_9 = arith.constant 0 : i32
    %parallel_loop3A_10 = arith.constant 500 : i32
    %parallel_loop3A_11 = arith.constant 1 : i32
    scf.for %parallel_loop3A_294 = %parallel_loop3A_9 to %parallel_loop3A_10 step %parallel_loop3A_11  : i32 {
      %parallel_loop3A_295 = arith.constant 16 : i32
      %parallel_loop3A_296 = arith.muli %parallel_loop3A_294, %parallel_loop3A_295 : i32
      %parallel_loop3A_297 = arith.index_cast %parallel_loop3A_296 : i32 to index
      %parallel_loop3A_298 = tpu.vector_load %arg13[%parallel_loop3A_297] {strides = array<i32>} : memref<8000xi32, #tpu.memory_space<vmem>>, vector<16xi32>,
      %parallel_loop3A_299 = arith.index_cast %parallel_loop3A_296 : i32 to index
      %parallel_loop3A_300 = tpu.vector_load %arg15[%parallel_loop3A_299] {strides = array<i32>} : memref<8000xf32, #tpu.memory_space<vmem>>, vector<16xf32>,
      %parallel_loop3A_301 = arith.constant 16 : i32
      %parallel_loop3A_302 = vector.broadcast %parallel_loop3A_301 : i32 to vector<16xi32>
      %parallel_loop3A_303 = arith.shrui %parallel_loop3A_298, %parallel_loop3A_302 : vector<16xi32>
      tpu.vector_store_idx %arg7[%parallel_loop3A_303], %parallel_loop3A_300 {add = true} : memref<10240xf32, #tpu.memory_space<vmem>>[vector<16xi32>], vector<16xf32>,
      %parallel_loop3A_304 = arith.constant 65535 : i32
      %parallel_loop3A_305 = vector.broadcast %parallel_loop3A_304 : i32 to vector<16xi32>
      %parallel_loop3A_306 = arith.andi %parallel_loop3A_298, %parallel_loop3A_305 : vector<16xi32>
      tpu.vector_store_idx %arg8[%parallel_loop3A_306], %parallel_loop3A_300 {add = true} : memref<10240xf32, #tpu.memory_space<vmem>>[vector<16xi32>], vector<16xf32>,
    } {sc.loop_unroll_factor = 4 : i64, sc.parallel_access}
    %add3A_12 = arith.constant 8000 : i32
    %add3A_13 = arith.addi %mul3A_4, %add3A_12 : i32
    "tpu.region"() ({
      %run_scoped3A_294 = tpu.sem_alloc : memref<!tpu.dma_semaphore, #tpu.memory_space<semaphore_mem>>
      %dma_start3A_295 = arith.constant 0 : i32
      %dma_start3A_296 = tpu.memref_slice %arg14[%dma_start3A_295] : memref<8000xi32, #tpu.memory_space<vmem>> -> memref<2000xi32, #tpu.memory_space<vmem>>
      %dma_start3A_297 = tpu.memref_slice %arg3[%add3A_13] : memref<160000xi32, #tpu.memory_space<hbm>> -> memref<2000xi32, #tpu.memory_space<hbm>>
      %dma_start3A_298 = arith.constant 0 : i32
      %dma_start3A_299 = tpu.memref_slice %arg14[%dma_start3A_298] : memref<8000xi32, #tpu.memory_space<vmem>> -> memref<2000xi32, #tpu.memory_space<vmem>>
      %dma_start3A_300 = tpu.memref_slice %arg3[%add3A_13] : memref<160000xi32, #tpu.memory_space<hbm>> -> memref<2000xi32, #tpu.memory_space<hbm>>
      tpu.enqueue_dma source(%dma_start3A_300 : memref<2000xi32, #tpu.memory_space<hbm>>) target(%dma_start3A_299 : memref<2000xi32, #tpu.memory_space<vmem>>) target_semaphore(%run_scoped3A_294 : memref<!tpu.dma_semaphore, #tpu.memory_space<semaphore_mem>>)
      %dma_wait3A_301 = arith.constant 0 : i32
      %dma_wait3A_302 = tpu.memref_slice %arg14[%dma_wait3A_301] : memref<8000xi32, #tpu.memory_space<vmem>> -> memref<2000xi32, #tpu.memory_space<vmem>>
      %dma_wait3A_303 = tpu.memref_slice %arg3[%add3A_13] : memref<160000xi32, #tpu.memory_space<hbm>> -> memref<2000xi32, #tpu.memory_space<hbm>>
      %dma_wait3A_304 = arith.constant 0 : i32
      %dma_wait3A_305 = tpu.memref_slice %arg14[%dma_wait3A_304] : memref<8000xi32, #tpu.memory_space<vmem>> -> memref<2000xi32, #tpu.memory_space<vmem>>
      %dma_wait3A_306 = tpu.memref_slice %arg3[%add3A_13] : memref<160000xi32, #tpu.memory_space<hbm>> -> memref<2000xi32, #tpu.memory_space<hbm>>
      tpu.wait_dma2 semaphore(%run_scoped3A_294 : memref<!tpu.dma_semaphore, #tpu.memory_space<semaphore_mem>>) src(%dma_wait3A_306 : memref<2000xi32, #tpu.memory_space<hbm>>) dst(%dma_wait3A_305 : memref<2000xi32, #tpu.memory_space<vmem>>)
      tpu.yield
    }) : () -> ()
    %add3A_14 = arith.constant 8000 : i32
    %add3A_15 = arith.addi %mul3A_4, %add3A_14 : i32
    "tpu.region"() ({
      %run_scoped3A_294 = tpu.sem_alloc : memref<!tpu.dma_semaphore, #tpu.memory_space<semaphore_mem>>
      %dma_start3A_295 = arith.constant 0 : i32
      %dma_start3A_296 = tpu.memref_slice %arg16[%dma_start3A_295] : memref<8000xf32, #tpu.memory_space<vmem>> -> memref<2000xf32, #tpu.memory_space<vmem>>
      %dma_start3A_297 = tpu.memref_slice %arg4[%add3A_15] : memref<160000xf32, #tpu.memory_space<hbm>> -> memref<2000xf32, #tpu.memory_space<hbm>>
      %dma_start3A_298 = arith.constant 0 : i32
      %dma_start3A_299 = tpu.memref_slice %arg16[%dma_start3A_298] : memref<8000xf32, #tpu.memory_space<vmem>> -> memref<2000xf32, #tpu.memory_space<vmem>>
      %dma_start3A_300 = tpu.memref_slice %arg4[%add3A_15] : memref<160000xf32, #tpu.memory_space<hbm>> -> memref<2000xf32, #tpu.memory_space<hbm>>
      tpu.enqueue_dma source(%dma_start3A_300 : memref<2000xf32, #tpu.memory_space<hbm>>) target(%dma_start3A_299 : memref<2000xf32, #tpu.memory_space<vmem>>) target_semaphore(%run_scoped3A_294 : memref<!tpu.dma_semaphore, #tpu.memory_space<semaphore_mem>>)
      %dma_wait3A_301 = arith.constant 0 : i32
      %dma_wait3A_302 = tpu.memref_slice %arg16[%dma_wait3A_301] : memref<8000xf32, #tpu.memory_space<vmem>> -> memref<2000xf32, #tpu.memory_space<vmem>>
      %dma_wait3A_303 = tpu.memref_slice %arg4[%add3A_15] : memref<160000xf32, #tpu.memory_space<hbm>> -> memref<2000xf32, #tpu.memory_space<hbm>>
      %dma_wait3A_304 = arith.constant 0 : i32
      %dma_wait3A_305 = tpu.memref_slice %arg16[%dma_wait3A_304] : memref<8000xf32, #tpu.memory_space<vmem>> -> memref<2000xf32, #tpu.memory_space<vmem>>
      %dma_wait3A_306 = tpu.memref_slice %arg4[%add3A_15] : memref<160000xf32, #tpu.memory_space<hbm>> -> memref<2000xf32, #tpu.memory_space<hbm>>
      tpu.wait_dma2 semaphore(%run_scoped3A_294 : memref<!tpu.dma_semaphore, #tpu.memory_space<semaphore_mem>>) src(%dma_wait3A_306 : memref<2000xf32, #tpu.memory_space<hbm>>) dst(%dma_wait3A_305 : memref<2000xf32, #tpu.memory_space<vmem>>)
      tpu.yield
    }) : () -> ()
    %parallel_loop3A_16 = arith.constant 0 : i32
    %parallel_loop3A_17 = arith.constant 125 : i32
    %parallel_loop3A_18 = arith.constant 1 : i32
    scf.for %parallel_loop3A_294 = %parallel_loop3A_16 to %parallel_loop3A_17 step %parallel_loop3A_18  : i32 {
      %parallel_loop3A_295 = arith.constant 16 : i32
      %parallel_loop3A_296 = arith.muli %parallel_loop3A_294, %parallel_loop3A_295 : i32
      %parallel_loop3A_297 = arith.index_cast %parallel_loop3A_296 : i32 to index
      %parallel_loop3A_298 = tpu.vector_load %arg14[%parallel_loop3A_297] {strides = array<i32>} : memref<8000xi32, #tpu.memory_space<vmem>>, vector<16xi32>,
      %parallel_loop3A_299 = arith.index_cast %parallel_loop3A_296 : i32 to index
      %parallel_loop3A_300 = tpu.vector_load %arg16[%parallel_loop3A_299] {strides = array<i32>} : memref<8000xf32, #tpu.memory_space<vmem>>, vector<16xf32>,
      %parallel_loop3A_301 = arith.constant 16 : i32
      %parallel_loop3A_302 = vector.broadcast %parallel_loop3A_301 : i32 to vector<16xi32>
      %parallel_loop3A_303 = arith.shrui %parallel_loop3A_298, %parallel_loop3A_302 : vector<16xi32>
      tpu.vector_store_idx %arg7[%parallel_loop3A_303], %parallel_loop3A_300 {add = true} : memref<10240xf32, #tpu.memory_space<vmem>>[vector<16xi32>], vector<16xf32>,
      %parallel_loop3A_304 = arith.constant 65535 : i32
      %parallel_loop3A_305 = vector.broadcast %parallel_loop3A_304 : i32 to vector<16xi32>
      %parallel_loop3A_306 = arith.andi %parallel_loop3A_298, %parallel_loop3A_305 : vector<16xi32>
      tpu.vector_store_idx %arg8[%parallel_loop3A_306], %parallel_loop3A_300 {add = true} : memref<10240xf32, #tpu.memory_space<vmem>>[vector<16xi32>], vector<16xf32>,
    } {sc.loop_unroll_factor = 4 : i64, sc.parallel_access}
    %run_scoped3A = arith.constant 0 : i32
    "tpu.region"() ({
      %run_scoped3A_294 = tpu.sem_alloc : memref<!tpu.dma_semaphore, #tpu.memory_space<semaphore_mem>>
      %dma_start3A_295 = arith.constant 0 : i32
      %dma_start3A_296 = tpu.memref_slice %arg17[%arg1, %run_scoped3A, %dma_start3A_295] : memref<16x2x10240xf32, #tpu.memory_space<vmem_shared>> -> memref<1x1x10240xf32, #tpu.memory_space<vmem_shared>>
      %dma_start3A_297 = tpu.memref_squeeze %dma_start3A_296 : memref<1x1x10240xf32, #tpu.memory_space<vmem_shared>> -> memref<10240xf32, #tpu.memory_space<vmem_shared>>
      %dma_start3A_298 = arith.constant 0 : i32
      %dma_start3A_299 = tpu.memref_slice %arg17[%arg1, %run_scoped3A, %dma_start3A_298] : memref<16x2x10240xf32, #tpu.memory_space<vmem_shared>> -> memref<1x1x10240xf32, #tpu.memory_space<vmem_shared>>
      %dma_start3A_300 = tpu.memref_squeeze %dma_start3A_299 : memref<1x1x10240xf32, #tpu.memory_space<vmem_shared>> -> memref<10240xf32, #tpu.memory_space<vmem_shared>>
      tpu.enqueue_dma source(%arg7 : memref<10240xf32, #tpu.memory_space<vmem>>) target(%dma_start3A_300 : memref<10240xf32, #tpu.memory_space<vmem_shared>>) target_semaphore(%run_scoped3A_294 : memref<!tpu.dma_semaphore, #tpu.memory_space<semaphore_mem>>)
      %dma_wait3A_301 = arith.constant 0 : i32
      %dma_wait3A_302 = tpu.memref_slice %arg17[%arg1, %run_scoped3A, %dma_wait3A_301] : memref<16x2x10240xf32, #tpu.memory_space<vmem_shared>> -> memref<1x1x10240xf32, #tpu.memory_space<vmem_shared>>
      %dma_wait3A_303 = tpu.memref_squeeze %dma_wait3A_302 : memref<1x1x10240xf32, #tpu.memory_space<vmem_shared>> -> memref<10240xf32, #tpu.memory_space<vmem_shared>>
      %dma_wait3A_304 = arith.constant 0 : i32
      %dma_wait3A_305 = tpu.memref_slice %arg17[%arg1, %run_scoped3A, %dma_wait3A_304] : memref<16x2x10240xf32, #tpu.memory_space<vmem_shared>> -> memref<1x1x10240xf32, #tpu.memory_space<vmem_shared>>
      %dma_wait3A_306 = tpu.memref_squeeze %dma_wait3A_305 : memref<1x1x10240xf32, #tpu.memory_space<vmem_shared>> -> memref<10240xf32, #tpu.memory_space<vmem_shared>>
      tpu.wait_dma2 semaphore(%run_scoped3A_294 : memref<!tpu.dma_semaphore, #tpu.memory_space<semaphore_mem>>) src(%arg7 : memref<10240xf32, #tpu.memory_space<vmem>>) dst(%dma_wait3A_306 : memref<10240xf32, #tpu.memory_space<vmem_shared>>)
      tpu.yield
    }) : () -> ()
    %run_scoped3A_19 = arith.constant 1 : i32
    "tpu.region"() ({
      %run_scoped3A_294 = tpu.sem_alloc : memref<!tpu.dma_semaphore, #tpu.memory_space<semaphore_mem>>
      %dma_start3A_295 = arith.constant 0 : i32
      %dma_start3A_296 = tpu.memref_slice %arg17[%arg1, %run_scoped3A_19, %dma_start3A_295] : memref<16x2x10240xf32, #tpu.memory_space<vmem_shared>> -> memref<1x1x10240xf32, #tpu.memory_space<vmem_shared>>
      %dma_start3A_297 = tpu.memref_squeeze %dma_start3A_296 : memref<1x1x10240xf32, #tpu.memory_space<vmem_shared>> -> memref<10240xf32, #tpu.memory_space<vmem_shared>>
      %dma_start3A_298 = arith.constant 0 : i32
      %dma_start3A_299 = tpu.memref_slice %arg17[%arg1, %run_scoped3A_19, %dma_start3A_298] : memref<16x2x10240xf32, #tpu.memory_space<vmem_shared>> -> memref<1x1x10240xf32, #tpu.memory_space<vmem_shared>>
      %dma_start3A_300 = tpu.memref_squeeze %dma_start3A_299 : memref<1x1x10240xf32, #tpu.memory_space<vmem_shared>> -> memref<10240xf32, #tpu.memory_space<vmem_shared>>
      tpu.enqueue_dma source(%arg8 : memref<10240xf32, #tpu.memory_space<vmem>>) target(%dma_start3A_300 : memref<10240xf32, #tpu.memory_space<vmem_shared>>) target_semaphore(%run_scoped3A_294 : memref<!tpu.dma_semaphore, #tpu.memory_space<semaphore_mem>>)
      %dma_wait3A_301 = arith.constant 0 : i32
      %dma_wait3A_302 = tpu.memref_slice %arg17[%arg1, %run_scoped3A_19, %dma_wait3A_301] : memref<16x2x10240xf32, #tpu.memory_space<vmem_shared>> -> memref<1x1x10240xf32, #tpu.memory_space<vmem_shared>>
      %dma_wait3A_303 = tpu.memref_squeeze %dma_wait3A_302 : memref<1x1x10240xf32, #tpu.memory_space<vmem_shared>> -> memref<10240xf32, #tpu.memory_space<vmem_shared>>
      %dma_wait3A_304 = arith.constant 0 : i32
      %dma_wait3A_305 = tpu.memref_slice %arg17[%arg1, %run_scoped3A_19, %dma_wait3A_304] : memref<16x2x10240xf32, #tpu.memory_space<vmem_shared>> -> memref<1x1x10240xf32, #tpu.memory_space<vmem_shared>>
      %dma_wait3A_306 = tpu.memref_squeeze %dma_wait3A_305 : memref<1x1x10240xf32, #tpu.memory_space<vmem_shared>> -> memref<10240xf32, #tpu.memory_space<vmem_shared>>
      tpu.wait_dma2 semaphore(%run_scoped3A_294 : memref<!tpu.dma_semaphore, #tpu.memory_space<semaphore_mem>>) src(%arg8 : memref<10240xf32, #tpu.memory_space<vmem>>) dst(%dma_wait3A_306 : memref<10240xf32, #tpu.memory_space<vmem_shared>>)
      tpu.yield
    }) : () -> ()
    %barrier3A = arith.constant 0 : index
    tpu.barrier barrier_id(%barrier3A)
    %mul3A_20 = arith.constant 640 : i32
    %mul3A_21 = arith.muli %arg1, %mul3A_20 : i32
    %run_scoped3A_22 = arith.constant 0 : i32
    %run_scoped3A_23 = arith.constant 0 : i32
    "tpu.region"() ({
      %run_scoped3A_294 = tpu.sem_alloc : memref<!tpu.dma_semaphore, #tpu.memory_space<semaphore_mem>>
      %dma_start3A_295 = arith.constant 0 : i32
      %dma_start3A_296 = tpu.memref_slice %arg9[%dma_start3A_295] : memref<10240xf32, #tpu.memory_space<vmem>> -> memref<640xf32, #tpu.memory_space<vmem>>
      %dma_start3A_297 = tpu.memref_slice %arg17[%run_scoped3A_22, %run_scoped3A_23, %mul3A_21] : memref<16x2x10240xf32, #tpu.memory_space<vmem_shared>> -> memref<1x1x640xf32, #tpu.memory_space<vmem_shared>>
      %dma_start3A_298 = tpu.memref_squeeze %dma_start3A_297 : memref<1x1x640xf32, #tpu.memory_space<vmem_shared>> -> memref<640xf32, #tpu.memory_space<vmem_shared>>
      %dma_start3A_299 = arith.constant 0 : i32
      %dma_start3A_300 = tpu.memref_slice %arg9[%dma_start3A_299] : memref<10240xf32, #tpu.memory_space<vmem>> -> memref<640xf32, #tpu.memory_space<vmem>>
      %dma_start3A_301 = tpu.memref_slice %arg17[%run_scoped3A_22, %run_scoped3A_23, %mul3A_21] : memref<16x2x10240xf32, #tpu.memory_space<vmem_shared>> -> memref<1x1x640xf32, #tpu.memory_space<vmem_shared>>
      %dma_start3A_302 = tpu.memref_squeeze %dma_start3A_301 : memref<1x1x640xf32, #tpu.memory_space<vmem_shared>> -> memref<640xf32, #tpu.memory_space<vmem_shared>>
      tpu.enqueue_dma source(%dma_start3A_302 : memref<640xf32, #tpu.memory_space<vmem_shared>>) target(%dma_start3A_300 : memref<640xf32, #tpu.memory_space<vmem>>) target_semaphore(%run_scoped3A_294 : memref<!tpu.dma_semaphore, #tpu.memory_space<semaphore_mem>>)
      %dma_wait3A_303 = arith.constant 0 : i32
      %dma_wait3A_304 = tpu.memref_slice %arg9[%dma_wait3A_303] : memref<10240xf32, #tpu.memory_space<vmem>> -> memref<640xf32, #tpu.memory_space<vmem>>
      %dma_wait3A_305 = tpu.memref_slice %arg17[%run_scoped3A_22, %run_scoped3A_23, %mul3A_21] : memref<16x2x10240xf32, #tpu.memory_space<vmem_shared>> -> memref<1x1x640xf32, #tpu.memory_space<vmem_shared>>
      %dma_wait3A_306 = tpu.memref_squeeze %dma_wait3A_305 : memref<1x1x640xf32, #tpu.memory_space<vmem_shared>> -> memref<640xf32, #tpu.memory_space<vmem_shared>>
      %dma_wait3A_307 = arith.constant 0 : i32
      %dma_wait3A_308 = tpu.memref_slice %arg9[%dma_wait3A_307] : memref<10240xf32, #tpu.memory_space<vmem>> -> memref<640xf32, #tpu.memory_space<vmem>>
      %dma_wait3A_309 = tpu.memref_slice %arg17[%run_scoped3A_22, %run_scoped3A_23, %mul3A_21] : memref<16x2x10240xf32, #tpu.memory_space<vmem_shared>> -> memref<1x1x640xf32, #tpu.memory_space<vmem_shared>>
      %dma_wait3A_310 = tpu.memref_squeeze %dma_wait3A_309 : memref<1x1x640xf32, #tpu.memory_space<vmem_shared>> -> memref<640xf32, #tpu.memory_space<vmem_shared>>
      tpu.wait_dma2 semaphore(%run_scoped3A_294 : memref<!tpu.dma_semaphore, #tpu.memory_space<semaphore_mem>>) src(%dma_wait3A_310 : memref<640xf32, #tpu.memory_space<vmem_shared>>) dst(%dma_wait3A_308 : memref<640xf32, #tpu.memory_space<vmem>>)
      tpu.yield
    }) : () -> ()
    %mul3A_24 = arith.constant 640 : i32
    %mul3A_25 = arith.muli %arg1, %mul3A_24 : i32
    %run_scoped3A_26 = arith.constant 0 : i32
    %run_scoped3A_27 = arith.constant 1 : i32
    "tpu.region"() ({
      %run_scoped3A_294 = tpu.sem_alloc : memref<!tpu.dma_semaphore, #tpu.memory_space<semaphore_mem>>
      %dma_start3A_295 = arith.constant 0 : i32
      %dma_start3A_296 = tpu.memref_slice %arg11[%dma_start3A_295] : memref<10240xf32, #tpu.memory_space<vmem>> -> memref<640xf32, #tpu.memory_space<vmem>>
      %dma_start3A_297 = tpu.memref_slice %arg17[%run_scoped3A_26, %run_scoped3A_27, %mul3A_25] : memref<16x2x10240xf32, #tpu.memory_space<vmem_shared>> -> memref<1x1x640xf32, #tpu.memory_space<vmem_shared>>
      %dma_start3A_298 = tpu.memref_squeeze %dma_start3A_297 : memref<1x1x640xf32, #tpu.memory_space<vmem_shared>> -> memref<640xf32, #tpu.memory_space<vmem_shared>>
      %dma_start3A_299 = arith.constant 0 : i32
      %dma_start3A_300 = tpu.memref_slice %arg11[%dma_start3A_299] : memref<10240xf32, #tpu.memory_space<vmem>> -> memref<640xf32, #tpu.memory_space<vmem>>
      %dma_start3A_301 = tpu.memref_slice %arg17[%run_scoped3A_26, %run_scoped3A_27, %mul3A_25] : memref<16x2x10240xf32, #tpu.memory_space<vmem_shared>> -> memref<1x1x640xf32, #tpu.memory_space<vmem_shared>>
      %dma_start3A_302 = tpu.memref_squeeze %dma_start3A_301 : memref<1x1x640xf32, #tpu.memory_space<vmem_shared>> -> memref<640xf32, #tpu.memory_space<vmem_shared>>
      tpu.enqueue_dma source(%dma_start3A_302 : memref<640xf32, #tpu.memory_space<vmem_shared>>) target(%dma_start3A_300 : memref<640xf32, #tpu.memory_space<vmem>>) target_semaphore(%run_scoped3A_294 : memref<!tpu.dma_semaphore, #tpu.memory_space<semaphore_mem>>)
      %dma_wait3A_303 = arith.constant 0 : i32
      %dma_wait3A_304 = tpu.memref_slice %arg11[%dma_wait3A_303] : memref<10240xf32, #tpu.memory_space<vmem>> -> memref<640xf32, #tpu.memory_space<vmem>>
      %dma_wait3A_305 = tpu.memref_slice %arg17[%run_scoped3A_26, %run_scoped3A_27, %mul3A_25] : memref<16x2x10240xf32, #tpu.memory_space<vmem_shared>> -> memref<1x1x640xf32, #tpu.memory_space<vmem_shared>>
      %dma_wait3A_306 = tpu.memref_squeeze %dma_wait3A_305 : memref<1x1x640xf32, #tpu.memory_space<vmem_shared>> -> memref<640xf32, #tpu.memory_space<vmem_shared>>
      %dma_wait3A_307 = arith.constant 0 : i32
      %dma_wait3A_308 = tpu.memref_slice %arg11[%dma_wait3A_307] : memref<10240xf32, #tpu.memory_space<vmem>> -> memref<640xf32, #tpu.memory_space<vmem>>
      %dma_wait3A_309 = tpu.memref_slice %arg17[%run_scoped3A_26, %run_scoped3A_27, %mul3A_25] : memref<16x2x10240xf32, #tpu.memory_space<vmem_shared>> -> memref<1x1x640xf32, #tpu.memory_space<vmem_shared>>
      %dma_wait3A_310 = tpu.memref_squeeze %dma_wait3A_309 : memref<1x1x640xf32, #tpu.memory_space<vmem_shared>> -> memref<640xf32, #tpu.memory_space<vmem_shared>>
      tpu.wait_dma2 semaphore(%run_scoped3A_294 : memref<!tpu.dma_semaphore, #tpu.memory_space<semaphore_mem>>) src(%dma_wait3A_310 : memref<640xf32, #tpu.memory_space<vmem_shared>>) dst(%dma_wait3A_308 : memref<640xf32, #tpu.memory_space<vmem>>)
      tpu.yield
    }) : () -> ()
    %mul3A_28 = arith.constant 640 : i32
    %mul3A_29 = arith.muli %arg1, %mul3A_28 : i32
    %run_scoped3A_30 = arith.constant 1 : i32
    %run_scoped3A_31 = arith.constant 0 : i32
    "tpu.region"() ({
      %run_scoped3A_294 = tpu.sem_alloc : memref<!tpu.dma_semaphore, #tpu.memory_space<semaphore_mem>>
      %dma_start3A_295 = arith.constant 640 : i32
      %dma_start3A_296 = tpu.memref_slice %arg9[%dma_start3A_295] : memref<10240xf32, #tpu.memory_space<vmem>> -> memref<640xf32, #tpu.memory_space<vmem>>
      %dma_start3A_297 = tpu.memref_slice %arg17[%run_scoped3A_30, %run_scoped3A_31, %mul3A_29] : memref<16x2x10240xf32, #tpu.memory_space<vmem_shared>> -> memref<1x1x640xf32, #tpu.memory_space<vmem_shared>>
      %dma_start3A_298 = tpu.memref_squeeze %dma_start3A_297 : memref<1x1x640xf32, #tpu.memory_space<vmem_shared>> -> memref<640xf32, #tpu.memory_space<vmem_shared>>
      %dma_start3A_299 = arith.constant 640 : i32
      %dma_start3A_300 = tpu.memref_slice %arg9[%dma_start3A_299] : memref<10240xf32, #tpu.memory_space<vmem>> -> memref<640xf32, #tpu.memory_space<vmem>>
      %dma_start3A_301 = tpu.memref_slice %arg17[%run_scoped3A_30, %run_scoped3A_31, %mul3A_29] : memref<16x2x10240xf32, #tpu.memory_space<vmem_shared>> -> memref<1x1x640xf32, #tpu.memory_space<vmem_shared>>
      %dma_start3A_302 = tpu.memref_squeeze %dma_start3A_301 : memref<1x1x640xf32, #tpu.memory_space<vmem_shared>> -> memref<640xf32, #tpu.memory_space<vmem_shared>>
      tpu.enqueue_dma source(%dma_start3A_302 : memref<640xf32, #tpu.memory_space<vmem_shared>>) target(%dma_start3A_300 : memref<640xf32, #tpu.memory_space<vmem>>) target_semaphore(%run_scoped3A_294 : memref<!tpu.dma_semaphore, #tpu.memory_space<semaphore_mem>>)
      %dma_wait3A_303 = arith.constant 640 : i32
      %dma_wait3A_304 = tpu.memref_slice %arg9[%dma_wait3A_303] : memref<10240xf32, #tpu.memory_space<vmem>> -> memref<640xf32, #tpu.memory_space<vmem>>
      %dma_wait3A_305 = tpu.memref_slice %arg17[%run_scoped3A_30, %run_scoped3A_31, %mul3A_29] : memref<16x2x10240xf32, #tpu.memory_space<vmem_shared>> -> memref<1x1x640xf32, #tpu.memory_space<vmem_shared>>
      %dma_wait3A_306 = tpu.memref_squeeze %dma_wait3A_305 : memref<1x1x640xf32, #tpu.memory_space<vmem_shared>> -> memref<640xf32, #tpu.memory_space<vmem_shared>>
      %dma_wait3A_307 = arith.constant 640 : i32
      %dma_wait3A_308 = tpu.memref_slice %arg9[%dma_wait3A_307] : memref<10240xf32, #tpu.memory_space<vmem>> -> memref<640xf32, #tpu.memory_space<vmem>>
      %dma_wait3A_309 = tpu.memref_slice %arg17[%run_scoped3A_30, %run_scoped3A_31, %mul3A_29] : memref<16x2x10240xf32, #tpu.memory_space<vmem_shared>> -> memref<1x1x640xf32, #tpu.memory_space<vmem_shared>>
      %dma_wait3A_310 = tpu.memref_squeeze %dma_wait3A_309 : memref<1x1x640xf32, #tpu.memory_space<vmem_shared>> -> memref<640xf32, #tpu.memory_space<vmem_shared>>
      tpu.wait_dma2 semaphore(%run_scoped3A_294 : memref<!tpu.dma_semaphore, #tpu.memory_space<semaphore_mem>>) src(%dma_wait3A_310 : memref<640xf32, #tpu.memory_space<vmem_shared>>) dst(%dma_wait3A_308 : memref<640xf32, #tpu.memory_space<vmem>>)
      tpu.yield
    }) : () -> ()
    %mul3A_32 = arith.constant 640 : i32
    %mul3A_33 = arith.muli %arg1, %mul3A_32 : i32
    %run_scoped3A_34 = arith.constant 1 : i32
    %run_scoped3A_35 = arith.constant 1 : i32
    "tpu.region"() ({
      %run_scoped3A_294 = tpu.sem_alloc : memref<!tpu.dma_semaphore, #tpu.memory_space<semaphore_mem>>
      %dma_start3A_295 = arith.constant 640 : i32
      %dma_start3A_296 = tpu.memref_slice %arg11[%dma_start3A_295] : memref<10240xf32, #tpu.memory_space<vmem>> -> memref<640xf32, #tpu.memory_space<vmem>>
      %dma_start3A_297 = tpu.memref_slice %arg17[%run_scoped3A_34, %run_scoped3A_35, %mul3A_33] : memref<16x2x10240xf32, #tpu.memory_space<vmem_shared>> -> memref<1x1x640xf32, #tpu.memory_space<vmem_shared>>
      %dma_start3A_298 = tpu.memref_squeeze %dma_start3A_297 : memref<1x1x640xf32, #tpu.memory_space<vmem_shared>> -> memref<640xf32, #tpu.memory_space<vmem_shared>>
      %dma_start3A_299 = arith.constant 640 : i32
      %dma_start3A_300 = tpu.memref_slice %arg11[%dma_start3A_299] : memref<10240xf32, #tpu.memory_space<vmem>> -> memref<640xf32, #tpu.memory_space<vmem>>
      %dma_start3A_301 = tpu.memref_slice %arg17[%run_scoped3A_34, %run_scoped3A_35, %mul3A_33] : memref<16x2x10240xf32, #tpu.memory_space<vmem_shared>> -> memref<1x1x640xf32, #tpu.memory_space<vmem_shared>>
      %dma_start3A_302 = tpu.memref_squeeze %dma_start3A_301 : memref<1x1x640xf32, #tpu.memory_space<vmem_shared>> -> memref<640xf32, #tpu.memory_space<vmem_shared>>
      tpu.enqueue_dma source(%dma_start3A_302 : memref<640xf32, #tpu.memory_space<vmem_shared>>) target(%dma_start3A_300 : memref<640xf32, #tpu.memory_space<vmem>>) target_semaphore(%run_scoped3A_294 : memref<!tpu.dma_semaphore, #tpu.memory_space<semaphore_mem>>)
      %dma_wait3A_303 = arith.constant 640 : i32
      %dma_wait3A_304 = tpu.memref_slice %arg11[%dma_wait3A_303] : memref<10240xf32, #tpu.memory_space<vmem>> -> memref<640xf32, #tpu.memory_space<vmem>>
      %dma_wait3A_305 = tpu.memref_slice %arg17[%run_scoped3A_34, %run_scoped3A_35, %mul3A_33] : memref<16x2x10240xf32, #tpu.memory_space<vmem_shared>> -> memref<1x1x640xf32, #tpu.memory_space<vmem_shared>>
      %dma_wait3A_306 = tpu.memref_squeeze %dma_wait3A_305 : memref<1x1x640xf32, #tpu.memory_space<vmem_shared>> -> memref<640xf32, #tpu.memory_space<vmem_shared>>
      %dma_wait3A_307 = arith.constant 640 : i32
      %dma_wait3A_308 = tpu.memref_slice %arg11[%dma_wait3A_307] : memref<10240xf32, #tpu.memory_space<vmem>> -> memref<640xf32, #tpu.memory_space<vmem>>
      %dma_wait3A_309 = tpu.memref_slice %arg17[%run_scoped3A_34, %run_scoped3A_35, %mul3A_33] : memref<16x2x10240xf32, #tpu.memory_space<vmem_shared>> -> memref<1x1x640xf32, #tpu.memory_space<vmem_shared>>
      %dma_wait3A_310 = tpu.memref_squeeze %dma_wait3A_309 : memref<1x1x640xf32, #tpu.memory_space<vmem_shared>> -> memref<640xf32, #tpu.memory_space<vmem_shared>>
      tpu.wait_dma2 semaphore(%run_scoped3A_294 : memref<!tpu.dma_semaphore, #tpu.memory_space<semaphore_mem>>) src(%dma_wait3A_310 : memref<640xf32, #tpu.memory_space<vmem_shared>>) dst(%dma_wait3A_308 : memref<640xf32, #tpu.memory_space<vmem>>)
      tpu.yield
    }) : () -> ()
    %mul3A_36 = arith.constant 640 : i32
    %mul3A_37 = arith.muli %arg1, %mul3A_36 : i32
    %run_scoped3A_38 = arith.constant 2 : i32
    %run_scoped3A_39 = arith.constant 0 : i32
    "tpu.region"() ({
      %run_scoped3A_294 = tpu.sem_alloc : memref<!tpu.dma_semaphore, #tpu.memory_space<semaphore_mem>>
      %dma_start3A_295 = arith.constant 1280 : i32
      %dma_start3A_296 = tpu.memref_slice %arg9[%dma_start3A_295] : memref<10240xf32, #tpu.memory_space<vmem>> -> memref<640xf32, #tpu.memory_space<vmem>>
      %dma_start3A_297 = tpu.memref_slice %arg17[%run_scoped3A_38, %run_scoped3A_39, %mul3A_37] : memref<16x2x10240xf32, #tpu.memory_space<vmem_shared>> -> memref<1x1x640xf32, #tpu.memory_space<vmem_shared>>
      %dma_start3A_298 = tpu.memref_squeeze %dma_start3A_297 : memref<1x1x640xf32, #tpu.memory_space<vmem_shared>> -> memref<640xf32, #tpu.memory_space<vmem_shared>>
      %dma_start3A_299 = arith.constant 1280 : i32
      %dma_start3A_300 = tpu.memref_slice %arg9[%dma_start3A_299] : memref<10240xf32, #tpu.memory_space<vmem>> -> memref<640xf32, #tpu.memory_space<vmem>>
      %dma_start3A_301 = tpu.memref_slice %arg17[%run_scoped3A_38, %run_scoped3A_39, %mul3A_37] : memref<16x2x10240xf32, #tpu.memory_space<vmem_shared>> -> memref<1x1x640xf32, #tpu.memory_space<vmem_shared>>
      %dma_start3A_302 = tpu.memref_squeeze %dma_start3A_301 : memref<1x1x640xf32, #tpu.memory_space<vmem_shared>> -> memref<640xf32, #tpu.memory_space<vmem_shared>>
      tpu.enqueue_dma source(%dma_start3A_302 : memref<640xf32, #tpu.memory_space<vmem_shared>>) target(%dma_start3A_300 : memref<640xf32, #tpu.memory_space<vmem>>) target_semaphore(%run_scoped3A_294 : memref<!tpu.dma_semaphore, #tpu.memory_space<semaphore_mem>>)
      %dma_wait3A_303 = arith.constant 1280 : i32
      %dma_wait3A_304 = tpu.memref_slice %arg9[%dma_wait3A_303] : memref<10240xf32, #tpu.memory_space<vmem>> -> memref<640xf32, #tpu.memory_space<vmem>>
      %dma_wait3A_305 = tpu.memref_slice %arg17[%run_scoped3A_38, %run_scoped3A_39, %mul3A_37] : memref<16x2x10240xf32, #tpu.memory_space<vmem_shared>> -> memref<1x1x640xf32, #tpu.memory_space<vmem_shared>>
      %dma_wait3A_306 = tpu.memref_squeeze %dma_wait3A_305 : memref<1x1x640xf32, #tpu.memory_space<vmem_shared>> -> memref<640xf32, #tpu.memory_space<vmem_shared>>
      %dma_wait3A_307 = arith.constant 1280 : i32
      %dma_wait3A_308 = tpu.memref_slice %arg9[%dma_wait3A_307] : memref<10240xf32, #tpu.memory_space<vmem>> -> memref<640xf32, #tpu.memory_space<vmem>>
      %dma_wait3A_309 = tpu.memref_slice %arg17[%run_scoped3A_38, %run_scoped3A_39, %mul3A_37] : memref<16x2x10240xf32, #tpu.memory_space<vmem_shared>> -> memref<1x1x640xf32, #tpu.memory_space<vmem_shared>>
      %dma_wait3A_310 = tpu.memref_squeeze %dma_wait3A_309 : memref<1x1x640xf32, #tpu.memory_space<vmem_shared>> -> memref<640xf32, #tpu.memory_space<vmem_shared>>
      tpu.wait_dma2 semaphore(%run_scoped3A_294 : memref<!tpu.dma_semaphore, #tpu.memory_space<semaphore_mem>>) src(%dma_wait3A_310 : memref<640xf32, #tpu.memory_space<vmem_shared>>) dst(%dma_wait3A_308 : memref<640xf32, #tpu.memory_space<vmem>>)
      tpu.yield
    }) : () -> ()
    %mul3A_40 = arith.constant 640 : i32
    %mul3A_41 = arith.muli %arg1, %mul3A_40 : i32
    %run_scoped3A_42 = arith.constant 2 : i32
    %run_scoped3A_43 = arith.constant 1 : i32
    "tpu.region"() ({
      %run_scoped3A_294 = tpu.sem_alloc : memref<!tpu.dma_semaphore, #tpu.memory_space<semaphore_mem>>
      %dma_start3A_295 = arith.constant 1280 : i32
      %dma_start3A_296 = tpu.memref_slice %arg11[%dma_start3A_295] : memref<10240xf32, #tpu.memory_space<vmem>> -> memref<640xf32, #tpu.memory_space<vmem>>
      %dma_start3A_297 = tpu.memref_slice %arg17[%run_scoped3A_42, %run_scoped3A_43, %mul3A_41] : memref<16x2x10240xf32, #tpu.memory_space<vmem_shared>> -> memref<1x1x640xf32, #tpu.memory_space<vmem_shared>>
      %dma_start3A_298 = tpu.memref_squeeze %dma_start3A_297 : memref<1x1x640xf32, #tpu.memory_space<vmem_shared>> -> memref<640xf32, #tpu.memory_space<vmem_shared>>
      %dma_start3A_299 = arith.constant 1280 : i32
      %dma_start3A_300 = tpu.memref_slice %arg11[%dma_start3A_299] : memref<10240xf32, #tpu.memory_space<vmem>> -> memref<640xf32, #tpu.memory_space<vmem>>
      %dma_start3A_301 = tpu.memref_slice %arg17[%run_scoped3A_42, %run_scoped3A_43, %mul3A_41] : memref<16x2x10240xf32, #tpu.memory_space<vmem_shared>> -> memref<1x1x640xf32, #tpu.memory_space<vmem_shared>>
      %dma_start3A_302 = tpu.memref_squeeze %dma_start3A_301 : memref<1x1x640xf32, #tpu.memory_space<vmem_shared>> -> memref<640xf32, #tpu.memory_space<vmem_shared>>
      tpu.enqueue_dma source(%dma_start3A_302 : memref<640xf32, #tpu.memory_space<vmem_shared>>) target(%dma_start3A_300 : memref<640xf32, #tpu.memory_space<vmem>>) target_semaphore(%run_scoped3A_294 : memref<!tpu.dma_semaphore, #tpu.memory_space<semaphore_mem>>)
      %dma_wait3A_303 = arith.constant 1280 : i32
      %dma_wait3A_304 = tpu.memref_slice %arg11[%dma_wait3A_303] : memref<10240xf32, #tpu.memory_space<vmem>> -> memref<640xf32, #tpu.memory_space<vmem>>
      %dma_wait3A_305 = tpu.memref_slice %arg17[%run_scoped3A_42, %run_scoped3A_43, %mul3A_41] : memref<16x2x10240xf32, #tpu.memory_space<vmem_shared>> -> memref<1x1x640xf32, #tpu.memory_space<vmem_shared>>
      %dma_wait3A_306 = tpu.memref_squeeze %dma_wait3A_305 : memref<1x1x640xf32, #tpu.memory_space<vmem_shared>> -> memref<640xf32, #tpu.memory_space<vmem_shared>>
      %dma_wait3A_307 = arith.constant 1280 : i32
      %dma_wait3A_308 = tpu.memref_slice %arg11[%dma_wait3A_307] : memref<10240xf32, #tpu.memory_space<vmem>> -> memref<640xf32, #tpu.memory_space<vmem>>
      %dma_wait3A_309 = tpu.memref_slice %arg17[%run_scoped3A_42, %run_scoped3A_43, %mul3A_41] : memref<16x2x10240xf32, #tpu.memory_space<vmem_shared>> -> memref<1x1x640xf32, #tpu.memory_space<vmem_shared>>
      %dma_wait3A_310 = tpu.memref_squeeze %dma_wait3A_309 : memref<1x1x640xf32, #tpu.memory_space<vmem_shared>> -> memref<640xf32, #tpu.memory_space<vmem_shared>>
      tpu.wait_dma2 semaphore(%run_scoped3A_294 : memref<!tpu.dma_semaphore, #tpu.memory_space<semaphore_mem>>) src(%dma_wait3A_310 : memref<640xf32, #tpu.memory_space<vmem_shared>>) dst(%dma_wait3A_308 : memref<640xf32, #tpu.memory_space<vmem>>)
      tpu.yield
    }) : () -> ()
    %mul3A_44 = arith.constant 640 : i32
    %mul3A_45 = arith.muli %arg1, %mul3A_44 : i32
    %run_scoped3A_46 = arith.constant 3 : i32
    %run_scoped3A_47 = arith.constant 0 : i32
    "tpu.region"() ({
      %run_scoped3A_294 = tpu.sem_alloc : memref<!tpu.dma_semaphore, #tpu.memory_space<semaphore_mem>>
      %dma_start3A_295 = arith.constant 1920 : i32
      %dma_start3A_296 = tpu.memref_slice %arg9[%dma_start3A_295] : memref<10240xf32, #tpu.memory_space<vmem>> -> memref<640xf32, #tpu.memory_space<vmem>>
      %dma_start3A_297 = tpu.memref_slice %arg17[%run_scoped3A_46, %run_scoped3A_47, %mul3A_45] : memref<16x2x10240xf32, #tpu.memory_space<vmem_shared>> -> memref<1x1x640xf32, #tpu.memory_space<vmem_shared>>
      %dma_start3A_298 = tpu.memref_squeeze %dma_start3A_297 : memref<1x1x640xf32, #tpu.memory_space<vmem_shared>> -> memref<640xf32, #tpu.memory_space<vmem_shared>>
      %dma_start3A_299 = arith.constant 1920 : i32
      %dma_start3A_300 = tpu.memref_slice %arg9[%dma_start3A_299] : memref<10240xf32, #tpu.memory_space<vmem>> -> memref<640xf32, #tpu.memory_space<vmem>>
      %dma_start3A_301 = tpu.memref_slice %arg17[%run_scoped3A_46, %run_scoped3A_47, %mul3A_45] : memref<16x2x10240xf32, #tpu.memory_space<vmem_shared>> -> memref<1x1x640xf32, #tpu.memory_space<vmem_shared>>
      %dma_start3A_302 = tpu.memref_squeeze %dma_start3A_301 : memref<1x1x640xf32, #tpu.memory_space<vmem_shared>> -> memref<640xf32, #tpu.memory_space<vmem_shared>>
      tpu.enqueue_dma source(%dma_start3A_302 : memref<640xf32, #tpu.memory_space<vmem_shared>>) target(%dma_start3A_300 : memref<640xf32, #tpu.memory_space<vmem>>) target_semaphore(%run_scoped3A_294 : memref<!tpu.dma_semaphore, #tpu.memory_space<semaphore_mem>>)
      %dma_wait3A_303 = arith.constant 1920 : i32
      %dma_wait3A_304 = tpu.memref_slice %arg9[%dma_wait3A_303] : memref<10240xf32, #tpu.memory_space<vmem>> -> memref<640xf32, #tpu.memory_space<vmem>>
      %dma_wait3A_305 = tpu.memref_slice %arg17[%run_scoped3A_46, %run_scoped3A_47, %mul3A_45] : memref<16x2x10240xf32, #tpu.memory_space<vmem_shared>> -> memref<1x1x640xf32, #tpu.memory_space<vmem_shared>>
      %dma_wait3A_306 = tpu.memref_squeeze %dma_wait3A_305 : memref<1x1x640xf32, #tpu.memory_space<vmem_shared>> -> memref<640xf32, #tpu.memory_space<vmem_shared>>
      %dma_wait3A_307 = arith.constant 1920 : i32
      %dma_wait3A_308 = tpu.memref_slice %arg9[%dma_wait3A_307] : memref<10240xf32, #tpu.memory_space<vmem>> -> memref<640xf32, #tpu.memory_space<vmem>>
      %dma_wait3A_309 = tpu.memref_slice %arg17[%run_scoped3A_46, %run_scoped3A_47, %mul3A_45] : memref<16x2x10240xf32, #tpu.memory_space<vmem_shared>> -> memref<1x1x640xf32, #tpu.memory_space<vmem_shared>>
      %dma_wait3A_310 = tpu.memref_squeeze %dma_wait3A_309 : memref<1x1x640xf32, #tpu.memory_space<vmem_shared>> -> memref<640xf32, #tpu.memory_space<vmem_shared>>
      tpu.wait_dma2 semaphore(%run_scoped3A_294 : memref<!tpu.dma_semaphore, #tpu.memory_space<semaphore_mem>>) src(%dma_wait3A_310 : memref<640xf32, #tpu.memory_space<vmem_shared>>) dst(%dma_wait3A_308 : memref<640xf32, #tpu.memory_space<vmem>>)
      tpu.yield
    }) : () -> ()
    %mul3A_48 = arith.constant 640 : i32
    %mul3A_49 = arith.muli %arg1, %mul3A_48 : i32
    %run_scoped3A_50 = arith.constant 3 : i32
    %run_scoped3A_51 = arith.constant 1 : i32
    "tpu.region"() ({
      %run_scoped3A_294 = tpu.sem_alloc : memref<!tpu.dma_semaphore, #tpu.memory_space<semaphore_mem>>
      %dma_start3A_295 = arith.constant 1920 : i32
      %dma_start3A_296 = tpu.memref_slice %arg11[%dma_start3A_295] : memref<10240xf32, #tpu.memory_space<vmem>> -> memref<640xf32, #tpu.memory_space<vmem>>
      %dma_start3A_297 = tpu.memref_slice %arg17[%run_scoped3A_50, %run_scoped3A_51, %mul3A_49] : memref<16x2x10240xf32, #tpu.memory_space<vmem_shared>> -> memref<1x1x640xf32, #tpu.memory_space<vmem_shared>>
      %dma_start3A_298 = tpu.memref_squeeze %dma_start3A_297 : memref<1x1x640xf32, #tpu.memory_space<vmem_shared>> -> memref<640xf32, #tpu.memory_space<vmem_shared>>
      %dma_start3A_299 = arith.constant 1920 : i32
      %dma_start3A_300 = tpu.memref_slice %arg11[%dma_start3A_299] : memref<10240xf32, #tpu.memory_space<vmem>> -> memref<640xf32, #tpu.memory_space<vmem>>
      %dma_start3A_301 = tpu.memref_slice %arg17[%run_scoped3A_50, %run_scoped3A_51, %mul3A_49] : memref<16x2x10240xf32, #tpu.memory_space<vmem_shared>> -> memref<1x1x640xf32, #tpu.memory_space<vmem_shared>>
      %dma_start3A_302 = tpu.memref_squeeze %dma_start3A_301 : memref<1x1x640xf32, #tpu.memory_space<vmem_shared>> -> memref<640xf32, #tpu.memory_space<vmem_shared>>
      tpu.enqueue_dma source(%dma_start3A_302 : memref<640xf32, #tpu.memory_space<vmem_shared>>) target(%dma_start3A_300 : memref<640xf32, #tpu.memory_space<vmem>>) target_semaphore(%run_scoped3A_294 : memref<!tpu.dma_semaphore, #tpu.memory_space<semaphore_mem>>)
      %dma_wait3A_303 = arith.constant 1920 : i32
      %dma_wait3A_304 = tpu.memref_slice %arg11[%dma_wait3A_303] : memref<10240xf32, #tpu.memory_space<vmem>> -> memref<640xf32, #tpu.memory_space<vmem>>
      %dma_wait3A_305 = tpu.memref_slice %arg17[%run_scoped3A_50, %run_scoped3A_51, %mul3A_49] : memref<16x2x10240xf32, #tpu.memory_space<vmem_shared>> -> memref<1x1x640xf32, #tpu.memory_space<vmem_shared>>
      %dma_wait3A_306 = tpu.memref_squeeze %dma_wait3A_305 : memref<1x1x640xf32, #tpu.memory_space<vmem_shared>> -> memref<640xf32, #tpu.memory_space<vmem_shared>>
      %dma_wait3A_307 = arith.constant 1920 : i32
      %dma_wait3A_308 = tpu.memref_slice %arg11[%dma_wait3A_307] : memref<10240xf32, #tpu.memory_space<vmem>> -> memref<640xf32, #tpu.memory_space<vmem>>
      %dma_wait3A_309 = tpu.memref_slice %arg17[%run_scoped3A_50, %run_scoped3A_51, %mul3A_49] : memref<16x2x10240xf32, #tpu.memory_space<vmem_shared>> -> memref<1x1x640xf32, #tpu.memory_space<vmem_shared>>
      %dma_wait3A_310 = tpu.memref_squeeze %dma_wait3A_309 : memref<1x1x640xf32, #tpu.memory_space<vmem_shared>> -> memref<640xf32, #tpu.memory_space<vmem_shared>>
      tpu.wait_dma2 semaphore(%run_scoped3A_294 : memref<!tpu.dma_semaphore, #tpu.memory_space<semaphore_mem>>) src(%dma_wait3A_310 : memref<640xf32, #tpu.memory_space<vmem_shared>>) dst(%dma_wait3A_308 : memref<640xf32, #tpu.memory_space<vmem>>)
      tpu.yield
    }) : () -> ()
    %mul3A_52 = arith.constant 640 : i32
    %mul3A_53 = arith.muli %arg1, %mul3A_52 : i32
    %run_scoped3A_54 = arith.constant 4 : i32
    %run_scoped3A_55 = arith.constant 0 : i32
    "tpu.region"() ({
      %run_scoped3A_294 = tpu.sem_alloc : memref<!tpu.dma_semaphore, #tpu.memory_space<semaphore_mem>>
      %dma_start3A_295 = arith.constant 2560 : i32
      %dma_start3A_296 = tpu.memref_slice %arg9[%dma_start3A_295] : memref<10240xf32, #tpu.memory_space<vmem>> -> memref<640xf32, #tpu.memory_space<vmem>>
      %dma_start3A_297 = tpu.memref_slice %arg17[%run_scoped3A_54, %run_scoped3A_55, %mul3A_53] : memref<16x2x10240xf32, #tpu.memory_space<vmem_shared>> -> memref<1x1x640xf32, #tpu.memory_space<vmem_shared>>
      %dma_start3A_298 = tpu.memref_squeeze %dma_start3A_297 : memref<1x1x640xf32, #tpu.memory_space<vmem_shared>> -> memref<640xf32, #tpu.memory_space<vmem_shared>>
      %dma_start3A_299 = arith.constant 2560 : i32
      %dma_start3A_300 = tpu.memref_slice %arg9[%dma_start3A_299] : memref<10240xf32, #tpu.memory_space<vmem>> -> memref<640xf32, #tpu.memory_space<vmem>>
      %dma_start3A_301 = tpu.memref_slice %arg17[%run_scoped3A_54, %run_scoped3A_55, %mul3A_53] : memref<16x2x10240xf32, #tpu.memory_space<vmem_shared>> -> memref<1x1x640xf32, #tpu.memory_space<vmem_shared>>
      %dma_start3A_302 = tpu.memref_squeeze %dma_start3A_301 : memref<1x1x640xf32, #tpu.memory_space<vmem_shared>> -> memref<640xf32, #tpu.memory_space<vmem_shared>>
      tpu.enqueue_dma source(%dma_start3A_302 : memref<640xf32, #tpu.memory_space<vmem_shared>>) target(%dma_start3A_300 : memref<640xf32, #tpu.memory_space<vmem>>) target_semaphore(%run_scoped3A_294 : memref<!tpu.dma_semaphore, #tpu.memory_space<semaphore_mem>>)
      %dma_wait3A_303 = arith.constant 2560 : i32
      %dma_wait3A_304 = tpu.memref_slice %arg9[%dma_wait3A_303] : memref<10240xf32, #tpu.memory_space<vmem>> -> memref<640xf32, #tpu.memory_space<vmem>>
      %dma_wait3A_305 = tpu.memref_slice %arg17[%run_scoped3A_54, %run_scoped3A_55, %mul3A_53] : memref<16x2x10240xf32, #tpu.memory_space<vmem_shared>> -> memref<1x1x640xf32, #tpu.memory_space<vmem_shared>>
      %dma_wait3A_306 = tpu.memref_squeeze %dma_wait3A_305 : memref<1x1x640xf32, #tpu.memory_space<vmem_shared>> -> memref<640xf32, #tpu.memory_space<vmem_shared>>
      %dma_wait3A_307 = arith.constant 2560 : i32
      %dma_wait3A_308 = tpu.memref_slice %arg9[%dma_wait3A_307] : memref<10240xf32, #tpu.memory_space<vmem>> -> memref<640xf32, #tpu.memory_space<vmem>>
      %dma_wait3A_309 = tpu.memref_slice %arg17[%run_scoped3A_54, %run_scoped3A_55, %mul3A_53] : memref<16x2x10240xf32, #tpu.memory_space<vmem_shared>> -> memref<1x1x640xf32, #tpu.memory_space<vmem_shared>>
      %dma_wait3A_310 = tpu.memref_squeeze %dma_wait3A_309 : memref<1x1x640xf32, #tpu.memory_space<vmem_shared>> -> memref<640xf32, #tpu.memory_space<vmem_shared>>
      tpu.wait_dma2 semaphore(%run_scoped3A_294 : memref<!tpu.dma_semaphore, #tpu.memory_space<semaphore_mem>>) src(%dma_wait3A_310 : memref<640xf32, #tpu.memory_space<vmem_shared>>) dst(%dma_wait3A_308 : memref<640xf32, #tpu.memory_space<vmem>>)
      tpu.yield
    }) : () -> ()
    %mul3A_56 = arith.constant 640 : i32
    %mul3A_57 = arith.muli %arg1, %mul3A_56 : i32
    %run_scoped3A_58 = arith.constant 4 : i32
    %run_scoped3A_59 = arith.constant 1 : i32
    "tpu.region"() ({
      %run_scoped3A_294 = tpu.sem_alloc : memref<!tpu.dma_semaphore, #tpu.memory_space<semaphore_mem>>
      %dma_start3A_295 = arith.constant 2560 : i32
      %dma_start3A_296 = tpu.memref_slice %arg11[%dma_start3A_295] : memref<10240xf32, #tpu.memory_space<vmem>> -> memref<640xf32, #tpu.memory_space<vmem>>
      %dma_start3A_297 = tpu.memref_slice %arg17[%run_scoped3A_58, %run_scoped3A_59, %mul3A_57] : memref<16x2x10240xf32, #tpu.memory_space<vmem_shared>> -> memref<1x1x640xf32, #tpu.memory_space<vmem_shared>>
      %dma_start3A_298 = tpu.memref_squeeze %dma_start3A_297 : memref<1x1x640xf32, #tpu.memory_space<vmem_shared>> -> memref<640xf32, #tpu.memory_space<vmem_shared>>
      %dma_start3A_299 = arith.constant 2560 : i32
      %dma_start3A_300 = tpu.memref_slice %arg11[%dma_start3A_299] : memref<10240xf32, #tpu.memory_space<vmem>> -> memref<640xf32, #tpu.memory_space<vmem>>
      %dma_start3A_301 = tpu.memref_slice %arg17[%run_scoped3A_58, %run_scoped3A_59, %mul3A_57] : memref<16x2x10240xf32, #tpu.memory_space<vmem_shared>> -> memref<1x1x640xf32, #tpu.memory_space<vmem_shared>>
      %dma_start3A_302 = tpu.memref_squeeze %dma_start3A_301 : memref<1x1x640xf32, #tpu.memory_space<vmem_shared>> -> memref<640xf32, #tpu.memory_space<vmem_shared>>
      tpu.enqueue_dma source(%dma_start3A_302 : memref<640xf32, #tpu.memory_space<vmem_shared>>) target(%dma_start3A_300 : memref<640xf32, #tpu.memory_space<vmem>>) target_semaphore(%run_scoped3A_294 : memref<!tpu.dma_semaphore, #tpu.memory_space<semaphore_mem>>)
      %dma_wait3A_303 = arith.constant 2560 : i32
      %dma_wait3A_304 = tpu.memref_slice %arg11[%dma_wait3A_303] : memref<10240xf32, #tpu.memory_space<vmem>> -> memref<640xf32, #tpu.memory_space<vmem>>
      %dma_wait3A_305 = tpu.memref_slice %arg17[%run_scoped3A_58, %run_scoped3A_59, %mul3A_57] : memref<16x2x10240xf32, #tpu.memory_space<vmem_shared>> -> memref<1x1x640xf32, #tpu.memory_space<vmem_shared>>
      %dma_wait3A_306 = tpu.memref_squeeze %dma_wait3A_305 : memref<1x1x640xf32, #tpu.memory_space<vmem_shared>> -> memref<640xf32, #tpu.memory_space<vmem_shared>>
      %dma_wait3A_307 = arith.constant 2560 : i32
      %dma_wait3A_308 = tpu.memref_slice %arg11[%dma_wait3A_307] : memref<10240xf32, #tpu.memory_space<vmem>> -> memref<640xf32, #tpu.memory_space<vmem>>
      %dma_wait3A_309 = tpu.memref_slice %arg17[%run_scoped3A_58, %run_scoped3A_59, %mul3A_57] : memref<16x2x10240xf32, #tpu.memory_space<vmem_shared>> -> memref<1x1x640xf32, #tpu.memory_space<vmem_shared>>
      %dma_wait3A_310 = tpu.memref_squeeze %dma_wait3A_309 : memref<1x1x640xf32, #tpu.memory_space<vmem_shared>> -> memref<640xf32, #tpu.memory_space<vmem_shared>>
      tpu.wait_dma2 semaphore(%run_scoped3A_294 : memref<!tpu.dma_semaphore, #tpu.memory_space<semaphore_mem>>) src(%dma_wait3A_310 : memref<640xf32, #tpu.memory_space<vmem_shared>>) dst(%dma_wait3A_308 : memref<640xf32, #tpu.memory_space<vmem>>)
      tpu.yield
    }) : () -> ()
    %mul3A_60 = arith.constant 640 : i32
    %mul3A_61 = arith.muli %arg1, %mul3A_60 : i32
    %run_scoped3A_62 = arith.constant 5 : i32
    %run_scoped3A_63 = arith.constant 0 : i32
    "tpu.region"() ({
      %run_scoped3A_294 = tpu.sem_alloc : memref<!tpu.dma_semaphore, #tpu.memory_space<semaphore_mem>>
      %dma_start3A_295 = arith.constant 3200 : i32
      %dma_start3A_296 = tpu.memref_slice %arg9[%dma_start3A_295] : memref<10240xf32, #tpu.memory_space<vmem>> -> memref<640xf32, #tpu.memory_space<vmem>>
      %dma_start3A_297 = tpu.memref_slice %arg17[%run_scoped3A_62, %run_scoped3A_63, %mul3A_61] : memref<16x2x10240xf32, #tpu.memory_space<vmem_shared>> -> memref<1x1x640xf32, #tpu.memory_space<vmem_shared>>
      %dma_start3A_298 = tpu.memref_squeeze %dma_start3A_297 : memref<1x1x640xf32, #tpu.memory_space<vmem_shared>> -> memref<640xf32, #tpu.memory_space<vmem_shared>>
      %dma_start3A_299 = arith.constant 3200 : i32
      %dma_start3A_300 = tpu.memref_slice %arg9[%dma_start3A_299] : memref<10240xf32, #tpu.memory_space<vmem>> -> memref<640xf32, #tpu.memory_space<vmem>>
      %dma_start3A_301 = tpu.memref_slice %arg17[%run_scoped3A_62, %run_scoped3A_63, %mul3A_61] : memref<16x2x10240xf32, #tpu.memory_space<vmem_shared>> -> memref<1x1x640xf32, #tpu.memory_space<vmem_shared>>
      %dma_start3A_302 = tpu.memref_squeeze %dma_start3A_301 : memref<1x1x640xf32, #tpu.memory_space<vmem_shared>> -> memref<640xf32, #tpu.memory_space<vmem_shared>>
      tpu.enqueue_dma source(%dma_start3A_302 : memref<640xf32, #tpu.memory_space<vmem_shared>>) target(%dma_start3A_300 : memref<640xf32, #tpu.memory_space<vmem>>) target_semaphore(%run_scoped3A_294 : memref<!tpu.dma_semaphore, #tpu.memory_space<semaphore_mem>>)
      %dma_wait3A_303 = arith.constant 3200 : i32
      %dma_wait3A_304 = tpu.memref_slice %arg9[%dma_wait3A_303] : memref<10240xf32, #tpu.memory_space<vmem>> -> memref<640xf32, #tpu.memory_space<vmem>>
      %dma_wait3A_305 = tpu.memref_slice %arg17[%run_scoped3A_62, %run_scoped3A_63, %mul3A_61] : memref<16x2x10240xf32, #tpu.memory_space<vmem_shared>> -> memref<1x1x640xf32, #tpu.memory_space<vmem_shared>>
      %dma_wait3A_306 = tpu.memref_squeeze %dma_wait3A_305 : memref<1x1x640xf32, #tpu.memory_space<vmem_shared>> -> memref<640xf32, #tpu.memory_space<vmem_shared>>
      %dma_wait3A_307 = arith.constant 3200 : i32
      %dma_wait3A_308 = tpu.memref_slice %arg9[%dma_wait3A_307] : memref<10240xf32, #tpu.memory_space<vmem>> -> memref<640xf32, #tpu.memory_space<vmem>>
      %dma_wait3A_309 = tpu.memref_slice %arg17[%run_scoped3A_62, %run_scoped3A_63, %mul3A_61] : memref<16x2x10240xf32, #tpu.memory_space<vmem_shared>> -> memref<1x1x640xf32, #tpu.memory_space<vmem_shared>>
      %dma_wait3A_310 = tpu.memref_squeeze %dma_wait3A_309 : memref<1x1x640xf32, #tpu.memory_space<vmem_shared>> -> memref<640xf32, #tpu.memory_space<vmem_shared>>
      tpu.wait_dma2 semaphore(%run_scoped3A_294 : memref<!tpu.dma_semaphore, #tpu.memory_space<semaphore_mem>>) src(%dma_wait3A_310 : memref<640xf32, #tpu.memory_space<vmem_shared>>) dst(%dma_wait3A_308 : memref<640xf32, #tpu.memory_space<vmem>>)
      tpu.yield
    }) : () -> ()
    %mul3A_64 = arith.constant 640 : i32
    %mul3A_65 = arith.muli %arg1, %mul3A_64 : i32
    %run_scoped3A_66 = arith.constant 5 : i32
    %run_scoped3A_67 = arith.constant 1 : i32
    "tpu.region"() ({
      %run_scoped3A_294 = tpu.sem_alloc : memref<!tpu.dma_semaphore, #tpu.memory_space<semaphore_mem>>
      %dma_start3A_295 = arith.constant 3200 : i32
      %dma_start3A_296 = tpu.memref_slice %arg11[%dma_start3A_295] : memref<10240xf32, #tpu.memory_space<vmem>> -> memref<640xf32, #tpu.memory_space<vmem>>
      %dma_start3A_297 = tpu.memref_slice %arg17[%run_scoped3A_66, %run_scoped3A_67, %mul3A_65] : memref<16x2x10240xf32, #tpu.memory_space<vmem_shared>> -> memref<1x1x640xf32, #tpu.memory_space<vmem_shared>>
      %dma_start3A_298 = tpu.memref_squeeze %dma_start3A_297 : memref<1x1x640xf32, #tpu.memory_space<vmem_shared>> -> memref<640xf32, #tpu.memory_space<vmem_shared>>
      %dma_start3A_299 = arith.constant 3200 : i32
      %dma_start3A_300 = tpu.memref_slice %arg11[%dma_start3A_299] : memref<10240xf32, #tpu.memory_space<vmem>> -> memref<640xf32, #tpu.memory_space<vmem>>
      %dma_start3A_301 = tpu.memref_slice %arg17[%run_scoped3A_66, %run_scoped3A_67, %mul3A_65] : memref<16x2x10240xf32, #tpu.memory_space<vmem_shared>> -> memref<1x1x640xf32, #tpu.memory_space<vmem_shared>>
      %dma_start3A_302 = tpu.memref_squeeze %dma_start3A_301 : memref<1x1x640xf32, #tpu.memory_space<vmem_shared>> -> memref<640xf32, #tpu.memory_space<vmem_shared>>
      tpu.enqueue_dma source(%dma_start3A_302 : memref<640xf32, #tpu.memory_space<vmem_shared>>) target(%dma_start3A_300 : memref<640xf32, #tpu.memory_space<vmem>>) target_semaphore(%run_scoped3A_294 : memref<!tpu.dma_semaphore, #tpu.memory_space<semaphore_mem>>)
      %dma_wait3A_303 = arith.constant 3200 : i32
      %dma_wait3A_304 = tpu.memref_slice %arg11[%dma_wait3A_303] : memref<10240xf32, #tpu.memory_space<vmem>> -> memref<640xf32, #tpu.memory_space<vmem>>
      %dma_wait3A_305 = tpu.memref_slice %arg17[%run_scoped3A_66, %run_scoped3A_67, %mul3A_65] : memref<16x2x10240xf32, #tpu.memory_space<vmem_shared>> -> memref<1x1x640xf32, #tpu.memory_space<vmem_shared>>
      %dma_wait3A_306 = tpu.memref_squeeze %dma_wait3A_305 : memref<1x1x640xf32, #tpu.memory_space<vmem_shared>> -> memref<640xf32, #tpu.memory_space<vmem_shared>>
      %dma_wait3A_307 = arith.constant 3200 : i32
      %dma_wait3A_308 = tpu.memref_slice %arg11[%dma_wait3A_307] : memref<10240xf32, #tpu.memory_space<vmem>> -> memref<640xf32, #tpu.memory_space<vmem>>
      %dma_wait3A_309 = tpu.memref_slice %arg17[%run_scoped3A_66, %run_scoped3A_67, %mul3A_65] : memref<16x2x10240xf32, #tpu.memory_space<vmem_shared>> -> memref<1x1x640xf32, #tpu.memory_space<vmem_shared>>
      %dma_wait3A_310 = tpu.memref_squeeze %dma_wait3A_309 : memref<1x1x640xf32, #tpu.memory_space<vmem_shared>> -> memref<640xf32, #tpu.memory_space<vmem_shared>>
      tpu.wait_dma2 semaphore(%run_scoped3A_294 : memref<!tpu.dma_semaphore, #tpu.memory_space<semaphore_mem>>) src(%dma_wait3A_310 : memref<640xf32, #tpu.memory_space<vmem_shared>>) dst(%dma_wait3A_308 : memref<640xf32, #tpu.memory_space<vmem>>)
      tpu.yield
    }) : () -> ()
    %mul3A_68 = arith.constant 640 : i32
    %mul3A_69 = arith.muli %arg1, %mul3A_68 : i32
    %run_scoped3A_70 = arith.constant 6 : i32
    %run_scoped3A_71 = arith.constant 0 : i32
    "tpu.region"() ({
      %run_scoped3A_294 = tpu.sem_alloc : memref<!tpu.dma_semaphore, #tpu.memory_space<semaphore_mem>>
      %dma_start3A_295 = arith.constant 3840 : i32
      %dma_start3A_296 = tpu.memref_slice %arg9[%dma_start3A_295] : memref<10240xf32, #tpu.memory_space<vmem>> -> memref<640xf32, #tpu.memory_space<vmem>>
      %dma_start3A_297 = tpu.memref_slice %arg17[%run_scoped3A_70, %run_scoped3A_71, %mul3A_69] : memref<16x2x10240xf32, #tpu.memory_space<vmem_shared>> -> memref<1x1x640xf32, #tpu.memory_space<vmem_shared>>
      %dma_start3A_298 = tpu.memref_squeeze %dma_start3A_297 : memref<1x1x640xf32, #tpu.memory_space<vmem_shared>> -> memref<640xf32, #tpu.memory_space<vmem_shared>>
      %dma_start3A_299 = arith.constant 3840 : i32
      %dma_start3A_300 = tpu.memref_slice %arg9[%dma_start3A_299] : memref<10240xf32, #tpu.memory_space<vmem>> -> memref<640xf32, #tpu.memory_space<vmem>>
      %dma_start3A_301 = tpu.memref_slice %arg17[%run_scoped3A_70, %run_scoped3A_71, %mul3A_69] : memref<16x2x10240xf32, #tpu.memory_space<vmem_shared>> -> memref<1x1x640xf32, #tpu.memory_space<vmem_shared>>
      %dma_start3A_302 = tpu.memref_squeeze %dma_start3A_301 : memref<1x1x640xf32, #tpu.memory_space<vmem_shared>> -> memref<640xf32, #tpu.memory_space<vmem_shared>>
      tpu.enqueue_dma source(%dma_start3A_302 : memref<640xf32, #tpu.memory_space<vmem_shared>>) target(%dma_start3A_300 : memref<640xf32, #tpu.memory_space<vmem>>) target_semaphore(%run_scoped3A_294 : memref<!tpu.dma_semaphore, #tpu.memory_space<semaphore_mem>>)
      %dma_wait3A_303 = arith.constant 3840 : i32
      %dma_wait3A_304 = tpu.memref_slice %arg9[%dma_wait3A_303] : memref<10240xf32, #tpu.memory_space<vmem>> -> memref<640xf32, #tpu.memory_space<vmem>>
      %dma_wait3A_305 = tpu.memref_slice %arg17[%run_scoped3A_70, %run_scoped3A_71, %mul3A_69] : memref<16x2x10240xf32, #tpu.memory_space<vmem_shared>> -> memref<1x1x640xf32, #tpu.memory_space<vmem_shared>>
      %dma_wait3A_306 = tpu.memref_squeeze %dma_wait3A_305 : memref<1x1x640xf32, #tpu.memory_space<vmem_shared>> -> memref<640xf32, #tpu.memory_space<vmem_shared>>
      %dma_wait3A_307 = arith.constant 3840 : i32
      %dma_wait3A_308 = tpu.memref_slice %arg9[%dma_wait3A_307] : memref<10240xf32, #tpu.memory_space<vmem>> -> memref<640xf32, #tpu.memory_space<vmem>>
      %dma_wait3A_309 = tpu.memref_slice %arg17[%run_scoped3A_70, %run_scoped3A_71, %mul3A_69] : memref<16x2x10240xf32, #tpu.memory_space<vmem_shared>> -> memref<1x1x640xf32, #tpu.memory_space<vmem_shared>>
      %dma_wait3A_310 = tpu.memref_squeeze %dma_wait3A_309 : memref<1x1x640xf32, #tpu.memory_space<vmem_shared>> -> memref<640xf32, #tpu.memory_space<vmem_shared>>
      tpu.wait_dma2 semaphore(%run_scoped3A_294 : memref<!tpu.dma_semaphore, #tpu.memory_space<semaphore_mem>>) src(%dma_wait3A_310 : memref<640xf32, #tpu.memory_space<vmem_shared>>) dst(%dma_wait3A_308 : memref<640xf32, #tpu.memory_space<vmem>>)
      tpu.yield
    }) : () -> ()
    %mul3A_72 = arith.constant 640 : i32
    %mul3A_73 = arith.muli %arg1, %mul3A_72 : i32
    %run_scoped3A_74 = arith.constant 6 : i32
    %run_scoped3A_75 = arith.constant 1 : i32
    "tpu.region"() ({
      %run_scoped3A_294 = tpu.sem_alloc : memref<!tpu.dma_semaphore, #tpu.memory_space<semaphore_mem>>
      %dma_start3A_295 = arith.constant 3840 : i32
      %dma_start3A_296 = tpu.memref_slice %arg11[%dma_start3A_295] : memref<10240xf32, #tpu.memory_space<vmem>> -> memref<640xf32, #tpu.memory_space<vmem>>
      %dma_start3A_297 = tpu.memref_slice %arg17[%run_scoped3A_74, %run_scoped3A_75, %mul3A_73] : memref<16x2x10240xf32, #tpu.memory_space<vmem_shared>> -> memref<1x1x640xf32, #tpu.memory_space<vmem_shared>>
      %dma_start3A_298 = tpu.memref_squeeze %dma_start3A_297 : memref<1x1x640xf32, #tpu.memory_space<vmem_shared>> -> memref<640xf32, #tpu.memory_space<vmem_shared>>
      %dma_start3A_299 = arith.constant 3840 : i32
      %dma_start3A_300 = tpu.memref_slice %arg11[%dma_start3A_299] : memref<10240xf32, #tpu.memory_space<vmem>> -> memref<640xf32, #tpu.memory_space<vmem>>
      %dma_start3A_301 = tpu.memref_slice %arg17[%run_scoped3A_74, %run_scoped3A_75, %mul3A_73] : memref<16x2x10240xf32, #tpu.memory_space<vmem_shared>> -> memref<1x1x640xf32, #tpu.memory_space<vmem_shared>>
      %dma_start3A_302 = tpu.memref_squeeze %dma_start3A_301 : memref<1x1x640xf32, #tpu.memory_space<vmem_shared>> -> memref<640xf32, #tpu.memory_space<vmem_shared>>
      tpu.enqueue_dma source(%dma_start3A_302 : memref<640xf32, #tpu.memory_space<vmem_shared>>) target(%dma_start3A_300 : memref<640xf32, #tpu.memory_space<vmem>>) target_semaphore(%run_scoped3A_294 : memref<!tpu.dma_semaphore, #tpu.memory_space<semaphore_mem>>)
      %dma_wait3A_303 = arith.constant 3840 : i32
      %dma_wait3A_304 = tpu.memref_slice %arg11[%dma_wait3A_303] : memref<10240xf32, #tpu.memory_space<vmem>> -> memref<640xf32, #tpu.memory_space<vmem>>
      %dma_wait3A_305 = tpu.memref_slice %arg17[%run_scoped3A_74, %run_scoped3A_75, %mul3A_73] : memref<16x2x10240xf32, #tpu.memory_space<vmem_shared>> -> memref<1x1x640xf32, #tpu.memory_space<vmem_shared>>
      %dma_wait3A_306 = tpu.memref_squeeze %dma_wait3A_305 : memref<1x1x640xf32, #tpu.memory_space<vmem_shared>> -> memref<640xf32, #tpu.memory_space<vmem_shared>>
      %dma_wait3A_307 = arith.constant 3840 : i32
      %dma_wait3A_308 = tpu.memref_slice %arg11[%dma_wait3A_307] : memref<10240xf32, #tpu.memory_space<vmem>> -> memref<640xf32, #tpu.memory_space<vmem>>
      %dma_wait3A_309 = tpu.memref_slice %arg17[%run_scoped3A_74, %run_scoped3A_75, %mul3A_73] : memref<16x2x10240xf32, #tpu.memory_space<vmem_shared>> -> memref<1x1x640xf32, #tpu.memory_space<vmem_shared>>
      %dma_wait3A_310 = tpu.memref_squeeze %dma_wait3A_309 : memref<1x1x640xf32, #tpu.memory_space<vmem_shared>> -> memref<640xf32, #tpu.memory_space<vmem_shared>>
      tpu.wait_dma2 semaphore(%run_scoped3A_294 : memref<!tpu.dma_semaphore, #tpu.memory_space<semaphore_mem>>) src(%dma_wait3A_310 : memref<640xf32, #tpu.memory_space<vmem_shared>>) dst(%dma_wait3A_308 : memref<640xf32, #tpu.memory_space<vmem>>)
      tpu.yield
    }) : () -> ()
    %mul3A_76 = arith.constant 640 : i32
    %mul3A_77 = arith.muli %arg1, %mul3A_76 : i32
    %run_scoped3A_78 = arith.constant 7 : i32
    %run_scoped3A_79 = arith.constant 0 : i32
    "tpu.region"() ({
      %run_scoped3A_294 = tpu.sem_alloc : memref<!tpu.dma_semaphore, #tpu.memory_space<semaphore_mem>>
      %dma_start3A_295 = arith.constant 4480 : i32
      %dma_start3A_296 = tpu.memref_slice %arg9[%dma_start3A_295] : memref<10240xf32, #tpu.memory_space<vmem>> -> memref<640xf32, #tpu.memory_space<vmem>>
      %dma_start3A_297 = tpu.memref_slice %arg17[%run_scoped3A_78, %run_scoped3A_79, %mul3A_77] : memref<16x2x10240xf32, #tpu.memory_space<vmem_shared>> -> memref<1x1x640xf32, #tpu.memory_space<vmem_shared>>
      %dma_start3A_298 = tpu.memref_squeeze %dma_start3A_297 : memref<1x1x640xf32, #tpu.memory_space<vmem_shared>> -> memref<640xf32, #tpu.memory_space<vmem_shared>>
      %dma_start3A_299 = arith.constant 4480 : i32
      %dma_start3A_300 = tpu.memref_slice %arg9[%dma_start3A_299] : memref<10240xf32, #tpu.memory_space<vmem>> -> memref<640xf32, #tpu.memory_space<vmem>>
      %dma_start3A_301 = tpu.memref_slice %arg17[%run_scoped3A_78, %run_scoped3A_79, %mul3A_77] : memref<16x2x10240xf32, #tpu.memory_space<vmem_shared>> -> memref<1x1x640xf32, #tpu.memory_space<vmem_shared>>
      %dma_start3A_302 = tpu.memref_squeeze %dma_start3A_301 : memref<1x1x640xf32, #tpu.memory_space<vmem_shared>> -> memref<640xf32, #tpu.memory_space<vmem_shared>>
      tpu.enqueue_dma source(%dma_start3A_302 : memref<640xf32, #tpu.memory_space<vmem_shared>>) target(%dma_start3A_300 : memref<640xf32, #tpu.memory_space<vmem>>) target_semaphore(%run_scoped3A_294 : memref<!tpu.dma_semaphore, #tpu.memory_space<semaphore_mem>>)
      %dma_wait3A_303 = arith.constant 4480 : i32
      %dma_wait3A_304 = tpu.memref_slice %arg9[%dma_wait3A_303] : memref<10240xf32, #tpu.memory_space<vmem>> -> memref<640xf32, #tpu.memory_space<vmem>>
      %dma_wait3A_305 = tpu.memref_slice %arg17[%run_scoped3A_78, %run_scoped3A_79, %mul3A_77] : memref<16x2x10240xf32, #tpu.memory_space<vmem_shared>> -> memref<1x1x640xf32, #tpu.memory_space<vmem_shared>>
      %dma_wait3A_306 = tpu.memref_squeeze %dma_wait3A_305 : memref<1x1x640xf32, #tpu.memory_space<vmem_shared>> -> memref<640xf32, #tpu.memory_space<vmem_shared>>
      %dma_wait3A_307 = arith.constant 4480 : i32
      %dma_wait3A_308 = tpu.memref_slice %arg9[%dma_wait3A_307] : memref<10240xf32, #tpu.memory_space<vmem>> -> memref<640xf32, #tpu.memory_space<vmem>>
      %dma_wait3A_309 = tpu.memref_slice %arg17[%run_scoped3A_78, %run_scoped3A_79, %mul3A_77] : memref<16x2x10240xf32, #tpu.memory_space<vmem_shared>> -> memref<1x1x640xf32, #tpu.memory_space<vmem_shared>>
      %dma_wait3A_310 = tpu.memref_squeeze %dma_wait3A_309 : memref<1x1x640xf32, #tpu.memory_space<vmem_shared>> -> memref<640xf32, #tpu.memory_space<vmem_shared>>
      tpu.wait_dma2 semaphore(%run_scoped3A_294 : memref<!tpu.dma_semaphore, #tpu.memory_space<semaphore_mem>>) src(%dma_wait3A_310 : memref<640xf32, #tpu.memory_space<vmem_shared>>) dst(%dma_wait3A_308 : memref<640xf32, #tpu.memory_space<vmem>>)
      tpu.yield
    }) : () -> ()
    %mul3A_80 = arith.constant 640 : i32
    %mul3A_81 = arith.muli %arg1, %mul3A_80 : i32
    %run_scoped3A_82 = arith.constant 7 : i32
    %run_scoped3A_83 = arith.constant 1 : i32
    "tpu.region"() ({
      %run_scoped3A_294 = tpu.sem_alloc : memref<!tpu.dma_semaphore, #tpu.memory_space<semaphore_mem>>
      %dma_start3A_295 = arith.constant 4480 : i32
      %dma_start3A_296 = tpu.memref_slice %arg11[%dma_start3A_295] : memref<10240xf32, #tpu.memory_space<vmem>> -> memref<640xf32, #tpu.memory_space<vmem>>
      %dma_start3A_297 = tpu.memref_slice %arg17[%run_scoped3A_82, %run_scoped3A_83, %mul3A_81] : memref<16x2x10240xf32, #tpu.memory_space<vmem_shared>> -> memref<1x1x640xf32, #tpu.memory_space<vmem_shared>>
      %dma_start3A_298 = tpu.memref_squeeze %dma_start3A_297 : memref<1x1x640xf32, #tpu.memory_space<vmem_shared>> -> memref<640xf32, #tpu.memory_space<vmem_shared>>
      %dma_start3A_299 = arith.constant 4480 : i32
      %dma_start3A_300 = tpu.memref_slice %arg11[%dma_start3A_299] : memref<10240xf32, #tpu.memory_space<vmem>> -> memref<640xf32, #tpu.memory_space<vmem>>
      %dma_start3A_301 = tpu.memref_slice %arg17[%run_scoped3A_82, %run_scoped3A_83, %mul3A_81] : memref<16x2x10240xf32, #tpu.memory_space<vmem_shared>> -> memref<1x1x640xf32, #tpu.memory_space<vmem_shared>>
      %dma_start3A_302 = tpu.memref_squeeze %dma_start3A_301 : memref<1x1x640xf32, #tpu.memory_space<vmem_shared>> -> memref<640xf32, #tpu.memory_space<vmem_shared>>
      tpu.enqueue_dma source(%dma_start3A_302 : memref<640xf32, #tpu.memory_space<vmem_shared>>) target(%dma_start3A_300 : memref<640xf32, #tpu.memory_space<vmem>>) target_semaphore(%run_scoped3A_294 : memref<!tpu.dma_semaphore, #tpu.memory_space<semaphore_mem>>)
      %dma_wait3A_303 = arith.constant 4480 : i32
      %dma_wait3A_304 = tpu.memref_slice %arg11[%dma_wait3A_303] : memref<10240xf32, #tpu.memory_space<vmem>> -> memref<640xf32, #tpu.memory_space<vmem>>
      %dma_wait3A_305 = tpu.memref_slice %arg17[%run_scoped3A_82, %run_scoped3A_83, %mul3A_81] : memref<16x2x10240xf32, #tpu.memory_space<vmem_shared>> -> memref<1x1x640xf32, #tpu.memory_space<vmem_shared>>
      %dma_wait3A_306 = tpu.memref_squeeze %dma_wait3A_305 : memref<1x1x640xf32, #tpu.memory_space<vmem_shared>> -> memref<640xf32, #tpu.memory_space<vmem_shared>>
      %dma_wait3A_307 = arith.constant 4480 : i32
      %dma_wait3A_308 = tpu.memref_slice %arg11[%dma_wait3A_307] : memref<10240xf32, #tpu.memory_space<vmem>> -> memref<640xf32, #tpu.memory_space<vmem>>
      %dma_wait3A_309 = tpu.memref_slice %arg17[%run_scoped3A_82, %run_scoped3A_83, %mul3A_81] : memref<16x2x10240xf32, #tpu.memory_space<vmem_shared>> -> memref<1x1x640xf32, #tpu.memory_space<vmem_shared>>
      %dma_wait3A_310 = tpu.memref_squeeze %dma_wait3A_309 : memref<1x1x640xf32, #tpu.memory_space<vmem_shared>> -> memref<640xf32, #tpu.memory_space<vmem_shared>>
      tpu.wait_dma2 semaphore(%run_scoped3A_294 : memref<!tpu.dma_semaphore, #tpu.memory_space<semaphore_mem>>) src(%dma_wait3A_310 : memref<640xf32, #tpu.memory_space<vmem_shared>>) dst(%dma_wait3A_308 : memref<640xf32, #tpu.memory_space<vmem>>)
      tpu.yield
    }) : () -> ()
    %mul3A_84 = arith.constant 640 : i32
    %mul3A_85 = arith.muli %arg1, %mul3A_84 : i32
    %run_scoped3A_86 = arith.constant 8 : i32
    %run_scoped3A_87 = arith.constant 0 : i32
    "tpu.region"() ({
      %run_scoped3A_294 = tpu.sem_alloc : memref<!tpu.dma_semaphore, #tpu.memory_space<semaphore_mem>>
      %dma_start3A_295 = arith.constant 5120 : i32
      %dma_start3A_296 = tpu.memref_slice %arg9[%dma_start3A_295] : memref<10240xf32, #tpu.memory_space<vmem>> -> memref<640xf32, #tpu.memory_space<vmem>>
      %dma_start3A_297 = tpu.memref_slice %arg17[%run_scoped3A_86, %run_scoped3A_87, %mul3A_85] : memref<16x2x10240xf32, #tpu.memory_space<vmem_shared>> -> memref<1x1x640xf32, #tpu.memory_space<vmem_shared>>
      %dma_start3A_298 = tpu.memref_squeeze %dma_start3A_297 : memref<1x1x640xf32, #tpu.memory_space<vmem_shared>> -> memref<640xf32, #tpu.memory_space<vmem_shared>>
      %dma_start3A_299 = arith.constant 5120 : i32
      %dma_start3A_300 = tpu.memref_slice %arg9[%dma_start3A_299] : memref<10240xf32, #tpu.memory_space<vmem>> -> memref<640xf32, #tpu.memory_space<vmem>>
      %dma_start3A_301 = tpu.memref_slice %arg17[%run_scoped3A_86, %run_scoped3A_87, %mul3A_85] : memref<16x2x10240xf32, #tpu.memory_space<vmem_shared>> -> memref<1x1x640xf32, #tpu.memory_space<vmem_shared>>
      %dma_start3A_302 = tpu.memref_squeeze %dma_start3A_301 : memref<1x1x640xf32, #tpu.memory_space<vmem_shared>> -> memref<640xf32, #tpu.memory_space<vmem_shared>>
      tpu.enqueue_dma source(%dma_start3A_302 : memref<640xf32, #tpu.memory_space<vmem_shared>>) target(%dma_start3A_300 : memref<640xf32, #tpu.memory_space<vmem>>) target_semaphore(%run_scoped3A_294 : memref<!tpu.dma_semaphore, #tpu.memory_space<semaphore_mem>>)
      %dma_wait3A_303 = arith.constant 5120 : i32
      %dma_wait3A_304 = tpu.memref_slice %arg9[%dma_wait3A_303] : memref<10240xf32, #tpu.memory_space<vmem>> -> memref<640xf32, #tpu.memory_space<vmem>>
      %dma_wait3A_305 = tpu.memref_slice %arg17[%run_scoped3A_86, %run_scoped3A_87, %mul3A_85] : memref<16x2x10240xf32, #tpu.memory_space<vmem_shared>> -> memref<1x1x640xf32, #tpu.memory_space<vmem_shared>>
      %dma_wait3A_306 = tpu.memref_squeeze %dma_wait3A_305 : memref<1x1x640xf32, #tpu.memory_space<vmem_shared>> -> memref<640xf32, #tpu.memory_space<vmem_shared>>
      %dma_wait3A_307 = arith.constant 5120 : i32
      %dma_wait3A_308 = tpu.memref_slice %arg9[%dma_wait3A_307] : memref<10240xf32, #tpu.memory_space<vmem>> -> memref<640xf32, #tpu.memory_space<vmem>>
      %dma_wait3A_309 = tpu.memref_slice %arg17[%run_scoped3A_86, %run_scoped3A_87, %mul3A_85] : memref<16x2x10240xf32, #tpu.memory_space<vmem_shared>> -> memref<1x1x640xf32, #tpu.memory_space<vmem_shared>>
      %dma_wait3A_310 = tpu.memref_squeeze %dma_wait3A_309 : memref<1x1x640xf32, #tpu.memory_space<vmem_shared>> -> memref<640xf32, #tpu.memory_space<vmem_shared>>
      tpu.wait_dma2 semaphore(%run_scoped3A_294 : memref<!tpu.dma_semaphore, #tpu.memory_space<semaphore_mem>>) src(%dma_wait3A_310 : memref<640xf32, #tpu.memory_space<vmem_shared>>) dst(%dma_wait3A_308 : memref<640xf32, #tpu.memory_space<vmem>>)
      tpu.yield
    }) : () -> ()
    %mul3A_88 = arith.constant 640 : i32
    %mul3A_89 = arith.muli %arg1, %mul3A_88 : i32
    %run_scoped3A_90 = arith.constant 8 : i32
    %run_scoped3A_91 = arith.constant 1 : i32
    "tpu.region"() ({
      %run_scoped3A_294 = tpu.sem_alloc : memref<!tpu.dma_semaphore, #tpu.memory_space<semaphore_mem>>
      %dma_start3A_295 = arith.constant 5120 : i32
      %dma_start3A_296 = tpu.memref_slice %arg11[%dma_start3A_295] : memref<10240xf32, #tpu.memory_space<vmem>> -> memref<640xf32, #tpu.memory_space<vmem>>
      %dma_start3A_297 = tpu.memref_slice %arg17[%run_scoped3A_90, %run_scoped3A_91, %mul3A_89] : memref<16x2x10240xf32, #tpu.memory_space<vmem_shared>> -> memref<1x1x640xf32, #tpu.memory_space<vmem_shared>>
      %dma_start3A_298 = tpu.memref_squeeze %dma_start3A_297 : memref<1x1x640xf32, #tpu.memory_space<vmem_shared>> -> memref<640xf32, #tpu.memory_space<vmem_shared>>
      %dma_start3A_299 = arith.constant 5120 : i32
      %dma_start3A_300 = tpu.memref_slice %arg11[%dma_start3A_299] : memref<10240xf32, #tpu.memory_space<vmem>> -> memref<640xf32, #tpu.memory_space<vmem>>
      %dma_start3A_301 = tpu.memref_slice %arg17[%run_scoped3A_90, %run_scoped3A_91, %mul3A_89] : memref<16x2x10240xf32, #tpu.memory_space<vmem_shared>> -> memref<1x1x640xf32, #tpu.memory_space<vmem_shared>>
      %dma_start3A_302 = tpu.memref_squeeze %dma_start3A_301 : memref<1x1x640xf32, #tpu.memory_space<vmem_shared>> -> memref<640xf32, #tpu.memory_space<vmem_shared>>
      tpu.enqueue_dma source(%dma_start3A_302 : memref<640xf32, #tpu.memory_space<vmem_shared>>) target(%dma_start3A_300 : memref<640xf32, #tpu.memory_space<vmem>>) target_semaphore(%run_scoped3A_294 : memref<!tpu.dma_semaphore, #tpu.memory_space<semaphore_mem>>)
      %dma_wait3A_303 = arith.constant 5120 : i32
      %dma_wait3A_304 = tpu.memref_slice %arg11[%dma_wait3A_303] : memref<10240xf32, #tpu.memory_space<vmem>> -> memref<640xf32, #tpu.memory_space<vmem>>
      %dma_wait3A_305 = tpu.memref_slice %arg17[%run_scoped3A_90, %run_scoped3A_91, %mul3A_89] : memref<16x2x10240xf32, #tpu.memory_space<vmem_shared>> -> memref<1x1x640xf32, #tpu.memory_space<vmem_shared>>
      %dma_wait3A_306 = tpu.memref_squeeze %dma_wait3A_305 : memref<1x1x640xf32, #tpu.memory_space<vmem_shared>> -> memref<640xf32, #tpu.memory_space<vmem_shared>>
      %dma_wait3A_307 = arith.constant 5120 : i32
      %dma_wait3A_308 = tpu.memref_slice %arg11[%dma_wait3A_307] : memref<10240xf32, #tpu.memory_space<vmem>> -> memref<640xf32, #tpu.memory_space<vmem>>
      %dma_wait3A_309 = tpu.memref_slice %arg17[%run_scoped3A_90, %run_scoped3A_91, %mul3A_89] : memref<16x2x10240xf32, #tpu.memory_space<vmem_shared>> -> memref<1x1x640xf32, #tpu.memory_space<vmem_shared>>
      %dma_wait3A_310 = tpu.memref_squeeze %dma_wait3A_309 : memref<1x1x640xf32, #tpu.memory_space<vmem_shared>> -> memref<640xf32, #tpu.memory_space<vmem_shared>>
      tpu.wait_dma2 semaphore(%run_scoped3A_294 : memref<!tpu.dma_semaphore, #tpu.memory_space<semaphore_mem>>) src(%dma_wait3A_310 : memref<640xf32, #tpu.memory_space<vmem_shared>>) dst(%dma_wait3A_308 : memref<640xf32, #tpu.memory_space<vmem>>)
      tpu.yield
    }) : () -> ()
    %mul3A_92 = arith.constant 640 : i32
    %mul3A_93 = arith.muli %arg1, %mul3A_92 : i32
    %run_scoped3A_94 = arith.constant 9 : i32
    %run_scoped3A_95 = arith.constant 0 : i32
    "tpu.region"() ({
      %run_scoped3A_294 = tpu.sem_alloc : memref<!tpu.dma_semaphore, #tpu.memory_space<semaphore_mem>>
      %dma_start3A_295 = arith.constant 5760 : i32
      %dma_start3A_296 = tpu.memref_slice %arg9[%dma_start3A_295] : memref<10240xf32, #tpu.memory_space<vmem>> -> memref<640xf32, #tpu.memory_space<vmem>>
      %dma_start3A_297 = tpu.memref_slice %arg17[%run_scoped3A_94, %run_scoped3A_95, %mul3A_93] : memref<16x2x10240xf32, #tpu.memory_space<vmem_shared>> -> memref<1x1x640xf32, #tpu.memory_space<vmem_shared>>
      %dma_start3A_298 = tpu.memref_squeeze %dma_start3A_297 : memref<1x1x640xf32, #tpu.memory_space<vmem_shared>> -> memref<640xf32, #tpu.memory_space<vmem_shared>>
      %dma_start3A_299 = arith.constant 5760 : i32
      %dma_start3A_300 = tpu.memref_slice %arg9[%dma_start3A_299] : memref<10240xf32, #tpu.memory_space<vmem>> -> memref<640xf32, #tpu.memory_space<vmem>>
      %dma_start3A_301 = tpu.memref_slice %arg17[%run_scoped3A_94, %run_scoped3A_95, %mul3A_93] : memref<16x2x10240xf32, #tpu.memory_space<vmem_shared>> -> memref<1x1x640xf32, #tpu.memory_space<vmem_shared>>
      %dma_start3A_302 = tpu.memref_squeeze %dma_start3A_301 : memref<1x1x640xf32, #tpu.memory_space<vmem_shared>> -> memref<640xf32, #tpu.memory_space<vmem_shared>>
      tpu.enqueue_dma source(%dma_start3A_302 : memref<640xf32, #tpu.memory_space<vmem_shared>>) target(%dma_start3A_300 : memref<640xf32, #tpu.memory_space<vmem>>) target_semaphore(%run_scoped3A_294 : memref<!tpu.dma_semaphore, #tpu.memory_space<semaphore_mem>>)
      %dma_wait3A_303 = arith.constant 5760 : i32
      %dma_wait3A_304 = tpu.memref_slice %arg9[%dma_wait3A_303] : memref<10240xf32, #tpu.memory_space<vmem>> -> memref<640xf32, #tpu.memory_space<vmem>>
      %dma_wait3A_305 = tpu.memref_slice %arg17[%run_scoped3A_94, %run_scoped3A_95, %mul3A_93] : memref<16x2x10240xf32, #tpu.memory_space<vmem_shared>> -> memref<1x1x640xf32, #tpu.memory_space<vmem_shared>>
      %dma_wait3A_306 = tpu.memref_squeeze %dma_wait3A_305 : memref<1x1x640xf32, #tpu.memory_space<vmem_shared>> -> memref<640xf32, #tpu.memory_space<vmem_shared>>
      %dma_wait3A_307 = arith.constant 5760 : i32
      %dma_wait3A_308 = tpu.memref_slice %arg9[%dma_wait3A_307] : memref<10240xf32, #tpu.memory_space<vmem>> -> memref<640xf32, #tpu.memory_space<vmem>>
      %dma_wait3A_309 = tpu.memref_slice %arg17[%run_scoped3A_94, %run_scoped3A_95, %mul3A_93] : memref<16x2x10240xf32, #tpu.memory_space<vmem_shared>> -> memref<1x1x640xf32, #tpu.memory_space<vmem_shared>>
      %dma_wait3A_310 = tpu.memref_squeeze %dma_wait3A_309 : memref<1x1x640xf32, #tpu.memory_space<vmem_shared>> -> memref<640xf32, #tpu.memory_space<vmem_shared>>
      tpu.wait_dma2 semaphore(%run_scoped3A_294 : memref<!tpu.dma_semaphore, #tpu.memory_space<semaphore_mem>>) src(%dma_wait3A_310 : memref<640xf32, #tpu.memory_space<vmem_shared>>) dst(%dma_wait3A_308 : memref<640xf32, #tpu.memory_space<vmem>>)
      tpu.yield
    }) : () -> ()
    %mul3A_96 = arith.constant 640 : i32
    %mul3A_97 = arith.muli %arg1, %mul3A_96 : i32
    %run_scoped3A_98 = arith.constant 9 : i32
    %run_scoped3A_99 = arith.constant 1 : i32
    "tpu.region"() ({
      %run_scoped3A_294 = tpu.sem_alloc : memref<!tpu.dma_semaphore, #tpu.memory_space<semaphore_mem>>
      %dma_start3A_295 = arith.constant 5760 : i32
      %dma_start3A_296 = tpu.memref_slice %arg11[%dma_start3A_295] : memref<10240xf32, #tpu.memory_space<vmem>> -> memref<640xf32, #tpu.memory_space<vmem>>
      %dma_start3A_297 = tpu.memref_slice %arg17[%run_scoped3A_98, %run_scoped3A_99, %mul3A_97] : memref<16x2x10240xf32, #tpu.memory_space<vmem_shared>> -> memref<1x1x640xf32, #tpu.memory_space<vmem_shared>>
      %dma_start3A_298 = tpu.memref_squeeze %dma_start3A_297 : memref<1x1x640xf32, #tpu.memory_space<vmem_shared>> -> memref<640xf32, #tpu.memory_space<vmem_shared>>
      %dma_start3A_299 = arith.constant 5760 : i32
      %dma_start3A_300 = tpu.memref_slice %arg11[%dma_start3A_299] : memref<10240xf32, #tpu.memory_space<vmem>> -> memref<640xf32, #tpu.memory_space<vmem>>
      %dma_start3A_301 = tpu.memref_slice %arg17[%run_scoped3A_98, %run_scoped3A_99, %mul3A_97] : memref<16x2x10240xf32, #tpu.memory_space<vmem_shared>> -> memref<1x1x640xf32, #tpu.memory_space<vmem_shared>>
      %dma_start3A_302 = tpu.memref_squeeze %dma_start3A_301 : memref<1x1x640xf32, #tpu.memory_space<vmem_shared>> -> memref<640xf32, #tpu.memory_space<vmem_shared>>
      tpu.enqueue_dma source(%dma_start3A_302 : memref<640xf32, #tpu.memory_space<vmem_shared>>) target(%dma_start3A_300 : memref<640xf32, #tpu.memory_space<vmem>>) target_semaphore(%run_scoped3A_294 : memref<!tpu.dma_semaphore, #tpu.memory_space<semaphore_mem>>)
      %dma_wait3A_303 = arith.constant 5760 : i32
      %dma_wait3A_304 = tpu.memref_slice %arg11[%dma_wait3A_303] : memref<10240xf32, #tpu.memory_space<vmem>> -> memref<640xf32, #tpu.memory_space<vmem>>
      %dma_wait3A_305 = tpu.memref_slice %arg17[%run_scoped3A_98, %run_scoped3A_99, %mul3A_97] : memref<16x2x10240xf32, #tpu.memory_space<vmem_shared>> -> memref<1x1x640xf32, #tpu.memory_space<vmem_shared>>
      %dma_wait3A_306 = tpu.memref_squeeze %dma_wait3A_305 : memref<1x1x640xf32, #tpu.memory_space<vmem_shared>> -> memref<640xf32, #tpu.memory_space<vmem_shared>>
      %dma_wait3A_307 = arith.constant 5760 : i32
      %dma_wait3A_308 = tpu.memref_slice %arg11[%dma_wait3A_307] : memref<10240xf32, #tpu.memory_space<vmem>> -> memref<640xf32, #tpu.memory_space<vmem>>
      %dma_wait3A_309 = tpu.memref_slice %arg17[%run_scoped3A_98, %run_scoped3A_99, %mul3A_97] : memref<16x2x10240xf32, #tpu.memory_space<vmem_shared>> -> memref<1x1x640xf32, #tpu.memory_space<vmem_shared>>
      %dma_wait3A_310 = tpu.memref_squeeze %dma_wait3A_309 : memref<1x1x640xf32, #tpu.memory_space<vmem_shared>> -> memref<640xf32, #tpu.memory_space<vmem_shared>>
      tpu.wait_dma2 semaphore(%run_scoped3A_294 : memref<!tpu.dma_semaphore, #tpu.memory_space<semaphore_mem>>) src(%dma_wait3A_310 : memref<640xf32, #tpu.memory_space<vmem_shared>>) dst(%dma_wait3A_308 : memref<640xf32, #tpu.memory_space<vmem>>)
      tpu.yield
    }) : () -> ()
    %mul3A_100 = arith.constant 640 : i32
    %mul3A_101 = arith.muli %arg1, %mul3A_100 : i32
    %run_scoped3A_102 = arith.constant 10 : i32
    %run_scoped3A_103 = arith.constant 0 : i32
    "tpu.region"() ({
      %run_scoped3A_294 = tpu.sem_alloc : memref<!tpu.dma_semaphore, #tpu.memory_space<semaphore_mem>>
      %dma_start3A_295 = arith.constant 6400 : i32
      %dma_start3A_296 = tpu.memref_slice %arg9[%dma_start3A_295] : memref<10240xf32, #tpu.memory_space<vmem>> -> memref<640xf32, #tpu.memory_space<vmem>>
      %dma_start3A_297 = tpu.memref_slice %arg17[%run_scoped3A_102, %run_scoped3A_103, %mul3A_101] : memref<16x2x10240xf32, #tpu.memory_space<vmem_shared>> -> memref<1x1x640xf32, #tpu.memory_space<vmem_shared>>
      %dma_start3A_298 = tpu.memref_squeeze %dma_start3A_297 : memref<1x1x640xf32, #tpu.memory_space<vmem_shared>> -> memref<640xf32, #tpu.memory_space<vmem_shared>>
      %dma_start3A_299 = arith.constant 6400 : i32
      %dma_start3A_300 = tpu.memref_slice %arg9[%dma_start3A_299] : memref<10240xf32, #tpu.memory_space<vmem>> -> memref<640xf32, #tpu.memory_space<vmem>>
      %dma_start3A_301 = tpu.memref_slice %arg17[%run_scoped3A_102, %run_scoped3A_103, %mul3A_101] : memref<16x2x10240xf32, #tpu.memory_space<vmem_shared>> -> memref<1x1x640xf32, #tpu.memory_space<vmem_shared>>
      %dma_start3A_302 = tpu.memref_squeeze %dma_start3A_301 : memref<1x1x640xf32, #tpu.memory_space<vmem_shared>> -> memref<640xf32, #tpu.memory_space<vmem_shared>>
      tpu.enqueue_dma source(%dma_start3A_302 : memref<640xf32, #tpu.memory_space<vmem_shared>>) target(%dma_start3A_300 : memref<640xf32, #tpu.memory_space<vmem>>) target_semaphore(%run_scoped3A_294 : memref<!tpu.dma_semaphore, #tpu.memory_space<semaphore_mem>>)
      %dma_wait3A_303 = arith.constant 6400 : i32
      %dma_wait3A_304 = tpu.memref_slice %arg9[%dma_wait3A_303] : memref<10240xf32, #tpu.memory_space<vmem>> -> memref<640xf32, #tpu.memory_space<vmem>>
      %dma_wait3A_305 = tpu.memref_slice %arg17[%run_scoped3A_102, %run_scoped3A_103, %mul3A_101] : memref<16x2x10240xf32, #tpu.memory_space<vmem_shared>> -> memref<1x1x640xf32, #tpu.memory_space<vmem_shared>>
      %dma_wait3A_306 = tpu.memref_squeeze %dma_wait3A_305 : memref<1x1x640xf32, #tpu.memory_space<vmem_shared>> -> memref<640xf32, #tpu.memory_space<vmem_shared>>
      %dma_wait3A_307 = arith.constant 6400 : i32
      %dma_wait3A_308 = tpu.memref_slice %arg9[%dma_wait3A_307] : memref<10240xf32, #tpu.memory_space<vmem>> -> memref<640xf32, #tpu.memory_space<vmem>>
      %dma_wait3A_309 = tpu.memref_slice %arg17[%run_scoped3A_102, %run_scoped3A_103, %mul3A_101] : memref<16x2x10240xf32, #tpu.memory_space<vmem_shared>> -> memref<1x1x640xf32, #tpu.memory_space<vmem_shared>>
      %dma_wait3A_310 = tpu.memref_squeeze %dma_wait3A_309 : memref<1x1x640xf32, #tpu.memory_space<vmem_shared>> -> memref<640xf32, #tpu.memory_space<vmem_shared>>
      tpu.wait_dma2 semaphore(%run_scoped3A_294 : memref<!tpu.dma_semaphore, #tpu.memory_space<semaphore_mem>>) src(%dma_wait3A_310 : memref<640xf32, #tpu.memory_space<vmem_shared>>) dst(%dma_wait3A_308 : memref<640xf32, #tpu.memory_space<vmem>>)
      tpu.yield
    }) : () -> ()
    %mul3A_104 = arith.constant 640 : i32
    %mul3A_105 = arith.muli %arg1, %mul3A_104 : i32
    %run_scoped3A_106 = arith.constant 10 : i32
    %run_scoped3A_107 = arith.constant 1 : i32
    "tpu.region"() ({
      %run_scoped3A_294 = tpu.sem_alloc : memref<!tpu.dma_semaphore, #tpu.memory_space<semaphore_mem>>
      %dma_start3A_295 = arith.constant 6400 : i32
      %dma_start3A_296 = tpu.memref_slice %arg11[%dma_start3A_295] : memref<10240xf32, #tpu.memory_space<vmem>> -> memref<640xf32, #tpu.memory_space<vmem>>
      %dma_start3A_297 = tpu.memref_slice %arg17[%run_scoped3A_106, %run_scoped3A_107, %mul3A_105] : memref<16x2x10240xf32, #tpu.memory_space<vmem_shared>> -> memref<1x1x640xf32, #tpu.memory_space<vmem_shared>>
      %dma_start3A_298 = tpu.memref_squeeze %dma_start3A_297 : memref<1x1x640xf32, #tpu.memory_space<vmem_shared>> -> memref<640xf32, #tpu.memory_space<vmem_shared>>
      %dma_start3A_299 = arith.constant 6400 : i32
      %dma_start3A_300 = tpu.memref_slice %arg11[%dma_start3A_299] : memref<10240xf32, #tpu.memory_space<vmem>> -> memref<640xf32, #tpu.memory_space<vmem>>
      %dma_start3A_301 = tpu.memref_slice %arg17[%run_scoped3A_106, %run_scoped3A_107, %mul3A_105] : memref<16x2x10240xf32, #tpu.memory_space<vmem_shared>> -> memref<1x1x640xf32, #tpu.memory_space<vmem_shared>>
      %dma_start3A_302 = tpu.memref_squeeze %dma_start3A_301 : memref<1x1x640xf32, #tpu.memory_space<vmem_shared>> -> memref<640xf32, #tpu.memory_space<vmem_shared>>
      tpu.enqueue_dma source(%dma_start3A_302 : memref<640xf32, #tpu.memory_space<vmem_shared>>) target(%dma_start3A_300 : memref<640xf32, #tpu.memory_space<vmem>>) target_semaphore(%run_scoped3A_294 : memref<!tpu.dma_semaphore, #tpu.memory_space<semaphore_mem>>)
      %dma_wait3A_303 = arith.constant 6400 : i32
      %dma_wait3A_304 = tpu.memref_slice %arg11[%dma_wait3A_303] : memref<10240xf32, #tpu.memory_space<vmem>> -> memref<640xf32, #tpu.memory_space<vmem>>
      %dma_wait3A_305 = tpu.memref_slice %arg17[%run_scoped3A_106, %run_scoped3A_107, %mul3A_105] : memref<16x2x10240xf32, #tpu.memory_space<vmem_shared>> -> memref<1x1x640xf32, #tpu.memory_space<vmem_shared>>
      %dma_wait3A_306 = tpu.memref_squeeze %dma_wait3A_305 : memref<1x1x640xf32, #tpu.memory_space<vmem_shared>> -> memref<640xf32, #tpu.memory_space<vmem_shared>>
      %dma_wait3A_307 = arith.constant 6400 : i32
      %dma_wait3A_308 = tpu.memref_slice %arg11[%dma_wait3A_307] : memref<10240xf32, #tpu.memory_space<vmem>> -> memref<640xf32, #tpu.memory_space<vmem>>
      %dma_wait3A_309 = tpu.memref_slice %arg17[%run_scoped3A_106, %run_scoped3A_107, %mul3A_105] : memref<16x2x10240xf32, #tpu.memory_space<vmem_shared>> -> memref<1x1x640xf32, #tpu.memory_space<vmem_shared>>
      %dma_wait3A_310 = tpu.memref_squeeze %dma_wait3A_309 : memref<1x1x640xf32, #tpu.memory_space<vmem_shared>> -> memref<640xf32, #tpu.memory_space<vmem_shared>>
      tpu.wait_dma2 semaphore(%run_scoped3A_294 : memref<!tpu.dma_semaphore, #tpu.memory_space<semaphore_mem>>) src(%dma_wait3A_310 : memref<640xf32, #tpu.memory_space<vmem_shared>>) dst(%dma_wait3A_308 : memref<640xf32, #tpu.memory_space<vmem>>)
      tpu.yield
    }) : () -> ()
    %mul3A_108 = arith.constant 640 : i32
    %mul3A_109 = arith.muli %arg1, %mul3A_108 : i32
    %run_scoped3A_110 = arith.constant 11 : i32
    %run_scoped3A_111 = arith.constant 0 : i32
    "tpu.region"() ({
      %run_scoped3A_294 = tpu.sem_alloc : memref<!tpu.dma_semaphore, #tpu.memory_space<semaphore_mem>>
      %dma_start3A_295 = arith.constant 7040 : i32
      %dma_start3A_296 = tpu.memref_slice %arg9[%dma_start3A_295] : memref<10240xf32, #tpu.memory_space<vmem>> -> memref<640xf32, #tpu.memory_space<vmem>>
      %dma_start3A_297 = tpu.memref_slice %arg17[%run_scoped3A_110, %run_scoped3A_111, %mul3A_109] : memref<16x2x10240xf32, #tpu.memory_space<vmem_shared>> -> memref<1x1x640xf32, #tpu.memory_space<vmem_shared>>
      %dma_start3A_298 = tpu.memref_squeeze %dma_start3A_297 : memref<1x1x640xf32, #tpu.memory_space<vmem_shared>> -> memref<640xf32, #tpu.memory_space<vmem_shared>>
      %dma_start3A_299 = arith.constant 7040 : i32
      %dma_start3A_300 = tpu.memref_slice %arg9[%dma_start3A_299] : memref<10240xf32, #tpu.memory_space<vmem>> -> memref<640xf32, #tpu.memory_space<vmem>>
      %dma_start3A_301 = tpu.memref_slice %arg17[%run_scoped3A_110, %run_scoped3A_111, %mul3A_109] : memref<16x2x10240xf32, #tpu.memory_space<vmem_shared>> -> memref<1x1x640xf32, #tpu.memory_space<vmem_shared>>
      %dma_start3A_302 = tpu.memref_squeeze %dma_start3A_301 : memref<1x1x640xf32, #tpu.memory_space<vmem_shared>> -> memref<640xf32, #tpu.memory_space<vmem_shared>>
      tpu.enqueue_dma source(%dma_start3A_302 : memref<640xf32, #tpu.memory_space<vmem_shared>>) target(%dma_start3A_300 : memref<640xf32, #tpu.memory_space<vmem>>) target_semaphore(%run_scoped3A_294 : memref<!tpu.dma_semaphore, #tpu.memory_space<semaphore_mem>>)
      %dma_wait3A_303 = arith.constant 7040 : i32
      %dma_wait3A_304 = tpu.memref_slice %arg9[%dma_wait3A_303] : memref<10240xf32, #tpu.memory_space<vmem>> -> memref<640xf32, #tpu.memory_space<vmem>>
      %dma_wait3A_305 = tpu.memref_slice %arg17[%run_scoped3A_110, %run_scoped3A_111, %mul3A_109] : memref<16x2x10240xf32, #tpu.memory_space<vmem_shared>> -> memref<1x1x640xf32, #tpu.memory_space<vmem_shared>>
      %dma_wait3A_306 = tpu.memref_squeeze %dma_wait3A_305 : memref<1x1x640xf32, #tpu.memory_space<vmem_shared>> -> memref<640xf32, #tpu.memory_space<vmem_shared>>
      %dma_wait3A_307 = arith.constant 7040 : i32
      %dma_wait3A_308 = tpu.memref_slice %arg9[%dma_wait3A_307] : memref<10240xf32, #tpu.memory_space<vmem>> -> memref<640xf32, #tpu.memory_space<vmem>>
      %dma_wait3A_309 = tpu.memref_slice %arg17[%run_scoped3A_110, %run_scoped3A_111, %mul3A_109] : memref<16x2x10240xf32, #tpu.memory_space<vmem_shared>> -> memref<1x1x640xf32, #tpu.memory_space<vmem_shared>>
      %dma_wait3A_310 = tpu.memref_squeeze %dma_wait3A_309 : memref<1x1x640xf32, #tpu.memory_space<vmem_shared>> -> memref<640xf32, #tpu.memory_space<vmem_shared>>
      tpu.wait_dma2 semaphore(%run_scoped3A_294 : memref<!tpu.dma_semaphore, #tpu.memory_space<semaphore_mem>>) src(%dma_wait3A_310 : memref<640xf32, #tpu.memory_space<vmem_shared>>) dst(%dma_wait3A_308 : memref<640xf32, #tpu.memory_space<vmem>>)
      tpu.yield
    }) : () -> ()
    %mul3A_112 = arith.constant 640 : i32
    %mul3A_113 = arith.muli %arg1, %mul3A_112 : i32
    %run_scoped3A_114 = arith.constant 11 : i32
    %run_scoped3A_115 = arith.constant 1 : i32
    "tpu.region"() ({
      %run_scoped3A_294 = tpu.sem_alloc : memref<!tpu.dma_semaphore, #tpu.memory_space<semaphore_mem>>
      %dma_start3A_295 = arith.constant 7040 : i32
      %dma_start3A_296 = tpu.memref_slice %arg11[%dma_start3A_295] : memref<10240xf32, #tpu.memory_space<vmem>> -> memref<640xf32, #tpu.memory_space<vmem>>
      %dma_start3A_297 = tpu.memref_slice %arg17[%run_scoped3A_114, %run_scoped3A_115, %mul3A_113] : memref<16x2x10240xf32, #tpu.memory_space<vmem_shared>> -> memref<1x1x640xf32, #tpu.memory_space<vmem_shared>>
      %dma_start3A_298 = tpu.memref_squeeze %dma_start3A_297 : memref<1x1x640xf32, #tpu.memory_space<vmem_shared>> -> memref<640xf32, #tpu.memory_space<vmem_shared>>
      %dma_start3A_299 = arith.constant 7040 : i32
      %dma_start3A_300 = tpu.memref_slice %arg11[%dma_start3A_299] : memref<10240xf32, #tpu.memory_space<vmem>> -> memref<640xf32, #tpu.memory_space<vmem>>
      %dma_start3A_301 = tpu.memref_slice %arg17[%run_scoped3A_114, %run_scoped3A_115, %mul3A_113] : memref<16x2x10240xf32, #tpu.memory_space<vmem_shared>> -> memref<1x1x640xf32, #tpu.memory_space<vmem_shared>>
      %dma_start3A_302 = tpu.memref_squeeze %dma_start3A_301 : memref<1x1x640xf32, #tpu.memory_space<vmem_shared>> -> memref<640xf32, #tpu.memory_space<vmem_shared>>
      tpu.enqueue_dma source(%dma_start3A_302 : memref<640xf32, #tpu.memory_space<vmem_shared>>) target(%dma_start3A_300 : memref<640xf32, #tpu.memory_space<vmem>>) target_semaphore(%run_scoped3A_294 : memref<!tpu.dma_semaphore, #tpu.memory_space<semaphore_mem>>)
      %dma_wait3A_303 = arith.constant 7040 : i32
      %dma_wait3A_304 = tpu.memref_slice %arg11[%dma_wait3A_303] : memref<10240xf32, #tpu.memory_space<vmem>> -> memref<640xf32, #tpu.memory_space<vmem>>
      %dma_wait3A_305 = tpu.memref_slice %arg17[%run_scoped3A_114, %run_scoped3A_115, %mul3A_113] : memref<16x2x10240xf32, #tpu.memory_space<vmem_shared>> -> memref<1x1x640xf32, #tpu.memory_space<vmem_shared>>
      %dma_wait3A_306 = tpu.memref_squeeze %dma_wait3A_305 : memref<1x1x640xf32, #tpu.memory_space<vmem_shared>> -> memref<640xf32, #tpu.memory_space<vmem_shared>>
      %dma_wait3A_307 = arith.constant 7040 : i32
      %dma_wait3A_308 = tpu.memref_slice %arg11[%dma_wait3A_307] : memref<10240xf32, #tpu.memory_space<vmem>> -> memref<640xf32, #tpu.memory_space<vmem>>
      %dma_wait3A_309 = tpu.memref_slice %arg17[%run_scoped3A_114, %run_scoped3A_115, %mul3A_113] : memref<16x2x10240xf32, #tpu.memory_space<vmem_shared>> -> memref<1x1x640xf32, #tpu.memory_space<vmem_shared>>
      %dma_wait3A_310 = tpu.memref_squeeze %dma_wait3A_309 : memref<1x1x640xf32, #tpu.memory_space<vmem_shared>> -> memref<640xf32, #tpu.memory_space<vmem_shared>>
      tpu.wait_dma2 semaphore(%run_scoped3A_294 : memref<!tpu.dma_semaphore, #tpu.memory_space<semaphore_mem>>) src(%dma_wait3A_310 : memref<640xf32, #tpu.memory_space<vmem_shared>>) dst(%dma_wait3A_308 : memref<640xf32, #tpu.memory_space<vmem>>)
      tpu.yield
    }) : () -> ()
    %mul3A_116 = arith.constant 640 : i32
    %mul3A_117 = arith.muli %arg1, %mul3A_116 : i32
    %run_scoped3A_118 = arith.constant 12 : i32
    %run_scoped3A_119 = arith.constant 0 : i32
    "tpu.region"() ({
      %run_scoped3A_294 = tpu.sem_alloc : memref<!tpu.dma_semaphore, #tpu.memory_space<semaphore_mem>>
      %dma_start3A_295 = arith.constant 7680 : i32
      %dma_start3A_296 = tpu.memref_slice %arg9[%dma_start3A_295] : memref<10240xf32, #tpu.memory_space<vmem>> -> memref<640xf32, #tpu.memory_space<vmem>>
      %dma_start3A_297 = tpu.memref_slice %arg17[%run_scoped3A_118, %run_scoped3A_119, %mul3A_117] : memref<16x2x10240xf32, #tpu.memory_space<vmem_shared>> -> memref<1x1x640xf32, #tpu.memory_space<vmem_shared>>
      %dma_start3A_298 = tpu.memref_squeeze %dma_start3A_297 : memref<1x1x640xf32, #tpu.memory_space<vmem_shared>> -> memref<640xf32, #tpu.memory_space<vmem_shared>>
      %dma_start3A_299 = arith.constant 7680 : i32
      %dma_start3A_300 = tpu.memref_slice %arg9[%dma_start3A_299] : memref<10240xf32, #tpu.memory_space<vmem>> -> memref<640xf32, #tpu.memory_space<vmem>>
      %dma_start3A_301 = tpu.memref_slice %arg17[%run_scoped3A_118, %run_scoped3A_119, %mul3A_117] : memref<16x2x10240xf32, #tpu.memory_space<vmem_shared>> -> memref<1x1x640xf32, #tpu.memory_space<vmem_shared>>
      %dma_start3A_302 = tpu.memref_squeeze %dma_start3A_301 : memref<1x1x640xf32, #tpu.memory_space<vmem_shared>> -> memref<640xf32, #tpu.memory_space<vmem_shared>>
      tpu.enqueue_dma source(%dma_start3A_302 : memref<640xf32, #tpu.memory_space<vmem_shared>>) target(%dma_start3A_300 : memref<640xf32, #tpu.memory_space<vmem>>) target_semaphore(%run_scoped3A_294 : memref<!tpu.dma_semaphore, #tpu.memory_space<semaphore_mem>>)
      %dma_wait3A_303 = arith.constant 7680 : i32
      %dma_wait3A_304 = tpu.memref_slice %arg9[%dma_wait3A_303] : memref<10240xf32, #tpu.memory_space<vmem>> -> memref<640xf32, #tpu.memory_space<vmem>>
      %dma_wait3A_305 = tpu.memref_slice %arg17[%run_scoped3A_118, %run_scoped3A_119, %mul3A_117] : memref<16x2x10240xf32, #tpu.memory_space<vmem_shared>> -> memref<1x1x640xf32, #tpu.memory_space<vmem_shared>>
      %dma_wait3A_306 = tpu.memref_squeeze %dma_wait3A_305 : memref<1x1x640xf32, #tpu.memory_space<vmem_shared>> -> memref<640xf32, #tpu.memory_space<vmem_shared>>
      %dma_wait3A_307 = arith.constant 7680 : i32
      %dma_wait3A_308 = tpu.memref_slice %arg9[%dma_wait3A_307] : memref<10240xf32, #tpu.memory_space<vmem>> -> memref<640xf32, #tpu.memory_space<vmem>>
      %dma_wait3A_309 = tpu.memref_slice %arg17[%run_scoped3A_118, %run_scoped3A_119, %mul3A_117] : memref<16x2x10240xf32, #tpu.memory_space<vmem_shared>> -> memref<1x1x640xf32, #tpu.memory_space<vmem_shared>>
      %dma_wait3A_310 = tpu.memref_squeeze %dma_wait3A_309 : memref<1x1x640xf32, #tpu.memory_space<vmem_shared>> -> memref<640xf32, #tpu.memory_space<vmem_shared>>
      tpu.wait_dma2 semaphore(%run_scoped3A_294 : memref<!tpu.dma_semaphore, #tpu.memory_space<semaphore_mem>>) src(%dma_wait3A_310 : memref<640xf32, #tpu.memory_space<vmem_shared>>) dst(%dma_wait3A_308 : memref<640xf32, #tpu.memory_space<vmem>>)
      tpu.yield
    }) : () -> ()
    %mul3A_120 = arith.constant 640 : i32
    %mul3A_121 = arith.muli %arg1, %mul3A_120 : i32
    %run_scoped3A_122 = arith.constant 12 : i32
    %run_scoped3A_123 = arith.constant 1 : i32
    "tpu.region"() ({
      %run_scoped3A_294 = tpu.sem_alloc : memref<!tpu.dma_semaphore, #tpu.memory_space<semaphore_mem>>
      %dma_start3A_295 = arith.constant 7680 : i32
      %dma_start3A_296 = tpu.memref_slice %arg11[%dma_start3A_295] : memref<10240xf32, #tpu.memory_space<vmem>> -> memref<640xf32, #tpu.memory_space<vmem>>
      %dma_start3A_297 = tpu.memref_slice %arg17[%run_scoped3A_122, %run_scoped3A_123, %mul3A_121] : memref<16x2x10240xf32, #tpu.memory_space<vmem_shared>> -> memref<1x1x640xf32, #tpu.memory_space<vmem_shared>>
      %dma_start3A_298 = tpu.memref_squeeze %dma_start3A_297 : memref<1x1x640xf32, #tpu.memory_space<vmem_shared>> -> memref<640xf32, #tpu.memory_space<vmem_shared>>
      %dma_start3A_299 = arith.constant 7680 : i32
      %dma_start3A_300 = tpu.memref_slice %arg11[%dma_start3A_299] : memref<10240xf32, #tpu.memory_space<vmem>> -> memref<640xf32, #tpu.memory_space<vmem>>
      %dma_start3A_301 = tpu.memref_slice %arg17[%run_scoped3A_122, %run_scoped3A_123, %mul3A_121] : memref<16x2x10240xf32, #tpu.memory_space<vmem_shared>> -> memref<1x1x640xf32, #tpu.memory_space<vmem_shared>>
      %dma_start3A_302 = tpu.memref_squeeze %dma_start3A_301 : memref<1x1x640xf32, #tpu.memory_space<vmem_shared>> -> memref<640xf32, #tpu.memory_space<vmem_shared>>
      tpu.enqueue_dma source(%dma_start3A_302 : memref<640xf32, #tpu.memory_space<vmem_shared>>) target(%dma_start3A_300 : memref<640xf32, #tpu.memory_space<vmem>>) target_semaphore(%run_scoped3A_294 : memref<!tpu.dma_semaphore, #tpu.memory_space<semaphore_mem>>)
      %dma_wait3A_303 = arith.constant 7680 : i32
      %dma_wait3A_304 = tpu.memref_slice %arg11[%dma_wait3A_303] : memref<10240xf32, #tpu.memory_space<vmem>> -> memref<640xf32, #tpu.memory_space<vmem>>
      %dma_wait3A_305 = tpu.memref_slice %arg17[%run_scoped3A_122, %run_scoped3A_123, %mul3A_121] : memref<16x2x10240xf32, #tpu.memory_space<vmem_shared>> -> memref<1x1x640xf32, #tpu.memory_space<vmem_shared>>
      %dma_wait3A_306 = tpu.memref_squeeze %dma_wait3A_305 : memref<1x1x640xf32, #tpu.memory_space<vmem_shared>> -> memref<640xf32, #tpu.memory_space<vmem_shared>>
      %dma_wait3A_307 = arith.constant 7680 : i32
      %dma_wait3A_308 = tpu.memref_slice %arg11[%dma_wait3A_307] : memref<10240xf32, #tpu.memory_space<vmem>> -> memref<640xf32, #tpu.memory_space<vmem>>
      %dma_wait3A_309 = tpu.memref_slice %arg17[%run_scoped3A_122, %run_scoped3A_123, %mul3A_121] : memref<16x2x10240xf32, #tpu.memory_space<vmem_shared>> -> memref<1x1x640xf32, #tpu.memory_space<vmem_shared>>
      %dma_wait3A_310 = tpu.memref_squeeze %dma_wait3A_309 : memref<1x1x640xf32, #tpu.memory_space<vmem_shared>> -> memref<640xf32, #tpu.memory_space<vmem_shared>>
      tpu.wait_dma2 semaphore(%run_scoped3A_294 : memref<!tpu.dma_semaphore, #tpu.memory_space<semaphore_mem>>) src(%dma_wait3A_310 : memref<640xf32, #tpu.memory_space<vmem_shared>>) dst(%dma_wait3A_308 : memref<640xf32, #tpu.memory_space<vmem>>)
      tpu.yield
    }) : () -> ()
    %mul3A_124 = arith.constant 640 : i32
    %mul3A_125 = arith.muli %arg1, %mul3A_124 : i32
    %run_scoped3A_126 = arith.constant 13 : i32
    %run_scoped3A_127 = arith.constant 0 : i32
    "tpu.region"() ({
      %run_scoped3A_294 = tpu.sem_alloc : memref<!tpu.dma_semaphore, #tpu.memory_space<semaphore_mem>>
      %dma_start3A_295 = arith.constant 8320 : i32
      %dma_start3A_296 = tpu.memref_slice %arg9[%dma_start3A_295] : memref<10240xf32, #tpu.memory_space<vmem>> -> memref<640xf32, #tpu.memory_space<vmem>>
      %dma_start3A_297 = tpu.memref_slice %arg17[%run_scoped3A_126, %run_scoped3A_127, %mul3A_125] : memref<16x2x10240xf32, #tpu.memory_space<vmem_shared>> -> memref<1x1x640xf32, #tpu.memory_space<vmem_shared>>
      %dma_start3A_298 = tpu.memref_squeeze %dma_start3A_297 : memref<1x1x640xf32, #tpu.memory_space<vmem_shared>> -> memref<640xf32, #tpu.memory_space<vmem_shared>>
      %dma_start3A_299 = arith.constant 8320 : i32
      %dma_start3A_300 = tpu.memref_slice %arg9[%dma_start3A_299] : memref<10240xf32, #tpu.memory_space<vmem>> -> memref<640xf32, #tpu.memory_space<vmem>>
      %dma_start3A_301 = tpu.memref_slice %arg17[%run_scoped3A_126, %run_scoped3A_127, %mul3A_125] : memref<16x2x10240xf32, #tpu.memory_space<vmem_shared>> -> memref<1x1x640xf32, #tpu.memory_space<vmem_shared>>
      %dma_start3A_302 = tpu.memref_squeeze %dma_start3A_301 : memref<1x1x640xf32, #tpu.memory_space<vmem_shared>> -> memref<640xf32, #tpu.memory_space<vmem_shared>>
      tpu.enqueue_dma source(%dma_start3A_302 : memref<640xf32, #tpu.memory_space<vmem_shared>>) target(%dma_start3A_300 : memref<640xf32, #tpu.memory_space<vmem>>) target_semaphore(%run_scoped3A_294 : memref<!tpu.dma_semaphore, #tpu.memory_space<semaphore_mem>>)
      %dma_wait3A_303 = arith.constant 8320 : i32
      %dma_wait3A_304 = tpu.memref_slice %arg9[%dma_wait3A_303] : memref<10240xf32, #tpu.memory_space<vmem>> -> memref<640xf32, #tpu.memory_space<vmem>>
      %dma_wait3A_305 = tpu.memref_slice %arg17[%run_scoped3A_126, %run_scoped3A_127, %mul3A_125] : memref<16x2x10240xf32, #tpu.memory_space<vmem_shared>> -> memref<1x1x640xf32, #tpu.memory_space<vmem_shared>>
      %dma_wait3A_306 = tpu.memref_squeeze %dma_wait3A_305 : memref<1x1x640xf32, #tpu.memory_space<vmem_shared>> -> memref<640xf32, #tpu.memory_space<vmem_shared>>
      %dma_wait3A_307 = arith.constant 8320 : i32
      %dma_wait3A_308 = tpu.memref_slice %arg9[%dma_wait3A_307] : memref<10240xf32, #tpu.memory_space<vmem>> -> memref<640xf32, #tpu.memory_space<vmem>>
      %dma_wait3A_309 = tpu.memref_slice %arg17[%run_scoped3A_126, %run_scoped3A_127, %mul3A_125] : memref<16x2x10240xf32, #tpu.memory_space<vmem_shared>> -> memref<1x1x640xf32, #tpu.memory_space<vmem_shared>>
      %dma_wait3A_310 = tpu.memref_squeeze %dma_wait3A_309 : memref<1x1x640xf32, #tpu.memory_space<vmem_shared>> -> memref<640xf32, #tpu.memory_space<vmem_shared>>
      tpu.wait_dma2 semaphore(%run_scoped3A_294 : memref<!tpu.dma_semaphore, #tpu.memory_space<semaphore_mem>>) src(%dma_wait3A_310 : memref<640xf32, #tpu.memory_space<vmem_shared>>) dst(%dma_wait3A_308 : memref<640xf32, #tpu.memory_space<vmem>>)
      tpu.yield
    }) : () -> ()
    %mul3A_128 = arith.constant 640 : i32
    %mul3A_129 = arith.muli %arg1, %mul3A_128 : i32
    %run_scoped3A_130 = arith.constant 13 : i32
    %run_scoped3A_131 = arith.constant 1 : i32
    "tpu.region"() ({
      %run_scoped3A_294 = tpu.sem_alloc : memref<!tpu.dma_semaphore, #tpu.memory_space<semaphore_mem>>
      %dma_start3A_295 = arith.constant 8320 : i32
      %dma_start3A_296 = tpu.memref_slice %arg11[%dma_start3A_295] : memref<10240xf32, #tpu.memory_space<vmem>> -> memref<640xf32, #tpu.memory_space<vmem>>
      %dma_start3A_297 = tpu.memref_slice %arg17[%run_scoped3A_130, %run_scoped3A_131, %mul3A_129] : memref<16x2x10240xf32, #tpu.memory_space<vmem_shared>> -> memref<1x1x640xf32, #tpu.memory_space<vmem_shared>>
      %dma_start3A_298 = tpu.memref_squeeze %dma_start3A_297 : memref<1x1x640xf32, #tpu.memory_space<vmem_shared>> -> memref<640xf32, #tpu.memory_space<vmem_shared>>
      %dma_start3A_299 = arith.constant 8320 : i32
      %dma_start3A_300 = tpu.memref_slice %arg11[%dma_start3A_299] : memref<10240xf32, #tpu.memory_space<vmem>> -> memref<640xf32, #tpu.memory_space<vmem>>
      %dma_start3A_301 = tpu.memref_slice %arg17[%run_scoped3A_130, %run_scoped3A_131, %mul3A_129] : memref<16x2x10240xf32, #tpu.memory_space<vmem_shared>> -> memref<1x1x640xf32, #tpu.memory_space<vmem_shared>>
      %dma_start3A_302 = tpu.memref_squeeze %dma_start3A_301 : memref<1x1x640xf32, #tpu.memory_space<vmem_shared>> -> memref<640xf32, #tpu.memory_space<vmem_shared>>
      tpu.enqueue_dma source(%dma_start3A_302 : memref<640xf32, #tpu.memory_space<vmem_shared>>) target(%dma_start3A_300 : memref<640xf32, #tpu.memory_space<vmem>>) target_semaphore(%run_scoped3A_294 : memref<!tpu.dma_semaphore, #tpu.memory_space<semaphore_mem>>)
      %dma_wait3A_303 = arith.constant 8320 : i32
      %dma_wait3A_304 = tpu.memref_slice %arg11[%dma_wait3A_303] : memref<10240xf32, #tpu.memory_space<vmem>> -> memref<640xf32, #tpu.memory_space<vmem>>
      %dma_wait3A_305 = tpu.memref_slice %arg17[%run_scoped3A_130, %run_scoped3A_131, %mul3A_129] : memref<16x2x10240xf32, #tpu.memory_space<vmem_shared>> -> memref<1x1x640xf32, #tpu.memory_space<vmem_shared>>
      %dma_wait3A_306 = tpu.memref_squeeze %dma_wait3A_305 : memref<1x1x640xf32, #tpu.memory_space<vmem_shared>> -> memref<640xf32, #tpu.memory_space<vmem_shared>>
      %dma_wait3A_307 = arith.constant 8320 : i32
      %dma_wait3A_308 = tpu.memref_slice %arg11[%dma_wait3A_307] : memref<10240xf32, #tpu.memory_space<vmem>> -> memref<640xf32, #tpu.memory_space<vmem>>
      %dma_wait3A_309 = tpu.memref_slice %arg17[%run_scoped3A_130, %run_scoped3A_131, %mul3A_129] : memref<16x2x10240xf32, #tpu.memory_space<vmem_shared>> -> memref<1x1x640xf32, #tpu.memory_space<vmem_shared>>
      %dma_wait3A_310 = tpu.memref_squeeze %dma_wait3A_309 : memref<1x1x640xf32, #tpu.memory_space<vmem_shared>> -> memref<640xf32, #tpu.memory_space<vmem_shared>>
      tpu.wait_dma2 semaphore(%run_scoped3A_294 : memref<!tpu.dma_semaphore, #tpu.memory_space<semaphore_mem>>) src(%dma_wait3A_310 : memref<640xf32, #tpu.memory_space<vmem_shared>>) dst(%dma_wait3A_308 : memref<640xf32, #tpu.memory_space<vmem>>)
      tpu.yield
    }) : () -> ()
    %mul3A_132 = arith.constant 640 : i32
    %mul3A_133 = arith.muli %arg1, %mul3A_132 : i32
    %run_scoped3A_134 = arith.constant 14 : i32
    %run_scoped3A_135 = arith.constant 0 : i32
    "tpu.region"() ({
      %run_scoped3A_294 = tpu.sem_alloc : memref<!tpu.dma_semaphore, #tpu.memory_space<semaphore_mem>>
      %dma_start3A_295 = arith.constant 8960 : i32
      %dma_start3A_296 = tpu.memref_slice %arg9[%dma_start3A_295] : memref<10240xf32, #tpu.memory_space<vmem>> -> memref<640xf32, #tpu.memory_space<vmem>>
      %dma_start3A_297 = tpu.memref_slice %arg17[%run_scoped3A_134, %run_scoped3A_135, %mul3A_133] : memref<16x2x10240xf32, #tpu.memory_space<vmem_shared>> -> memref<1x1x640xf32, #tpu.memory_space<vmem_shared>>
      %dma_start3A_298 = tpu.memref_squeeze %dma_start3A_297 : memref<1x1x640xf32, #tpu.memory_space<vmem_shared>> -> memref<640xf32, #tpu.memory_space<vmem_shared>>
      %dma_start3A_299 = arith.constant 8960 : i32
      %dma_start3A_300 = tpu.memref_slice %arg9[%dma_start3A_299] : memref<10240xf32, #tpu.memory_space<vmem>> -> memref<640xf32, #tpu.memory_space<vmem>>
      %dma_start3A_301 = tpu.memref_slice %arg17[%run_scoped3A_134, %run_scoped3A_135, %mul3A_133] : memref<16x2x10240xf32, #tpu.memory_space<vmem_shared>> -> memref<1x1x640xf32, #tpu.memory_space<vmem_shared>>
      %dma_start3A_302 = tpu.memref_squeeze %dma_start3A_301 : memref<1x1x640xf32, #tpu.memory_space<vmem_shared>> -> memref<640xf32, #tpu.memory_space<vmem_shared>>
      tpu.enqueue_dma source(%dma_start3A_302 : memref<640xf32, #tpu.memory_space<vmem_shared>>) target(%dma_start3A_300 : memref<640xf32, #tpu.memory_space<vmem>>) target_semaphore(%run_scoped3A_294 : memref<!tpu.dma_semaphore, #tpu.memory_space<semaphore_mem>>)
      %dma_wait3A_303 = arith.constant 8960 : i32
      %dma_wait3A_304 = tpu.memref_slice %arg9[%dma_wait3A_303] : memref<10240xf32, #tpu.memory_space<vmem>> -> memref<640xf32, #tpu.memory_space<vmem>>
      %dma_wait3A_305 = tpu.memref_slice %arg17[%run_scoped3A_134, %run_scoped3A_135, %mul3A_133] : memref<16x2x10240xf32, #tpu.memory_space<vmem_shared>> -> memref<1x1x640xf32, #tpu.memory_space<vmem_shared>>
      %dma_wait3A_306 = tpu.memref_squeeze %dma_wait3A_305 : memref<1x1x640xf32, #tpu.memory_space<vmem_shared>> -> memref<640xf32, #tpu.memory_space<vmem_shared>>
      %dma_wait3A_307 = arith.constant 8960 : i32
      %dma_wait3A_308 = tpu.memref_slice %arg9[%dma_wait3A_307] : memref<10240xf32, #tpu.memory_space<vmem>> -> memref<640xf32, #tpu.memory_space<vmem>>
      %dma_wait3A_309 = tpu.memref_slice %arg17[%run_scoped3A_134, %run_scoped3A_135, %mul3A_133] : memref<16x2x10240xf32, #tpu.memory_space<vmem_shared>> -> memref<1x1x640xf32, #tpu.memory_space<vmem_shared>>
      %dma_wait3A_310 = tpu.memref_squeeze %dma_wait3A_309 : memref<1x1x640xf32, #tpu.memory_space<vmem_shared>> -> memref<640xf32, #tpu.memory_space<vmem_shared>>
      tpu.wait_dma2 semaphore(%run_scoped3A_294 : memref<!tpu.dma_semaphore, #tpu.memory_space<semaphore_mem>>) src(%dma_wait3A_310 : memref<640xf32, #tpu.memory_space<vmem_shared>>) dst(%dma_wait3A_308 : memref<640xf32, #tpu.memory_space<vmem>>)
      tpu.yield
    }) : () -> ()
    %mul3A_136 = arith.constant 640 : i32
    %mul3A_137 = arith.muli %arg1, %mul3A_136 : i32
    %run_scoped3A_138 = arith.constant 14 : i32
    %run_scoped3A_139 = arith.constant 1 : i32
    "tpu.region"() ({
      %run_scoped3A_294 = tpu.sem_alloc : memref<!tpu.dma_semaphore, #tpu.memory_space<semaphore_mem>>
      %dma_start3A_295 = arith.constant 8960 : i32
      %dma_start3A_296 = tpu.memref_slice %arg11[%dma_start3A_295] : memref<10240xf32, #tpu.memory_space<vmem>> -> memref<640xf32, #tpu.memory_space<vmem>>
      %dma_start3A_297 = tpu.memref_slice %arg17[%run_scoped3A_138, %run_scoped3A_139, %mul3A_137] : memref<16x2x10240xf32, #tpu.memory_space<vmem_shared>> -> memref<1x1x640xf32, #tpu.memory_space<vmem_shared>>
      %dma_start3A_298 = tpu.memref_squeeze %dma_start3A_297 : memref<1x1x640xf32, #tpu.memory_space<vmem_shared>> -> memref<640xf32, #tpu.memory_space<vmem_shared>>
      %dma_start3A_299 = arith.constant 8960 : i32
      %dma_start3A_300 = tpu.memref_slice %arg11[%dma_start3A_299] : memref<10240xf32, #tpu.memory_space<vmem>> -> memref<640xf32, #tpu.memory_space<vmem>>
      %dma_start3A_301 = tpu.memref_slice %arg17[%run_scoped3A_138, %run_scoped3A_139, %mul3A_137] : memref<16x2x10240xf32, #tpu.memory_space<vmem_shared>> -> memref<1x1x640xf32, #tpu.memory_space<vmem_shared>>
      %dma_start3A_302 = tpu.memref_squeeze %dma_start3A_301 : memref<1x1x640xf32, #tpu.memory_space<vmem_shared>> -> memref<640xf32, #tpu.memory_space<vmem_shared>>
      tpu.enqueue_dma source(%dma_start3A_302 : memref<640xf32, #tpu.memory_space<vmem_shared>>) target(%dma_start3A_300 : memref<640xf32, #tpu.memory_space<vmem>>) target_semaphore(%run_scoped3A_294 : memref<!tpu.dma_semaphore, #tpu.memory_space<semaphore_mem>>)
      %dma_wait3A_303 = arith.constant 8960 : i32
      %dma_wait3A_304 = tpu.memref_slice %arg11[%dma_wait3A_303] : memref<10240xf32, #tpu.memory_space<vmem>> -> memref<640xf32, #tpu.memory_space<vmem>>
      %dma_wait3A_305 = tpu.memref_slice %arg17[%run_scoped3A_138, %run_scoped3A_139, %mul3A_137] : memref<16x2x10240xf32, #tpu.memory_space<vmem_shared>> -> memref<1x1x640xf32, #tpu.memory_space<vmem_shared>>
      %dma_wait3A_306 = tpu.memref_squeeze %dma_wait3A_305 : memref<1x1x640xf32, #tpu.memory_space<vmem_shared>> -> memref<640xf32, #tpu.memory_space<vmem_shared>>
      %dma_wait3A_307 = arith.constant 8960 : i32
      %dma_wait3A_308 = tpu.memref_slice %arg11[%dma_wait3A_307] : memref<10240xf32, #tpu.memory_space<vmem>> -> memref<640xf32, #tpu.memory_space<vmem>>
      %dma_wait3A_309 = tpu.memref_slice %arg17[%run_scoped3A_138, %run_scoped3A_139, %mul3A_137] : memref<16x2x10240xf32, #tpu.memory_space<vmem_shared>> -> memref<1x1x640xf32, #tpu.memory_space<vmem_shared>>
      %dma_wait3A_310 = tpu.memref_squeeze %dma_wait3A_309 : memref<1x1x640xf32, #tpu.memory_space<vmem_shared>> -> memref<640xf32, #tpu.memory_space<vmem_shared>>
      tpu.wait_dma2 semaphore(%run_scoped3A_294 : memref<!tpu.dma_semaphore, #tpu.memory_space<semaphore_mem>>) src(%dma_wait3A_310 : memref<640xf32, #tpu.memory_space<vmem_shared>>) dst(%dma_wait3A_308 : memref<640xf32, #tpu.memory_space<vmem>>)
      tpu.yield
    }) : () -> ()
    %mul3A_140 = arith.constant 640 : i32
    %mul3A_141 = arith.muli %arg1, %mul3A_140 : i32
    %run_scoped3A_142 = arith.constant 15 : i32
    %run_scoped3A_143 = arith.constant 0 : i32
    "tpu.region"() ({
      %run_scoped3A_294 = tpu.sem_alloc : memref<!tpu.dma_semaphore, #tpu.memory_space<semaphore_mem>>
      %dma_start3A_295 = arith.constant 9600 : i32
      %dma_start3A_296 = tpu.memref_slice %arg9[%dma_start3A_295] : memref<10240xf32, #tpu.memory_space<vmem>> -> memref<640xf32, #tpu.memory_space<vmem>>
      %dma_start3A_297 = tpu.memref_slice %arg17[%run_scoped3A_142, %run_scoped3A_143, %mul3A_141] : memref<16x2x10240xf32, #tpu.memory_space<vmem_shared>> -> memref<1x1x640xf32, #tpu.memory_space<vmem_shared>>
      %dma_start3A_298 = tpu.memref_squeeze %dma_start3A_297 : memref<1x1x640xf32, #tpu.memory_space<vmem_shared>> -> memref<640xf32, #tpu.memory_space<vmem_shared>>
      %dma_start3A_299 = arith.constant 9600 : i32
      %dma_start3A_300 = tpu.memref_slice %arg9[%dma_start3A_299] : memref<10240xf32, #tpu.memory_space<vmem>> -> memref<640xf32, #tpu.memory_space<vmem>>
      %dma_start3A_301 = tpu.memref_slice %arg17[%run_scoped3A_142, %run_scoped3A_143, %mul3A_141] : memref<16x2x10240xf32, #tpu.memory_space<vmem_shared>> -> memref<1x1x640xf32, #tpu.memory_space<vmem_shared>>
      %dma_start3A_302 = tpu.memref_squeeze %dma_start3A_301 : memref<1x1x640xf32, #tpu.memory_space<vmem_shared>> -> memref<640xf32, #tpu.memory_space<vmem_shared>>
      tpu.enqueue_dma source(%dma_start3A_302 : memref<640xf32, #tpu.memory_space<vmem_shared>>) target(%dma_start3A_300 : memref<640xf32, #tpu.memory_space<vmem>>) target_semaphore(%run_scoped3A_294 : memref<!tpu.dma_semaphore, #tpu.memory_space<semaphore_mem>>)
      %dma_wait3A_303 = arith.constant 9600 : i32
      %dma_wait3A_304 = tpu.memref_slice %arg9[%dma_wait3A_303] : memref<10240xf32, #tpu.memory_space<vmem>> -> memref<640xf32, #tpu.memory_space<vmem>>
      %dma_wait3A_305 = tpu.memref_slice %arg17[%run_scoped3A_142, %run_scoped3A_143, %mul3A_141] : memref<16x2x10240xf32, #tpu.memory_space<vmem_shared>> -> memref<1x1x640xf32, #tpu.memory_space<vmem_shared>>
      %dma_wait3A_306 = tpu.memref_squeeze %dma_wait3A_305 : memref<1x1x640xf32, #tpu.memory_space<vmem_shared>> -> memref<640xf32, #tpu.memory_space<vmem_shared>>
      %dma_wait3A_307 = arith.constant 9600 : i32
      %dma_wait3A_308 = tpu.memref_slice %arg9[%dma_wait3A_307] : memref<10240xf32, #tpu.memory_space<vmem>> -> memref<640xf32, #tpu.memory_space<vmem>>
      %dma_wait3A_309 = tpu.memref_slice %arg17[%run_scoped3A_142, %run_scoped3A_143, %mul3A_141] : memref<16x2x10240xf32, #tpu.memory_space<vmem_shared>> -> memref<1x1x640xf32, #tpu.memory_space<vmem_shared>>
      %dma_wait3A_310 = tpu.memref_squeeze %dma_wait3A_309 : memref<1x1x640xf32, #tpu.memory_space<vmem_shared>> -> memref<640xf32, #tpu.memory_space<vmem_shared>>
      tpu.wait_dma2 semaphore(%run_scoped3A_294 : memref<!tpu.dma_semaphore, #tpu.memory_space<semaphore_mem>>) src(%dma_wait3A_310 : memref<640xf32, #tpu.memory_space<vmem_shared>>) dst(%dma_wait3A_308 : memref<640xf32, #tpu.memory_space<vmem>>)
      tpu.yield
    }) : () -> ()
    %mul3A_144 = arith.constant 640 : i32
    %mul3A_145 = arith.muli %arg1, %mul3A_144 : i32
    %run_scoped3A_146 = arith.constant 15 : i32
    %run_scoped3A_147 = arith.constant 1 : i32
    "tpu.region"() ({
      %run_scoped3A_294 = tpu.sem_alloc : memref<!tpu.dma_semaphore, #tpu.memory_space<semaphore_mem>>
      %dma_start3A_295 = arith.constant 9600 : i32
      %dma_start3A_296 = tpu.memref_slice %arg11[%dma_start3A_295] : memref<10240xf32, #tpu.memory_space<vmem>> -> memref<640xf32, #tpu.memory_space<vmem>>
      %dma_start3A_297 = tpu.memref_slice %arg17[%run_scoped3A_146, %run_scoped3A_147, %mul3A_145] : memref<16x2x10240xf32, #tpu.memory_space<vmem_shared>> -> memref<1x1x640xf32, #tpu.memory_space<vmem_shared>>
      %dma_start3A_298 = tpu.memref_squeeze %dma_start3A_297 : memref<1x1x640xf32, #tpu.memory_space<vmem_shared>> -> memref<640xf32, #tpu.memory_space<vmem_shared>>
      %dma_start3A_299 = arith.constant 9600 : i32
      %dma_start3A_300 = tpu.memref_slice %arg11[%dma_start3A_299] : memref<10240xf32, #tpu.memory_space<vmem>> -> memref<640xf32, #tpu.memory_space<vmem>>
      %dma_start3A_301 = tpu.memref_slice %arg17[%run_scoped3A_146, %run_scoped3A_147, %mul3A_145] : memref<16x2x10240xf32, #tpu.memory_space<vmem_shared>> -> memref<1x1x640xf32, #tpu.memory_space<vmem_shared>>
      %dma_start3A_302 = tpu.memref_squeeze %dma_start3A_301 : memref<1x1x640xf32, #tpu.memory_space<vmem_shared>> -> memref<640xf32, #tpu.memory_space<vmem_shared>>
      tpu.enqueue_dma source(%dma_start3A_302 : memref<640xf32, #tpu.memory_space<vmem_shared>>) target(%dma_start3A_300 : memref<640xf32, #tpu.memory_space<vmem>>) target_semaphore(%run_scoped3A_294 : memref<!tpu.dma_semaphore, #tpu.memory_space<semaphore_mem>>)
      %dma_wait3A_303 = arith.constant 9600 : i32
      %dma_wait3A_304 = tpu.memref_slice %arg11[%dma_wait3A_303] : memref<10240xf32, #tpu.memory_space<vmem>> -> memref<640xf32, #tpu.memory_space<vmem>>
      %dma_wait3A_305 = tpu.memref_slice %arg17[%run_scoped3A_146, %run_scoped3A_147, %mul3A_145] : memref<16x2x10240xf32, #tpu.memory_space<vmem_shared>> -> memref<1x1x640xf32, #tpu.memory_space<vmem_shared>>
      %dma_wait3A_306 = tpu.memref_squeeze %dma_wait3A_305 : memref<1x1x640xf32, #tpu.memory_space<vmem_shared>> -> memref<640xf32, #tpu.memory_space<vmem_shared>>
      %dma_wait3A_307 = arith.constant 9600 : i32
      %dma_wait3A_308 = tpu.memref_slice %arg11[%dma_wait3A_307] : memref<10240xf32, #tpu.memory_space<vmem>> -> memref<640xf32, #tpu.memory_space<vmem>>
      %dma_wait3A_309 = tpu.memref_slice %arg17[%run_scoped3A_146, %run_scoped3A_147, %mul3A_145] : memref<16x2x10240xf32, #tpu.memory_space<vmem_shared>> -> memref<1x1x640xf32, #tpu.memory_space<vmem_shared>>
      %dma_wait3A_310 = tpu.memref_squeeze %dma_wait3A_309 : memref<1x1x640xf32, #tpu.memory_space<vmem_shared>> -> memref<640xf32, #tpu.memory_space<vmem_shared>>
      tpu.wait_dma2 semaphore(%run_scoped3A_294 : memref<!tpu.dma_semaphore, #tpu.memory_space<semaphore_mem>>) src(%dma_wait3A_310 : memref<640xf32, #tpu.memory_space<vmem_shared>>) dst(%dma_wait3A_308 : memref<640xf32, #tpu.memory_space<vmem>>)
      tpu.yield
    }) : () -> ()
    %parallel_loop3A_148 = arith.constant 0 : i32
    %parallel_loop3A_149 = arith.constant 40 : i32
    %parallel_loop3A_150 = arith.constant 1 : i32
    scf.for %parallel_loop3A_294 = %parallel_loop3A_148 to %parallel_loop3A_149 step %parallel_loop3A_150  : i32 {
      %parallel_loop3A_295 = arith.constant 16 : i32
      %parallel_loop3A_296 = arith.muli %parallel_loop3A_294, %parallel_loop3A_295 : i32
      %parallel_loop3A_297 = arith.index_cast %parallel_loop3A_296 : i32 to index
      %parallel_loop3A_298 = tpu.vector_load %arg9[%parallel_loop3A_297] {strides = array<i32>} : memref<10240xf32, #tpu.memory_space<vmem>>, vector<16xf32>,
      %parallel_loop3A_299 = arith.constant 16 : i32
      %parallel_loop3A_300 = arith.muli %parallel_loop3A_294, %parallel_loop3A_299 : i32
      %parallel_loop3A_301 = arith.index_cast %parallel_loop3A_300 : i32 to index
      %parallel_loop3A_302 = tpu.vector_load %arg11[%parallel_loop3A_301] {strides = array<i32>} : memref<10240xf32, #tpu.memory_space<vmem>>, vector<16xf32>,
      %parallel_loop3A_303 = arith.constant 16 : i32
      %parallel_loop3A_304 = arith.muli %parallel_loop3A_294, %parallel_loop3A_303 : i32
      %parallel_loop3A_305 = arith.constant 640 : i32
      %parallel_loop3A_306 = arith.addi %parallel_loop3A_305, %parallel_loop3A_304 : i32
      %parallel_loop3A_307 = arith.index_cast %parallel_loop3A_306 : i32 to index
      %parallel_loop3A_308 = tpu.vector_load %arg9[%parallel_loop3A_307] {strides = array<i32>} : memref<10240xf32, #tpu.memory_space<vmem>>, vector<16xf32>,
      %parallel_loop3A_309 = arith.addf %parallel_loop3A_298, %parallel_loop3A_308 : vector<16xf32>
      %parallel_loop3A_310 = arith.constant 16 : i32
      %parallel_loop3A_311 = arith.muli %parallel_loop3A_294, %parallel_loop3A_310 : i32
      %parallel_loop3A_312 = arith.constant 640 : i32
      %parallel_loop3A_313 = arith.addi %parallel_loop3A_312, %parallel_loop3A_311 : i32
      %parallel_loop3A_314 = arith.index_cast %parallel_loop3A_313 : i32 to index
      %parallel_loop3A_315 = tpu.vector_load %arg11[%parallel_loop3A_314] {strides = array<i32>} : memref<10240xf32, #tpu.memory_space<vmem>>, vector<16xf32>,
      %parallel_loop3A_316 = arith.addf %parallel_loop3A_302, %parallel_loop3A_315 : vector<16xf32>
      %parallel_loop3A_317 = arith.constant 16 : i32
      %parallel_loop3A_318 = arith.muli %parallel_loop3A_294, %parallel_loop3A_317 : i32
      %parallel_loop3A_319 = arith.constant 1280 : i32
      %parallel_loop3A_320 = arith.addi %parallel_loop3A_319, %parallel_loop3A_318 : i32
      %parallel_loop3A_321 = arith.index_cast %parallel_loop3A_320 : i32 to index
      %parallel_loop3A_322 = tpu.vector_load %arg9[%parallel_loop3A_321] {strides = array<i32>} : memref<10240xf32, #tpu.memory_space<vmem>>, vector<16xf32>,
      %parallel_loop3A_323 = arith.addf %parallel_loop3A_309, %parallel_loop3A_322 : vector<16xf32>
      %parallel_loop3A_324 = arith.constant 16 : i32
      %parallel_loop3A_325 = arith.muli %parallel_loop3A_294, %parallel_loop3A_324 : i32
      %parallel_loop3A_326 = arith.constant 1280 : i32
      %parallel_loop3A_327 = arith.addi %parallel_loop3A_326, %parallel_loop3A_325 : i32
      %parallel_loop3A_328 = arith.index_cast %parallel_loop3A_327 : i32 to index
      %parallel_loop3A_329 = tpu.vector_load %arg11[%parallel_loop3A_328] {strides = array<i32>} : memref<10240xf32, #tpu.memory_space<vmem>>, vector<16xf32>,
      %parallel_loop3A_330 = arith.addf %parallel_loop3A_316, %parallel_loop3A_329 : vector<16xf32>
      %parallel_loop3A_331 = arith.constant 16 : i32
      %parallel_loop3A_332 = arith.muli %parallel_loop3A_294, %parallel_loop3A_331 : i32
      %parallel_loop3A_333 = arith.constant 1920 : i32
      %parallel_loop3A_334 = arith.addi %parallel_loop3A_333, %parallel_loop3A_332 : i32
      %parallel_loop3A_335 = arith.index_cast %parallel_loop3A_334 : i32 to index
      %parallel_loop3A_336 = tpu.vector_load %arg9[%parallel_loop3A_335] {strides = array<i32>} : memref<10240xf32, #tpu.memory_space<vmem>>, vector<16xf32>,
      %parallel_loop3A_337 = arith.addf %parallel_loop3A_323, %parallel_loop3A_336 : vector<16xf32>
      %parallel_loop3A_338 = arith.constant 16 : i32
      %parallel_loop3A_339 = arith.muli %parallel_loop3A_294, %parallel_loop3A_338 : i32
      %parallel_loop3A_340 = arith.constant 1920 : i32
      %parallel_loop3A_341 = arith.addi %parallel_loop3A_340, %parallel_loop3A_339 : i32
      %parallel_loop3A_342 = arith.index_cast %parallel_loop3A_341 : i32 to index
      %parallel_loop3A_343 = tpu.vector_load %arg11[%parallel_loop3A_342] {strides = array<i32>} : memref<10240xf32, #tpu.memory_space<vmem>>, vector<16xf32>,
      %parallel_loop3A_344 = arith.addf %parallel_loop3A_330, %parallel_loop3A_343 : vector<16xf32>
      %parallel_loop3A_345 = arith.constant 16 : i32
      %parallel_loop3A_346 = arith.muli %parallel_loop3A_294, %parallel_loop3A_345 : i32
      %parallel_loop3A_347 = arith.constant 2560 : i32
      %parallel_loop3A_348 = arith.addi %parallel_loop3A_347, %parallel_loop3A_346 : i32
      %parallel_loop3A_349 = arith.index_cast %parallel_loop3A_348 : i32 to index
      %parallel_loop3A_350 = tpu.vector_load %arg9[%parallel_loop3A_349] {strides = array<i32>} : memref<10240xf32, #tpu.memory_space<vmem>>, vector<16xf32>,
      %parallel_loop3A_351 = arith.addf %parallel_loop3A_337, %parallel_loop3A_350 : vector<16xf32>
      %parallel_loop3A_352 = arith.constant 16 : i32
      %parallel_loop3A_353 = arith.muli %parallel_loop3A_294, %parallel_loop3A_352 : i32
      %parallel_loop3A_354 = arith.constant 2560 : i32
      %parallel_loop3A_355 = arith.addi %parallel_loop3A_354, %parallel_loop3A_353 : i32
      %parallel_loop3A_356 = arith.index_cast %parallel_loop3A_355 : i32 to index
      %parallel_loop3A_357 = tpu.vector_load %arg11[%parallel_loop3A_356] {strides = array<i32>} : memref<10240xf32, #tpu.memory_space<vmem>>, vector<16xf32>,
      %parallel_loop3A_358 = arith.addf %parallel_loop3A_344, %parallel_loop3A_357 : vector<16xf32>
      %parallel_loop3A_359 = arith.constant 16 : i32
      %parallel_loop3A_360 = arith.muli %parallel_loop3A_294, %parallel_loop3A_359 : i32
      %parallel_loop3A_361 = arith.constant 3200 : i32
      %parallel_loop3A_362 = arith.addi %parallel_loop3A_361, %parallel_loop3A_360 : i32
      %parallel_loop3A_363 = arith.index_cast %parallel_loop3A_362 : i32 to index
      %parallel_loop3A_364 = tpu.vector_load %arg9[%parallel_loop3A_363] {strides = array<i32>} : memref<10240xf32, #tpu.memory_space<vmem>>, vector<16xf32>,
      %parallel_loop3A_365 = arith.addf %parallel_loop3A_351, %parallel_loop3A_364 : vector<16xf32>
      %parallel_loop3A_366 = arith.constant 16 : i32
      %parallel_loop3A_367 = arith.muli %parallel_loop3A_294, %parallel_loop3A_366 : i32
      %parallel_loop3A_368 = arith.constant 3200 : i32
      %parallel_loop3A_369 = arith.addi %parallel_loop3A_368, %parallel_loop3A_367 : i32
      %parallel_loop3A_370 = arith.index_cast %parallel_loop3A_369 : i32 to index
      %parallel_loop3A_371 = tpu.vector_load %arg11[%parallel_loop3A_370] {strides = array<i32>} : memref<10240xf32, #tpu.memory_space<vmem>>, vector<16xf32>,
      %parallel_loop3A_372 = arith.addf %parallel_loop3A_358, %parallel_loop3A_371 : vector<16xf32>
      %parallel_loop3A_373 = arith.constant 16 : i32
      %parallel_loop3A_374 = arith.muli %parallel_loop3A_294, %parallel_loop3A_373 : i32
      %parallel_loop3A_375 = arith.constant 3840 : i32
      %parallel_loop3A_376 = arith.addi %parallel_loop3A_375, %parallel_loop3A_374 : i32
      %parallel_loop3A_377 = arith.index_cast %parallel_loop3A_376 : i32 to index
      %parallel_loop3A_378 = tpu.vector_load %arg9[%parallel_loop3A_377] {strides = array<i32>} : memref<10240xf32, #tpu.memory_space<vmem>>, vector<16xf32>,
      %parallel_loop3A_379 = arith.addf %parallel_loop3A_365, %parallel_loop3A_378 : vector<16xf32>
      %parallel_loop3A_380 = arith.constant 16 : i32
      %parallel_loop3A_381 = arith.muli %parallel_loop3A_294, %parallel_loop3A_380 : i32
      %parallel_loop3A_382 = arith.constant 3840 : i32
      %parallel_loop3A_383 = arith.addi %parallel_loop3A_382, %parallel_loop3A_381 : i32
      %parallel_loop3A_384 = arith.index_cast %parallel_loop3A_383 : i32 to index
      %parallel_loop3A_385 = tpu.vector_load %arg11[%parallel_loop3A_384] {strides = array<i32>} : memref<10240xf32, #tpu.memory_space<vmem>>, vector<16xf32>,
      %parallel_loop3A_386 = arith.addf %parallel_loop3A_372, %parallel_loop3A_385 : vector<16xf32>
      %parallel_loop3A_387 = arith.constant 16 : i32
      %parallel_loop3A_388 = arith.muli %parallel_loop3A_294, %parallel_loop3A_387 : i32
      %parallel_loop3A_389 = arith.constant 4480 : i32
      %parallel_loop3A_390 = arith.addi %parallel_loop3A_389, %parallel_loop3A_388 : i32
      %parallel_loop3A_391 = arith.index_cast %parallel_loop3A_390 : i32 to index
      %parallel_loop3A_392 = tpu.vector_load %arg9[%parallel_loop3A_391] {strides = array<i32>} : memref<10240xf32, #tpu.memory_space<vmem>>, vector<16xf32>,
      %parallel_loop3A_393 = arith.addf %parallel_loop3A_379, %parallel_loop3A_392 : vector<16xf32>
      %parallel_loop3A_394 = arith.constant 16 : i32
      %parallel_loop3A_395 = arith.muli %parallel_loop3A_294, %parallel_loop3A_394 : i32
      %parallel_loop3A_396 = arith.constant 4480 : i32
      %parallel_loop3A_397 = arith.addi %parallel_loop3A_396, %parallel_loop3A_395 : i32
      %parallel_loop3A_398 = arith.index_cast %parallel_loop3A_397 : i32 to index
      %parallel_loop3A_399 = tpu.vector_load %arg11[%parallel_loop3A_398] {strides = array<i32>} : memref<10240xf32, #tpu.memory_space<vmem>>, vector<16xf32>,
      %parallel_loop3A_400 = arith.addf %parallel_loop3A_386, %parallel_loop3A_399 : vector<16xf32>
      %parallel_loop3A_401 = arith.constant 16 : i32
      %parallel_loop3A_402 = arith.muli %parallel_loop3A_294, %parallel_loop3A_401 : i32
      %parallel_loop3A_403 = arith.constant 5120 : i32
      %parallel_loop3A_404 = arith.addi %parallel_loop3A_403, %parallel_loop3A_402 : i32
      %parallel_loop3A_405 = arith.index_cast %parallel_loop3A_404 : i32 to index
      %parallel_loop3A_406 = tpu.vector_load %arg9[%parallel_loop3A_405] {strides = array<i32>} : memref<10240xf32, #tpu.memory_space<vmem>>, vector<16xf32>,
      %parallel_loop3A_407 = arith.addf %parallel_loop3A_393, %parallel_loop3A_406 : vector<16xf32>
      %parallel_loop3A_408 = arith.constant 16 : i32
      %parallel_loop3A_409 = arith.muli %parallel_loop3A_294, %parallel_loop3A_408 : i32
      %parallel_loop3A_410 = arith.constant 5120 : i32
      %parallel_loop3A_411 = arith.addi %parallel_loop3A_410, %parallel_loop3A_409 : i32
      %parallel_loop3A_412 = arith.index_cast %parallel_loop3A_411 : i32 to index
      %parallel_loop3A_413 = tpu.vector_load %arg11[%parallel_loop3A_412] {strides = array<i32>} : memref<10240xf32, #tpu.memory_space<vmem>>, vector<16xf32>,
      %parallel_loop3A_414 = arith.addf %parallel_loop3A_400, %parallel_loop3A_413 : vector<16xf32>
      %parallel_loop3A_415 = arith.constant 16 : i32
      %parallel_loop3A_416 = arith.muli %parallel_loop3A_294, %parallel_loop3A_415 : i32
      %parallel_loop3A_417 = arith.constant 5760 : i32
      %parallel_loop3A_418 = arith.addi %parallel_loop3A_417, %parallel_loop3A_416 : i32
      %parallel_loop3A_419 = arith.index_cast %parallel_loop3A_418 : i32 to index
      %parallel_loop3A_420 = tpu.vector_load %arg9[%parallel_loop3A_419] {strides = array<i32>} : memref<10240xf32, #tpu.memory_space<vmem>>, vector<16xf32>,
      %parallel_loop3A_421 = arith.addf %parallel_loop3A_407, %parallel_loop3A_420 : vector<16xf32>
      %parallel_loop3A_422 = arith.constant 16 : i32
      %parallel_loop3A_423 = arith.muli %parallel_loop3A_294, %parallel_loop3A_422 : i32
      %parallel_loop3A_424 = arith.constant 5760 : i32
      %parallel_loop3A_425 = arith.addi %parallel_loop3A_424, %parallel_loop3A_423 : i32
      %parallel_loop3A_426 = arith.index_cast %parallel_loop3A_425 : i32 to index
      %parallel_loop3A_427 = tpu.vector_load %arg11[%parallel_loop3A_426] {strides = array<i32>} : memref<10240xf32, #tpu.memory_space<vmem>>, vector<16xf32>,
      %parallel_loop3A_428 = arith.addf %parallel_loop3A_414, %parallel_loop3A_427 : vector<16xf32>
      %parallel_loop3A_429 = arith.constant 16 : i32
      %parallel_loop3A_430 = arith.muli %parallel_loop3A_294, %parallel_loop3A_429 : i32
      %parallel_loop3A_431 = arith.constant 6400 : i32
      %parallel_loop3A_432 = arith.addi %parallel_loop3A_431, %parallel_loop3A_430 : i32
      %parallel_loop3A_433 = arith.index_cast %parallel_loop3A_432 : i32 to index
      %parallel_loop3A_434 = tpu.vector_load %arg9[%parallel_loop3A_433] {strides = array<i32>} : memref<10240xf32, #tpu.memory_space<vmem>>, vector<16xf32>,
      %parallel_loop3A_435 = arith.addf %parallel_loop3A_421, %parallel_loop3A_434 : vector<16xf32>
      %parallel_loop3A_436 = arith.constant 16 : i32
      %parallel_loop3A_437 = arith.muli %parallel_loop3A_294, %parallel_loop3A_436 : i32
      %parallel_loop3A_438 = arith.constant 6400 : i32
      %parallel_loop3A_439 = arith.addi %parallel_loop3A_438, %parallel_loop3A_437 : i32
      %parallel_loop3A_440 = arith.index_cast %parallel_loop3A_439 : i32 to index
      %parallel_loop3A_441 = tpu.vector_load %arg11[%parallel_loop3A_440] {strides = array<i32>} : memref<10240xf32, #tpu.memory_space<vmem>>, vector<16xf32>,
      %parallel_loop3A_442 = arith.addf %parallel_loop3A_428, %parallel_loop3A_441 : vector<16xf32>
      %parallel_loop3A_443 = arith.constant 16 : i32
      %parallel_loop3A_444 = arith.muli %parallel_loop3A_294, %parallel_loop3A_443 : i32
      %parallel_loop3A_445 = arith.constant 7040 : i32
      %parallel_loop3A_446 = arith.addi %parallel_loop3A_445, %parallel_loop3A_444 : i32
      %parallel_loop3A_447 = arith.index_cast %parallel_loop3A_446 : i32 to index
      %parallel_loop3A_448 = tpu.vector_load %arg9[%parallel_loop3A_447] {strides = array<i32>} : memref<10240xf32, #tpu.memory_space<vmem>>, vector<16xf32>,
      %parallel_loop3A_449 = arith.addf %parallel_loop3A_435, %parallel_loop3A_448 : vector<16xf32>
      %parallel_loop3A_450 = arith.constant 16 : i32
      %parallel_loop3A_451 = arith.muli %parallel_loop3A_294, %parallel_loop3A_450 : i32
      %parallel_loop3A_452 = arith.constant 7040 : i32
      %parallel_loop3A_453 = arith.addi %parallel_loop3A_452, %parallel_loop3A_451 : i32
      %parallel_loop3A_454 = arith.index_cast %parallel_loop3A_453 : i32 to index
      %parallel_loop3A_455 = tpu.vector_load %arg11[%parallel_loop3A_454] {strides = array<i32>} : memref<10240xf32, #tpu.memory_space<vmem>>, vector<16xf32>,
      %parallel_loop3A_456 = arith.addf %parallel_loop3A_442, %parallel_loop3A_455 : vector<16xf32>
      %parallel_loop3A_457 = arith.constant 16 : i32
      %parallel_loop3A_458 = arith.muli %parallel_loop3A_294, %parallel_loop3A_457 : i32
      %parallel_loop3A_459 = arith.constant 7680 : i32
      %parallel_loop3A_460 = arith.addi %parallel_loop3A_459, %parallel_loop3A_458 : i32
      %parallel_loop3A_461 = arith.index_cast %parallel_loop3A_460 : i32 to index
      %parallel_loop3A_462 = tpu.vector_load %arg9[%parallel_loop3A_461] {strides = array<i32>} : memref<10240xf32, #tpu.memory_space<vmem>>, vector<16xf32>,
      %parallel_loop3A_463 = arith.addf %parallel_loop3A_449, %parallel_loop3A_462 : vector<16xf32>
      %parallel_loop3A_464 = arith.constant 16 : i32
      %parallel_loop3A_465 = arith.muli %parallel_loop3A_294, %parallel_loop3A_464 : i32
      %parallel_loop3A_466 = arith.constant 7680 : i32
      %parallel_loop3A_467 = arith.addi %parallel_loop3A_466, %parallel_loop3A_465 : i32
      %parallel_loop3A_468 = arith.index_cast %parallel_loop3A_467 : i32 to index
      %parallel_loop3A_469 = tpu.vector_load %arg11[%parallel_loop3A_468] {strides = array<i32>} : memref<10240xf32, #tpu.memory_space<vmem>>, vector<16xf32>,
      %parallel_loop3A_470 = arith.addf %parallel_loop3A_456, %parallel_loop3A_469 : vector<16xf32>
      %parallel_loop3A_471 = arith.constant 16 : i32
      %parallel_loop3A_472 = arith.muli %parallel_loop3A_294, %parallel_loop3A_471 : i32
      %parallel_loop3A_473 = arith.constant 8320 : i32
      %parallel_loop3A_474 = arith.addi %parallel_loop3A_473, %parallel_loop3A_472 : i32
      %parallel_loop3A_475 = arith.index_cast %parallel_loop3A_474 : i32 to index
      %parallel_loop3A_476 = tpu.vector_load %arg9[%parallel_loop3A_475] {strides = array<i32>} : memref<10240xf32, #tpu.memory_space<vmem>>, vector<16xf32>,
      %parallel_loop3A_477 = arith.addf %parallel_loop3A_463, %parallel_loop3A_476 : vector<16xf32>
      %parallel_loop3A_478 = arith.constant 16 : i32
      %parallel_loop3A_479 = arith.muli %parallel_loop3A_294, %parallel_loop3A_478 : i32
      %parallel_loop3A_480 = arith.constant 8320 : i32
      %parallel_loop3A_481 = arith.addi %parallel_loop3A_480, %parallel_loop3A_479 : i32
      %parallel_loop3A_482 = arith.index_cast %parallel_loop3A_481 : i32 to index
      %parallel_loop3A_483 = tpu.vector_load %arg11[%parallel_loop3A_482] {strides = array<i32>} : memref<10240xf32, #tpu.memory_space<vmem>>, vector<16xf32>,
      %parallel_loop3A_484 = arith.addf %parallel_loop3A_470, %parallel_loop3A_483 : vector<16xf32>
      %parallel_loop3A_485 = arith.constant 16 : i32
      %parallel_loop3A_486 = arith.muli %parallel_loop3A_294, %parallel_loop3A_485 : i32
      %parallel_loop3A_487 = arith.constant 8960 : i32
      %parallel_loop3A_488 = arith.addi %parallel_loop3A_487, %parallel_loop3A_486 : i32
      %parallel_loop3A_489 = arith.index_cast %parallel_loop3A_488 : i32 to index
      %parallel_loop3A_490 = tpu.vector_load %arg9[%parallel_loop3A_489] {strides = array<i32>} : memref<10240xf32, #tpu.memory_space<vmem>>, vector<16xf32>,
      %parallel_loop3A_491 = arith.addf %parallel_loop3A_477, %parallel_loop3A_490 : vector<16xf32>
      %parallel_loop3A_492 = arith.constant 16 : i32
      %parallel_loop3A_493 = arith.muli %parallel_loop3A_294, %parallel_loop3A_492 : i32
      %parallel_loop3A_494 = arith.constant 8960 : i32
      %parallel_loop3A_495 = arith.addi %parallel_loop3A_494, %parallel_loop3A_493 : i32
      %parallel_loop3A_496 = arith.index_cast %parallel_loop3A_495 : i32 to index
      %parallel_loop3A_497 = tpu.vector_load %arg11[%parallel_loop3A_496] {strides = array<i32>} : memref<10240xf32, #tpu.memory_space<vmem>>, vector<16xf32>,
      %parallel_loop3A_498 = arith.addf %parallel_loop3A_484, %parallel_loop3A_497 : vector<16xf32>
      %parallel_loop3A_499 = arith.constant 16 : i32
      %parallel_loop3A_500 = arith.muli %parallel_loop3A_294, %parallel_loop3A_499 : i32
      %parallel_loop3A_501 = arith.constant 9600 : i32
      %parallel_loop3A_502 = arith.addi %parallel_loop3A_501, %parallel_loop3A_500 : i32
      %parallel_loop3A_503 = arith.index_cast %parallel_loop3A_502 : i32 to index
      %parallel_loop3A_504 = tpu.vector_load %arg9[%parallel_loop3A_503] {strides = array<i32>} : memref<10240xf32, #tpu.memory_space<vmem>>, vector<16xf32>,
      %parallel_loop3A_505 = arith.addf %parallel_loop3A_491, %parallel_loop3A_504 : vector<16xf32>
      %parallel_loop3A_506 = arith.constant 16 : i32
      %parallel_loop3A_507 = arith.muli %parallel_loop3A_294, %parallel_loop3A_506 : i32
      %parallel_loop3A_508 = arith.constant 9600 : i32
      %parallel_loop3A_509 = arith.addi %parallel_loop3A_508, %parallel_loop3A_507 : i32
      %parallel_loop3A_510 = arith.index_cast %parallel_loop3A_509 : i32 to index
      %parallel_loop3A_511 = tpu.vector_load %arg11[%parallel_loop3A_510] {strides = array<i32>} : memref<10240xf32, #tpu.memory_space<vmem>>, vector<16xf32>,
      %parallel_loop3A_512 = arith.addf %parallel_loop3A_498, %parallel_loop3A_511 : vector<16xf32>
      %parallel_loop3A_513 = arith.constant 0.000000e+00 : f32
      %parallel_loop3A_514 = vector.broadcast %parallel_loop3A_513 : f32 to vector<16xf32>
      %parallel_loop3A_515 = arith.cmpf ogt, %parallel_loop3A_505, %parallel_loop3A_514 : vector<16xf32>
      %parallel_loop3A_516 = arith.constant 1.000000e+00 : f32
      %parallel_loop3A_517 = vector.broadcast %parallel_loop3A_516 : f32 to vector<16xf32>
      %parallel_loop3A_518 = arith.divf %parallel_loop3A_517, %parallel_loop3A_505 : vector<16xf32>
      %parallel_loop3A_519 = arith.constant 0.000000e+00 : f32
      %parallel_loop3A_520 = vector.broadcast %parallel_loop3A_519 : f32 to vector<16xf32>
      %parallel_loop3A_521 = arith.select %parallel_loop3A_515, %parallel_loop3A_518, %parallel_loop3A_520 : vector<16xi1>, vector<16xf32>
      %parallel_loop3A_522 = arith.constant 0.000000e+00 : f32
      %parallel_loop3A_523 = vector.broadcast %parallel_loop3A_522 : f32 to vector<16xf32>
      %parallel_loop3A_524 = arith.cmpf ogt, %parallel_loop3A_512, %parallel_loop3A_523 : vector<16xf32>
      %parallel_loop3A_525 = arith.constant 1.000000e+00 : f32
      %parallel_loop3A_526 = vector.broadcast %parallel_loop3A_525 : f32 to vector<16xf32>
      %parallel_loop3A_527 = arith.divf %parallel_loop3A_526, %parallel_loop3A_512 : vector<16xf32>
      %parallel_loop3A_528 = arith.constant 0.000000e+00 : f32
      %parallel_loop3A_529 = vector.broadcast %parallel_loop3A_528 : f32 to vector<16xf32>
      %parallel_loop3A_530 = arith.select %parallel_loop3A_524, %parallel_loop3A_527, %parallel_loop3A_529 : vector<16xi1>, vector<16xf32>
      %parallel_loop3A_531 = arith.constant 640 : i32
      %parallel_loop3A_532 = arith.muli %arg1, %parallel_loop3A_531 : i32
      %parallel_loop3A_533 = arith.constant 16 : i32
      %parallel_loop3A_534 = arith.muli %parallel_loop3A_294, %parallel_loop3A_533 : i32
      %parallel_loop3A_535 = arith.addi %parallel_loop3A_532, %parallel_loop3A_534 : i32
      %parallel_loop3A_536 = arith.index_cast %parallel_loop3A_535 : i32 to index
      %parallel_loop3A_537 = tpu.vector_load %arg7[%parallel_loop3A_536] {strides = array<i32>} : memref<10240xf32, #tpu.memory_space<vmem>>, vector<16xf32>,
      tpu.vector_store %arg7[%parallel_loop3A_536], %parallel_loop3A_521 {strides = array<i32>} : memref<10240xf32, #tpu.memory_space<vmem>>, vector<16xf32>,
      %parallel_loop3A_538 = arith.index_cast %parallel_loop3A_535 : i32 to index
      %parallel_loop3A_539 = tpu.vector_load %arg8[%parallel_loop3A_538] {strides = array<i32>} : memref<10240xf32, #tpu.memory_space<vmem>>, vector<16xf32>,
      tpu.vector_store %arg8[%parallel_loop3A_538], %parallel_loop3A_530 {strides = array<i32>} : memref<10240xf32, #tpu.memory_space<vmem>>, vector<16xf32>,
    } {sc.loop_unroll_factor = 2 : i64, sc.parallel_access}
    %mul3A_151 = arith.constant 640 : i32
    %mul3A_152 = arith.muli %arg1, %mul3A_151 : i32
    %mul3A_153 = arith.constant 640 : i32
    %mul3A_154 = arith.muli %arg1, %mul3A_153 : i32
    %run_scoped3A_155 = arith.constant 0 : i32
    "tpu.region"() ({
      %run_scoped3A_294 = tpu.sem_alloc : memref<!tpu.dma_semaphore, #tpu.memory_space<semaphore_mem>>
      %dma_start3A_295 = tpu.memref_slice %arg7[%mul3A_152] : memref<10240xf32, #tpu.memory_space<vmem>> -> memref<640xf32, #tpu.memory_space<vmem>>
      %dma_start3A_296 = tpu.memref_slice %arg18[%run_scoped3A_155, %mul3A_154] : memref<2x10240xf32, #tpu.memory_space<vmem_shared>> -> memref<1x640xf32, #tpu.memory_space<vmem_shared>>
      %dma_start3A_297 = tpu.memref_squeeze %dma_start3A_296 : memref<1x640xf32, #tpu.memory_space<vmem_shared>> -> memref<640xf32, #tpu.memory_space<vmem_shared>>
      %dma_start3A_298 = tpu.memref_slice %arg18[%run_scoped3A_155, %mul3A_154] : memref<2x10240xf32, #tpu.memory_space<vmem_shared>> -> memref<1x640xf32, #tpu.memory_space<vmem_shared>>
      %dma_start3A_299 = tpu.memref_squeeze %dma_start3A_298 : memref<1x640xf32, #tpu.memory_space<vmem_shared>> -> memref<640xf32, #tpu.memory_space<vmem_shared>>
      %dma_start3A_300 = tpu.memref_slice %arg7[%mul3A_152] : memref<10240xf32, #tpu.memory_space<vmem>> -> memref<640xf32, #tpu.memory_space<vmem>>
      tpu.enqueue_dma source(%dma_start3A_300 : memref<640xf32, #tpu.memory_space<vmem>>) target(%dma_start3A_299 : memref<640xf32, #tpu.memory_space<vmem_shared>>) target_semaphore(%run_scoped3A_294 : memref<!tpu.dma_semaphore, #tpu.memory_space<semaphore_mem>>)
      %dma_wait3A_301 = tpu.memref_slice %arg7[%mul3A_152] : memref<10240xf32, #tpu.memory_space<vmem>> -> memref<640xf32, #tpu.memory_space<vmem>>
      %dma_wait3A_302 = tpu.memref_slice %arg18[%run_scoped3A_155, %mul3A_154] : memref<2x10240xf32, #tpu.memory_space<vmem_shared>> -> memref<1x640xf32, #tpu.memory_space<vmem_shared>>
      %dma_wait3A_303 = tpu.memref_squeeze %dma_wait3A_302 : memref<1x640xf32, #tpu.memory_space<vmem_shared>> -> memref<640xf32, #tpu.memory_space<vmem_shared>>
      %dma_wait3A_304 = tpu.memref_slice %arg18[%run_scoped3A_155, %mul3A_154] : memref<2x10240xf32, #tpu.memory_space<vmem_shared>> -> memref<1x640xf32, #tpu.memory_space<vmem_shared>>
      %dma_wait3A_305 = tpu.memref_squeeze %dma_wait3A_304 : memref<1x640xf32, #tpu.memory_space<vmem_shared>> -> memref<640xf32, #tpu.memory_space<vmem_shared>>
      %dma_wait3A_306 = tpu.memref_slice %arg7[%mul3A_152] : memref<10240xf32, #tpu.memory_space<vmem>> -> memref<640xf32, #tpu.memory_space<vmem>>
      tpu.wait_dma2 semaphore(%run_scoped3A_294 : memref<!tpu.dma_semaphore, #tpu.memory_space<semaphore_mem>>) src(%dma_wait3A_306 : memref<640xf32, #tpu.memory_space<vmem>>) dst(%dma_wait3A_305 : memref<640xf32, #tpu.memory_space<vmem_shared>>)
      tpu.yield
    }) : () -> ()
    %mul3A_156 = arith.constant 640 : i32
    %mul3A_157 = arith.muli %arg1, %mul3A_156 : i32
    %mul3A_158 = arith.constant 640 : i32
    %mul3A_159 = arith.muli %arg1, %mul3A_158 : i32
    %run_scoped3A_160 = arith.constant 1 : i32
    "tpu.region"() ({
      %run_scoped3A_294 = tpu.sem_alloc : memref<!tpu.dma_semaphore, #tpu.memory_space<semaphore_mem>>
      %dma_start3A_295 = tpu.memref_slice %arg8[%mul3A_157] : memref<10240xf32, #tpu.memory_space<vmem>> -> memref<640xf32, #tpu.memory_space<vmem>>
      %dma_start3A_296 = tpu.memref_slice %arg18[%run_scoped3A_160, %mul3A_159] : memref<2x10240xf32, #tpu.memory_space<vmem_shared>> -> memref<1x640xf32, #tpu.memory_space<vmem_shared>>
      %dma_start3A_297 = tpu.memref_squeeze %dma_start3A_296 : memref<1x640xf32, #tpu.memory_space<vmem_shared>> -> memref<640xf32, #tpu.memory_space<vmem_shared>>
      %dma_start3A_298 = tpu.memref_slice %arg18[%run_scoped3A_160, %mul3A_159] : memref<2x10240xf32, #tpu.memory_space<vmem_shared>> -> memref<1x640xf32, #tpu.memory_space<vmem_shared>>
      %dma_start3A_299 = tpu.memref_squeeze %dma_start3A_298 : memref<1x640xf32, #tpu.memory_space<vmem_shared>> -> memref<640xf32, #tpu.memory_space<vmem_shared>>
      %dma_start3A_300 = tpu.memref_slice %arg8[%mul3A_157] : memref<10240xf32, #tpu.memory_space<vmem>> -> memref<640xf32, #tpu.memory_space<vmem>>
      tpu.enqueue_dma source(%dma_start3A_300 : memref<640xf32, #tpu.memory_space<vmem>>) target(%dma_start3A_299 : memref<640xf32, #tpu.memory_space<vmem_shared>>) target_semaphore(%run_scoped3A_294 : memref<!tpu.dma_semaphore, #tpu.memory_space<semaphore_mem>>)
      %dma_wait3A_301 = tpu.memref_slice %arg8[%mul3A_157] : memref<10240xf32, #tpu.memory_space<vmem>> -> memref<640xf32, #tpu.memory_space<vmem>>
      %dma_wait3A_302 = tpu.memref_slice %arg18[%run_scoped3A_160, %mul3A_159] : memref<2x10240xf32, #tpu.memory_space<vmem_shared>> -> memref<1x640xf32, #tpu.memory_space<vmem_shared>>
      %dma_wait3A_303 = tpu.memref_squeeze %dma_wait3A_302 : memref<1x640xf32, #tpu.memory_space<vmem_shared>> -> memref<640xf32, #tpu.memory_space<vmem_shared>>
      %dma_wait3A_304 = tpu.memref_slice %arg18[%run_scoped3A_160, %mul3A_159] : memref<2x10240xf32, #tpu.memory_space<vmem_shared>> -> memref<1x640xf32, #tpu.memory_space<vmem_shared>>
      %dma_wait3A_305 = tpu.memref_squeeze %dma_wait3A_304 : memref<1x640xf32, #tpu.memory_space<vmem_shared>> -> memref<640xf32, #tpu.memory_space<vmem_shared>>
      %dma_wait3A_306 = tpu.memref_slice %arg8[%mul3A_157] : memref<10240xf32, #tpu.memory_space<vmem>> -> memref<640xf32, #tpu.memory_space<vmem>>
      tpu.wait_dma2 semaphore(%run_scoped3A_294 : memref<!tpu.dma_semaphore, #tpu.memory_space<semaphore_mem>>) src(%dma_wait3A_306 : memref<640xf32, #tpu.memory_space<vmem>>) dst(%dma_wait3A_305 : memref<640xf32, #tpu.memory_space<vmem_shared>>)
      tpu.yield
    }) : () -> ()
    %barrier3A_161 = arith.constant 0 : index
    tpu.barrier barrier_id(%barrier3A_161)
    %run_scoped3A_162 = arith.constant 0 : i32
    "tpu.region"() ({
      %run_scoped3A_294 = tpu.sem_alloc : memref<!tpu.dma_semaphore, #tpu.memory_space<semaphore_mem>>
      %dma_start3A_295 = arith.constant 0 : i32
      %dma_start3A_296 = tpu.memref_slice %arg18[%run_scoped3A_162, %dma_start3A_295] : memref<2x10240xf32, #tpu.memory_space<vmem_shared>> -> memref<1x10240xf32, #tpu.memory_space<vmem_shared>>
      %dma_start3A_297 = tpu.memref_squeeze %dma_start3A_296 : memref<1x10240xf32, #tpu.memory_space<vmem_shared>> -> memref<10240xf32, #tpu.memory_space<vmem_shared>>
      %dma_start3A_298 = arith.constant 0 : i32
      %dma_start3A_299 = tpu.memref_slice %arg18[%run_scoped3A_162, %dma_start3A_298] : memref<2x10240xf32, #tpu.memory_space<vmem_shared>> -> memref<1x10240xf32, #tpu.memory_space<vmem_shared>>
      %dma_start3A_300 = tpu.memref_squeeze %dma_start3A_299 : memref<1x10240xf32, #tpu.memory_space<vmem_shared>> -> memref<10240xf32, #tpu.memory_space<vmem_shared>>
      tpu.enqueue_dma source(%dma_start3A_300 : memref<10240xf32, #tpu.memory_space<vmem_shared>>) target(%arg7 : memref<10240xf32, #tpu.memory_space<vmem>>) target_semaphore(%run_scoped3A_294 : memref<!tpu.dma_semaphore, #tpu.memory_space<semaphore_mem>>)
      %dma_wait3A_301 = arith.constant 0 : i32
      %dma_wait3A_302 = tpu.memref_slice %arg18[%run_scoped3A_162, %dma_wait3A_301] : memref<2x10240xf32, #tpu.memory_space<vmem_shared>> -> memref<1x10240xf32, #tpu.memory_space<vmem_shared>>
      %dma_wait3A_303 = tpu.memref_squeeze %dma_wait3A_302 : memref<1x10240xf32, #tpu.memory_space<vmem_shared>> -> memref<10240xf32, #tpu.memory_space<vmem_shared>>
      %dma_wait3A_304 = arith.constant 0 : i32
      %dma_wait3A_305 = tpu.memref_slice %arg18[%run_scoped3A_162, %dma_wait3A_304] : memref<2x10240xf32, #tpu.memory_space<vmem_shared>> -> memref<1x10240xf32, #tpu.memory_space<vmem_shared>>
      %dma_wait3A_306 = tpu.memref_squeeze %dma_wait3A_305 : memref<1x10240xf32, #tpu.memory_space<vmem_shared>> -> memref<10240xf32, #tpu.memory_space<vmem_shared>>
      tpu.wait_dma2 semaphore(%run_scoped3A_294 : memref<!tpu.dma_semaphore, #tpu.memory_space<semaphore_mem>>) src(%dma_wait3A_306 : memref<10240xf32, #tpu.memory_space<vmem_shared>>) dst(%arg7 : memref<10240xf32, #tpu.memory_space<vmem>>)
      tpu.yield
    }) : () -> ()
    %run_scoped3A_163 = arith.constant 1 : i32
    "tpu.region"() ({
      %run_scoped3A_294 = tpu.sem_alloc : memref<!tpu.dma_semaphore, #tpu.memory_space<semaphore_mem>>
      %dma_start3A_295 = arith.constant 0 : i32
      %dma_start3A_296 = tpu.memref_slice %arg18[%run_scoped3A_163, %dma_start3A_295] : memref<2x10240xf32, #tpu.memory_space<vmem_shared>> -> memref<1x10240xf32, #tpu.memory_space<vmem_shared>>
      %dma_start3A_297 = tpu.memref_squeeze %dma_start3A_296 : memref<1x10240xf32, #tpu.memory_space<vmem_shared>> -> memref<10240xf32, #tpu.memory_space<vmem_shared>>
      %dma_start3A_298 = arith.constant 0 : i32
      %dma_start3A_299 = tpu.memref_slice %arg18[%run_scoped3A_163, %dma_start3A_298] : memref<2x10240xf32, #tpu.memory_space<vmem_shared>> -> memref<1x10240xf32, #tpu.memory_space<vmem_shared>>
      %dma_start3A_300 = tpu.memref_squeeze %dma_start3A_299 : memref<1x10240xf32, #tpu.memory_space<vmem_shared>> -> memref<10240xf32, #tpu.memory_space<vmem_shared>>
      tpu.enqueue_dma source(%dma_start3A_300 : memref<10240xf32, #tpu.memory_space<vmem_shared>>) target(%arg8 : memref<10240xf32, #tpu.memory_space<vmem>>) target_semaphore(%run_scoped3A_294 : memref<!tpu.dma_semaphore, #tpu.memory_space<semaphore_mem>>)
      %dma_wait3A_301 = arith.constant 0 : i32
      %dma_wait3A_302 = tpu.memref_slice %arg18[%run_scoped3A_163, %dma_wait3A_301] : memref<2x10240xf32, #tpu.memory_space<vmem_shared>> -> memref<1x10240xf32, #tpu.memory_space<vmem_shared>>
      %dma_wait3A_303 = tpu.memref_squeeze %dma_wait3A_302 : memref<1x10240xf32, #tpu.memory_space<vmem_shared>> -> memref<10240xf32, #tpu.memory_space<vmem_shared>>
      %dma_wait3A_304 = arith.constant 0 : i32
      %dma_wait3A_305 = tpu.memref_slice %arg18[%run_scoped3A_163, %dma_wait3A_304] : memref<2x10240xf32, #tpu.memory_space<vmem_shared>> -> memref<1x10240xf32, #tpu.memory_space<vmem_shared>>
      %dma_wait3A_306 = tpu.memref_squeeze %dma_wait3A_305 : memref<1x10240xf32, #tpu.memory_space<vmem_shared>> -> memref<10240xf32, #tpu.memory_space<vmem_shared>>
      tpu.wait_dma2 semaphore(%run_scoped3A_294 : memref<!tpu.dma_semaphore, #tpu.memory_space<semaphore_mem>>) src(%dma_wait3A_306 : memref<10240xf32, #tpu.memory_space<vmem_shared>>) dst(%arg8 : memref<10240xf32, #tpu.memory_space<vmem>>)
      tpu.yield
    }) : () -> ()
    %parallel_loop3A_164 = arith.constant 0 : i32
    %parallel_loop3A_165 = arith.constant 640 : i32
    %parallel_loop3A_166 = arith.constant 1 : i32
    scf.for %parallel_loop3A_294 = %parallel_loop3A_164 to %parallel_loop3A_165 step %parallel_loop3A_166  : i32 {
      %parallel_loop3A_295 = arith.constant 0.000000e+00 : f32
      %parallel_loop3A_296 = vector.broadcast %parallel_loop3A_295 : f32 to vector<16xf32>
      %parallel_loop3A_297 = arith.constant 16 : i32
      %parallel_loop3A_298 = arith.muli %parallel_loop3A_294, %parallel_loop3A_297 : i32
      %parallel_loop3A_299 = arith.index_cast %parallel_loop3A_298 : i32 to index
      %parallel_loop3A_300 = tpu.vector_load %arg9[%parallel_loop3A_299] {strides = array<i32>} : memref<10240xf32, #tpu.memory_space<vmem>>, vector<16xf32>,
      tpu.vector_store %arg9[%parallel_loop3A_299], %parallel_loop3A_296 {strides = array<i32>} : memref<10240xf32, #tpu.memory_space<vmem>>, vector<16xf32>,
      %parallel_loop3A_301 = arith.index_cast %parallel_loop3A_298 : i32 to index
      %parallel_loop3A_302 = tpu.vector_load %arg10[%parallel_loop3A_301] {strides = array<i32>} : memref<10240xf32, #tpu.memory_space<vmem>>, vector<16xf32>,
      tpu.vector_store %arg10[%parallel_loop3A_301], %parallel_loop3A_296 {strides = array<i32>} : memref<10240xf32, #tpu.memory_space<vmem>>, vector<16xf32>,
      %parallel_loop3A_303 = arith.index_cast %parallel_loop3A_298 : i32 to index
      %parallel_loop3A_304 = tpu.vector_load %arg11[%parallel_loop3A_303] {strides = array<i32>} : memref<10240xf32, #tpu.memory_space<vmem>>, vector<16xf32>,
      tpu.vector_store %arg11[%parallel_loop3A_303], %parallel_loop3A_296 {strides = array<i32>} : memref<10240xf32, #tpu.memory_space<vmem>>, vector<16xf32>,
      %parallel_loop3A_305 = arith.index_cast %parallel_loop3A_298 : i32 to index
      %parallel_loop3A_306 = tpu.vector_load %arg12[%parallel_loop3A_305] {strides = array<i32>} : memref<10240xf32, #tpu.memory_space<vmem>>, vector<16xf32>,
      tpu.vector_store %arg12[%parallel_loop3A_305], %parallel_loop3A_296 {strides = array<i32>} : memref<10240xf32, #tpu.memory_space<vmem>>, vector<16xf32>,
    } {sc.loop_unroll_factor = 4 : i64, sc.parallel_access}
    %dma_start3A = arith.constant 0 : i32
    %dma_start3A_167 = arith.constant 0 : i32
    %dma_start3A_168 = arith.constant 0 : i32
    %dma_start3A_169 = tpu.memref_slice %arg3[%dma_start3A_168] : memref<160000xi32, #tpu.memory_space<hbm>> -> memref<8000xi32, #tpu.memory_space<hbm>>
    %dma_start3A_170 = tpu.memref_slice %arg19[%dma_start3A, %dma_start3A_167] : memref<2x3x!tpu.dma_semaphore, #tpu.memory_space<semaphore_mem>> -> memref<1x1x!tpu.dma_semaphore, #tpu.memory_space<semaphore_mem>>
    %dma_start3A_171 = tpu.memref_squeeze %dma_start3A_170 : memref<1x1x!tpu.dma_semaphore, #tpu.memory_space<semaphore_mem>> -> memref<!tpu.dma_semaphore, #tpu.memory_space<semaphore_mem>>
    %dma_start3A_172 = arith.constant 0 : i32
    %dma_start3A_173 = tpu.memref_slice %arg3[%dma_start3A_172] : memref<160000xi32, #tpu.memory_space<hbm>> -> memref<8000xi32, #tpu.memory_space<hbm>>
    tpu.enqueue_dma source(%dma_start3A_173 : memref<8000xi32, #tpu.memory_space<hbm>>) target(%arg13 : memref<8000xi32, #tpu.memory_space<vmem>>) target_semaphore(%dma_start3A_171 : memref<!tpu.dma_semaphore, #tpu.memory_space<semaphore_mem>>)
    %dma_start3A_174 = arith.constant 0 : i32
    %dma_start3A_175 = arith.constant 1 : i32
    %dma_start3A_176 = arith.constant 0 : i32
    %dma_start3A_177 = tpu.memref_slice %arg4[%dma_start3A_176] : memref<160000xf32, #tpu.memory_space<hbm>> -> memref<8000xf32, #tpu.memory_space<hbm>>
    %dma_start3A_178 = tpu.memref_slice %arg19[%dma_start3A_174, %dma_start3A_175] : memref<2x3x!tpu.dma_semaphore, #tpu.memory_space<semaphore_mem>> -> memref<1x1x!tpu.dma_semaphore, #tpu.memory_space<semaphore_mem>>
    %dma_start3A_179 = tpu.memref_squeeze %dma_start3A_178 : memref<1x1x!tpu.dma_semaphore, #tpu.memory_space<semaphore_mem>> -> memref<!tpu.dma_semaphore, #tpu.memory_space<semaphore_mem>>
    %dma_start3A_180 = arith.constant 0 : i32
    %dma_start3A_181 = tpu.memref_slice %arg4[%dma_start3A_180] : memref<160000xf32, #tpu.memory_space<hbm>> -> memref<8000xf32, #tpu.memory_space<hbm>>
    tpu.enqueue_dma source(%dma_start3A_181 : memref<8000xf32, #tpu.memory_space<hbm>>) target(%arg15 : memref<8000xf32, #tpu.memory_space<vmem>>) target_semaphore(%dma_start3A_179 : memref<!tpu.dma_semaphore, #tpu.memory_space<semaphore_mem>>)
    %dma_start3A_182 = arith.constant 1 : i32
    %dma_start3A_183 = arith.constant 0 : i32
    %dma_start3A_184 = arith.constant 8000 : i32
    %dma_start3A_185 = tpu.memref_slice %arg3[%dma_start3A_184] : memref<160000xi32, #tpu.memory_space<hbm>> -> memref<8000xi32, #tpu.memory_space<hbm>>
    %dma_start3A_186 = tpu.memref_slice %arg19[%dma_start3A_182, %dma_start3A_183] : memref<2x3x!tpu.dma_semaphore, #tpu.memory_space<semaphore_mem>> -> memref<1x1x!tpu.dma_semaphore, #tpu.memory_space<semaphore_mem>>
    %dma_start3A_187 = tpu.memref_squeeze %dma_start3A_186 : memref<1x1x!tpu.dma_semaphore, #tpu.memory_space<semaphore_mem>> -> memref<!tpu.dma_semaphore, #tpu.memory_space<semaphore_mem>>
    %dma_start3A_188 = arith.constant 8000 : i32
    %dma_start3A_189 = tpu.memref_slice %arg3[%dma_start3A_188] : memref<160000xi32, #tpu.memory_space<hbm>> -> memref<8000xi32, #tpu.memory_space<hbm>>
    tpu.enqueue_dma source(%dma_start3A_189 : memref<8000xi32, #tpu.memory_space<hbm>>) target(%arg14 : memref<8000xi32, #tpu.memory_space<vmem>>) target_semaphore(%dma_start3A_187 : memref<!tpu.dma_semaphore, #tpu.memory_space<semaphore_mem>>)
    %dma_start3A_190 = arith.constant 1 : i32
    %dma_start3A_191 = arith.constant 1 : i32
    %dma_start3A_192 = arith.constant 8000 : i32
    %dma_start3A_193 = tpu.memref_slice %arg4[%dma_start3A_192] : memref<160000xf32, #tpu.memory_space<hbm>> -> memref<8000xf32, #tpu.memory_space<hbm>>
    %dma_start3A_194 = tpu.memref_slice %arg19[%dma_start3A_190, %dma_start3A_191] : memref<2x3x!tpu.dma_semaphore, #tpu.memory_space<semaphore_mem>> -> memref<1x1x!tpu.dma_semaphore, #tpu.memory_space<semaphore_mem>>
    %dma_start3A_195 = tpu.memref_squeeze %dma_start3A_194 : memref<1x1x!tpu.dma_semaphore, #tpu.memory_space<semaphore_mem>> -> memref<!tpu.dma_semaphore, #tpu.memory_space<semaphore_mem>>
    %dma_start3A_196 = arith.constant 8000 : i32
    %dma_start3A_197 = tpu.memref_slice %arg4[%dma_start3A_196] : memref<160000xf32, #tpu.memory_space<hbm>> -> memref<8000xf32, #tpu.memory_space<hbm>>
    tpu.enqueue_dma source(%dma_start3A_197 : memref<8000xf32, #tpu.memory_space<hbm>>) target(%arg16 : memref<8000xf32, #tpu.memory_space<vmem>>) target_semaphore(%dma_start3A_195 : memref<!tpu.dma_semaphore, #tpu.memory_space<semaphore_mem>>)
    %scan3A = arith.constant 0 : i32
    %scan3A_198 = arith.constant 0 : i32
    %scan3A_199 = arith.constant 10 : i32
    %scan3A_200 = arith.addi %scan3A_198, %scan3A_199 : i32
    %scan3A_201 = arith.constant 1 : i32
    %scan3A_202 = scf.for %scan3A_294 = %scan3A_198 to %scan3A_200 step %scan3A_201 iter_args(%scan3A_295 = %scan3A) -> (i32)  : i32 {
      %mul3A_296 = arith.constant 2 : i32
      %mul3A_297 = arith.muli %scan3A_294, %mul3A_296 : i32
      %add3A_298 = arith.constant 0 : i32
      %add3A_299 = arith.addi %mul3A_297, %add3A_298 : i32
      %dma_wait3A_300 = arith.constant 0 : i32
      %dma_wait3A_301 = arith.constant 0 : i32
      %dma_wait3A_302 = arith.constant 0 : i32
      %dma_wait3A_303 = tpu.memref_slice %arg3[%dma_wait3A_302] : memref<160000xi32, #tpu.memory_space<hbm>> -> memref<8000xi32, #tpu.memory_space<hbm>>
      %dma_wait3A_304 = tpu.memref_slice %arg19[%dma_wait3A_300, %dma_wait3A_301] : memref<2x3x!tpu.dma_semaphore, #tpu.memory_space<semaphore_mem>> -> memref<1x1x!tpu.dma_semaphore, #tpu.memory_space<semaphore_mem>>
      %dma_wait3A_305 = tpu.memref_squeeze %dma_wait3A_304 : memref<1x1x!tpu.dma_semaphore, #tpu.memory_space<semaphore_mem>> -> memref<!tpu.dma_semaphore, #tpu.memory_space<semaphore_mem>>
      %dma_wait3A_306 = arith.constant 0 : i32
      %dma_wait3A_307 = tpu.memref_slice %arg3[%dma_wait3A_306] : memref<160000xi32, #tpu.memory_space<hbm>> -> memref<8000xi32, #tpu.memory_space<hbm>>
      tpu.wait_dma2 semaphore(%dma_wait3A_305 : memref<!tpu.dma_semaphore, #tpu.memory_space<semaphore_mem>>) src(%dma_wait3A_307 : memref<8000xi32, #tpu.memory_space<hbm>>) dst(%arg13 : memref<8000xi32, #tpu.memory_space<vmem>>)
      %dma_wait3A_308 = arith.constant 0 : i32
      %dma_wait3A_309 = arith.constant 1 : i32
      %dma_wait3A_310 = arith.constant 0 : i32
      %dma_wait3A_311 = tpu.memref_slice %arg4[%dma_wait3A_310] : memref<160000xf32, #tpu.memory_space<hbm>> -> memref<8000xf32, #tpu.memory_space<hbm>>
      %dma_wait3A_312 = tpu.memref_slice %arg19[%dma_wait3A_308, %dma_wait3A_309] : memref<2x3x!tpu.dma_semaphore, #tpu.memory_space<semaphore_mem>> -> memref<1x1x!tpu.dma_semaphore, #tpu.memory_space<semaphore_mem>>
      %dma_wait3A_313 = tpu.memref_squeeze %dma_wait3A_312 : memref<1x1x!tpu.dma_semaphore, #tpu.memory_space<semaphore_mem>> -> memref<!tpu.dma_semaphore, #tpu.memory_space<semaphore_mem>>
      %dma_wait3A_314 = arith.constant 0 : i32
      %dma_wait3A_315 = tpu.memref_slice %arg4[%dma_wait3A_314] : memref<160000xf32, #tpu.memory_space<hbm>> -> memref<8000xf32, #tpu.memory_space<hbm>>
      tpu.wait_dma2 semaphore(%dma_wait3A_313 : memref<!tpu.dma_semaphore, #tpu.memory_space<semaphore_mem>>) src(%dma_wait3A_315 : memref<8000xf32, #tpu.memory_space<hbm>>) dst(%arg15 : memref<8000xf32, #tpu.memory_space<vmem>>)
      %parallel_loop3A_316 = arith.constant 0 : i32
      %parallel_loop3A_317 = arith.constant 500 : i32
      %parallel_loop3A_318 = arith.constant 1 : i32
      scf.for %parallel_loop3A_354 = %parallel_loop3A_316 to %parallel_loop3A_317 step %parallel_loop3A_318  : i32 {
        %parallel_loop3A_355 = arith.constant 16 : i32
        %parallel_loop3A_356 = arith.muli %parallel_loop3A_354, %parallel_loop3A_355 : i32
        %parallel_loop3A_357 = arith.index_cast %parallel_loop3A_356 : i32 to index
        %parallel_loop3A_358 = tpu.vector_load %arg13[%parallel_loop3A_357] {strides = array<i32>} : memref<8000xi32, #tpu.memory_space<vmem>>, vector<16xi32>,
        %parallel_loop3A_359 = arith.constant 65535 : i32
        %parallel_loop3A_360 = vector.broadcast %parallel_loop3A_359 : i32 to vector<16xi32>
        %parallel_loop3A_361 = arith.andi %parallel_loop3A_358, %parallel_loop3A_360 : vector<16xi32>
        %parallel_loop3A_362 = arith.constant 16 : i32
        %parallel_loop3A_363 = vector.broadcast %parallel_loop3A_362 : i32 to vector<16xi32>
        %parallel_loop3A_364 = arith.shrui %parallel_loop3A_358, %parallel_loop3A_363 : vector<16xi32>
        %parallel_loop3A_365 = arith.index_cast %parallel_loop3A_356 : i32 to index
        %parallel_loop3A_366 = tpu.vector_load %arg15[%parallel_loop3A_365] {strides = array<i32>} : memref<8000xf32, #tpu.memory_space<vmem>>, vector<16xf32>,
        %parallel_loop3A_367 = tpu.vector_load_idx %arg6[%parallel_loop3A_361] : memref<10240xf32, #tpu.memory_space<vmem>>[vector<16xi32>], vector<16xf32>,
        %parallel_loop3A_368 = arith.mulf %parallel_loop3A_366, %parallel_loop3A_367 : vector<16xf32>
        tpu.vector_store_idx %arg9[%parallel_loop3A_364], %parallel_loop3A_368 {add = true} : memref<10240xf32, #tpu.memory_space<vmem>>[vector<16xi32>], vector<16xf32>,
        %parallel_loop3A_369 = tpu.vector_load_idx %arg6[%parallel_loop3A_364] : memref<10240xf32, #tpu.memory_space<vmem>>[vector<16xi32>], vector<16xf32>,
        %parallel_loop3A_370 = arith.mulf %parallel_loop3A_366, %parallel_loop3A_369 : vector<16xf32>
        tpu.vector_store_idx %arg11[%parallel_loop3A_361], %parallel_loop3A_370 {add = true} : memref<10240xf32, #tpu.memory_space<vmem>>[vector<16xi32>], vector<16xf32>,
      } {sc.loop_unroll_factor = 4 : i64, sc.parallel_access}
      %add3A_319 = arith.constant 2 : i32
      %add3A_320 = arith.addi %add3A_299, %add3A_319 : i32
      %lt3A = arith.constant 20 : i32
      %lt3A_321 = arith.cmpi slt, %add3A_320, %lt3A : i32
      %convert_element_type3A = arith.extui %lt3A_321 : i1 to i32
      %cond3A = arith.constant 0 : i32
      %cond3A_322 = arith.cmpi ne, %convert_element_type3A, %cond3A : i32
      scf.if %cond3A_322 {
        %add3A_354 = arith.constant 2 : i32
        %add3A_355 = arith.addi %add3A_299, %add3A_354 : i32
        %mul3A_356 = arith.constant 8000 : i32
        %mul3A_357 = arith.muli %add3A_355, %mul3A_356 : i32
        %dma_start3A_358 = arith.constant 0 : i32
        %dma_start3A_359 = arith.constant 0 : i32
        %dma_start3A_360 = tpu.memref_slice %arg3[%mul3A_357] : memref<160000xi32, #tpu.memory_space<hbm>> -> memref<8000xi32, #tpu.memory_space<hbm>>
        %dma_start3A_361 = tpu.memref_slice %arg19[%dma_start3A_358, %dma_start3A_359] : memref<2x3x!tpu.dma_semaphore, #tpu.memory_space<semaphore_mem>> -> memref<1x1x!tpu.dma_semaphore, #tpu.memory_space<semaphore_mem>>
        %dma_start3A_362 = tpu.memref_squeeze %dma_start3A_361 : memref<1x1x!tpu.dma_semaphore, #tpu.memory_space<semaphore_mem>> -> memref<!tpu.dma_semaphore, #tpu.memory_space<semaphore_mem>>
        %dma_start3A_363 = tpu.memref_slice %arg3[%mul3A_357] : memref<160000xi32, #tpu.memory_space<hbm>> -> memref<8000xi32, #tpu.memory_space<hbm>>
        tpu.enqueue_dma source(%dma_start3A_363 : memref<8000xi32, #tpu.memory_space<hbm>>) target(%arg13 : memref<8000xi32, #tpu.memory_space<vmem>>) target_semaphore(%dma_start3A_362 : memref<!tpu.dma_semaphore, #tpu.memory_space<semaphore_mem>>)
        %dma_start3A_364 = arith.constant 0 : i32
        %dma_start3A_365 = arith.constant 1 : i32
        %dma_start3A_366 = tpu.memref_slice %arg4[%mul3A_357] : memref<160000xf32, #tpu.memory_space<hbm>> -> memref<8000xf32, #tpu.memory_space<hbm>>
        %dma_start3A_367 = tpu.memref_slice %arg19[%dma_start3A_364, %dma_start3A_365] : memref<2x3x!tpu.dma_semaphore, #tpu.memory_space<semaphore_mem>> -> memref<1x1x!tpu.dma_semaphore, #tpu.memory_space<semaphore_mem>>
        %dma_start3A_368 = tpu.memref_squeeze %dma_start3A_367 : memref<1x1x!tpu.dma_semaphore, #tpu.memory_space<semaphore_mem>> -> memref<!tpu.dma_semaphore, #tpu.memory_space<semaphore_mem>>
        %dma_start3A_369 = tpu.memref_slice %arg4[%mul3A_357] : memref<160000xf32, #tpu.memory_space<hbm>> -> memref<8000xf32, #tpu.memory_space<hbm>>
        tpu.enqueue_dma source(%dma_start3A_369 : memref<8000xf32, #tpu.memory_space<hbm>>) target(%arg15 : memref<8000xf32, #tpu.memory_space<vmem>>) target_semaphore(%dma_start3A_368 : memref<!tpu.dma_semaphore, #tpu.memory_space<semaphore_mem>>)
      } else {
      }
      %mul3A_323 = arith.constant 2 : i32
      %mul3A_324 = arith.muli %scan3A_294, %mul3A_323 : i32
      %add3A_325 = arith.constant 1 : i32
      %add3A_326 = arith.addi %mul3A_324, %add3A_325 : i32
      %dma_wait3A_327 = arith.constant 1 : i32
      %dma_wait3A_328 = arith.constant 0 : i32
      %dma_wait3A_329 = arith.constant 0 : i32
      %dma_wait3A_330 = tpu.memref_slice %arg3[%dma_wait3A_329] : memref<160000xi32, #tpu.memory_space<hbm>> -> memref<8000xi32, #tpu.memory_space<hbm>>
      %dma_wait3A_331 = tpu.memref_slice %arg19[%dma_wait3A_327, %dma_wait3A_328] : memref<2x3x!tpu.dma_semaphore, #tpu.memory_space<semaphore_mem>> -> memref<1x1x!tpu.dma_semaphore, #tpu.memory_space<semaphore_mem>>
      %dma_wait3A_332 = tpu.memref_squeeze %dma_wait3A_331 : memref<1x1x!tpu.dma_semaphore, #tpu.memory_space<semaphore_mem>> -> memref<!tpu.dma_semaphore, #tpu.memory_space<semaphore_mem>>
      %dma_wait3A_333 = arith.constant 0 : i32
      %dma_wait3A_334 = tpu.memref_slice %arg3[%dma_wait3A_333] : memref<160000xi32, #tpu.memory_space<hbm>> -> memref<8000xi32, #tpu.memory_space<hbm>>
      tpu.wait_dma2 semaphore(%dma_wait3A_332 : memref<!tpu.dma_semaphore, #tpu.memory_space<semaphore_mem>>) src(%dma_wait3A_334 : memref<8000xi32, #tpu.memory_space<hbm>>) dst(%arg14 : memref<8000xi32, #tpu.memory_space<vmem>>)
      %dma_wait3A_335 = arith.constant 1 : i32
      %dma_wait3A_336 = arith.constant 1 : i32
      %dma_wait3A_337 = arith.constant 0 : i32
      %dma_wait3A_338 = tpu.memref_slice %arg4[%dma_wait3A_337] : memref<160000xf32, #tpu.memory_space<hbm>> -> memref<8000xf32, #tpu.memory_space<hbm>>
      %dma_wait3A_339 = tpu.memref_slice %arg19[%dma_wait3A_335, %dma_wait3A_336] : memref<2x3x!tpu.dma_semaphore, #tpu.memory_space<semaphore_mem>> -> memref<1x1x!tpu.dma_semaphore, #tpu.memory_space<semaphore_mem>>
      %dma_wait3A_340 = tpu.memref_squeeze %dma_wait3A_339 : memref<1x1x!tpu.dma_semaphore, #tpu.memory_space<semaphore_mem>> -> memref<!tpu.dma_semaphore, #tpu.memory_space<semaphore_mem>>
      %dma_wait3A_341 = arith.constant 0 : i32
      %dma_wait3A_342 = tpu.memref_slice %arg4[%dma_wait3A_341] : memref<160000xf32, #tpu.memory_space<hbm>> -> memref<8000xf32, #tpu.memory_space<hbm>>
      tpu.wait_dma2 semaphore(%dma_wait3A_340 : memref<!tpu.dma_semaphore, #tpu.memory_space<semaphore_mem>>) src(%dma_wait3A_342 : memref<8000xf32, #tpu.memory_space<hbm>>) dst(%arg16 : memref<8000xf32, #tpu.memory_space<vmem>>)
      %parallel_loop3A_343 = arith.constant 0 : i32
      %parallel_loop3A_344 = arith.constant 500 : i32
      %parallel_loop3A_345 = arith.constant 1 : i32
      scf.for %parallel_loop3A_354 = %parallel_loop3A_343 to %parallel_loop3A_344 step %parallel_loop3A_345  : i32 {
        %parallel_loop3A_355 = arith.constant 16 : i32
        %parallel_loop3A_356 = arith.muli %parallel_loop3A_354, %parallel_loop3A_355 : i32
        %parallel_loop3A_357 = arith.index_cast %parallel_loop3A_356 : i32 to index
        %parallel_loop3A_358 = tpu.vector_load %arg14[%parallel_loop3A_357] {strides = array<i32>} : memref<8000xi32, #tpu.memory_space<vmem>>, vector<16xi32>,
        %parallel_loop3A_359 = arith.constant 65535 : i32
        %parallel_loop3A_360 = vector.broadcast %parallel_loop3A_359 : i32 to vector<16xi32>
        %parallel_loop3A_361 = arith.andi %parallel_loop3A_358, %parallel_loop3A_360 : vector<16xi32>
        %parallel_loop3A_362 = arith.constant 16 : i32
        %parallel_loop3A_363 = vector.broadcast %parallel_loop3A_362 : i32 to vector<16xi32>
        %parallel_loop3A_364 = arith.shrui %parallel_loop3A_358, %parallel_loop3A_363 : vector<16xi32>
        %parallel_loop3A_365 = arith.index_cast %parallel_loop3A_356 : i32 to index
        %parallel_loop3A_366 = tpu.vector_load %arg16[%parallel_loop3A_365] {strides = array<i32>} : memref<8000xf32, #tpu.memory_space<vmem>>, vector<16xf32>,
        %parallel_loop3A_367 = tpu.vector_load_idx %arg6[%parallel_loop3A_361] : memref<10240xf32, #tpu.memory_space<vmem>>[vector<16xi32>], vector<16xf32>,
        %parallel_loop3A_368 = arith.mulf %parallel_loop3A_366, %parallel_loop3A_367 : vector<16xf32>
        tpu.vector_store_idx %arg9[%parallel_loop3A_364], %parallel_loop3A_368 {add = true} : memref<10240xf32, #tpu.memory_space<vmem>>[vector<16xi32>], vector<16xf32>,
        %parallel_loop3A_369 = tpu.vector_load_idx %arg6[%parallel_loop3A_364] : memref<10240xf32, #tpu.memory_space<vmem>>[vector<16xi32>], vector<16xf32>,
        %parallel_loop3A_370 = arith.mulf %parallel_loop3A_366, %parallel_loop3A_369 : vector<16xf32>
        tpu.vector_store_idx %arg11[%parallel_loop3A_361], %parallel_loop3A_370 {add = true} : memref<10240xf32, #tpu.memory_space<vmem>>[vector<16xi32>], vector<16xf32>,
      } {sc.loop_unroll_factor = 4 : i64, sc.parallel_access}
      %add3A_346 = arith.constant 2 : i32
      %add3A_347 = arith.addi %add3A_326, %add3A_346 : i32
      %lt3A_348 = arith.constant 20 : i32
      %lt3A_349 = arith.cmpi slt, %add3A_347, %lt3A_348 : i32
      %convert_element_type3A_350 = arith.extui %lt3A_349 : i1 to i32
      %cond3A_351 = arith.constant 0 : i32
      %cond3A_352 = arith.cmpi ne, %convert_element_type3A_350, %cond3A_351 : i32
      scf.if %cond3A_352 {
        %add3A_354 = arith.constant 2 : i32
        %add3A_355 = arith.addi %add3A_326, %add3A_354 : i32
        %mul3A_356 = arith.constant 8000 : i32
        %mul3A_357 = arith.muli %add3A_355, %mul3A_356 : i32
        %dma_start3A_358 = arith.constant 1 : i32
        %dma_start3A_359 = arith.constant 0 : i32
        %dma_start3A_360 = tpu.memref_slice %arg3[%mul3A_357] : memref<160000xi32, #tpu.memory_space<hbm>> -> memref<8000xi32, #tpu.memory_space<hbm>>
        %dma_start3A_361 = tpu.memref_slice %arg19[%dma_start3A_358, %dma_start3A_359] : memref<2x3x!tpu.dma_semaphore, #tpu.memory_space<semaphore_mem>> -> memref<1x1x!tpu.dma_semaphore, #tpu.memory_space<semaphore_mem>>
        %dma_start3A_362 = tpu.memref_squeeze %dma_start3A_361 : memref<1x1x!tpu.dma_semaphore, #tpu.memory_space<semaphore_mem>> -> memref<!tpu.dma_semaphore, #tpu.memory_space<semaphore_mem>>
        %dma_start3A_363 = tpu.memref_slice %arg3[%mul3A_357] : memref<160000xi32, #tpu.memory_space<hbm>> -> memref<8000xi32, #tpu.memory_space<hbm>>
        tpu.enqueue_dma source(%dma_start3A_363 : memref<8000xi32, #tpu.memory_space<hbm>>) target(%arg14 : memref<8000xi32, #tpu.memory_space<vmem>>) target_semaphore(%dma_start3A_362 : memref<!tpu.dma_semaphore, #tpu.memory_space<semaphore_mem>>)
        %dma_start3A_364 = arith.constant 1 : i32
        %dma_start3A_365 = arith.constant 1 : i32
        %dma_start3A_366 = tpu.memref_slice %arg4[%mul3A_357] : memref<160000xf32, #tpu.memory_space<hbm>> -> memref<8000xf32, #tpu.memory_space<hbm>>
        %dma_start3A_367 = tpu.memref_slice %arg19[%dma_start3A_364, %dma_start3A_365] : memref<2x3x!tpu.dma_semaphore, #tpu.memory_space<semaphore_mem>> -> memref<1x1x!tpu.dma_semaphore, #tpu.memory_space<semaphore_mem>>
        %dma_start3A_368 = tpu.memref_squeeze %dma_start3A_367 : memref<1x1x!tpu.dma_semaphore, #tpu.memory_space<semaphore_mem>> -> memref<!tpu.dma_semaphore, #tpu.memory_space<semaphore_mem>>
        %dma_start3A_369 = tpu.memref_slice %arg4[%mul3A_357] : memref<160000xf32, #tpu.memory_space<hbm>> -> memref<8000xf32, #tpu.memory_space<hbm>>
        tpu.enqueue_dma source(%dma_start3A_369 : memref<8000xf32, #tpu.memory_space<hbm>>) target(%arg16 : memref<8000xf32, #tpu.memory_space<vmem>>) target_semaphore(%dma_start3A_368 : memref<!tpu.dma_semaphore, #tpu.memory_space<semaphore_mem>>)
      } else {
      }
      %scan3A_353 = arith.constant 0 : i32
      scf.yield %scan3A_353 : i32
    }
    %scan3A_203 = arith.constant 10 : i32
    %dma_start3A_204 = arith.constant 0 : i32
    %dma_start3A_205 = arith.constant 0 : i32
    %dma_start3A_206 = arith.constant 0 : i32
    %dma_start3A_207 = tpu.memref_slice %arg3[%dma_start3A_206] : memref<160000xi32, #tpu.memory_space<hbm>> -> memref<8000xi32, #tpu.memory_space<hbm>>
    %dma_start3A_208 = tpu.memref_slice %arg19[%dma_start3A_204, %dma_start3A_205] : memref<2x3x!tpu.dma_semaphore, #tpu.memory_space<semaphore_mem>> -> memref<1x1x!tpu.dma_semaphore, #tpu.memory_space<semaphore_mem>>
    %dma_start3A_209 = tpu.memref_squeeze %dma_start3A_208 : memref<1x1x!tpu.dma_semaphore, #tpu.memory_space<semaphore_mem>> -> memref<!tpu.dma_semaphore, #tpu.memory_space<semaphore_mem>>
    %dma_start3A_210 = arith.constant 0 : i32
    %dma_start3A_211 = tpu.memref_slice %arg3[%dma_start3A_210] : memref<160000xi32, #tpu.memory_space<hbm>> -> memref<8000xi32, #tpu.memory_space<hbm>>
    tpu.enqueue_dma source(%dma_start3A_211 : memref<8000xi32, #tpu.memory_space<hbm>>) target(%arg13 : memref<8000xi32, #tpu.memory_space<vmem>>) target_semaphore(%dma_start3A_209 : memref<!tpu.dma_semaphore, #tpu.memory_space<semaphore_mem>>)
    %dma_start3A_212 = arith.constant 0 : i32
    %dma_start3A_213 = arith.constant 1 : i32
    %dma_start3A_214 = arith.constant 0 : i32
    %dma_start3A_215 = tpu.memref_slice %arg4[%dma_start3A_214] : memref<160000xf32, #tpu.memory_space<hbm>> -> memref<8000xf32, #tpu.memory_space<hbm>>
    %dma_start3A_216 = tpu.memref_slice %arg19[%dma_start3A_212, %dma_start3A_213] : memref<2x3x!tpu.dma_semaphore, #tpu.memory_space<semaphore_mem>> -> memref<1x1x!tpu.dma_semaphore, #tpu.memory_space<semaphore_mem>>
    %dma_start3A_217 = tpu.memref_squeeze %dma_start3A_216 : memref<1x1x!tpu.dma_semaphore, #tpu.memory_space<semaphore_mem>> -> memref<!tpu.dma_semaphore, #tpu.memory_space<semaphore_mem>>
    %dma_start3A_218 = arith.constant 0 : i32
    %dma_start3A_219 = tpu.memref_slice %arg4[%dma_start3A_218] : memref<160000xf32, #tpu.memory_space<hbm>> -> memref<8000xf32, #tpu.memory_space<hbm>>
    tpu.enqueue_dma source(%dma_start3A_219 : memref<8000xf32, #tpu.memory_space<hbm>>) target(%arg15 : memref<8000xf32, #tpu.memory_space<vmem>>) target_semaphore(%dma_start3A_217 : memref<!tpu.dma_semaphore, #tpu.memory_space<semaphore_mem>>)
    %dma_start3A_220 = arith.constant 1 : i32
    %dma_start3A_221 = arith.constant 0 : i32
    %dma_start3A_222 = arith.constant 8000 : i32
    %dma_start3A_223 = tpu.memref_slice %arg3[%dma_start3A_222] : memref<160000xi32, #tpu.memory_space<hbm>> -> memref<8000xi32, #tpu.memory_space<hbm>>
    %dma_start3A_224 = tpu.memref_slice %arg19[%dma_start3A_220, %dma_start3A_221] : memref<2x3x!tpu.dma_semaphore, #tpu.memory_space<semaphore_mem>> -> memref<1x1x!tpu.dma_semaphore, #tpu.memory_space<semaphore_mem>>
    %dma_start3A_225 = tpu.memref_squeeze %dma_start3A_224 : memref<1x1x!tpu.dma_semaphore, #tpu.memory_space<semaphore_mem>> -> memref<!tpu.dma_semaphore, #tpu.memory_space<semaphore_mem>>
    %dma_start3A_226 = arith.constant 8000 : i32
    %dma_start3A_227 = tpu.memref_slice %arg3[%dma_start3A_226] : memref<160000xi32, #tpu.memory_space<hbm>> -> memref<8000xi32, #tpu.memory_space<hbm>>
    tpu.enqueue_dma source(%dma_start3A_227 : memref<8000xi32, #tpu.memory_space<hbm>>) target(%arg14 : memref<8000xi32, #tpu.memory_space<vmem>>) target_semaphore(%dma_start3A_225 : memref<!tpu.dma_semaphore, #tpu.memory_space<semaphore_mem>>)
    %dma_start3A_228 = arith.constant 1 : i32
    %dma_start3A_229 = arith.constant 1 : i32
    %dma_start3A_230 = arith.constant 8000 : i32
    %dma_start3A_231 = tpu.memref_slice %arg4[%dma_start3A_230] : memref<160000xf32, #tpu.memory_space<hbm>> -> memref<8000xf32, #tpu.memory_space<hbm>>
    %dma_start3A_232 = tpu.memref_slice %arg19[%dma_start3A_228, %dma_start3A_229] : memref<2x3x!tpu.dma_semaphore, #tpu.memory_space<semaphore_mem>> -> memref<1x1x!tpu.dma_semaphore, #tpu.memory_space<semaphore_mem>>
    %dma_start3A_233 = tpu.memref_squeeze %dma_start3A_232 : memref<1x1x!tpu.dma_semaphore, #tpu.memory_space<semaphore_mem>> -> memref<!tpu.dma_semaphore, #tpu.memory_space<semaphore_mem>>
    %dma_start3A_234 = arith.constant 8000 : i32
    %dma_start3A_235 = tpu.memref_slice %arg4[%dma_start3A_234] : memref<160000xf32, #tpu.memory_space<hbm>> -> memref<8000xf32, #tpu.memory_space<hbm>>
    tpu.enqueue_dma source(%dma_start3A_235 : memref<8000xf32, #tpu.memory_space<hbm>>) target(%arg16 : memref<8000xf32, #tpu.memory_space<vmem>>) target_semaphore(%dma_start3A_233 : memref<!tpu.dma_semaphore, #tpu.memory_space<semaphore_mem>>)
    %parallel_loop3A_236 = arith.constant 0 : i32
    %parallel_loop3A_237 = arith.constant 640 : i32
    %parallel_loop3A_238 = arith.constant 1 : i32
    scf.for %parallel_loop3A_294 = %parallel_loop3A_236 to %parallel_loop3A_237 step %parallel_loop3A_238  : i32 {
      %parallel_loop3A_295 = arith.constant 16 : i32
      %parallel_loop3A_296 = arith.muli %parallel_loop3A_294, %parallel_loop3A_295 : i32
      %parallel_loop3A_297 = arith.index_cast %parallel_loop3A_296 : i32 to index
      %parallel_loop3A_298 = tpu.vector_load %arg9[%parallel_loop3A_297] {strides = array<i32>} : memref<10240xf32, #tpu.memory_space<vmem>>, vector<16xf32>,
      %parallel_loop3A_299 = arith.index_cast %parallel_loop3A_296 : i32 to index
      %parallel_loop3A_300 = tpu.vector_load %arg7[%parallel_loop3A_299] {strides = array<i32>} : memref<10240xf32, #tpu.memory_space<vmem>>, vector<16xf32>,
      %parallel_loop3A_301 = arith.mulf %parallel_loop3A_298, %parallel_loop3A_300 : vector<16xf32>
      %parallel_loop3A_302 = arith.index_cast %parallel_loop3A_296 : i32 to index
      %parallel_loop3A_303 = tpu.vector_load %arg9[%parallel_loop3A_302] {strides = array<i32>} : memref<10240xf32, #tpu.memory_space<vmem>>, vector<16xf32>,
      tpu.vector_store %arg9[%parallel_loop3A_302], %parallel_loop3A_301 {strides = array<i32>} : memref<10240xf32, #tpu.memory_space<vmem>>, vector<16xf32>,
      %parallel_loop3A_304 = arith.index_cast %parallel_loop3A_296 : i32 to index
      %parallel_loop3A_305 = tpu.vector_load %arg11[%parallel_loop3A_304] {strides = array<i32>} : memref<10240xf32, #tpu.memory_space<vmem>>, vector<16xf32>,
      %parallel_loop3A_306 = arith.index_cast %parallel_loop3A_296 : i32 to index
      %parallel_loop3A_307 = tpu.vector_load %arg8[%parallel_loop3A_306] {strides = array<i32>} : memref<10240xf32, #tpu.memory_space<vmem>>, vector<16xf32>,
      %parallel_loop3A_308 = arith.mulf %parallel_loop3A_305, %parallel_loop3A_307 : vector<16xf32>
      %parallel_loop3A_309 = arith.index_cast %parallel_loop3A_296 : i32 to index
      %parallel_loop3A_310 = tpu.vector_load %arg11[%parallel_loop3A_309] {strides = array<i32>} : memref<10240xf32, #tpu.memory_space<vmem>>, vector<16xf32>,
      tpu.vector_store %arg11[%parallel_loop3A_309], %parallel_loop3A_308 {strides = array<i32>} : memref<10240xf32, #tpu.memory_space<vmem>>, vector<16xf32>,
    } {sc.loop_unroll_factor = 4 : i64, sc.parallel_access}
    %dma_start3A_239 = arith.constant 0 : i32
    %dma_start3A_240 = arith.constant 0 : i32
    %dma_start3A_241 = arith.constant 2 : i32
    %dma_start3A_242 = arith.constant 0 : i32
    %dma_start3A_243 = tpu.memref_slice %arg5[%dma_start3A_239, %add3A, %dma_start3A_242] : memref<4x32x10240xf32, #tpu.memory_space<hbm>> -> memref<1x1x10240xf32, #tpu.memory_space<hbm>>
    %dma_start3A_244 = tpu.memref_squeeze %dma_start3A_243 : memref<1x1x10240xf32, #tpu.memory_space<hbm>> -> memref<10240xf32, #tpu.memory_space<hbm>>
    %dma_start3A_245 = tpu.memref_slice %arg19[%dma_start3A_240, %dma_start3A_241] : memref<2x3x!tpu.dma_semaphore, #tpu.memory_space<semaphore_mem>> -> memref<1x1x!tpu.dma_semaphore, #tpu.memory_space<semaphore_mem>>
    %dma_start3A_246 = tpu.memref_squeeze %dma_start3A_245 : memref<1x1x!tpu.dma_semaphore, #tpu.memory_space<semaphore_mem>> -> memref<!tpu.dma_semaphore, #tpu.memory_space<semaphore_mem>>
    %dma_start3A_247 = arith.constant 0 : i32
    %dma_start3A_248 = tpu.memref_slice %arg5[%dma_start3A_239, %add3A, %dma_start3A_247] : memref<4x32x10240xf32, #tpu.memory_space<hbm>> -> memref<1x1x10240xf32, #tpu.memory_space<hbm>>
    %dma_start3A_249 = tpu.memref_squeeze %dma_start3A_248 : memref<1x1x10240xf32, #tpu.memory_space<hbm>> -> memref<10240xf32, #tpu.memory_space<hbm>>
    tpu.enqueue_dma source(%arg9 : memref<10240xf32, #tpu.memory_space<vmem>>) target(%dma_start3A_249 : memref<10240xf32, #tpu.memory_space<hbm>>) target_semaphore(%dma_start3A_246 : memref<!tpu.dma_semaphore, #tpu.memory_space<semaphore_mem>>)
    %dma_start3A_250 = arith.constant 2 : i32
    %dma_start3A_251 = arith.constant 1 : i32
    %dma_start3A_252 = arith.constant 2 : i32
    %dma_start3A_253 = arith.constant 0 : i32
    %dma_start3A_254 = tpu.memref_slice %arg5[%dma_start3A_250, %add3A, %dma_start3A_253] : memref<4x32x10240xf32, #tpu.memory_space<hbm>> -> memref<1x1x10240xf32, #tpu.memory_space<hbm>>
    %dma_start3A_255 = tpu.memref_squeeze %dma_start3A_254 : memref<1x1x10240xf32, #tpu.memory_space<hbm>> -> memref<10240xf32, #tpu.memory_space<hbm>>
    %dma_start3A_256 = tpu.memref_slice %arg19[%dma_start3A_251, %dma_start3A_252] : memref<2x3x!tpu.dma_semaphore, #tpu.memory_space<semaphore_mem>> -> memref<1x1x!tpu.dma_semaphore, #tpu.memory_space<semaphore_mem>>
    %dma_start3A_257 = tpu.memref_squeeze %dma_start3A_256 : memref<1x1x!tpu.dma_semaphore, #tpu.memory_space<semaphore_mem>> -> memref<!tpu.dma_semaphore, #tpu.memory_space<semaphore_mem>>
    %dma_start3A_258 = arith.constant 0 : i32
    %dma_start3A_259 = tpu.memref_slice %arg5[%dma_start3A_250, %add3A, %dma_start3A_258] : memref<4x32x10240xf32, #tpu.memory_space<hbm>> -> memref<1x1x10240xf32, #tpu.memory_space<hbm>>
    %dma_start3A_260 = tpu.memref_squeeze %dma_start3A_259 : memref<1x1x10240xf32, #tpu.memory_space<hbm>> -> memref<10240xf32, #tpu.memory_space<hbm>>
    tpu.enqueue_dma source(%arg11 : memref<10240xf32, #tpu.memory_space<vmem>>) target(%dma_start3A_260 : memref<10240xf32, #tpu.memory_space<hbm>>) target_semaphore(%dma_start3A_257 : memref<!tpu.dma_semaphore, #tpu.memory_space<semaphore_mem>>)
    %scan3A_261 = arith.constant 0 : i32
    %scan3A_262 = arith.constant 0 : i32
    %scan3A_263 = arith.constant 10 : i32
    %scan3A_264 = arith.addi %scan3A_262, %scan3A_263 : i32
    %scan3A_265 = arith.constant 1 : i32
    %scan3A_266 = scf.for %scan3A_294 = %scan3A_262 to %scan3A_264 step %scan3A_265 iter_args(%scan3A_295 = %scan3A_261) -> (i32)  : i32 {
      %mul3A_296 = arith.constant 2 : i32
      %mul3A_297 = arith.muli %scan3A_294, %mul3A_296 : i32
      %add3A_298 = arith.constant 0 : i32
      %add3A_299 = arith.addi %mul3A_297, %add3A_298 : i32
      %dma_wait3A_300 = arith.constant 0 : i32
      %dma_wait3A_301 = arith.constant 0 : i32
      %dma_wait3A_302 = arith.constant 0 : i32
      %dma_wait3A_303 = tpu.memref_slice %arg3[%dma_wait3A_302] : memref<160000xi32, #tpu.memory_space<hbm>> -> memref<8000xi32, #tpu.memory_space<hbm>>
      %dma_wait3A_304 = tpu.memref_slice %arg19[%dma_wait3A_300, %dma_wait3A_301] : memref<2x3x!tpu.dma_semaphore, #tpu.memory_space<semaphore_mem>> -> memref<1x1x!tpu.dma_semaphore, #tpu.memory_space<semaphore_mem>>
      %dma_wait3A_305 = tpu.memref_squeeze %dma_wait3A_304 : memref<1x1x!tpu.dma_semaphore, #tpu.memory_space<semaphore_mem>> -> memref<!tpu.dma_semaphore, #tpu.memory_space<semaphore_mem>>
      %dma_wait3A_306 = arith.constant 0 : i32
      %dma_wait3A_307 = tpu.memref_slice %arg3[%dma_wait3A_306] : memref<160000xi32, #tpu.memory_space<hbm>> -> memref<8000xi32, #tpu.memory_space<hbm>>
      tpu.wait_dma2 semaphore(%dma_wait3A_305 : memref<!tpu.dma_semaphore, #tpu.memory_space<semaphore_mem>>) src(%dma_wait3A_307 : memref<8000xi32, #tpu.memory_space<hbm>>) dst(%arg13 : memref<8000xi32, #tpu.memory_space<vmem>>)
      %dma_wait3A_308 = arith.constant 0 : i32
      %dma_wait3A_309 = arith.constant 1 : i32
      %dma_wait3A_310 = arith.constant 0 : i32
      %dma_wait3A_311 = tpu.memref_slice %arg4[%dma_wait3A_310] : memref<160000xf32, #tpu.memory_space<hbm>> -> memref<8000xf32, #tpu.memory_space<hbm>>
      %dma_wait3A_312 = tpu.memref_slice %arg19[%dma_wait3A_308, %dma_wait3A_309] : memref<2x3x!tpu.dma_semaphore, #tpu.memory_space<semaphore_mem>> -> memref<1x1x!tpu.dma_semaphore, #tpu.memory_space<semaphore_mem>>
      %dma_wait3A_313 = tpu.memref_squeeze %dma_wait3A_312 : memref<1x1x!tpu.dma_semaphore, #tpu.memory_space<semaphore_mem>> -> memref<!tpu.dma_semaphore, #tpu.memory_space<semaphore_mem>>
      %dma_wait3A_314 = arith.constant 0 : i32
      %dma_wait3A_315 = tpu.memref_slice %arg4[%dma_wait3A_314] : memref<160000xf32, #tpu.memory_space<hbm>> -> memref<8000xf32, #tpu.memory_space<hbm>>
      tpu.wait_dma2 semaphore(%dma_wait3A_313 : memref<!tpu.dma_semaphore, #tpu.memory_space<semaphore_mem>>) src(%dma_wait3A_315 : memref<8000xf32, #tpu.memory_space<hbm>>) dst(%arg15 : memref<8000xf32, #tpu.memory_space<vmem>>)
      %parallel_loop3A_316 = arith.constant 0 : i32
      %parallel_loop3A_317 = arith.constant 500 : i32
      %parallel_loop3A_318 = arith.constant 1 : i32
      scf.for %parallel_loop3A_354 = %parallel_loop3A_316 to %parallel_loop3A_317 step %parallel_loop3A_318  : i32 {
        %parallel_loop3A_355 = arith.constant 16 : i32
        %parallel_loop3A_356 = arith.muli %parallel_loop3A_354, %parallel_loop3A_355 : i32
        %parallel_loop3A_357 = arith.index_cast %parallel_loop3A_356 : i32 to index
        %parallel_loop3A_358 = tpu.vector_load %arg13[%parallel_loop3A_357] {strides = array<i32>} : memref<8000xi32, #tpu.memory_space<vmem>>, vector<16xi32>,
        %parallel_loop3A_359 = arith.constant 65535 : i32
        %parallel_loop3A_360 = vector.broadcast %parallel_loop3A_359 : i32 to vector<16xi32>
        %parallel_loop3A_361 = arith.andi %parallel_loop3A_358, %parallel_loop3A_360 : vector<16xi32>
        %parallel_loop3A_362 = arith.constant 16 : i32
        %parallel_loop3A_363 = vector.broadcast %parallel_loop3A_362 : i32 to vector<16xi32>
        %parallel_loop3A_364 = arith.shrui %parallel_loop3A_358, %parallel_loop3A_363 : vector<16xi32>
        %parallel_loop3A_365 = arith.index_cast %parallel_loop3A_356 : i32 to index
        %parallel_loop3A_366 = tpu.vector_load %arg15[%parallel_loop3A_365] {strides = array<i32>} : memref<8000xf32, #tpu.memory_space<vmem>>, vector<16xf32>,
        %parallel_loop3A_367 = tpu.vector_load_idx %arg9[%parallel_loop3A_361] : memref<10240xf32, #tpu.memory_space<vmem>>[vector<16xi32>], vector<16xf32>,
        %parallel_loop3A_368 = arith.mulf %parallel_loop3A_366, %parallel_loop3A_367 : vector<16xf32>
        tpu.vector_store_idx %arg10[%parallel_loop3A_364], %parallel_loop3A_368 {add = true} : memref<10240xf32, #tpu.memory_space<vmem>>[vector<16xi32>], vector<16xf32>,
        %parallel_loop3A_369 = tpu.vector_load_idx %arg11[%parallel_loop3A_364] : memref<10240xf32, #tpu.memory_space<vmem>>[vector<16xi32>], vector<16xf32>,
        %parallel_loop3A_370 = arith.mulf %parallel_loop3A_366, %parallel_loop3A_369 : vector<16xf32>
        tpu.vector_store_idx %arg12[%parallel_loop3A_361], %parallel_loop3A_370 {add = true} : memref<10240xf32, #tpu.memory_space<vmem>>[vector<16xi32>], vector<16xf32>,
      } {sc.loop_unroll_factor = 4 : i64, sc.parallel_access}
      %add3A_319 = arith.constant 2 : i32
      %add3A_320 = arith.addi %add3A_299, %add3A_319 : i32
      %lt3A = arith.constant 20 : i32
      %lt3A_321 = arith.cmpi slt, %add3A_320, %lt3A : i32
      %convert_element_type3A = arith.extui %lt3A_321 : i1 to i32
      %cond3A = arith.constant 0 : i32
      %cond3A_322 = arith.cmpi ne, %convert_element_type3A, %cond3A : i32
      scf.if %cond3A_322 {
        %add3A_354 = arith.constant 2 : i32
        %add3A_355 = arith.addi %add3A_299, %add3A_354 : i32
        %mul3A_356 = arith.constant 8000 : i32
        %mul3A_357 = arith.muli %add3A_355, %mul3A_356 : i32
        %dma_start3A_358 = arith.constant 0 : i32
        %dma_start3A_359 = arith.constant 0 : i32
        %dma_start3A_360 = tpu.memref_slice %arg3[%mul3A_357] : memref<160000xi32, #tpu.memory_space<hbm>> -> memref<8000xi32, #tpu.memory_space<hbm>>
        %dma_start3A_361 = tpu.memref_slice %arg19[%dma_start3A_358, %dma_start3A_359] : memref<2x3x!tpu.dma_semaphore, #tpu.memory_space<semaphore_mem>> -> memref<1x1x!tpu.dma_semaphore, #tpu.memory_space<semaphore_mem>>
        %dma_start3A_362 = tpu.memref_squeeze %dma_start3A_361 : memref<1x1x!tpu.dma_semaphore, #tpu.memory_space<semaphore_mem>> -> memref<!tpu.dma_semaphore, #tpu.memory_space<semaphore_mem>>
        %dma_start3A_363 = tpu.memref_slice %arg3[%mul3A_357] : memref<160000xi32, #tpu.memory_space<hbm>> -> memref<8000xi32, #tpu.memory_space<hbm>>
        tpu.enqueue_dma source(%dma_start3A_363 : memref<8000xi32, #tpu.memory_space<hbm>>) target(%arg13 : memref<8000xi32, #tpu.memory_space<vmem>>) target_semaphore(%dma_start3A_362 : memref<!tpu.dma_semaphore, #tpu.memory_space<semaphore_mem>>)
        %dma_start3A_364 = arith.constant 0 : i32
        %dma_start3A_365 = arith.constant 1 : i32
        %dma_start3A_366 = tpu.memref_slice %arg4[%mul3A_357] : memref<160000xf32, #tpu.memory_space<hbm>> -> memref<8000xf32, #tpu.memory_space<hbm>>
        %dma_start3A_367 = tpu.memref_slice %arg19[%dma_start3A_364, %dma_start3A_365] : memref<2x3x!tpu.dma_semaphore, #tpu.memory_space<semaphore_mem>> -> memref<1x1x!tpu.dma_semaphore, #tpu.memory_space<semaphore_mem>>
        %dma_start3A_368 = tpu.memref_squeeze %dma_start3A_367 : memref<1x1x!tpu.dma_semaphore, #tpu.memory_space<semaphore_mem>> -> memref<!tpu.dma_semaphore, #tpu.memory_space<semaphore_mem>>
        %dma_start3A_369 = tpu.memref_slice %arg4[%mul3A_357] : memref<160000xf32, #tpu.memory_space<hbm>> -> memref<8000xf32, #tpu.memory_space<hbm>>
        tpu.enqueue_dma source(%dma_start3A_369 : memref<8000xf32, #tpu.memory_space<hbm>>) target(%arg15 : memref<8000xf32, #tpu.memory_space<vmem>>) target_semaphore(%dma_start3A_368 : memref<!tpu.dma_semaphore, #tpu.memory_space<semaphore_mem>>)
      } else {
      }
      %mul3A_323 = arith.constant 2 : i32
      %mul3A_324 = arith.muli %scan3A_294, %mul3A_323 : i32
      %add3A_325 = arith.constant 1 : i32
      %add3A_326 = arith.addi %mul3A_324, %add3A_325 : i32
      %dma_wait3A_327 = arith.constant 1 : i32
      %dma_wait3A_328 = arith.constant 0 : i32
      %dma_wait3A_329 = arith.constant 0 : i32
      %dma_wait3A_330 = tpu.memref_slice %arg3[%dma_wait3A_329] : memref<160000xi32, #tpu.memory_space<hbm>> -> memref<8000xi32, #tpu.memory_space<hbm>>
      %dma_wait3A_331 = tpu.memref_slice %arg19[%dma_wait3A_327, %dma_wait3A_328] : memref<2x3x!tpu.dma_semaphore, #tpu.memory_space<semaphore_mem>> -> memref<1x1x!tpu.dma_semaphore, #tpu.memory_space<semaphore_mem>>
      %dma_wait3A_332 = tpu.memref_squeeze %dma_wait3A_331 : memref<1x1x!tpu.dma_semaphore, #tpu.memory_space<semaphore_mem>> -> memref<!tpu.dma_semaphore, #tpu.memory_space<semaphore_mem>>
      %dma_wait3A_333 = arith.constant 0 : i32
      %dma_wait3A_334 = tpu.memref_slice %arg3[%dma_wait3A_333] : memref<160000xi32, #tpu.memory_space<hbm>> -> memref<8000xi32, #tpu.memory_space<hbm>>
      tpu.wait_dma2 semaphore(%dma_wait3A_332 : memref<!tpu.dma_semaphore, #tpu.memory_space<semaphore_mem>>) src(%dma_wait3A_334 : memref<8000xi32, #tpu.memory_space<hbm>>) dst(%arg14 : memref<8000xi32, #tpu.memory_space<vmem>>)
      %dma_wait3A_335 = arith.constant 1 : i32
      %dma_wait3A_336 = arith.constant 1 : i32
      %dma_wait3A_337 = arith.constant 0 : i32
      %dma_wait3A_338 = tpu.memref_slice %arg4[%dma_wait3A_337] : memref<160000xf32, #tpu.memory_space<hbm>> -> memref<8000xf32, #tpu.memory_space<hbm>>
      %dma_wait3A_339 = tpu.memref_slice %arg19[%dma_wait3A_335, %dma_wait3A_336] : memref<2x3x!tpu.dma_semaphore, #tpu.memory_space<semaphore_mem>> -> memref<1x1x!tpu.dma_semaphore, #tpu.memory_space<semaphore_mem>>
      %dma_wait3A_340 = tpu.memref_squeeze %dma_wait3A_339 : memref<1x1x!tpu.dma_semaphore, #tpu.memory_space<semaphore_mem>> -> memref<!tpu.dma_semaphore, #tpu.memory_space<semaphore_mem>>
      %dma_wait3A_341 = arith.constant 0 : i32
      %dma_wait3A_342 = tpu.memref_slice %arg4[%dma_wait3A_341] : memref<160000xf32, #tpu.memory_space<hbm>> -> memref<8000xf32, #tpu.memory_space<hbm>>
      tpu.wait_dma2 semaphore(%dma_wait3A_340 : memref<!tpu.dma_semaphore, #tpu.memory_space<semaphore_mem>>) src(%dma_wait3A_342 : memref<8000xf32, #tpu.memory_space<hbm>>) dst(%arg16 : memref<8000xf32, #tpu.memory_space<vmem>>)
      %parallel_loop3A_343 = arith.constant 0 : i32
      %parallel_loop3A_344 = arith.constant 500 : i32
      %parallel_loop3A_345 = arith.constant 1 : i32
      scf.for %parallel_loop3A_354 = %parallel_loop3A_343 to %parallel_loop3A_344 step %parallel_loop3A_345  : i32 {
        %parallel_loop3A_355 = arith.constant 16 : i32
        %parallel_loop3A_356 = arith.muli %parallel_loop3A_354, %parallel_loop3A_355 : i32
        %parallel_loop3A_357 = arith.index_cast %parallel_loop3A_356 : i32 to index
        %parallel_loop3A_358 = tpu.vector_load %arg14[%parallel_loop3A_357] {strides = array<i32>} : memref<8000xi32, #tpu.memory_space<vmem>>, vector<16xi32>,
        %parallel_loop3A_359 = arith.constant 65535 : i32
        %parallel_loop3A_360 = vector.broadcast %parallel_loop3A_359 : i32 to vector<16xi32>
        %parallel_loop3A_361 = arith.andi %parallel_loop3A_358, %parallel_loop3A_360 : vector<16xi32>
        %parallel_loop3A_362 = arith.constant 16 : i32
        %parallel_loop3A_363 = vector.broadcast %parallel_loop3A_362 : i32 to vector<16xi32>
        %parallel_loop3A_364 = arith.shrui %parallel_loop3A_358, %parallel_loop3A_363 : vector<16xi32>
        %parallel_loop3A_365 = arith.index_cast %parallel_loop3A_356 : i32 to index
        %parallel_loop3A_366 = tpu.vector_load %arg16[%parallel_loop3A_365] {strides = array<i32>} : memref<8000xf32, #tpu.memory_space<vmem>>, vector<16xf32>,
        %parallel_loop3A_367 = tpu.vector_load_idx %arg9[%parallel_loop3A_361] : memref<10240xf32, #tpu.memory_space<vmem>>[vector<16xi32>], vector<16xf32>,
        %parallel_loop3A_368 = arith.mulf %parallel_loop3A_366, %parallel_loop3A_367 : vector<16xf32>
        tpu.vector_store_idx %arg10[%parallel_loop3A_364], %parallel_loop3A_368 {add = true} : memref<10240xf32, #tpu.memory_space<vmem>>[vector<16xi32>], vector<16xf32>,
        %parallel_loop3A_369 = tpu.vector_load_idx %arg11[%parallel_loop3A_364] : memref<10240xf32, #tpu.memory_space<vmem>>[vector<16xi32>], vector<16xf32>,
        %parallel_loop3A_370 = arith.mulf %parallel_loop3A_366, %parallel_loop3A_369 : vector<16xf32>
        tpu.vector_store_idx %arg12[%parallel_loop3A_361], %parallel_loop3A_370 {add = true} : memref<10240xf32, #tpu.memory_space<vmem>>[vector<16xi32>], vector<16xf32>,
      } {sc.loop_unroll_factor = 4 : i64, sc.parallel_access}
      %add3A_346 = arith.constant 2 : i32
      %add3A_347 = arith.addi %add3A_326, %add3A_346 : i32
      %lt3A_348 = arith.constant 20 : i32
      %lt3A_349 = arith.cmpi slt, %add3A_347, %lt3A_348 : i32
      %convert_element_type3A_350 = arith.extui %lt3A_349 : i1 to i32
      %cond3A_351 = arith.constant 0 : i32
      %cond3A_352 = arith.cmpi ne, %convert_element_type3A_350, %cond3A_351 : i32
      scf.if %cond3A_352 {
        %add3A_354 = arith.constant 2 : i32
        %add3A_355 = arith.addi %add3A_326, %add3A_354 : i32
        %mul3A_356 = arith.constant 8000 : i32
        %mul3A_357 = arith.muli %add3A_355, %mul3A_356 : i32
        %dma_start3A_358 = arith.constant 1 : i32
        %dma_start3A_359 = arith.constant 0 : i32
        %dma_start3A_360 = tpu.memref_slice %arg3[%mul3A_357] : memref<160000xi32, #tpu.memory_space<hbm>> -> memref<8000xi32, #tpu.memory_space<hbm>>
        %dma_start3A_361 = tpu.memref_slice %arg19[%dma_start3A_358, %dma_start3A_359] : memref<2x3x!tpu.dma_semaphore, #tpu.memory_space<semaphore_mem>> -> memref<1x1x!tpu.dma_semaphore, #tpu.memory_space<semaphore_mem>>
        %dma_start3A_362 = tpu.memref_squeeze %dma_start3A_361 : memref<1x1x!tpu.dma_semaphore, #tpu.memory_space<semaphore_mem>> -> memref<!tpu.dma_semaphore, #tpu.memory_space<semaphore_mem>>
        %dma_start3A_363 = tpu.memref_slice %arg3[%mul3A_357] : memref<160000xi32, #tpu.memory_space<hbm>> -> memref<8000xi32, #tpu.memory_space<hbm>>
        tpu.enqueue_dma source(%dma_start3A_363 : memref<8000xi32, #tpu.memory_space<hbm>>) target(%arg14 : memref<8000xi32, #tpu.memory_space<vmem>>) target_semaphore(%dma_start3A_362 : memref<!tpu.dma_semaphore, #tpu.memory_space<semaphore_mem>>)
        %dma_start3A_364 = arith.constant 1 : i32
        %dma_start3A_365 = arith.constant 1 : i32
        %dma_start3A_366 = tpu.memref_slice %arg4[%mul3A_357] : memref<160000xf32, #tpu.memory_space<hbm>> -> memref<8000xf32, #tpu.memory_space<hbm>>
        %dma_start3A_367 = tpu.memref_slice %arg19[%dma_start3A_364, %dma_start3A_365] : memref<2x3x!tpu.dma_semaphore, #tpu.memory_space<semaphore_mem>> -> memref<1x1x!tpu.dma_semaphore, #tpu.memory_space<semaphore_mem>>
        %dma_start3A_368 = tpu.memref_squeeze %dma_start3A_367 : memref<1x1x!tpu.dma_semaphore, #tpu.memory_space<semaphore_mem>> -> memref<!tpu.dma_semaphore, #tpu.memory_space<semaphore_mem>>
        %dma_start3A_369 = tpu.memref_slice %arg4[%mul3A_357] : memref<160000xf32, #tpu.memory_space<hbm>> -> memref<8000xf32, #tpu.memory_space<hbm>>
        tpu.enqueue_dma source(%dma_start3A_369 : memref<8000xf32, #tpu.memory_space<hbm>>) target(%arg16 : memref<8000xf32, #tpu.memory_space<vmem>>) target_semaphore(%dma_start3A_368 : memref<!tpu.dma_semaphore, #tpu.memory_space<semaphore_mem>>)
      } else {
      }
      %scan3A_353 = arith.constant 0 : i32
      scf.yield %scan3A_353 : i32
    }
    %scan3A_267 = arith.constant 10 : i32
    %parallel_loop3A_268 = arith.constant 0 : i32
    %parallel_loop3A_269 = arith.constant 640 : i32
    %parallel_loop3A_270 = arith.constant 1 : i32
    scf.for %parallel_loop3A_294 = %parallel_loop3A_268 to %parallel_loop3A_269 step %parallel_loop3A_270  : i32 {
      %parallel_loop3A_295 = arith.constant 16 : i32
      %parallel_loop3A_296 = arith.muli %parallel_loop3A_294, %parallel_loop3A_295 : i32
      %parallel_loop3A_297 = arith.index_cast %parallel_loop3A_296 : i32 to index
      %parallel_loop3A_298 = tpu.vector_load %arg10[%parallel_loop3A_297] {strides = array<i32>} : memref<10240xf32, #tpu.memory_space<vmem>>, vector<16xf32>,
      %parallel_loop3A_299 = arith.index_cast %parallel_loop3A_296 : i32 to index
      %parallel_loop3A_300 = tpu.vector_load %arg7[%parallel_loop3A_299] {strides = array<i32>} : memref<10240xf32, #tpu.memory_space<vmem>>, vector<16xf32>,
      %parallel_loop3A_301 = arith.mulf %parallel_loop3A_298, %parallel_loop3A_300 : vector<16xf32>
      %parallel_loop3A_302 = arith.index_cast %parallel_loop3A_296 : i32 to index
      %parallel_loop3A_303 = tpu.vector_load %arg10[%parallel_loop3A_302] {strides = array<i32>} : memref<10240xf32, #tpu.memory_space<vmem>>, vector<16xf32>,
      tpu.vector_store %arg10[%parallel_loop3A_302], %parallel_loop3A_301 {strides = array<i32>} : memref<10240xf32, #tpu.memory_space<vmem>>, vector<16xf32>,
      %parallel_loop3A_304 = arith.index_cast %parallel_loop3A_296 : i32 to index
      %parallel_loop3A_305 = tpu.vector_load %arg12[%parallel_loop3A_304] {strides = array<i32>} : memref<10240xf32, #tpu.memory_space<vmem>>, vector<16xf32>,
      %parallel_loop3A_306 = arith.index_cast %parallel_loop3A_296 : i32 to index
      %parallel_loop3A_307 = tpu.vector_load %arg8[%parallel_loop3A_306] {strides = array<i32>} : memref<10240xf32, #tpu.memory_space<vmem>>, vector<16xf32>,
      %parallel_loop3A_308 = arith.mulf %parallel_loop3A_305, %parallel_loop3A_307 : vector<16xf32>
      %parallel_loop3A_309 = arith.index_cast %parallel_loop3A_296 : i32 to index
      %parallel_loop3A_310 = tpu.vector_load %arg12[%parallel_loop3A_309] {strides = array<i32>} : memref<10240xf32, #tpu.memory_space<vmem>>, vector<16xf32>,
      tpu.vector_store %arg12[%parallel_loop3A_309], %parallel_loop3A_308 {strides = array<i32>} : memref<10240xf32, #tpu.memory_space<vmem>>, vector<16xf32>,
    } {sc.loop_unroll_factor = 4 : i64, sc.parallel_access}
    %dma_wait3A = arith.constant 0 : i32
    %dma_wait3A_271 = arith.constant 0 : i32
    %dma_wait3A_272 = arith.constant 2 : i32
    %dma_wait3A_273 = arith.constant 0 : i32
    %dma_wait3A_274 = tpu.memref_slice %arg5[%dma_wait3A, %add3A, %dma_wait3A_273] : memref<4x32x10240xf32, #tpu.memory_space<hbm>> -> memref<1x1x10240xf32, #tpu.memory_space<hbm>>
    %dma_wait3A_275 = tpu.memref_squeeze %dma_wait3A_274 : memref<1x1x10240xf32, #tpu.memory_space<hbm>> -> memref<10240xf32, #tpu.memory_space<hbm>>
    %dma_wait3A_276 = tpu.memref_slice %arg19[%dma_wait3A_271, %dma_wait3A_272] : memref<2x3x!tpu.dma_semaphore, #tpu.memory_space<semaphore_mem>> -> memref<1x1x!tpu.dma_semaphore, #tpu.memory_space<semaphore_mem>>
    %dma_wait3A_277 = tpu.memref_squeeze %dma_wait3A_276 : memref<1x1x!tpu.dma_semaphore, #tpu.memory_space<semaphore_mem>> -> memref<!tpu.dma_semaphore, #tpu.memory_space<semaphore_mem>>
    %dma_wait3A_278 = arith.constant 0 : i32
    %dma_wait3A_279 = tpu.memref_slice %arg5[%dma_wait3A, %add3A, %dma_wait3A_278] : memref<4x32x10240xf32, #tpu.memory_space<hbm>> -> memref<1x1x10240xf32, #tpu.memory_space<hbm>>
    %dma_wait3A_280 = tpu.memref_squeeze %dma_wait3A_279 : memref<1x1x10240xf32, #tpu.memory_space<hbm>> -> memref<10240xf32, #tpu.memory_space<hbm>>
    tpu.wait_dma2 semaphore(%dma_wait3A_277 : memref<!tpu.dma_semaphore, #tpu.memory_space<semaphore_mem>>) src(%arg9 : memref<10240xf32, #tpu.memory_space<vmem>>) dst(%dma_wait3A_280 : memref<10240xf32, #tpu.memory_space<hbm>>)
    %dma_wait3A_281 = arith.constant 2 : i32
    %dma_wait3A_282 = arith.constant 1 : i32
    %dma_wait3A_283 = arith.constant 2 : i32
    %dma_wait3A_284 = arith.constant 0 : i32
    %dma_wait3A_285 = tpu.memref_slice %arg5[%dma_wait3A_281, %add3A, %dma_wait3A_284] : memref<4x32x10240xf32, #tpu.memory_space<hbm>> -> memref<1x1x10240xf32, #tpu.memory_space<hbm>>
    %dma_wait3A_286 = tpu.memref_squeeze %dma_wait3A_285 : memref<1x1x10240xf32, #tpu.memory_space<hbm>> -> memref<10240xf32, #tpu.memory_space<hbm>>
    %dma_wait3A_287 = tpu.memref_slice %arg19[%dma_wait3A_282, %dma_wait3A_283] : memref<2x3x!tpu.dma_semaphore, #tpu.memory_space<semaphore_mem>> -> memref<1x1x!tpu.dma_semaphore, #tpu.memory_space<semaphore_mem>>
    %dma_wait3A_288 = tpu.memref_squeeze %dma_wait3A_287 : memref<1x1x!tpu.dma_semaphore, #tpu.memory_space<semaphore_mem>> -> memref<!tpu.dma_semaphore, #tpu.memory_space<semaphore_mem>>
    %dma_wait3A_289 = arith.constant 0 : i32
    %dma_wait3A_290 = tpu.memref_slice %arg5[%dma_wait3A_281, %add3A, %dma_wait3A_289] : memref<4x32x10240xf32, #tpu.memory_space<hbm>> -> memref<1x1x10240xf32, #tpu.memory_space<hbm>>
    %dma_wait3A_291 = tpu.memref_squeeze %dma_wait3A_290 : memref<1x1x10240xf32, #tpu.memory_space<hbm>> -> memref<10240xf32, #tpu.memory_space<hbm>>
    tpu.wait_dma2 semaphore(%dma_wait3A_288 : memref<!tpu.dma_semaphore, #tpu.memory_space<semaphore_mem>>) src(%arg11 : memref<10240xf32, #tpu.memory_space<vmem>>) dst(%dma_wait3A_291 : memref<10240xf32, #tpu.memory_space<hbm>>)
    %run_scoped3A_292 = arith.constant 1 : i32
    "tpu.region"() ({
      %run_scoped3A_294 = tpu.sem_alloc : memref<!tpu.dma_semaphore, #tpu.memory_space<semaphore_mem>>
      %dma_start3A_295 = arith.constant 0 : i32
      %dma_start3A_296 = tpu.memref_slice %arg5[%run_scoped3A_292, %add3A, %dma_start3A_295] : memref<4x32x10240xf32, #tpu.memory_space<hbm>> -> memref<1x1x10240xf32, #tpu.memory_space<hbm>>
      %dma_start3A_297 = tpu.memref_squeeze %dma_start3A_296 : memref<1x1x10240xf32, #tpu.memory_space<hbm>> -> memref<10240xf32, #tpu.memory_space<hbm>>
      %dma_start3A_298 = arith.constant 0 : i32
      %dma_start3A_299 = tpu.memref_slice %arg5[%run_scoped3A_292, %add3A, %dma_start3A_298] : memref<4x32x10240xf32, #tpu.memory_space<hbm>> -> memref<1x1x10240xf32, #tpu.memory_space<hbm>>
      %dma_start3A_300 = tpu.memref_squeeze %dma_start3A_299 : memref<1x1x10240xf32, #tpu.memory_space<hbm>> -> memref<10240xf32, #tpu.memory_space<hbm>>
      tpu.enqueue_dma source(%arg10 : memref<10240xf32, #tpu.memory_space<vmem>>) target(%dma_start3A_300 : memref<10240xf32, #tpu.memory_space<hbm>>) target_semaphore(%run_scoped3A_294 : memref<!tpu.dma_semaphore, #tpu.memory_space<semaphore_mem>>)
      %dma_wait3A_301 = arith.constant 0 : i32
      %dma_wait3A_302 = tpu.memref_slice %arg5[%run_scoped3A_292, %add3A, %dma_wait3A_301] : memref<4x32x10240xf32, #tpu.memory_space<hbm>> -> memref<1x1x10240xf32, #tpu.memory_space<hbm>>
      %dma_wait3A_303 = tpu.memref_squeeze %dma_wait3A_302 : memref<1x1x10240xf32, #tpu.memory_space<hbm>> -> memref<10240xf32, #tpu.memory_space<hbm>>
      %dma_wait3A_304 = arith.constant 0 : i32
      %dma_wait3A_305 = tpu.memref_slice %arg5[%run_scoped3A_292, %add3A, %dma_wait3A_304] : memref<4x32x10240xf32, #tpu.memory_space<hbm>> -> memref<1x1x10240xf32, #tpu.memory_space<hbm>>
      %dma_wait3A_306 = tpu.memref_squeeze %dma_wait3A_305 : memref<1x1x10240xf32, #tpu.memory_space<hbm>> -> memref<10240xf32, #tpu.memory_space<hbm>>
      tpu.wait_dma2 semaphore(%run_scoped3A_294 : memref<!tpu.dma_semaphore, #tpu.memory_space<semaphore_mem>>) src(%arg10 : memref<10240xf32, #tpu.memory_space<vmem>>) dst(%dma_wait3A_306 : memref<10240xf32, #tpu.memory_space<hbm>>)
      tpu.yield
    }) : () -> ()
    %run_scoped3A_293 = arith.constant 3 : i32
    "tpu.region"() ({
      %run_scoped3A_294 = tpu.sem_alloc : memref<!tpu.dma_semaphore, #tpu.memory_space<semaphore_mem>>
      %dma_start3A_295 = arith.constant 0 : i32
      %dma_start3A_296 = tpu.memref_slice %arg5[%run_scoped3A_293, %add3A, %dma_start3A_295] : memref<4x32x10240xf32, #tpu.memory_space<hbm>> -> memref<1x1x10240xf32, #tpu.memory_space<hbm>>
      %dma_start3A_297 = tpu.memref_squeeze %dma_start3A_296 : memref<1x1x10240xf32, #tpu.memory_space<hbm>> -> memref<10240xf32, #tpu.memory_space<hbm>>
      %dma_start3A_298 = arith.constant 0 : i32
      %dma_start3A_299 = tpu.memref_slice %arg5[%run_scoped3A_293, %add3A, %dma_start3A_298] : memref<4x32x10240xf32, #tpu.memory_space<hbm>> -> memref<1x1x10240xf32, #tpu.memory_space<hbm>>
      %dma_start3A_300 = tpu.memref_squeeze %dma_start3A_299 : memref<1x1x10240xf32, #tpu.memory_space<hbm>> -> memref<10240xf32, #tpu.memory_space<hbm>>
      tpu.enqueue_dma source(%arg12 : memref<10240xf32, #tpu.memory_space<vmem>>) target(%dma_start3A_300 : memref<10240xf32, #tpu.memory_space<hbm>>) target_semaphore(%run_scoped3A_294 : memref<!tpu.dma_semaphore, #tpu.memory_space<semaphore_mem>>)
      %dma_wait3A_301 = arith.constant 0 : i32
      %dma_wait3A_302 = tpu.memref_slice %arg5[%run_scoped3A_293, %add3A, %dma_wait3A_301] : memref<4x32x10240xf32, #tpu.memory_space<hbm>> -> memref<1x1x10240xf32, #tpu.memory_space<hbm>>
      %dma_wait3A_303 = tpu.memref_squeeze %dma_wait3A_302 : memref<1x1x10240xf32, #tpu.memory_space<hbm>> -> memref<10240xf32, #tpu.memory_space<hbm>>
      %dma_wait3A_304 = arith.constant 0 : i32
      %dma_wait3A_305 = tpu.memref_slice %arg5[%run_scoped3A_293, %add3A, %dma_wait3A_304] : memref<4x32x10240xf32, #tpu.memory_space<hbm>> -> memref<1x1x10240xf32, #tpu.memory_space<hbm>>
      %dma_wait3A_306 = tpu.memref_squeeze %dma_wait3A_305 : memref<1x1x10240xf32, #tpu.memory_space<hbm>> -> memref<10240xf32, #tpu.memory_space<hbm>>
      tpu.wait_dma2 semaphore(%run_scoped3A_294 : memref<!tpu.dma_semaphore, #tpu.memory_space<semaphore_mem>>) src(%arg12 : memref<10240xf32, #tpu.memory_space<vmem>>) dst(%dma_wait3A_306 : memref<10240xf32, #tpu.memory_space<hbm>>)
      tpu.yield
    }) : () -> ()
    return
  }
}

module attributes {stable_mosaic.version = 14 : i64} {
  func.func @_pre_body(%arg0: i32, %arg1: memref<3x2048xf32, #tpu.memory_space<vmem>>, %arg2: memref<32x1xf32, #tpu.memory_space<vmem>>, %arg3: memref<32x1xf32, #tpu.memory_space<vmem>>, %arg4: memref<32x32xf32, #tpu.memory_space<vmem>>, %arg5: memref<32x32xf32, #tpu.memory_space<vmem>>, %arg6: memref<32x1xf32, #tpu.memory_space<vmem>>, %arg7: memref<32x32xf32, #tpu.memory_space<vmem>>, %arg8: memref<32x32xf32, #tpu.memory_space<vmem>>, %arg9: memref<32x1xf32, #tpu.memory_space<vmem>>, %arg10: memref<32x32xf32, #tpu.memory_space<vmem>>, %arg11: memref<32x1xf32, #tpu.memory_space<vmem>>, %arg12: memref<32x2048xf32, #tpu.memory_space<vmem>>, %arg13: memref<32x2048xf32, #tpu.memory_space<vmem>>) attributes {dimension_semantics = [#tpu.dimension_semantics<arbitrary>], iteration_bounds = array<i64: 5>, scalar_prefetch = 0 : i64, scratch_operands = 0 : i64, tpu.core_type = #tpu.core_type<tc>, window_params = [{transform_indices = @transform_0, window_bounds = array<i64: 3, 2048>}, {pipeline_mode = #tpu.pipeline_mode<synchronous>, transform_indices = @transform_1, window_bounds = array<i64: 32, 1>}, {pipeline_mode = #tpu.pipeline_mode<synchronous>, transform_indices = @transform_2, window_bounds = array<i64: 32, 1>}, {pipeline_mode = #tpu.pipeline_mode<synchronous>, transform_indices = @transform_3, window_bounds = array<i64: 32, 32>}, {pipeline_mode = #tpu.pipeline_mode<synchronous>, transform_indices = @transform_4, window_bounds = array<i64: 32, 32>}, {pipeline_mode = #tpu.pipeline_mode<synchronous>, transform_indices = @transform_5, window_bounds = array<i64: 32, 1>}, {pipeline_mode = #tpu.pipeline_mode<synchronous>, transform_indices = @transform_6, window_bounds = array<i64: 32, 32>}, {pipeline_mode = #tpu.pipeline_mode<synchronous>, transform_indices = @transform_7, window_bounds = array<i64: 32, 32>}, {pipeline_mode = #tpu.pipeline_mode<synchronous>, transform_indices = @transform_8, window_bounds = array<i64: 32, 1>}, {pipeline_mode = #tpu.pipeline_mode<synchronous>, transform_indices = @transform_9, window_bounds = array<i64: 32, 32>}, {pipeline_mode = #tpu.pipeline_mode<synchronous>, transform_indices = @transform_10, window_bounds = array<i64: 32, 1>}, {transform_indices = @transform_11, window_bounds = array<i64: 32, 2048>}, {transform_indices = @transform_12, window_bounds = array<i64: 32, 2048>}]} {
    %get3A = arith.constant 0 : index
    %get3A_0 = arith.constant 0 : index
    %get3A_1 = vector.load %arg1[%get3A, %get3A_0] : memref<3x2048xf32, #tpu.memory_space<vmem>>, vector<3x2048xf32>
    %get3A_2 = arith.constant 0 : index
    %get3A_3 = arith.constant 0 : index
    %get3A_4 = vector.load %arg2[%get3A_2, %get3A_3] : memref<32x1xf32, #tpu.memory_space<vmem>>, vector<32x1xf32>
    %get3A_5 = arith.constant 0 : index
    %get3A_6 = arith.constant 0 : index
    %get3A_7 = vector.load %arg3[%get3A_5, %get3A_6] : memref<32x1xf32, #tpu.memory_space<vmem>>, vector<32x1xf32>
    %slice3A = vector.extract_strided_slice %get3A_1 {offsets = [0, 0], sizes = [1, 2048], strides = [1, 1]} : vector<3x2048xf32> to vector<1x2048xf32>
    %squeeze3A = vector.shape_cast %slice3A : vector<1x2048xf32> to vector<2048xf32>
    %broadcast_in_dim3A = vector.shape_cast %squeeze3A : vector<2048xf32> to vector<1x2048xf32>
    %mul3A = vector.broadcast %get3A_4 : vector<32x1xf32> to vector<32x2048xf32>
    %mul3A_8 = vector.broadcast %broadcast_in_dim3A : vector<1x2048xf32> to vector<32x2048xf32>
    %mul3A_9 = arith.mulf %mul3A, %mul3A_8 : vector<32x2048xf32>
    %add3A = vector.broadcast %get3A_7 : vector<32x1xf32> to vector<32x2048xf32>
    %add3A_10 = arith.addf %mul3A_9, %add3A : vector<32x2048xf32>
    %slice3A_11 = vector.extract_strided_slice %get3A_1 {offsets = [1, 0], sizes = [1, 2048], strides = [1, 1]} : vector<3x2048xf32> to vector<1x2048xf32>
    %squeeze3A_12 = vector.shape_cast %slice3A_11 : vector<1x2048xf32> to vector<2048xf32>
    %broadcast_in_dim3A_13 = vector.shape_cast %squeeze3A_12 : vector<2048xf32> to vector<1x2048xf32>
    %mul3A_14 = vector.broadcast %get3A_4 : vector<32x1xf32> to vector<32x2048xf32>
    %mul3A_15 = vector.broadcast %broadcast_in_dim3A_13 : vector<1x2048xf32> to vector<32x2048xf32>
    %mul3A_16 = arith.mulf %mul3A_14, %mul3A_15 : vector<32x2048xf32>
    %add3A_17 = vector.broadcast %get3A_7 : vector<32x1xf32> to vector<32x2048xf32>
    %add3A_18 = arith.addf %mul3A_16, %add3A_17 : vector<32x2048xf32>
    %slice3A_19 = vector.extract_strided_slice %get3A_1 {offsets = [2, 0], sizes = [1, 2048], strides = [1, 1]} : vector<3x2048xf32> to vector<1x2048xf32>
    %squeeze3A_20 = vector.shape_cast %slice3A_19 : vector<1x2048xf32> to vector<2048xf32>
    %broadcast_in_dim3A_21 = vector.shape_cast %squeeze3A_20 : vector<2048xf32> to vector<1x2048xf32>
    %mul3A_22 = vector.broadcast %get3A_4 : vector<32x1xf32> to vector<32x2048xf32>
    %mul3A_23 = vector.broadcast %broadcast_in_dim3A_21 : vector<1x2048xf32> to vector<32x2048xf32>
    %mul3A_24 = arith.mulf %mul3A_22, %mul3A_23 : vector<32x2048xf32>
    %add3A_25 = vector.broadcast %get3A_7 : vector<32x1xf32> to vector<32x2048xf32>
    %add3A_26 = arith.addf %mul3A_24, %add3A_25 : vector<32x2048xf32>
    %get3A_27 = arith.constant 0 : index
    %get3A_28 = arith.constant 0 : index
    %get3A_29 = vector.load %arg6[%get3A_27, %get3A_28] : memref<32x1xf32, #tpu.memory_space<vmem>>, vector<32x1xf32>
    %get3A_30 = arith.constant 0 : index
    %get3A_31 = arith.constant 0 : index
    %get3A_32 = vector.load %arg4[%get3A_30, %get3A_31] : memref<32x32xf32, #tpu.memory_space<vmem>>, vector<32x32xf32>
    %dot_general3A = arith.constant dense<0.000000e+00> : vector<32x2048xf32>
    %dot_general3A_33 = tpu.matmul %get3A_32, %add3A_10, %dot_general3A {dimension_numbers = #tpu.dot_dimension_numbers<[0], [0], [1], [1], [0, 1, 1, 1], [], []>, transpose_lhs_hint = false} : vector<32x32xf32>, vector<32x2048xf32>, vector<32x2048xf32> -> vector<32x2048xf32>
    %get3A_34 = arith.constant 0 : index
    %get3A_35 = arith.constant 0 : index
    %get3A_36 = vector.load %arg5[%get3A_34, %get3A_35] : memref<32x32xf32, #tpu.memory_space<vmem>>, vector<32x32xf32>
    %dot_general3A_37 = arith.constant dense<0.000000e+00> : vector<32x2048xf32>
    %dot_general3A_38 = tpu.matmul %get3A_36, %add3A_18, %dot_general3A_37 {dimension_numbers = #tpu.dot_dimension_numbers<[0], [0], [1], [1], [0, 1, 1, 1], [], []>, transpose_lhs_hint = false} : vector<32x32xf32>, vector<32x2048xf32>, vector<32x2048xf32> -> vector<32x2048xf32>
    %add3A_39 = arith.addf %dot_general3A_33, %dot_general3A_38 : vector<32x2048xf32>
    %add3A_40 = vector.broadcast %get3A_29 : vector<32x1xf32> to vector<32x2048xf32>
    %add3A_41 = arith.addf %add3A_39, %add3A_40 : vector<32x2048xf32>
    %max3A = arith.constant 0.000000e+00 : f32
    %max3A_42 = vector.broadcast %max3A : f32 to vector<32x2048xf32>
    %max3A_43 = arith.maximumf %add3A_41, %max3A_42 : vector<32x2048xf32>
    %get3A_44 = arith.constant 0 : index
    %get3A_45 = arith.constant 0 : index
    %get3A_46 = vector.load %arg4[%get3A_44, %get3A_45] : memref<32x32xf32, #tpu.memory_space<vmem>>, vector<32x32xf32>
    %dot_general3A_47 = arith.constant dense<0.000000e+00> : vector<32x2048xf32>
    %dot_general3A_48 = tpu.matmul %get3A_46, %add3A_18, %dot_general3A_47 {dimension_numbers = #tpu.dot_dimension_numbers<[0], [0], [1], [1], [0, 1, 1, 1], [], []>, transpose_lhs_hint = false} : vector<32x32xf32>, vector<32x2048xf32>, vector<32x2048xf32> -> vector<32x2048xf32>
    %get3A_49 = arith.constant 0 : index
    %get3A_50 = arith.constant 0 : index
    %get3A_51 = vector.load %arg5[%get3A_49, %get3A_50] : memref<32x32xf32, #tpu.memory_space<vmem>>, vector<32x32xf32>
    %dot_general3A_52 = arith.constant dense<0.000000e+00> : vector<32x2048xf32>
    %dot_general3A_53 = tpu.matmul %get3A_51, %add3A_26, %dot_general3A_52 {dimension_numbers = #tpu.dot_dimension_numbers<[0], [0], [1], [1], [0, 1, 1, 1], [], []>, transpose_lhs_hint = false} : vector<32x32xf32>, vector<32x2048xf32>, vector<32x2048xf32> -> vector<32x2048xf32>
    %add3A_54 = arith.addf %dot_general3A_48, %dot_general3A_53 : vector<32x2048xf32>
    %add3A_55 = vector.broadcast %get3A_29 : vector<32x1xf32> to vector<32x2048xf32>
    %add3A_56 = arith.addf %add3A_54, %add3A_55 : vector<32x2048xf32>
    %max3A_57 = arith.constant 0.000000e+00 : f32
    %max3A_58 = vector.broadcast %max3A_57 : f32 to vector<32x2048xf32>
    %max3A_59 = arith.maximumf %add3A_56, %max3A_58 : vector<32x2048xf32>
    %get3A_60 = arith.constant 0 : index
    %get3A_61 = arith.constant 0 : index
    %get3A_62 = vector.load %arg7[%get3A_60, %get3A_61] : memref<32x32xf32, #tpu.memory_space<vmem>>, vector<32x32xf32>
    %dot_general3A_63 = arith.constant dense<0.000000e+00> : vector<32x2048xf32>
    %dot_general3A_64 = tpu.matmul %get3A_62, %max3A_43, %dot_general3A_63 {dimension_numbers = #tpu.dot_dimension_numbers<[0], [0], [1], [1], [0, 1, 1, 1], [], []>, transpose_lhs_hint = false} : vector<32x32xf32>, vector<32x2048xf32>, vector<32x2048xf32> -> vector<32x2048xf32>
    %get3A_65 = arith.constant 0 : index
    %get3A_66 = arith.constant 0 : index
    %get3A_67 = vector.load %arg8[%get3A_65, %get3A_66] : memref<32x32xf32, #tpu.memory_space<vmem>>, vector<32x32xf32>
    %dot_general3A_68 = arith.constant dense<0.000000e+00> : vector<32x2048xf32>
    %dot_general3A_69 = tpu.matmul %get3A_67, %max3A_59, %dot_general3A_68 {dimension_numbers = #tpu.dot_dimension_numbers<[0], [0], [1], [1], [0, 1, 1, 1], [], []>, transpose_lhs_hint = false} : vector<32x32xf32>, vector<32x2048xf32>, vector<32x2048xf32> -> vector<32x2048xf32>
    %add3A_70 = arith.addf %dot_general3A_64, %dot_general3A_69 : vector<32x2048xf32>
    %get3A_71 = arith.constant 0 : index
    %get3A_72 = arith.constant 0 : index
    %get3A_73 = vector.load %arg9[%get3A_71, %get3A_72] : memref<32x1xf32, #tpu.memory_space<vmem>>, vector<32x1xf32>
    %add3A_74 = vector.broadcast %get3A_73 : vector<32x1xf32> to vector<32x2048xf32>
    %add3A_75 = arith.addf %add3A_70, %add3A_74 : vector<32x2048xf32>
    %max3A_76 = arith.constant 0.000000e+00 : f32
    %max3A_77 = vector.broadcast %max3A_76 : f32 to vector<32x2048xf32>
    %max3A_78 = arith.maximumf %add3A_75, %max3A_77 : vector<32x2048xf32>
    %swap3A = arith.constant 0 : index
    %swap3A_79 = arith.constant 0 : index
    %swap3A_80 = vector.load %arg12[%swap3A, %swap3A_79] : memref<32x2048xf32, #tpu.memory_space<vmem>>, vector<32x2048xf32>
    tpu.vector_store %arg12[%swap3A, %swap3A_79], %max3A_78 {strides = array<i32>} : memref<32x2048xf32, #tpu.memory_space<vmem>>, vector<32x2048xf32>,
    %get3A_81 = arith.constant 0 : index
    %get3A_82 = arith.constant 0 : index
    %get3A_83 = vector.load %arg10[%get3A_81, %get3A_82] : memref<32x32xf32, #tpu.memory_space<vmem>>, vector<32x32xf32>
    %dot_general3A_84 = arith.constant dense<0.000000e+00> : vector<32x2048xf32>
    %dot_general3A_85 = tpu.matmul %get3A_83, %add3A_26, %dot_general3A_84 {dimension_numbers = #tpu.dot_dimension_numbers<[0], [0], [1], [1], [0, 1, 1, 1], [], []>, transpose_lhs_hint = false} : vector<32x32xf32>, vector<32x2048xf32>, vector<32x2048xf32> -> vector<32x2048xf32>
    %add3A_86 = arith.addf %add3A_26, %dot_general3A_85 : vector<32x2048xf32>
    %get3A_87 = arith.constant 0 : index
    %get3A_88 = arith.constant 0 : index
    %get3A_89 = vector.load %arg11[%get3A_87, %get3A_88] : memref<32x1xf32, #tpu.memory_space<vmem>>, vector<32x1xf32>
    %add3A_90 = vector.broadcast %get3A_89 : vector<32x1xf32> to vector<32x2048xf32>
    %add3A_91 = arith.addf %add3A_86, %add3A_90 : vector<32x2048xf32>
    %swap3A_92 = arith.constant 0 : index
    %swap3A_93 = arith.constant 0 : index
    %swap3A_94 = vector.load %arg13[%swap3A_92, %swap3A_93] : memref<32x2048xf32, #tpu.memory_space<vmem>>, vector<32x2048xf32>
    tpu.vector_store %arg13[%swap3A_92, %swap3A_93], %add3A_91 {strides = array<i32>} : memref<32x2048xf32, #tpu.memory_space<vmem>>, vector<32x2048xf32>,
    return
  }
  func.func @transform_0(%arg0: i32) -> (i32, i32) {
    %c0_i32 = arith.constant 0 : i32
    %c0_i32_0 = arith.constant 0 : i32
    return %c0_i32, %arg0 : i32, i32
  }
  func.func @transform_1(%arg0: i32) -> (i32, i32) {
    %c0_i32 = arith.constant 0 : i32
    %c0_i32_0 = arith.constant 0 : i32
    %c0_i32_1 = arith.constant 0 : i32
    return %c0_i32, %c0_i32_0 : i32, i32
  }
  func.func @transform_2(%arg0: i32) -> (i32, i32) {
    %c0_i32 = arith.constant 0 : i32
    %c0_i32_0 = arith.constant 0 : i32
    %c0_i32_1 = arith.constant 0 : i32
    return %c0_i32, %c0_i32_0 : i32, i32
  }
  func.func @transform_3(%arg0: i32) -> (i32, i32) {
    %c0_i32 = arith.constant 0 : i32
    %c0_i32_0 = arith.constant 0 : i32
    %c0_i32_1 = arith.constant 0 : i32
    return %c0_i32, %c0_i32_0 : i32, i32
  }
  func.func @transform_4(%arg0: i32) -> (i32, i32) {
    %c0_i32 = arith.constant 0 : i32
    %c0_i32_0 = arith.constant 0 : i32
    %c0_i32_1 = arith.constant 0 : i32
    return %c0_i32, %c0_i32_0 : i32, i32
  }
  func.func @transform_5(%arg0: i32) -> (i32, i32) {
    %c0_i32 = arith.constant 0 : i32
    %c0_i32_0 = arith.constant 0 : i32
    %c0_i32_1 = arith.constant 0 : i32
    return %c0_i32, %c0_i32_0 : i32, i32
  }
  func.func @transform_6(%arg0: i32) -> (i32, i32) {
    %c0_i32 = arith.constant 0 : i32
    %c0_i32_0 = arith.constant 0 : i32
    %c0_i32_1 = arith.constant 0 : i32
    return %c0_i32, %c0_i32_0 : i32, i32
  }
  func.func @transform_7(%arg0: i32) -> (i32, i32) {
    %c0_i32 = arith.constant 0 : i32
    %c0_i32_0 = arith.constant 0 : i32
    %c0_i32_1 = arith.constant 0 : i32
    return %c0_i32, %c0_i32_0 : i32, i32
  }
  func.func @transform_8(%arg0: i32) -> (i32, i32) {
    %c0_i32 = arith.constant 0 : i32
    %c0_i32_0 = arith.constant 0 : i32
    %c0_i32_1 = arith.constant 0 : i32
    return %c0_i32, %c0_i32_0 : i32, i32
  }
  func.func @transform_9(%arg0: i32) -> (i32, i32) {
    %c0_i32 = arith.constant 0 : i32
    %c0_i32_0 = arith.constant 0 : i32
    %c0_i32_1 = arith.constant 0 : i32
    return %c0_i32, %c0_i32_0 : i32, i32
  }
  func.func @transform_10(%arg0: i32) -> (i32, i32) {
    %c0_i32 = arith.constant 0 : i32
    %c0_i32_0 = arith.constant 0 : i32
    %c0_i32_1 = arith.constant 0 : i32
    return %c0_i32, %c0_i32_0 : i32, i32
  }
  func.func @transform_11(%arg0: i32) -> (i32, i32) {
    %c0_i32 = arith.constant 0 : i32
    %c0_i32_0 = arith.constant 0 : i32
    return %c0_i32, %arg0 : i32, i32
  }
  func.func @transform_12(%arg0: i32) -> (i32, i32) {
    %c0_i32 = arith.constant 0 : i32
    %c0_i32_0 = arith.constant 0 : i32
    return %c0_i32, %arg0 : i32, i32
  }
}

module attributes {stable_mosaic.version = 14 : i64} {
  func.func @_post_body(%arg0: i32, %arg1: memref<32x2048xf32, #tpu.memory_space<vmem>>, %arg2: memref<4x32x2048xf32, #tpu.memory_space<vmem>>, %arg3: memref<32x2048xf32, #tpu.memory_space<vmem>>, %arg4: memref<160x32xf32, #tpu.memory_space<vmem>>, %arg5: memref<32x1xf32, #tpu.memory_space<vmem>>, %arg6: memref<32x256xf32, #tpu.memory_space<vmem>>, %arg7: memref<256x1xf32, #tpu.memory_space<vmem>>, %arg8: memref<256x12xf32, #tpu.memory_space<vmem>>, %arg9: memref<12x1xf32, #tpu.memory_space<vmem>>, %arg10: memref<12x2048xf32, #tpu.memory_space<vmem>>) attributes {dimension_semantics = [#tpu.dimension_semantics<arbitrary>], iteration_bounds = array<i64: 5>, scalar_prefetch = 0 : i64, scratch_operands = 0 : i64, tpu.core_type = #tpu.core_type<tc>, window_params = [{transform_indices = @transform_0, window_bounds = array<i64: 32, 2048>}, {transform_indices = @transform_1, window_bounds = array<i64: 4, 32, 2048>}, {transform_indices = @transform_2, window_bounds = array<i64: 32, 2048>}, {pipeline_mode = #tpu.pipeline_mode<synchronous>, transform_indices = @transform_3, window_bounds = array<i64: 160, 32>}, {pipeline_mode = #tpu.pipeline_mode<synchronous>, transform_indices = @transform_4, window_bounds = array<i64: 32, 1>}, {pipeline_mode = #tpu.pipeline_mode<synchronous>, transform_indices = @transform_5, window_bounds = array<i64: 32, 256>}, {pipeline_mode = #tpu.pipeline_mode<synchronous>, transform_indices = @transform_6, window_bounds = array<i64: 256, 1>}, {pipeline_mode = #tpu.pipeline_mode<synchronous>, transform_indices = @transform_7, window_bounds = array<i64: 256, 12>}, {pipeline_mode = #tpu.pipeline_mode<synchronous>, transform_indices = @transform_8, window_bounds = array<i64: 12, 1>}, {transform_indices = @transform_9, window_bounds = array<i64: 12, 2048>}]} {
    %get3A = arith.constant 0 : index
    %get3A_0 = arith.constant 0 : index
    %get3A_1 = vector.load %arg4[%get3A, %get3A_0] : memref<160x32xf32, #tpu.memory_space<vmem>>, vector<160x32xf32>
    %slice3A = vector.extract_strided_slice %get3A_1 {offsets = [0, 0], sizes = [32, 32], strides = [1, 1]} : vector<160x32xf32> to vector<32x32xf32>
    %get3A_2 = arith.constant 0 : index
    %get3A_3 = arith.constant 0 : index
    %get3A_4 = vector.load %arg1[%get3A_2, %get3A_3] : memref<32x2048xf32, #tpu.memory_space<vmem>>, vector<32x2048xf32>
    %dot_general3A = arith.constant dense<0.000000e+00> : vector<32x2048xf32>
    %dot_general3A_5 = tpu.matmul %slice3A, %get3A_4, %dot_general3A {dimension_numbers = #tpu.dot_dimension_numbers<[0], [0], [1], [1], [0, 1, 1, 1], [], []>, transpose_lhs_hint = false} : vector<32x32xf32>, vector<32x2048xf32>, vector<32x2048xf32> -> vector<32x2048xf32>
    %get3A_6 = arith.constant 0 : index
    %get3A_7 = arith.constant 0 : index
    %get3A_8 = vector.load %arg5[%get3A_6, %get3A_7] : memref<32x1xf32, #tpu.memory_space<vmem>>, vector<32x1xf32>
    %add3A = vector.broadcast %get3A_8 : vector<32x1xf32> to vector<32x2048xf32>
    %add3A_9 = arith.addf %dot_general3A_5, %add3A : vector<32x2048xf32>
    %get3A_10 = arith.constant 0 : index
    %get3A_11 = arith.constant 0 : index
    %get3A_12 = arith.constant 0 : index
    %get3A_13 = vector.load %arg2[%get3A_10, %get3A_11, %get3A_12] : memref<4x32x2048xf32, #tpu.memory_space<vmem>>, vector<4x32x2048xf32>
    %slice3A_14 = vector.extract_strided_slice %get3A_1 {offsets = [32, 0], sizes = [32, 32], strides = [1, 1]} : vector<160x32xf32> to vector<32x32xf32>
    %slice3A_15 = vector.extract_strided_slice %get3A_13 {offsets = [0, 0, 0], sizes = [1, 32, 2048], strides = [1, 1, 1]} : vector<4x32x2048xf32> to vector<1x32x2048xf32>
    %squeeze3A = vector.shape_cast %slice3A_15 : vector<1x32x2048xf32> to vector<32x2048xf32>
    %dot_general3A_16 = arith.constant dense<0.000000e+00> : vector<32x2048xf32>
    %dot_general3A_17 = tpu.matmul %slice3A_14, %squeeze3A, %dot_general3A_16 {dimension_numbers = #tpu.dot_dimension_numbers<[0], [0], [1], [1], [0, 1, 1, 1], [], []>, transpose_lhs_hint = false} : vector<32x32xf32>, vector<32x2048xf32>, vector<32x2048xf32> -> vector<32x2048xf32>
    %add3A_18 = arith.addf %add3A_9, %dot_general3A_17 : vector<32x2048xf32>
    %slice3A_19 = vector.extract_strided_slice %get3A_1 {offsets = [64, 0], sizes = [32, 32], strides = [1, 1]} : vector<160x32xf32> to vector<32x32xf32>
    %slice3A_20 = vector.extract_strided_slice %get3A_13 {offsets = [1, 0, 0], sizes = [1, 32, 2048], strides = [1, 1, 1]} : vector<4x32x2048xf32> to vector<1x32x2048xf32>
    %squeeze3A_21 = vector.shape_cast %slice3A_20 : vector<1x32x2048xf32> to vector<32x2048xf32>
    %dot_general3A_22 = arith.constant dense<0.000000e+00> : vector<32x2048xf32>
    %dot_general3A_23 = tpu.matmul %slice3A_19, %squeeze3A_21, %dot_general3A_22 {dimension_numbers = #tpu.dot_dimension_numbers<[0], [0], [1], [1], [0, 1, 1, 1], [], []>, transpose_lhs_hint = false} : vector<32x32xf32>, vector<32x2048xf32>, vector<32x2048xf32> -> vector<32x2048xf32>
    %add3A_24 = arith.addf %add3A_18, %dot_general3A_23 : vector<32x2048xf32>
    %slice3A_25 = vector.extract_strided_slice %get3A_1 {offsets = [96, 0], sizes = [32, 32], strides = [1, 1]} : vector<160x32xf32> to vector<32x32xf32>
    %slice3A_26 = vector.extract_strided_slice %get3A_13 {offsets = [2, 0, 0], sizes = [1, 32, 2048], strides = [1, 1, 1]} : vector<4x32x2048xf32> to vector<1x32x2048xf32>
    %squeeze3A_27 = vector.shape_cast %slice3A_26 : vector<1x32x2048xf32> to vector<32x2048xf32>
    %dot_general3A_28 = arith.constant dense<0.000000e+00> : vector<32x2048xf32>
    %dot_general3A_29 = tpu.matmul %slice3A_25, %squeeze3A_27, %dot_general3A_28 {dimension_numbers = #tpu.dot_dimension_numbers<[0], [0], [1], [1], [0, 1, 1, 1], [], []>, transpose_lhs_hint = false} : vector<32x32xf32>, vector<32x2048xf32>, vector<32x2048xf32> -> vector<32x2048xf32>
    %add3A_30 = arith.addf %add3A_24, %dot_general3A_29 : vector<32x2048xf32>
    %slice3A_31 = vector.extract_strided_slice %get3A_1 {offsets = [128, 0], sizes = [32, 32], strides = [1, 1]} : vector<160x32xf32> to vector<32x32xf32>
    %slice3A_32 = vector.extract_strided_slice %get3A_13 {offsets = [3, 0, 0], sizes = [1, 32, 2048], strides = [1, 1, 1]} : vector<4x32x2048xf32> to vector<1x32x2048xf32>
    %squeeze3A_33 = vector.shape_cast %slice3A_32 : vector<1x32x2048xf32> to vector<32x2048xf32>
    %dot_general3A_34 = arith.constant dense<0.000000e+00> : vector<32x2048xf32>
    %dot_general3A_35 = tpu.matmul %slice3A_31, %squeeze3A_33, %dot_general3A_34 {dimension_numbers = #tpu.dot_dimension_numbers<[0], [0], [1], [1], [0, 1, 1, 1], [], []>, transpose_lhs_hint = false} : vector<32x32xf32>, vector<32x2048xf32>, vector<32x2048xf32> -> vector<32x2048xf32>
    %add3A_36 = arith.addf %add3A_30, %dot_general3A_35 : vector<32x2048xf32>
    %get3A_37 = arith.constant 0 : index
    %get3A_38 = arith.constant 0 : index
    %get3A_39 = vector.load %arg3[%get3A_37, %get3A_38] : memref<32x2048xf32, #tpu.memory_space<vmem>>, vector<32x2048xf32>
    %max3A = arith.constant 0.000000e+00 : f32
    %max3A_40 = vector.broadcast %max3A : f32 to vector<32x2048xf32>
    %max3A_41 = arith.maximumf %add3A_36, %max3A_40 : vector<32x2048xf32>
    %add3A_42 = arith.addf %get3A_39, %max3A_41 : vector<32x2048xf32>
    %get3A_43 = arith.constant 0 : index
    %get3A_44 = arith.constant 0 : index
    %get3A_45 = vector.load %arg6[%get3A_43, %get3A_44] : memref<32x256xf32, #tpu.memory_space<vmem>>, vector<32x256xf32>
    %dot_general3A_46 = arith.constant dense<0.000000e+00> : vector<256x2048xf32>
    %dot_general3A_47 = tpu.matmul %get3A_45, %add3A_42, %dot_general3A_46 {dimension_numbers = #tpu.dot_dimension_numbers<[0], [0], [1], [1], [0, 1, 1, 1], [], []>, transpose_lhs_hint = false} : vector<32x256xf32>, vector<32x2048xf32>, vector<256x2048xf32> -> vector<256x2048xf32>
    %get3A_48 = arith.constant 0 : index
    %get3A_49 = arith.constant 0 : index
    %get3A_50 = vector.load %arg7[%get3A_48, %get3A_49] : memref<256x1xf32, #tpu.memory_space<vmem>>, vector<256x1xf32>
    %add3A_51 = vector.broadcast %get3A_50 : vector<256x1xf32> to vector<256x2048xf32>
    %add3A_52 = arith.addf %dot_general3A_47, %add3A_51 : vector<256x2048xf32>
    %max3A_53 = arith.constant 0.000000e+00 : f32
    %max3A_54 = vector.broadcast %max3A_53 : f32 to vector<256x2048xf32>
    %max3A_55 = arith.maximumf %add3A_52, %max3A_54 : vector<256x2048xf32>
    %get3A_56 = arith.constant 0 : index
    %get3A_57 = arith.constant 0 : index
    %get3A_58 = vector.load %arg8[%get3A_56, %get3A_57] : memref<256x12xf32, #tpu.memory_space<vmem>>, vector<256x12xf32>
    %dot_general3A_59 = arith.constant dense<0.000000e+00> : vector<12x2048xf32>
    %dot_general3A_60 = tpu.matmul %get3A_58, %max3A_55, %dot_general3A_59 {dimension_numbers = #tpu.dot_dimension_numbers<[0], [0], [1], [1], [0, 1, 1, 1], [], []>, transpose_lhs_hint = false} : vector<256x12xf32>, vector<256x2048xf32>, vector<12x2048xf32> -> vector<12x2048xf32>
    %get3A_61 = arith.constant 0 : index
    %get3A_62 = arith.constant 0 : index
    %get3A_63 = vector.load %arg9[%get3A_61, %get3A_62] : memref<12x1xf32, #tpu.memory_space<vmem>>, vector<12x1xf32>
    %add3A_64 = vector.broadcast %get3A_63 : vector<12x1xf32> to vector<12x2048xf32>
    %add3A_65 = arith.addf %dot_general3A_60, %add3A_64 : vector<12x2048xf32>
    %swap3A = arith.constant 0 : index
    %swap3A_66 = arith.constant 0 : index
    %swap3A_67 = vector.load %arg10[%swap3A, %swap3A_66] : memref<12x2048xf32, #tpu.memory_space<vmem>>, vector<12x2048xf32>
    tpu.vector_store %arg10[%swap3A, %swap3A_66], %add3A_65 {strides = array<i32>} : memref<12x2048xf32, #tpu.memory_space<vmem>>, vector<12x2048xf32>,
    return
  }
  func.func @transform_0(%arg0: i32) -> (i32, i32) {
    %c0_i32 = arith.constant 0 : i32
    %c0_i32_0 = arith.constant 0 : i32
    return %c0_i32, %arg0 : i32, i32
  }
  func.func @transform_1(%arg0: i32) -> (i32, i32, i32) {
    %c0_i32 = arith.constant 0 : i32
    %c0_i32_0 = arith.constant 0 : i32
    %c0_i32_1 = arith.constant 0 : i32
    return %c0_i32, %c0_i32_0, %arg0 : i32, i32, i32
  }
  func.func @transform_2(%arg0: i32) -> (i32, i32) {
    %c0_i32 = arith.constant 0 : i32
    %c0_i32_0 = arith.constant 0 : i32
    return %c0_i32, %arg0 : i32, i32
  }
  func.func @transform_3(%arg0: i32) -> (i32, i32) {
    %c0_i32 = arith.constant 0 : i32
    %c0_i32_0 = arith.constant 0 : i32
    %c0_i32_1 = arith.constant 0 : i32
    return %c0_i32, %c0_i32_0 : i32, i32
  }
  func.func @transform_4(%arg0: i32) -> (i32, i32) {
    %c0_i32 = arith.constant 0 : i32
    %c0_i32_0 = arith.constant 0 : i32
    %c0_i32_1 = arith.constant 0 : i32
    return %c0_i32, %c0_i32_0 : i32, i32
  }
  func.func @transform_5(%arg0: i32) -> (i32, i32) {
    %c0_i32 = arith.constant 0 : i32
    %c0_i32_0 = arith.constant 0 : i32
    %c0_i32_1 = arith.constant 0 : i32
    return %c0_i32, %c0_i32_0 : i32, i32
  }
  func.func @transform_6(%arg0: i32) -> (i32, i32) {
    %c0_i32 = arith.constant 0 : i32
    %c0_i32_0 = arith.constant 0 : i32
    %c0_i32_1 = arith.constant 0 : i32
    return %c0_i32, %c0_i32_0 : i32, i32
  }
  func.func @transform_7(%arg0: i32) -> (i32, i32) {
    %c0_i32 = arith.constant 0 : i32
    %c0_i32_0 = arith.constant 0 : i32
    %c0_i32_1 = arith.constant 0 : i32
    return %c0_i32, %c0_i32_0 : i32, i32
  }
  func.func @transform_8(%arg0: i32) -> (i32, i32) {
    %c0_i32 = arith.constant 0 : i32
    %c0_i32_0 = arith.constant 0 : i32
    %c0_i32_1 = arith.constant 0 : i32
    return %c0_i32, %c0_i32_0 : i32, i32
  }
  func.func @transform_9(%arg0: i32) -> (i32, i32) {
    %c0_i32 = arith.constant 0 : i32
    %c0_i32_0 = arith.constant 0 : i32
    return %c0_i32, %arg0 : i32, i32
  }
}

</mosaic_0001>

<sc_bundles>
// kernel: kernel.5.cloned.1.call-start
scs
__scs_entry_jumppad:
0x0: {  	(pc) =	sbr.rel $0x88, $3  }
0x1: {  	(tag) =	ssettag $0x0;
	lr =	simm.s32 $0x1  }
0x2: {  	[smem:$0x3F90] =	sst lr;
	_ =	strace $0xD0000000  }
0x3: {  	_ = 	snop  }
0x4: {  	_ = 	snop  }
0x5: {  	_ = 	snop  }
0x6: {  	_ = 	snop  }
0x7: {  	_ = 	snop  }
__scs_overlays_trampoline_lowered:
0x8: {  	[smem:$0x3F9F] =	sst s0  }
0x9: {  	[smem:$0x3FA0] =	sst s1  }
0xa: {  	[smem:$0x3FA1] =	sst s2  }
0xb: {  	[smem:$0x3FA2] =	sst s3  }
0xc: {  	[smem:$0x3FA3] =	sst s4  }
0xd: {  	[smem:$0x3FA4] =	sst s5  }
0xe: {  	[smem:$0x3FA5] =	sst s6  }
0xf: {  	[smem:$0x3FA6] =	sst s7  }
0x10: {  	[smem:$0x3FA7] =	sst s8  }
0x11: {  	[smem:$0x3FA8] =	sst s9;
	s0 =	simm.s32 @!p0 $0x0  }
0x12: {  	s1 =	sld [smem:$0x3F8E];
	s0 =	simm.s32 @p0 $0x1  }
0x13: {  	[smem:$0x3FA9] =	sst s0;
	s0 =	simm.s32 @!p1 $0x0  }
0x14: {  	s2 =	sld [smem:$0x3F8D];
	s0 =	simm.s32 @p1 $0x1  }
0x15: {  	[smem:$0x3FAA] =	sst s0;
	s0 =	simm.s32 @!p2 $0x0  }
0x16: {  	s3 =	sld [smem:$0x3FDB];
	s0 =	simm.s32 @p2 $0x1  }
0x17: {  	s4 =	simm.s32 $0x1BF5;
	[smem:$0x3FAC] =	sst s0  }
0x18: {  	s0 =	sld [smem:$0x3F8F];
	_ =	swait.ge [sflag:s4], $0x0  }
0x19: {  	s7 =	sld [smem:$0x3F90]  }
0x1a: {  	s8 =	sadd.s32 $0xFFFFE003, lr  }
0x1b: {  	s9 =	sadd.s32 $0xFFFFFEF7, lr;
	s5 =	simm.s32 $0xFFFFFFFF;
	p2 =	slt.u32 s8, $0xFFFFF086  }
0x1c: {  	p1 =	slt.u32 s9, $0xF7A;
	s5 =	simm.s32 @!p2 $0x0  }
0x1d: {  	s5 =	simm.s32 @p1 $0x1;
	p0 =	seq.s32 s7, s2  }
0x1e: {  	s7 =	smul.u32 @!p0 $0xF7A, s2;
	p2 =	seq.s32 @!p0 s5, $0x0  }
0x1f: {  	s9 =	smul.u32 $0xF7A, s1;
	s8 =	simm.s32 @!p0 $0x1BF5;
	p2 =	por !p2, p0  }
0x20: {  	[sflag:s8] =	ssyncset.s32 @!p0 $0xFFFFF086;
	s6 =	sadd.s32 @!p0 s3, s7;
	s7 =	simm.s32 @!p0 $0x108  }
0x21: {  	s3 =	sadd.s32 s3, s9;
	s6 =	sadd.s32 @!p0 $0x88, s6;
	s7 =	simm.s32 @p2 $0x1082  }
0x22: {  	[simem:s7], [sflag:s8] =	dma.local @!p0 [hbm:s6], $0xF7A  }
0x23: {  	s9 =	sor.u32 $0xD0000000, s2;
	s6 =	simm.s32 $0x108;
	_ =	swait.ge @!p0 [sflag:s8], $0x0  }
0x24: {  	s3 =	sadd.s32 $0x88, s3;
	s6 =	simm.s32 @!p1 $0x1082;
	[sflag:s4] =	ssyncset.s32 $0xFFFFF086  }
0x25: {  	[simem:s6], [sflag:s4] =	dma.local [hbm:s3], $0xF7A  }
0x26: {  	[smem:$0x3F90] =	sst s1;
	(tag) =	ssettag s2;
	_ =	strace s9  }
0x27: {  	s1 =	sld [smem:$0x3FA0]  }
0x28: {  	s2 =	sld [smem:$0x3FA1]  }
0x29: {  	s4 =	sld [smem:$0x3FA3]  }
0x2a: {  	p0 =	seq.s32 s5, $0x0;
	s5 =	sld [smem:$0x3FA4]  }
0x2b: {  	s6 =	sld [smem:$0x3FA5]  }
0x2c: {  	s7 =	sld [smem:$0x3FA6]  }
0x2d: {  	s3 =	simm.s32 $0x108;
	s8 =	sld [smem:$0x3FA7]  }
0x2e: {  	s3 =	simm.s32 @!p0 $0x1082;
	s9 =	sld [smem:$0x3FA8]  }
0x2f: {  	lr =	sadd.s32 s0, s3;
	s0 =	sld [smem:$0x3F9F]  }
0x30: {  	s3 =	sld [smem:$0x3FA2]  }
0x31: {  	[smem:$0x3FAB] =	sst s10  }
0x32: {  	s10 =	sld [smem:$0x3FA9];
	_ =	sdelay $0x3  }
0x33: {  	p0 =	seq.s32 s10, $0x1;
	s10 =	sld [smem:$0x3FAB];
	_ =	sdelay $0x3  }
0x34: {  	[smem:$0x3FAB] =	sst s10  }
0x35: {  	s10 =	sld [smem:$0x3FAA];
	_ =	sdelay $0x3  }
0x36: {  	p1 =	seq.s32 s10, $0x1;
	s10 =	sld [smem:$0x3FAB];
	_ =	sdelay $0x3  }
0x37: {  	[smem:$0x3FAB] =	sst s10  }
0x38: {  	s10 =	sld [smem:$0x3FAC]  }
0x39: {  	_ = 	snop;
	(pc) =	sbr.ind lr, $3  }
0x3a: {  	_ = 	snop  }
0x3b: {  	_ = 	snop  }
0x3c: {  	p2 =	seq.s32 s10, $0x1;
	s10 =	sld [smem:$0x3FAB]  }
0x3d: {  	_ =	shalt  }
0x3e: {  	_ =	shalt  }
0x3f: {  	_ =	shalt  }
0x40: {  	_ =	shalt  }
0x41: {  	_ =	shalt  }
0x42: {  	_ =	shalt  }
0x43: {  	_ =	shalt  }
0x44: {  	_ =	shalt  }
0x45: {  	_ =	shalt  }
0x46: {  	_ =	shalt  }
0x47: {  	_ =	shalt  }
0x48: {  	_ =	shalt  }
0x49: {  	_ =	shalt  }
0x4a: {  	_ =	shalt  }
0x4b: {  	_ =	shalt  }
0x4c: {  	_ =	shalt  }
0x4d: {  	_ =	shalt  }
0x4e: {  	_ =	shalt  }
0x4f: {  	_ =	shalt  }
0x50: {  	_ =	shalt  }
0x51: {  	_ =	shalt  }
0x52: {  	_ =	shalt  }
0x53: {  	_ =	shalt  }
0x54: {  	_ =	shalt  }
0x55: {  	_ =	shalt  }
0x56: {  	_ =	shalt  }
0x57: {  	_ =	shalt  }
0x58: {  	_ =	shalt  }
0x59: {  	_ =	shalt  }
0x5a: {  	_ =	shalt  }
0x5b: {  	_ =	shalt  }
0x5c: {  	_ =	shalt  }
0x5d: {  	_ =	shalt  }
0x5e: {  	_ =	shalt  }
0x5f: {  	_ =	shalt  }
0x60: {  	_ =	shalt  }
0x61: {  	_ =	shalt  }
0x62: {  	_ =	shalt  }
0x63: {  	_ =	shalt  }
0x64: {  	_ =	shalt  }
0x65: {  	_ =	shalt  }
0x66: {  	_ =	shalt  }
0x67: {  	_ =	shalt  }
0x68: {  	_ =	shalt  }
0x69: {  	_ =	shalt  }
0x6a: {  	_ =	shalt  }
0x6b: {  	_ =	shalt  }
0x6c: {  	_ =	shalt  }
0x6d: {  	_ =	shalt  }
0x6e: {  	_ =	shalt  }
0x6f: {  	_ =	shalt  }
0x70: {  	_ =	shalt  }
0x71: {  	_ =	shalt  }
0x72: {  	_ =	shalt  }
0x73: {  	_ =	shalt  }
0x74: {  	_ =	shalt  }
0x75: {  	_ =	shalt  }
0x76: {  	_ =	shalt  }
0x77: {  	_ =	shalt  }
0x78: {  	_ =	shalt  }
0x79: {  	_ =	shalt  }
0x7a: {  	_ =	shalt  }
0x7b: {  	_ =	shalt  }
0x7c: {  	_ =	shalt  }
0x7d: {  	_ =	shalt  }
0x7e: {  	_ =	shalt  }
0x7f: {  	_ =	shalt  }
0x80: {  	_ =	shalt  }
0x81: {  	_ =	shalt  }
0x82: {  	_ =	shalt  }
0x83: {  	_ =	shalt  }
0x84: {  	_ =	shalt  }
0x85: {  	_ =	shalt  }
0x86: {  	_ =	shalt  }
0x87: {  	_ =	shalt  }
.Lfunc_end0:
.L_simem_size_0:
called_computation_lowered:
.L_overlay_start_0:
0x88: {  	s2 =	sld [smem:$0x3FD9]  }
0x89: {  	s3 =	sld [smem:$0x3FFE];
	_ =	sdelay $0x1  }
0x8a: {  	s1 =	srdreg.scid  }
0x8b: {  	s0 =	sand.u32 $0x1, s1  }
0x8c: {  	s17 =	sshll.u32 s0, $0xA;
	s2 =	sadd.s32 s3, s2  }
0x8d: {  	s2 =	sadd.s32 s2, s17  }
0x8e: {  	[smem:$0x3FB7] =	sst s2  }
0x8f: {  	_ = 	snop  }
0x90: {  	s2 =	sld [smem:$0x3FC7];
	(tm) =	ssettm $0x1  }
0x91: {  	s18 =	sld [smem:$0x3FFB];
	_ =	sdelay $0x3  }
0x92: {  	_ =	strace s18  }
0x93: {  	s3 =	sld [smem:$0x3FFC];
	_ =	sdelay $0x3  }
0x94: {  	_ =	strace s3  }
0x95: {  	s3 =	sld [smem:$0x3FFD];
	_ =	sdelay $0x3  }
0x96: {  	_ =	strace s3  }
0x97: {  	_ =	strace $0x8FFFFFFF  }
0x98: {  	s19 =	sld [smem:$0x3FDB];
	_ =	sdelay $0x1  }
0x99: {  	s4 =	simm.s32 $_scs_section_size  }
0x9a: {  	s5 =	simm.s32 $_size__tile_overlayer_lowered;
	s6 =	simm.s32 $_tile_overlayer_lowered  }
0x9b: {  	s22 =	simm.s32 $0x1BFF;
	s21 =	sshll.u32 s6, $0x1;
	s3 =	sadd.s32 s4, s19  }
0x9c: {  	s7 =	simm.s32 $0x0;
	s20 =	sshll.u32 s5, $0x1;
	s5 =	sadd.s32 s21, s3  }
0x9d: {  	[timem:s7], [sflag:s22] =	dma.local [hbm:s5], s20  }
0x9e: {  	_ =	swait.ge [sflag:s22], s20  }
0x9f: {  	s4 =	ssub.s32 $0x0, s20;
	[sflag:s22] =	ssyncset.done $0x0  }
0xa0: {  	[sflag:s22] =	ssyncadd.s32 s4;
	_ =	sdelay $0x1  }
0xa1: {  	s23 =	simm.s32 $0x1B8B  }
0xa2: {  	_ =	swait.ge [sflag:s23], $0x1  }
0xa3: {  	[sflag:s23] =	ssyncset.done $0x0  }
0xa4: {  	s25 =	simm.s32 $0x1B8E;
	s24 =	sld [smem:$0x3FFE];
	[sflag:s23] =	ssyncadd.s32 $0xFFFFFFFF  }
0xa5: {  	s26 =	simm.s32 $execute0_lowered;
	[smem:$0x3FD2] =	sst s25  }
0xa6: {  	s5 =	sshll.u32 s26, $0x1;
	_ =	strace $0x80000046;
	[dreg:$0x1] =	wrdreg $0xFFFFFFFF  }
0xa7: {  	s28 =	simm.s32 $_size_execute0_lowered;
	s3 =	sadd.s32 s3, s5;
	[dreg:$0x0] =	wrdreg $0x0  }
0xa8: {  	s5 =	sshll.u32 s28, $0x1;
	[dreg:$0x2] =	wrdreg s3  }
0xa9: {  	[dreg:$0x3] =	wrdreg s5  }
0xaa: {  	[dreg:$0x4] =	wrdreg $0xC0  }
0xab: {  	_ =	task [dreg:s7], $0x5FFFF  }
0xac: {  	[dreg:$0x1] =	wrdreg $0xFFFFFFFF  }
0xad: {  	[dreg:$0x0] =	wrdreg $0x60  }
0xae: {  	[dreg:$0x2] =	wrdreg s24  }
0xaf: {  	[dreg:$0x3] =	wrdreg s2  }
0xb0: {  	[dreg:$0x4] =	wrdreg $0x196000  }
0xb1: {  	[dreg:$0x5] =	wrdreg $0x1E6000  }
0xb2: {  	[dreg:$0x6] =	wrdreg $0x9  }
0xb3: {  	_ =	task.clear_ibuf [dreg:s7], $0x7FFFF;
	_ =	strace $0x90000046  }
0xb4: {  	s29 =	simm.s32 $0x9;
	_ =	strace $0x80000048  }
0xb5: {  	_ =	swait.ge [sflag:s29], $0x1  }
0xb6: {  	[sflag:s29] =	ssyncadd.s32 $0xFFFFFFFF  }
0xb7: {  	_ =	strace $0x90000048  }
0xb8: {  	_ =	sfence  }
0xb9: {  	s30 =	sld [smem:$0x0];
	_ =	sdelay $0x2  }
0xba: {  	s31 =	sshll.u32 s1, $0xD;
	s1 =	sshrl.u32 s1, $0x2  }
0xbb: {  	s3 =	sand.u32 $0x4000, s31;
	s1 =	sadd.s32 s1, s30  }
0xbc: {  	s0 =	sor.u32 s3, s0;
	s1 =	sshll.u32 s1, $0x11  }
0xbd: {  	s0 =	sor.u32 s1, s0  }
0xbe: {  	s0 =	sadd.s32 $0x8F2B, s0  }
0xbf: {  	[sflag:s0] =	ssyncadd.remote.s32 $0x1  }
0xc0: {  	_ =	sfence.sel $0xFFFF  }
0xc1: {  	[dreg:$0x0] =	wrdreg $0xFFFFFFFF;
	(pc) =	sbr.abs _section_cstart, $3  }
0xc2: {  	[dreg:$0x1] =	wrdreg $0xFFFFFFFF  }
0xc3: {  	_ =	task.clear_ibuf [dreg:s7], $0x2FFFF;
	_ =	strace $0x9FFFFFFF  }
0xc4: {  	(tm) =	ssettm $0x7FFFFFFF  }
0xc5: {  	_ =	shalt  }
tec
execute0_lowered:
.L_overlay_start_1:
0x0: {  	(tag) =	ssettag $0x1  }
0x1: {  	s0 =	rddreg [dreg:$0x0]  }
0x2: {  	s1 =	rddreg [dreg:$0x1];
	s12 =	stileid.u32  }
0x3: {  	s2 =	rddreg [dreg:$0x2];
	s9 =	smul.u32 $0x2710, s12  }
0x4: {  	s13 =	rddreg [dreg:$0x3];
	s15 =	smul.u32 $0x14000, s12  }
0x5: {  	s3 =	srdreg.scid;
	s4 =	sshrl.u32 s12, $0x2;
	s20 =	smul.u32 $0x500, s12  }
0x6: {  	s3 =	sand.u32 $0x1, s3;
	s5 =	sshll.u32 s12, $0x8;
	s6 =	smul.u32 $0x14000, s4  }
0x7: {  	s7 =	sshll.u32 s3, $0x7;
	s5 =	sand.u32 $0x300, s5;
	s4 =	simm.s32 $0x0  }
0x8: {  	s3 =	ssub.s32 $0x2, s3;
	s5 =	sor.u32 s7, s5;
	[smem:$0x7FF] =	sst s4  }
0x9: {  	s11 =	sshrl.u32 s3, $0x1;
	s9 =	sshrl.u32 s9, $0x3;
	s19 =	sshrl.u32 s15, $0x2  }
0xa: {  	s6 =	sor.u32 s6, s5;
	_ =	strace $0x80000047;
	s17 =	sadd.s32 s1, s9  }
0xb: {  	s5 =	sadd.s32 $0x1C00, s0;
	s21 =	sadd.s32 s19, s2;
	[dreg:$0x7] =	wrdreg s17  }
0xc: {  	s3 =	ssub.s32 s3, s11;
	s11 =	sadd.s32 s20, s13;
	[dreg:$0xa] =	wrdreg s21  }
0xd: {  	s18 =	sadd.s32 $0x3E8, s9;
	s16 =	sadd.s32 s5, s9;
	[dreg:$0x14] =	wrdreg s11  }
0xe: {  	s22 =	sor.u32 $0x80, s20;
	s14 =	sadd.s32 s5, s18;
	[dreg:$0x6] =	wrdreg s16  }
0xf: {  	s9 =	sadd.s32 s20, s2;
	s2 =	sadd.s32 s22, s2;
	[dreg:$0x8] =	wrdreg s14  }
0x10: {  	s15 =	smax.u32 s3, $0x1;
	[dreg:$0xd] =	wrdreg s2  }
0x11: {  	s10 =	sadd.s32 $0x10C00, s0;
	[dreg:$0x16] =	wrdreg s15  }
0x12: {  	s29 =	sshrl.u32 s6, $0x3;
	s23 =	sadd.s32 $0x5000, s9;
	[dreg:$0xc] =	wrdreg s9  }
0x13: {  	s24 =	sadd.s32 s10, s29;
	[dreg:$0xe] =	wrdreg s23  }
0x14: {  	s14 =	smul.u32 $0x280, s12;
	s12 =	sadd.s32 s22, s13;
	[dreg:$0xf] =	wrdreg s24  }
0x15: {  	s16 =	sadd.s32 $0xA000, s9;
	[dreg:$0x15] =	wrdreg s12  }
0x16: {  	s17 =	sadd.s32 $0xA080, s9;
	[dreg:$0x17] =	wrdreg s16  }
0x17: {  	s19 =	sadd.s32 $0xF080, s9;
	[dreg:$0x18] =	wrdreg s17  }
0x18: {  	s25 =	sadd.s32 $0xA0000, s6;
	s20 =	sadd.s32 $0x14000, s9;
	[dreg:$0x1a] =	wrdreg s19  }
0x19: {  	s26 =	sadd.s32 $0x50000, s6;
	s22 =	sadd.s32 $0x19000, s9;
	[dreg:$0x1b] =	wrdreg s20  }
0x1a: {  	s2 =	sshrl.u32 s25, $0x3;
	s25 =	sadd.s32 $0x1E000, s9;
	[dreg:$0x1d] =	wrdreg s22  }
0x1b: {  	s7 =	sshrl.u32 s26, $0x3;
	s26 =	sadd.s32 $0x1E080, s9;
	[dreg:$0x1f] =	wrdreg s25  }
0x1c: {  	s3 =	sadd.s32 $0x28000, s9;
	[smem:$0x7E8] =	sst s26  }
0x1d: {  	s11 =	sadd.s32 $0x32080, s9;
	[smem:$0x7EB] =	sst s3  }
0x1e: {  	s8 =	sadd.s32 s29, s0;
	s15 =	sadd.s32 $0x37080, s9;
	[smem:$0x7F0] =	sst s11  }
0x1f: {  	s8 =	sadd.s32 $0x6C00, s8;
	[smem:$0x7F2] =	sst s15  }
0x20: {  	s2 =	sadd.s32 s10, s2;
	[dreg:$0x5] =	wrdreg s8  }
0x21: {  	s29 =	sadd.s32 s10, s7;
	[dreg:$0x10] =	wrdreg s2  }
0x22: {  	s6 =	sadd.s32 $0xF0000, s6;
	s23 =	sadd.s32 $0x19080, s9;
	[dreg:$0x11] =	wrdreg s29  }
0x23: {  	s7 =	sshrl.u32 s6, $0x3;
	s6 =	sadd.s32 $0x28080, s9;
	[dreg:$0x1e] =	wrdreg s23  }
0x24: {  	s12 =	sadd.s32 $0x37000, s9;
	[smem:$0x7EC] =	sst s6  }
0x25: {  	s16 =	sadd.s32 $0x3C000, s9;
	[smem:$0x7F1] =	sst s12  }
0x26: {  	s17 =	sadd.s32 $0x3C080, s9;
	[smem:$0x7F3] =	sst s16  }
0x27: {  	s19 =	sadd.s32 $0x41080, s9;
	[smem:$0x7F4] =	sst s17  }
0x28: {  	s20 =	sadd.s32 $0x46000, s9;
	[smem:$0x7F6] =	sst s19  }
0x29: {  	s30 =	simm.s32 $0x11800;
	s22 =	sadd.s32 $0x4B000, s9;
	[smem:$0x7F7] =	sst s20  }
0x2a: {  	s28 =	simm.s32 $0xF000;
	s8 =	sadd.s32 s1, s18;
	[smem:$0x7F9] =	sst s22  }
0x2b: {  	s31 =	simm.s32 $0x0;
	s2 =	sadd.s32 s10, s7;
	[dreg:$0x9] =	wrdreg s8  }
0x2c: {  	s24 =	sadd.s32 $0x1FE8, s0;
	s10 =	sadd.s32 $0x5080, s9;
	[dreg:$0x12] =	wrdreg s2  }
0x2d: {  	s15 =	simm.s32 $0x5000;
	s18 =	sadd.s32 $0xF000, s9;
	[dreg:$0x13] =	wrdreg s10  }
0x2e: {  	s29 =	sadd.s32 $0x23000, s9;
	s7 =	sadd.s32 $0x2D000, s9;
	[dreg:$0x19] =	wrdreg s18  }
0x2f: {  	s23 =	sadd.s32 $0x4B080, s9;
	s25 =	sadd.s32 $0x2800, s14;
	[smem:$0x7E9] =	sst s29  }
0x30: {  	s26 =	sadd.s32 $0x5000, s14;
	s6 =	simm.s32 $0x80;
	[smem:$0x7ED] =	sst s7  }
0x31: {  	s12 =	simm.s32 $0x2800;
	s16 =	simm.s32 $0x13780;
	[smem:$0x7FA] =	sst s23  }
0x32: {  	s17 =	simm.s32 $0x17680;
	s19 =	simm.s32 $0x7800;
	[smem:$0x7FB] =	sst s25  }
0x33: {  	s20 =	simm.s32 $0xC800;
	s8 =	sadd.s32 $0x80, s21;
	[smem:$0x7FC] =	sst s26  }
0x34: {  	s22 =	simm.s32 $0x2;
	s21 =	sadd.s32 $0x14080, s9;
	[dreg:$0xb] =	wrdreg s8  }
0x35: {  	s2 =	sadd.s32 $0x23080, s9;
	s10 =	sadd.s32 $0x32000, s9;
	[dreg:$0x1c] =	wrdreg s21  }
0x36: {  	s18 =	sadd.s32 $0x41000, s9;
	s29 =	sadd.s32 $0x80, s13;
	[smem:$0x7EA] =	sst s2  }
0x37: {  	s7 =	simm.s32 $0x400;
	s23 =	simm.s32 $0x4;
	[smem:$0x7EF] =	sst s10  }
0x38: {  	s25 =	simm.s32 $0x5;
	s26 =	simm.s32 $0xA000;
	[smem:$0x7F5] =	sst s18  }
0x39: {  	s8 =	sadd.s32 $0x2D080, s9;
	s21 =	sadd.s32 $0x46080, s9;
	[smem:$0x7FD] =	sst s29  }
0x3a: {  	s2 =	sadd.s32 $0x3E8, s1;
	s18 =	simm.s32 $0x100;
	[smem:$0x7EE] =	sst s8  }
0x3b: {  	v0 =	vimm.f32 $0.0e+00;
	[smem:$0x7F8] =	sst s21;
	s8 =	simm.s32 $0x7;
	s21 =	simm.s32 $0x1  }
.LBB2_1:
0x3c: {  	s0 =	rddreg [dreg:$0x5]  }
0x3d: {  	[tilespmem:s4], [sflag:$0x7] =	stream.strided.gather [hbm4b:s0+s6], $0x2800, s7, s6, $0x38;
	[tilespmem:$0x1EB00] =	vst v63  }
0x3e: {  	_ =	swait.ge [sflag:s8], $0x2800  }
0x3f: {  	[sflag:s8] =	ssyncset.done $0x0  }
0x40: {  	s3 =	simm.s32 $0x2820;
	[sflag:s8] =	ssyncadd.s32 $0xFFFFD800  }
0x41: {  	[tilespmem:s3+$0xFFFFFFF0] =	vst v0  }
0x42: {  	[tilespmem:s3+$0x0] =	vst v0  }
0x43: {  	[tilespmem:s3+$0x10] =	vst v0  }
0x44: {  	s0 =	simm.s32 $0x5020;
	[tilespmem:s3+$0xFFFFFFE0] =	vst v0  }
0x45: {  	[tilespmem:s0+$0xFFFFFFF0] =	vst v0  }
0x46: {  	[tilespmem:s0+$0x0] =	vst v0  }
0x47: {  	[tilespmem:s0+$0x10] =	vst v0  }
0x48: {  	s9 =	simm.s32 $0x2860;
	s3 =	simm.s32 $0x0;
	[tilespmem:s0+$0xFFFFFFE0] =	vst v0  }
.LBB2_2:
0x49: {  	[tilespmem:s9+$0xFFFFFFF0] =	vst v0;
	s0 =	sadd.s32 $0x40, s0  }
0x4a: {  	s3 =	sadd.s32 $0x4, s3;
	[tilespmem:s0+$0xFFFFFFF0] =	vst v0  }
0x4b: {  	p0 =	slt.u32 s3, $0x27C;
	[tilespmem:s9+$0x0] =	vst v0  }
.Ltmp0:
0x4c: {  	[tilespmem:s0+$0x0] =	vst v0;
	(pc) =	sbr.rel @p0 .LBB2_2-.Ltmp0, $4  }
0x4d: {  	[tilespmem:s9+$0x10] =	vst v0  }
0x4e: {  	[tilespmem:s0+$0x10] =	vst v0  }
0x4f: {  	[tilespmem:s9+$0xFFFFFFE0] =	vst v0  }
0x50: {  	s9 =	sadd.s32 $0x40, s9;
	[tilespmem:s0+$0xFFFFFFE0] =	vst v0  }
0x51: {  	s0 =	rddreg [dreg:$0x6]  }
0x52: {  	[tilespmem:s30], [sflag:$0x7] =	stream.linear.gather [hbm4b:s0+s4], $0x1F40, $0x38;
	[tilespmem:$0x1EB00] =	vst v63  }
0x53: {  	_ =	swait.ge [sflag:s8], $0x1F40  }
0x54: {  	[sflag:s8] =	ssyncset.done $0x0  }
0x55: {  	s30 =	simm.s32 $0x15700;
	s29 =	rddreg [dreg:$0x7];
	[sflag:s8] =	ssyncadd.s32 $0xFFFFE0C0  }
0x56: {  	[tilespmem:s30], [sflag:$0x7] =	stream.linear.gather [hbm4b:s29+s4], $0x1F40, $0x38;
	[tilespmem:$0x1EB00] =	vst v63  }
0x57: {  	_ =	swait.ge [sflag:s8], $0x1F40  }
0x58: {  	[sflag:s8] =	ssyncset.done $0x0  }
0x59: {  	s3 =	simm.s32 $0x11820;
	[sflag:s8] =	ssyncadd.s32 $0xFFFFE0C0  }
0x5a: {  	v1 =	vld [tilespmem:s3+$0x10]  }
0x5b: {  	v2 =	vld [tilespmem:s3+$0xFFFFFFF0]  }
0x5c: {  	v3 =	vld [tilespmem:s3+$0xFFFFFFE0];
	_ =	sdelay $0x1  }
0x5d: {  	s0 =	simm.s32 $0x15720  }
0x5e: {  	v4 =	vld [tilespmem:s0+$0x10];
	v5 =	vshrl.u32 v1, $0x10  }
0x5f: {  	v9 =	vld [tilespmem:s0+$0xFFFFFFF0];
	v8 =	vshrl.u32 v2, $0x10  }
0x60: {  	v10 =	vld [tilespmem:s0+$0xFFFFFFE0];
	v11 =	vshrl.u32 v3, $0x10  }
0x61: {  	v6 =	vld [tilespmem:s3+$0x0];
	v7 =	vand.u32 $0xFFFF, v1  }
0x62: {  	v3 =	vand.u32 $0xFFFF, v3;
	v1 =	vld [tilespmem:s0+$0x0]  }
0x63: {  	v12 =	vand.u32 $0xFFFF, v2;
	[tilespmem:v5+s12+$0x0] =	vst.idx.add.f32.msk $0xffff, v4  }
0x64: {  	[tilespmem:v8+s12+$0x0] =	vst.idx.add.f32.msk $0xffff, v9  }
0x65: {  	[tilespmem:v11+s12+$0x0] =	vst.idx.add.f32.msk $0xffff, v10  }
0x66: {  	[tilespmem:v7+s15+$0x0] =	vst.idx.add.f32.msk $0xffff, v4  }
0x67: {  	[tilespmem:v3+s15+$0x0] =	vst.idx.add.f32.msk $0xffff, v10  }
0x68: {  	s7 =	smov.u32 s2;
	s9 =	simm.s32 $0x11860;
	s3 =	simm.s32 $0x0;
	v2 =	vand.u32 $0xFFFF, v6;
	v3 =	vshrl.u32 v6, $0x10;
	[tilespmem:v12+s15+$0x0] =	vst.idx.add.f32.msk $0xffff, v9  }
.LBB2_4:
0x69: {  	v4 =	vld [tilespmem:s9+$0x10]  }
0x6a: {  	s3 =	sadd.s32 $0x4, s3;
	v5 =	vld [tilespmem:s9+$0xFFFFFFF0]  }
0x6b: {  	p0 =	slt.u32 s3, $0x1F0;
	v6 =	vld [tilespmem:s9+$0x0]  }
0x6c: {  	v7 =	vld [tilespmem:s9+$0xFFFFFFE0]  }
0x6d: {  	s0 =	sadd.s32 $0x40, s0;
	[tilespmem:v3+s12+$0x0] =	vst.idx.add.f32.msk $0xffff, v1  }
0x6e: {  	v8 =	vld [tilespmem:s0+$0x10];
	v9 =	vshrl.u32 v4, $0x10  }
0x6f: {  	v4 =	vand.u32 $0xFFFF, v4;
	v10 =	vld [tilespmem:s0+$0xFFFFFFE0];
	v11 =	vshrl.u32 v5, $0x10;
	v5 =	vand.u32 $0xFFFF, v5  }
0x70: {  	v12 =	vld [tilespmem:s0+$0xFFFFFFF0];
	v3 =	vshrl.u32 v6, $0x10;
	v6 =	vand.u32 $0xFFFF, v6  }
0x71: {  	v13 =	vshrl.u32 v7, $0x10;
	v7 =	vand.u32 $0xFFFF, v7;
	v14 =	vld [tilespmem:s0+$0x0]  }
0x72: {  	[tilespmem:v2+s15+$0x0] =	vst.idx.add.f32.msk $0xffff, v1;
	v2 =	vmov v6  }
0x73: {  	[tilespmem:v9+s12+$0x0] =	vst.idx.add.f32.msk $0xffff, v8  }
.Ltmp1:
0x74: {  	[tilespmem:v4+s15+$0x0] =	vst.idx.add.f32.msk $0xffff, v8;
	(pc) =	sbr.rel @p0 .LBB2_4-.Ltmp1, $4  }
0x75: {  	[tilespmem:v11+s12+$0x0] =	vst.idx.add.f32.msk $0xffff, v12  }
0x76: {  	[tilespmem:v13+s12+$0x0] =	vst.idx.add.f32.msk $0xffff, v10;
	v1 =	vmov v14  }
0x77: {  	[tilespmem:v7+s15+$0x0] =	vst.idx.add.f32.msk $0xffff, v10  }
0x78: {  	s9 =	sadd.s32 $0x40, s9;
	[tilespmem:v5+s15+$0x0] =	vst.idx.add.f32.msk $0xffff, v12  }
0x79: {  	_ =	sdelay $0x3  }
0x7a: {  	[tilespmem:v3+s12+$0x0] =	vst.idx.add.f32.msk $0xffff, v1  }
0x7b: {  	[tilespmem:v2+s15+$0x0] =	vst.idx.add.f32.msk $0xffff, v1  }
0x7c: {  	s0 =	rddreg [dreg:$0x8]  }
0x7d: {  	[tilespmem:s16], [sflag:$0x7] =	stream.linear.gather [hbm4b:s0+s4], $0x7D0, $0x38;
	[tilespmem:$0x1EB00] =	vst v63  }
0x7e: {  	_ =	swait.ge [sflag:s8], $0x7D0  }
0x7f: {  	[sflag:s8] =	ssyncset.done $0x0  }
0x80: {  	s30 =	rddreg [dreg:$0x9];
	[sflag:s8] =	ssyncadd.s32 $0xFFFFF830  }
0x81: {  	[tilespmem:s17], [sflag:$0x7] =	stream.linear.gather [hbm4b:s30+s4], $0x7D0, $0x38;
	[tilespmem:$0x1EB00] =	vst v63  }
0x82: {  	_ =	swait.ge [sflag:s8], $0x7D0  }
0x83: {  	[sflag:s8] =	ssyncset.done $0x0  }
0x84: {  	s3 =	simm.s32 $0x137A0;
	[sflag:s8] =	ssyncadd.s32 $0xFFFFF830  }
0x85: {  	v1 =	vld [tilespmem:s3+$0x10]  }
0x86: {  	v2 =	vld [tilespmem:s3+$0xFFFFFFF0]  }
0x87: {  	v3 =	vld [tilespmem:s3+$0xFFFFFFE0];
	_ =	sdelay $0x1  }
0x88: {  	s0 =	simm.s32 $0x176A0  }
0x89: {  	v4 =	vld [tilespmem:s0+$0x10];
	v5 =	vshrl.u32 v1, $0x10  }
0x8a: {  	v9 =	vld [tilespmem:s0+$0xFFFFFFF0];
	v8 =	vshrl.u32 v2, $0x10  }
0x8b: {  	v10 =	vld [tilespmem:s0+$0xFFFFFFE0];
	v11 =	vshrl.u32 v3, $0x10  }
0x8c: {  	v6 =	vld [tilespmem:s3+$0x0];
	v7 =	vand.u32 $0xFFFF, v1  }
0x8d: {  	v3 =	vand.u32 $0xFFFF, v3;
	v1 =	vld [tilespmem:s0+$0x0]  }
0x8e: {  	v12 =	vand.u32 $0xFFFF, v2;
	[tilespmem:v5+s12+$0x0] =	vst.idx.add.f32.msk $0xffff, v4  }
0x8f: {  	[tilespmem:v8+s12+$0x0] =	vst.idx.add.f32.msk $0xffff, v9  }
0x90: {  	[tilespmem:v11+s12+$0x0] =	vst.idx.add.f32.msk $0xffff, v10  }
0x91: {  	[tilespmem:v7+s15+$0x0] =	vst.idx.add.f32.msk $0xffff, v4  }
0x92: {  	[tilespmem:v3+s15+$0x0] =	vst.idx.add.f32.msk $0xffff, v10  }
0x93: {  	s2 =	smov.u32 s24;
	s9 =	simm.s32 $0x137E0;
	s3 =	simm.s32 $0x0;
	v2 =	vand.u32 $0xFFFF, v6;
	v3 =	vshrl.u32 v6, $0x10;
	[tilespmem:v12+s15+$0x0] =	vst.idx.add.f32.msk $0xffff, v9  }
.LBB2_6:
0x94: {  	v4 =	vld [tilespmem:s9+$0x10]  }
0x95: {  	s3 =	sadd.s32 $0x4, s3;
	v5 =	vld [tilespmem:s9+$0xFFFFFFF0]  }
0x96: {  	p0 =	slt.u32 s3, $0x78;
	v6 =	vld [tilespmem:s9+$0x0]  }
0x97: {  	v7 =	vld [tilespmem:s9+$0xFFFFFFE0]  }
0x98: {  	s0 =	sadd.s32 $0x40, s0;
	[tilespmem:v3+s12+$0x0] =	vst.idx.add.f32.msk $0xffff, v1  }
0x99: {  	v8 =	vld [tilespmem:s0+$0x10];
	v9 =	vshrl.u32 v4, $0x10  }
0x9a: {  	v4 =	vand.u32 $0xFFFF, v4;
	v10 =	vld [tilespmem:s0+$0xFFFFFFE0];
	v11 =	vshrl.u32 v5, $0x10;
	v5 =	vand.u32 $0xFFFF, v5  }
0x9b: {  	v12 =	vld [tilespmem:s0+$0xFFFFFFF0];
	v3 =	vshrl.u32 v6, $0x10;
	v6 =	vand.u32 $0xFFFF, v6  }
0x9c: {  	v13 =	vshrl.u32 v7, $0x10;
	v7 =	vand.u32 $0xFFFF, v7;
	v14 =	vld [tilespmem:s0+$0x0]  }
0x9d: {  	[tilespmem:v2+s15+$0x0] =	vst.idx.add.f32.msk $0xffff, v1;
	v2 =	vmov v6  }
0x9e: {  	[tilespmem:v9+s12+$0x0] =	vst.idx.add.f32.msk $0xffff, v8  }
.Ltmp2:
0x9f: {  	[tilespmem:v4+s15+$0x0] =	vst.idx.add.f32.msk $0xffff, v8;
	(pc) =	sbr.rel @p0 .LBB2_6-.Ltmp2, $4  }
0xa0: {  	[tilespmem:v11+s12+$0x0] =	vst.idx.add.f32.msk $0xffff, v12  }
0xa1: {  	[tilespmem:v13+s12+$0x0] =	vst.idx.add.f32.msk $0xffff, v10;
	v1 =	vmov v14  }
0xa2: {  	[tilespmem:v7+s15+$0x0] =	vst.idx.add.f32.msk $0xffff, v10  }
0xa3: {  	s9 =	sadd.s32 $0x40, s9;
	[tilespmem:v5+s15+$0x0] =	vst.idx.add.f32.msk $0xffff, v12  }
0xa4: {  	_ =	sdelay $0x3  }
0xa5: {  	[tilespmem:v3+s12+$0x0] =	vst.idx.add.f32.msk $0xffff, v1  }
0xa6: {  	[tilespmem:v2+s15+$0x0] =	vst.idx.add.f32.msk $0xffff, v1  }
0xa7: {  	v1 =	vld [tilespmem:$0x13F40];
	_ =	sdelay $0x4  }
0xa8: {  	v2 =	vld [tilespmem:$0x17E40];
	v3 =	vshrl.u32 v1, $0x10  }
0xa9: {  	v1 =	vand.u32 $0xFFFF, v1;
	_ =	sdelay $0x3  }
0xaa: {  	[tilespmem:v3+s12+$0x0] =	vst.idx.add.f32.msk $0xffff, v2  }
0xab: {  	s0 =	rddreg [dreg:$0xa];
	[tilespmem:v1+s15+$0x0] =	vst.idx.add.f32.msk $0xffff, v2  }
0xac: {  	[spmem:s0] =	stream.strided.scatter [tilespmem:s12], [sflag:$0x7], $0x2800, s18, s6, $0x38;
	[tilespmem:$0x1EB00] =	vst v63  }
0xad: {  	_ =	swait.ge [sflag:s8], $0x2800  }
0xae: {  	[sflag:s8] =	ssyncset.done $0x0  }
0xaf: {  	s11 =	rddreg [dreg:$0xb];
	[sflag:s8] =	ssyncadd.s32 $0xFFFFD800  }
0xb0: {  	[spmem:s11] =	stream.strided.scatter [tilespmem:s15], [sflag:$0x7], $0x2800, s18, s6, $0x38;
	[tilespmem:$0x1EB00] =	vst v63  }
0xb1: {  	_ =	swait.ge [sflag:s8], $0x2800  }
0xb2: {  	[sflag:s8] =	ssyncset.done $0x0  }
0xb3: {  	[sflag:s8] =	ssyncadd.s32 $0xFFFFD800  }
0xb4: {  	[bflag:$0x0] =	sbarrier.arrive $0xFFFF  }
0xb5: {  	s13 =	rddreg [dreg:$0xc]  }
0xb6: {  	[tilespmem:s19], [sflag:$0x7] =	stream.strided.gather [spmem:s13], $0x280, s18, s6, $0x38;
	[tilespmem:$0x1EB00] =	vst v63  }
0xb7: {  	_ =	swait.ge [sflag:s8], $0x280  }
0xb8: {  	[sflag:s8] =	ssyncset.done $0x0  }
0xb9: {  	s24 =	rddreg [dreg:$0xd];
	[sflag:s8] =	ssyncadd.s32 $0xFFFFFD80  }
0xba: {  	[tilespmem:s20], [sflag:$0x7] =	stream.strided.gather [spmem:s24], $0x280, s18, s6, $0x38;
	[tilespmem:$0x1EB00] =	vst v63  }
0xbb: {  	_ =	swait.ge [sflag:s8], $0x280  }
0xbc: {  	[sflag:s8] =	ssyncset.done $0x0  }
0xbd: {  	s3 =	simm.s32 $0x7A80;
	s30 =	rddreg [dreg:$0xe];
	[sflag:s8] =	ssyncadd.s32 $0xFFFFFD80  }
0xbe: {  	[tilespmem:s3], [sflag:$0x7] =	stream.strided.gather [spmem:s30], $0x280, s18, s6, $0x38;
	[tilespmem:$0x1EB00] =	vst v63  }
0xbf: {  	_ =	swait.ge [sflag:s8], $0x280  }
0xc0: {  	[sflag:s8] =	ssyncset.done $0x0  }
0xc1: {  	s10 =	simm.s32 $0xCA80;
	s9 =	rddreg [dreg:$0x13];
	[sflag:s8] =	ssyncadd.s32 $0xFFFFFD80  }
0xc2: {  	[tilespmem:s10], [sflag:$0x7] =	stream.strided.gather [spmem:s9], $0x280, s18, s6, $0x38;
	[tilespmem:$0x1EB00] =	vst v63  }
0xc3: {  	_ =	swait.ge [sflag:s8], $0x280  }
0xc4: {  	[sflag:s8] =	ssyncset.done $0x0  }
0xc5: {  	s13 =	simm.s32 $0x7D00;
	s11 =	rddreg [dreg:$0x17];
	[sflag:s8] =	ssyncadd.s32 $0xFFFFFD80  }
0xc6: {  	[tilespmem:s13], [sflag:$0x7] =	stream.strided.gather [spmem:s11], $0x280, s18, s6, $0x38;
	[tilespmem:$0x1EB00] =	vst v63  }
0xc7: {  	_ =	swait.ge [sflag:s8], $0x280  }
0xc8: {  	[sflag:s8] =	ssyncset.done $0x0  }
0xc9: {  	s30 =	simm.s32 $0xCD00;
	s24 =	rddreg [dreg:$0x18];
	[sflag:s8] =	ssyncadd.s32 $0xFFFFFD80  }
0xca: {  	[tilespmem:s30], [sflag:$0x7] =	stream.strided.gather [spmem:s24], $0x280, s18, s6, $0x38;
	[tilespmem:$0x1EB00] =	vst v63  }
0xcb: {  	_ =	swait.ge [sflag:s8], $0x280  }
0xcc: {  	[sflag:s8] =	ssyncset.done $0x0  }
0xcd: {  	s10 =	simm.s32 $0x7F80;
	s9 =	rddreg [dreg:$0x19];
	[sflag:s8] =	ssyncadd.s32 $0xFFFFFD80  }
0xce: {  	[tilespmem:s10], [sflag:$0x7] =	stream.strided.gather [spmem:s9], $0x280, s18, s6, $0x38;
	[tilespmem:$0x1EB00] =	vst v63  }
0xcf: {  	_ =	swait.ge [sflag:s8], $0x280  }
0xd0: {  	[sflag:s8] =	ssyncset.done $0x0  }
0xd1: {  	s13 =	simm.s32 $0xCF80;
	s11 =	rddreg [dreg:$0x1a];
	[sflag:s8] =	ssyncadd.s32 $0xFFFFFD80  }
0xd2: {  	[tilespmem:s13], [sflag:$0x7] =	stream.strided.gather [spmem:s11], $0x280, s18, s6, $0x38;
	[tilespmem:$0x1EB00] =	vst v63  }
0xd3: {  	_ =	swait.ge [sflag:s8], $0x280  }
0xd4: {  	[sflag:s8] =	ssyncset.done $0x0  }
0xd5: {  	s30 =	simm.s32 $0x8200;
	s24 =	rddreg [dreg:$0x1b];
	[sflag:s8] =	ssyncadd.s32 $0xFFFFFD80  }
0xd6: {  	[tilespmem:s30], [sflag:$0x7] =	stream.strided.gather [spmem:s24], $0x280, s18, s6, $0x38;
	[tilespmem:$0x1EB00] =	vst v63  }
0xd7: {  	_ =	swait.ge [sflag:s8], $0x280  }
0xd8: {  	[sflag:s8] =	ssyncset.done $0x0  }
0xd9: {  	s10 =	simm.s32 $0xD200;
	s9 =	rddreg [dreg:$0x1c];
	[sflag:s8] =	ssyncadd.s32 $0xFFFFFD80  }
0xda: {  	[tilespmem:s10], [sflag:$0x7] =	stream.strided.gather [spmem:s9], $0x280, s18, s6, $0x38;
	[tilespmem:$0x1EB00] =	vst v63  }
0xdb: {  	_ =	swait.ge [sflag:s8], $0x280  }
0xdc: {  	[sflag:s8] =	ssyncset.done $0x0  }
0xdd: {  	s13 =	simm.s32 $0x8480;
	s11 =	rddreg [dreg:$0x1d];
	[sflag:s8] =	ssyncadd.s32 $0xFFFFFD80  }
0xde: {  	[tilespmem:s13], [sflag:$0x7] =	stream.strided.gather [spmem:s11], $0x280, s18, s6, $0x38;
	[tilespmem:$0x1EB00] =	vst v63  }
0xdf: {  	_ =	swait.ge [sflag:s8], $0x280  }
0xe0: {  	[sflag:s8] =	ssyncset.done $0x0  }
0xe1: {  	s30 =	simm.s32 $0xD480;
	s24 =	rddreg [dreg:$0x1e];
	[sflag:s8] =	ssyncadd.s32 $0xFFFFFD80  }
0xe2: {  	[tilespmem:s30], [sflag:$0x7] =	stream.strided.gather [spmem:s24], $0x280, s18, s6, $0x38;
	[tilespmem:$0x1EB00] =	vst v63  }
0xe3: {  	_ =	swait.ge [sflag:s8], $0x280  }
0xe4: {  	[sflag:s8] =	ssyncset.done $0x0  }
0xe5: {  	s10 =	simm.s32 $0x8700;
	s9 =	rddreg [dreg:$0x1f];
	[sflag:s8] =	ssyncadd.s32 $0xFFFFFD80  }
0xe6: {  	[tilespmem:s10], [sflag:$0x7] =	stream.strided.gather [spmem:s9], $0x280, s18, s6, $0x38;
	[tilespmem:$0x1EB00] =	vst v63  }
0xe7: {  	_ =	swait.ge [sflag:s8], $0x280  }
0xe8: {  	s11 =	sld [smem:$0x7E8]  }
0xe9: {  	[sflag:s8] =	ssyncset.done $0x0  }
0xea: {  	s13 =	simm.s32 $0xD700;
	[sflag:s8] =	ssyncadd.s32 $0xFFFFFD80  }
0xeb: {  	[tilespmem:s13], [sflag:$0x7] =	stream.strided.gather [spmem:s11], $0x280, s18, s6, $0x38;
	[tilespmem:$0x1EB00] =	vst v63  }
0xec: {  	_ =	swait.ge [sflag:s8], $0x280  }
0xed: {  	s24 =	sld [smem:$0x7E9]  }
0xee: {  	[sflag:s8] =	ssyncset.done $0x0  }
0xef: {  	s30 =	simm.s32 $0x8980;
	[sflag:s8] =	ssyncadd.s32 $0xFFFFFD80  }
0xf0: {  	[tilespmem:s30], [sflag:$0x7] =	stream.strided.gather [spmem:s24], $0x280, s18, s6, $0x38;
	[tilespmem:$0x1EB00] =	vst v63  }
0xf1: {  	_ =	swait.ge [sflag:s8], $0x280  }
0xf2: {  	s3 =	sld [smem:$0x7EA]  }
0xf3: {  	[sflag:s8] =	ssyncset.done $0x0  }
0xf4: {  	s9 =	simm.s32 $0xD980;
	[sflag:s8] =	ssyncadd.s32 $0xFFFFFD80  }
0xf5: {  	[tilespmem:s9], [sflag:$0x7] =	stream.strided.gather [spmem:s3], $0x280, s18, s6, $0x38;
	[tilespmem:$0x1EB00] =	vst v63  }
0xf6: {  	_ =	swait.ge [sflag:s8], $0x280  }
0xf7: {  	s10 =	sld [smem:$0x7EB]  }
0xf8: {  	[sflag:s8] =	ssyncset.done $0x0  }
0xf9: {  	s3 =	simm.s32 $0x8C00;
	[sflag:s8] =	ssyncadd.s32 $0xFFFFFD80  }
0xfa: {  	[tilespmem:s3], [sflag:$0x7] =	stream.strided.gather [spmem:s10], $0x280, s18, s6, $0x38;
	[tilespmem:$0x1EB00] =	vst v63  }
0xfb: {  	_ =	swait.ge [sflag:s8], $0x280  }
0xfc: {  	s11 =	sld [smem:$0x7EC]  }
0xfd: {  	[sflag:s8] =	ssyncset.done $0x0  }
0xfe: {  	s9 =	simm.s32 $0xDC00;
	[sflag:s8] =	ssyncadd.s32 $0xFFFFFD80  }
0xff: {  	[tilespmem:s9], [sflag:$0x7] =	stream.strided.gather [spmem:s11], $0x280, s18, s6, $0x38;
	[tilespmem:$0x1EB00] =	vst v63  }
0x100: {  	_ =	swait.ge [sflag:s8], $0x280  }
0x101: {  	s13 =	sld [smem:$0x7ED]  }
0x102: {  	[sflag:s8] =	ssyncset.done $0x0  }
0x103: {  	s10 =	simm.s32 $0x8E80;
	[sflag:s8] =	ssyncadd.s32 $0xFFFFFD80  }
0x104: {  	[tilespmem:s10], [sflag:$0x7] =	stream.strided.gather [spmem:s13], $0x280, s18, s6, $0x38;
	[tilespmem:$0x1EB00] =	vst v63  }
0x105: {  	_ =	swait.ge [sflag:s8], $0x280  }
0x106: {  	s24 =	sld [smem:$0x7EE]  }
0x107: {  	[sflag:s8] =	ssyncset.done $0x0  }
0x108: {  	s30 =	simm.s32 $0xDE80;
	[sflag:s8] =	ssyncadd.s32 $0xFFFFFD80  }
0x109: {  	[tilespmem:s30], [sflag:$0x7] =	stream.strided.gather [spmem:s24], $0x280, s18, s6, $0x38;
	[tilespmem:$0x1EB00] =	vst v63  }
0x10a: {  	_ =	swait.ge [sflag:s8], $0x280  }
0x10b: {  	s11 =	sld [smem:$0x7EF]  }
0x10c: {  	[sflag:s8] =	ssyncset.done $0x0  }
0x10d: {  	s13 =	simm.s32 $0x9100;
	[sflag:s8] =	ssyncadd.s32 $0xFFFFFD80  }
0x10e: {  	[tilespmem:s13], [sflag:$0x7] =	stream.strided.gather [spmem:s11], $0x280, s18, s6, $0x38;
	[tilespmem:$0x1EB00] =	vst v63  }
0x10f: {  	_ =	swait.ge [sflag:s8], $0x280  }
0x110: {  	s24 =	sld [smem:$0x7F0]  }
0x111: {  	[sflag:s8] =	ssyncset.done $0x0  }
0x112: {  	s30 =	simm.s32 $0xE100;
	[sflag:s8] =	ssyncadd.s32 $0xFFFFFD80  }
0x113: {  	[tilespmem:s30], [sflag:$0x7] =	stream.strided.gather [spmem:s24], $0x280, s18, s6, $0x38;
	[tilespmem:$0x1EB00] =	vst v63  }
0x114: {  	_ =	swait.ge [sflag:s8], $0x280  }
0x115: {  	s11 =	sld [smem:$0x7F1]  }
0x116: {  	[sflag:s8] =	ssyncset.done $0x0  }
0x117: {  	s13 =	simm.s32 $0x9380;
	[sflag:s8] =	ssyncadd.s32 $0xFFFFFD80  }
0x118: {  	[tilespmem:s13], [sflag:$0x7] =	stream.strided.gather [spmem:s11], $0x280, s18, s6, $0x38;
	[tilespmem:$0x1EB00] =	vst v63  }
0x119: {  	_ =	swait.ge [sflag:s8], $0x280  }
0x11a: {  	s24 =	sld [smem:$0x7F2]  }
0x11b: {  	[sflag:s8] =	ssyncset.done $0x0  }
0x11c: {  	s30 =	simm.s32 $0xE380;
	[sflag:s8] =	ssyncadd.s32 $0xFFFFFD80  }
0x11d: {  	[tilespmem:s30], [sflag:$0x7] =	stream.strided.gather [spmem:s24], $0x280, s18, s6, $0x38;
	[tilespmem:$0x1EB00] =	vst v63  }
0x11e: {  	_ =	swait.ge [sflag:s8], $0x280  }
0x11f: {  	s11 =	sld [smem:$0x7F3]  }
0x120: {  	[sflag:s8] =	ssyncset.done $0x0  }
0x121: {  	s13 =	simm.s32 $0x9600;
	[sflag:s8] =	ssyncadd.s32 $0xFFFFFD80  }
0x122: {  	[tilespmem:s13], [sflag:$0x7] =	stream.strided.gather [spmem:s11], $0x280, s18, s6, $0x38;
	[tilespmem:$0x1EB00] =	vst v63  }
0x123: {  	_ =	swait.ge [sflag:s8], $0x280  }
0x124: {  	s24 =	sld [smem:$0x7F4]  }
0x125: {  	[sflag:s8] =	ssyncset.done $0x0  }
0x126: {  	s30 =	simm.s32 $0xE600;
	[sflag:s8] =	ssyncadd.s32 $0xFFFFFD80  }
0x127: {  	[tilespmem:s30], [sflag:$0x7] =	stream.strided.gather [spmem:s24], $0x280, s18, s6, $0x38;
	[tilespmem:$0x1EB00] =	vst v63  }
0x128: {  	_ =	swait.ge [sflag:s8], $0x280  }
0x129: {  	s11 =	sld [smem:$0x7F5]  }
0x12a: {  	[sflag:s8] =	ssyncset.done $0x0  }
0x12b: {  	s13 =	simm.s32 $0x9880;
	[sflag:s8] =	ssyncadd.s32 $0xFFFFFD80  }
0x12c: {  	[tilespmem:s13], [sflag:$0x7] =	stream.strided.gather [spmem:s11], $0x280, s18, s6, $0x38;
	[tilespmem:$0x1EB00] =	vst v63  }
0x12d: {  	_ =	swait.ge [sflag:s8], $0x280  }
0x12e: {  	s24 =	sld [smem:$0x7F6]  }
0x12f: {  	[sflag:s8] =	ssyncset.done $0x0  }
0x130: {  	s30 =	simm.s32 $0xE880;
	[sflag:s8] =	ssyncadd.s32 $0xFFFFFD80  }
0x131: {  	[tilespmem:s30], [sflag:$0x7] =	stream.strided.gather [spmem:s24], $0x280, s18, s6, $0x38;
	[tilespmem:$0x1EB00] =	vst v63  }
0x132: {  	_ =	swait.ge [sflag:s8], $0x280  }
0x133: {  	s11 =	sld [smem:$0x7F7]  }
0x134: {  	[sflag:s8] =	ssyncset.done $0x0  }
0x135: {  	s13 =	simm.s32 $0x9B00;
	[sflag:s8] =	ssyncadd.s32 $0xFFFFFD80  }
0x136: {  	[tilespmem:s13], [sflag:$0x7] =	stream.strided.gather [spmem:s11], $0x280, s18, s6, $0x38;
	[tilespmem:$0x1EB00] =	vst v63  }
0x137: {  	_ =	swait.ge [sflag:s8], $0x280  }
0x138: {  	s24 =	sld [smem:$0x7F8]  }
0x139: {  	[sflag:s8] =	ssyncset.done $0x0  }
0x13a: {  	s30 =	simm.s32 $0xEB00;
	[sflag:s8] =	ssyncadd.s32 $0xFFFFFD80  }
0x13b: {  	[tilespmem:s30], [sflag:$0x7] =	stream.strided.gather [spmem:s24], $0x280, s18, s6, $0x38;
	[tilespmem:$0x1EB00] =	vst v63  }
0x13c: {  	_ =	swait.ge [sflag:s8], $0x280  }
0x13d: {  	s11 =	sld [smem:$0x7F9]  }
0x13e: {  	[sflag:s8] =	ssyncset.done $0x0  }
0x13f: {  	s13 =	simm.s32 $0x9D80;
	[sflag:s8] =	ssyncadd.s32 $0xFFFFFD80  }
0x140: {  	[tilespmem:s13], [sflag:$0x7] =	stream.strided.gather [spmem:s11], $0x280, s18, s6, $0x38;
	[tilespmem:$0x1EB00] =	vst v63  }
0x141: {  	_ =	swait.ge [sflag:s8], $0x280  }
0x142: {  	s24 =	sld [smem:$0x7FA]  }
0x143: {  	[sflag:s8] =	ssyncset.done $0x0  }
0x144: {  	s30 =	simm.s32 $0xED80;
	[sflag:s8] =	ssyncadd.s32 $0xFFFFFD80  }
0x145: {  	[tilespmem:s30], [sflag:$0x7] =	stream.strided.gather [spmem:s24], $0x280, s18, s6, $0x38;
	[tilespmem:$0x1EB00] =	vst v63  }
0x146: {  	_ =	swait.ge [sflag:s8], $0x280  }
0x147: {  	[sflag:s8] =	ssyncset.done $0x0  }
0x148: {  	s11 =	simm.s32 $0x0;
	[sflag:s8] =	ssyncadd.s32 $0xFFFFFD80  }
0x149: {  	s13 =	sand.u32 $0x3E0, s11;
	v1 =	vld [tilespmem:s9+$0xFFFFEC00]  }
0x14a: {  	v2 =	vld [tilespmem:s13+$0xCA80]  }
0x14b: {  	v3 =	vld [tilespmem:s9+$0xFFFFEC10]  }
0x14c: {  	v4 =	vld [tilespmem:s13+$0xCD00]  }
0x14d: {  	v5 =	vld [tilespmem:s9+$0xFFFFEE90]  }
0x14e: {  	v6 =	vld [tilespmem:s13+$0xCF80]  }
0x14f: {  	v7 =	vld [tilespmem:s9+$0xFFFFF110]  }
0x150: {  	v8 =	vld [tilespmem:s13+$0xD200]  }
0x151: {  	v9 =	vld [tilespmem:s9+$0xFFFFF390]  }
0x152: {  	v10 =	vld [tilespmem:s13+$0xD480]  }
0x153: {  	v11 =	vld [tilespmem:s9+$0xFFFFF610]  }
0x154: {  	v12 =	vld [tilespmem:s13+$0xD700]  }
0x155: {  	v13 =	vld [tilespmem:s9+$0xFFFFF890]  }
0x156: {  	v14 =	vld [tilespmem:s13+$0xD980]  }
0x157: {  	v15 =	vld [tilespmem:s9+$0xFFFFFB10]  }
0x158: {  	v16 =	vld [tilespmem:s9+$0x0]  }
0x159: {  	v17 =	vld [tilespmem:s9+$0xFFFFFD90]  }
0x15a: {  	v18 =	vld [tilespmem:s13+$0xDE80]  }
0x15b: {  	v19 =	vld [tilespmem:s9+$0x10]  }
0x15c: {  	v20 =	vld [tilespmem:s13+$0xE100]  }
0x15d: {  	v21 =	vld [tilespmem:s9+$0x290]  }
0x15e: {  	v22 =	vld [tilespmem:s13+$0xE380];
	v1 =	vadd.f32 v2, v1  }
0x15f: {  	v23 =	vld [tilespmem:s9+$0x510];
	v2 =	vadd.f32 v5, v3  }
0x160: {  	v24 =	vld [tilespmem:s13+$0xE600];
	v1 =	vadd.f32 v4, v1  }
0x161: {  	v25 =	vld [tilespmem:s9+$0x790];
	v2 =	vadd.f32 v7, v2  }
0x162: {  	v26 =	vld [tilespmem:s13+$0xE880];
	v1 =	vadd.f32 v6, v1  }
0x163: {  	v27 =	vld [tilespmem:s9+$0xA10];
	v2 =	vadd.f32 v9, v2  }
0x164: {  	v28 =	vld [tilespmem:s13+$0xEB00];
	v1 =	vadd.f32 v8, v1  }
0x165: {  	v29 =	vld [tilespmem:s9+$0xC90];
	v2 =	vadd.f32 v11, v2  }
0x166: {  	v61 =	vld [tilespmem:s3+$0xFFFFEC10];
	v1 =	vadd.f32 v10, v1  }
0x167: {  	v62 =	vld [tilespmem:s3+$0xFFFFF610];
	v2 =	vadd.f32 v13, v2  }
0x168: {  	v63 =	vld [tilespmem:s3+$0xFFFFF890];
	v1 =	vadd.f32 v12, v1  }
0x169: {  	v5 =	vld [tilespmem:s3+$0x0];
	v2 =	vadd.f32 v15, v2  }
0x16a: {  	v11 =	vld [tilespmem:s13+$0xED80];
	v3 =	vadd.f32 v14, v1  }
0x16b: {  	v10 =	vld [tilespmem:s9+$0xF10];
	v4 =	vadd.f32 v17, v2  }
0x16c: {  	v13 =	vld [tilespmem:s9+$0x1190];
	v6 =	vadd.f32 v16, v3  }
0x16d: {  	v12 =	vld [tilespmem:s3+$0xFFFFEC00];
	v7 =	vadd.f32 v19, v4  }
0x16e: {  	v1 =	vld [tilespmem:s13+$0x9D80];
	v8 =	vadd.f32 v18, v6  }
0x16f: {  	v2 =	vld [tilespmem:s13+$0x9B00];
	v9 =	vadd.f32 v21, v7  }
0x170: {  	v17 =	vld [tilespmem:s13+$0x7A80];
	v14 =	vadd.f32 v20, v8  }
0x171: {  	v3 =	vld [tilespmem:s13+$0x9880];
	v15 =	vadd.f32 v23, v9  }
0x172: {  	v4 =	vld [tilespmem:s13+$0x9600];
	v14 =	vadd.f32 v22, v14  }
0x173: {  	v16 =	vld [tilespmem:s13+$0x7D00];
	v15 =	vadd.f32 v25, v15  }
0x174: {  	v19 =	vld [tilespmem:s3+$0xFFFFFB10];
	v14 =	vadd.f32 v24, v14  }
0x175: {  	v6 =	vld [tilespmem:s13+$0x9380];
	v15 =	vadd.f32 v27, v15  }
0x176: {  	v7 =	vld [tilespmem:s13+$0x9100];
	v14 =	vadd.f32 v26, v14  }
0x177: {  	v21 =	vld [tilespmem:s13+$0x8480];
	v15 =	vadd.f32 v29, v15  }
0x178: {  	v18 =	vld [tilespmem:s3+$0xFFFFFD90];
	v14 =	vadd.f32 v28, v14  }
0x179: {  	v12 =	vadd.f32 v17, v12;
	v17 =	vld [tilespmem:s3+$0x10];
	v10 =	vadd.f32 v10, v15  }
0x17a: {  	v15 =	vld [tilespmem:s3+$0xFFFFEE90];
	v11 =	vadd.f32 v11, v14  }
0x17b: {  	v23 =	vld [tilespmem:s13+$0x7F80];
	v10 =	vadd.f32 v13, v10  }
0x17c: {  	v14 =	vld [tilespmem:s3+$0xFFFFF110];
	(erf) = vrcp.f32 v11  }
0x17d: {  	v22 =	vld [tilespmem:s13+$0x8200];
	(erf) = vrcp.f32 v10  }
0x17e: {  	v12 =	vadd.f32 v16, v12;
	v13 =	vld [tilespmem:s3+$0xFFFFF390]  }
0x17f: {  	v8 =	vld [tilespmem:s13+$0x8E80];
	v15 =	vadd.f32 v15, v61  }
0x180: {  	v9 =	vld [tilespmem:s13+$0x8980];
	v12 =	vadd.f32 v23, v12  }
0x181: {  	v20 =	vld [tilespmem:s13+$0x8700];
	v23 =	vadd.f32 v14, v15  }
0x182: {  	v16 =	vld [tilespmem:s3+$0x290];
	v22 =	vadd.f32 v22, v12  }
0x183: {  	v12 =	vld [tilespmem:s3+$0xA10];
	v13 =	vadd.f32 v13, v23  }
0x184: {  	s24 =	sadd.s32 $0x0, s14;
	vm1 =	vgt.f32 v11, $0.0e+00;
	v11 =	vld [tilespmem:s3+$0xC90]  }
0x185: {  	s0 =	sand.u32 $0x60, s11;
	s30 =	simm.s32 $0x10;
	s9 =	sand.u32 $0x7F80, s24;
	v21 =	vadd.f32 v21, v22;
	vm0 =	vgt.f32 v10, $0.0e+00;
	v15 =	vld [tilespmem:s3+$0x510];
	v23 =	vadd.f32 v62, v13;
	v10 =	vpop (erf)  }
0x186: {  	s11 =	sand.u32 $0x70, s30;
	s10 =	sor.u32 s0, s9;
	v14 =	vld [tilespmem:s3+$0x790];
	v10 =	vnsel vm1, $0x0, v10;
	v22 =	vpop (erf)  }
0x187: {  	s29 =	sor.u32 s11, s9;
	v20 =	vadd.f32 v20, v21;
	v13 =	vld [tilespmem:s3+$0xF10];
	v21 =	vadd.f32 v63, v23;
	[tilespmem:s10+$0x5000] =	vst v10;
	v22 =	vnsel vm0, $0x0, v22  }
0x188: {  	s0 =	simm.s32 $0x0;
	s11 =	simm.s32 $0x20;
	s9 =	simm.s32 $0xDC20;
	v10 =	vld [tilespmem:s3+$0x1190];
	[tilespmem:s29+$0x5000] =	vst v22  }
.LBB2_8:
0x189: {  	v22 =	vld [tilespmem:s9+$0xFFFFEC00];
	s30 =	sand.u32 $0x3E0, s11;
	s13 =	sadd.s32 $0x10, s11;
	s0 =	sadd.s32 $0x2, s0;
	v9 =	vadd.f32 v9, v20;
	v19 =	vadd.f32 v19, v21  }
0x18a: {  	v20 =	vld [tilespmem:s30+$0xCA80];
	s13 =	sand.u32 $0x70, s13;
	p0 =	slt.u32 s0, $0x26  }
0x18b: {  	v21 =	vld [tilespmem:s9+$0xFFFFEC10];
	v5 =	vadd.f32 v5, v9;
	v9 =	vadd.f32 v18, v19  }
0x18c: {  	v18 =	vld [tilespmem:s30+$0xCD00]  }
0x18d: {  	v19 =	vld [tilespmem:s9+$0xFFFFEE90];
	v5 =	vadd.f32 v8, v5;
	v8 =	vadd.f32 v17, v9  }
0x18e: {  	v9 =	vld [tilespmem:s30+$0xCF80]  }
0x18f: {  	v17 =	vadd.f32 v20, v22;
	v20 =	vld [tilespmem:s9+$0xFFFFF110];
	v8 =	vadd.f32 v16, v8  }
0x190: {  	v5 =	vadd.f32 v7, v5;
	v16 =	vld [tilespmem:s30+$0xD200]  }
0x191: {  	v7 =	vadd.f32 v18, v17;
	v17 =	vld [tilespmem:s9+$0xFFFFF390];
	v8 =	vadd.f32 v15, v8  }
0x192: {  	v5 =	vadd.f32 v6, v5;
	v15 =	vld [tilespmem:s30+$0xD480];
	v18 =	vadd.f32 v19, v21  }
0x193: {  	v6 =	vadd.f32 v9, v7;
	v7 =	vld [tilespmem:s9+$0xFFFFF610];
	v8 =	vadd.f32 v14, v8  }
0x194: {  	v4 =	vadd.f32 v4, v5;
	v9 =	vld [tilespmem:s30+$0xD700];
	v14 =	vadd.f32 v20, v18  }
0x195: {  	v5 =	vadd.f32 v16, v6;
	v6 =	vld [tilespmem:s9+$0xFFFFF890];
	v8 =	vadd.f32 v12, v8  }
0x196: {  	v3 =	vadd.f32 v3, v4;
	v12 =	vld [tilespmem:s30+$0xD980];
	v14 =	vadd.f32 v17, v14  }
0x197: {  	v4 =	vadd.f32 v15, v5;
	v5 =	vld [tilespmem:s9+$0xFFFFFB10];
	v8 =	vadd.f32 v11, v8  }
0x198: {  	v2 =	vadd.f32 v2, v3;
	v11 =	vld [tilespmem:s9+$0x0];
	v7 =	vadd.f32 v7, v14  }
0x199: {  	v3 =	vadd.f32 v9, v4;
	v4 =	vld [tilespmem:s9+$0xFFFFFD90];
	v8 =	vadd.f32 v13, v8  }
0x19a: {  	v1 =	vadd.f32 v1, v2;
	v9 =	vld [tilespmem:s30+$0xDE80];
	v6 =	vadd.f32 v6, v7  }
0x19b: {  	v2 =	vadd.f32 v12, v3;
	v3 =	vld [tilespmem:s9+$0x10];
	v7 =	vadd.f32 v10, v8  }
0x19c: {  	vm1 =	vgt.f32 v1, $0.0e+00;
	v8 =	vld [tilespmem:s30+$0xE100];
	v5 =	vadd.f32 v5, v6;
	(erf) = vrcp.f32 v1  }
0x19d: {  	v1 =	vadd.f32 v11, v2;
	v2 =	vld [tilespmem:s9+$0x290];
	vm0 =	vgt.f32 v7, $0.0e+00;
	(erf) = vrcp.f32 v7  }
0x19e: {  	v6 =	vld [tilespmem:s30+$0xE380];
	v4 =	vadd.f32 v4, v5  }
0x19f: {  	v1 =	vadd.f32 v9, v1;
	v5 =	vld [tilespmem:s9+$0x510]  }
0x1a0: {  	v7 =	vld [tilespmem:s30+$0xE600];
	v3 =	vadd.f32 v3, v4  }
0x1a1: {  	v1 =	vadd.f32 v8, v1;
	v4 =	vld [tilespmem:s9+$0x790]  }
0x1a2: {  	v8 =	vld [tilespmem:s30+$0xE880];
	v2 =	vadd.f32 v2, v3  }
0x1a3: {  	v1 =	vadd.f32 v6, v1;
	v3 =	vld [tilespmem:s9+$0xA10]  }
0x1a4: {  	v6 =	vld [tilespmem:s30+$0xEB00];
	v2 =	vadd.f32 v5, v2  }
0x1a5: {  	v1 =	vadd.f32 v7, v1;
	v7 =	vld [tilespmem:s9+$0xC90];
	v5 =	vpop (erf)  }
0x1a6: {  	v9 =	vld [tilespmem:s30+$0xED80];
	v2 =	vadd.f32 v4, v2;
	v4 =	vnsel vm1, $0x0, v5;
	v5 =	vpop (erf)  }
0x1a7: {  	v1 =	vadd.f32 v8, v1;
	v8 =	vld [tilespmem:s9+$0xF10];
	[tilespmem:s10+$0x2800] =	vst v4;
	v4 =	vnsel vm0, $0x0, v5  }
0x1a8: {  	s3 =	sadd.s32 $0x20, s3;
	v2 =	vadd.f32 v3, v2;
	v10 =	vld [tilespmem:s9+$0x1190];
	[tilespmem:s29+$0x2800] =	vst v4  }
0x1a9: {  	v5 =	vld [tilespmem:s3+$0x0];
	v3 =	vadd.f32 v6, v1  }
0x1aa: {  	v11 =	vld [tilespmem:s3+$0xFFFFEC00];
	v4 =	vadd.f32 v7, v2  }
0x1ab: {  	v1 =	vld [tilespmem:s30+$0x9D80];
	v12 =	vadd.f32 v9, v3  }
0x1ac: {  	v2 =	vld [tilespmem:s30+$0x9B00];
	v6 =	vadd.f32 v8, v4  }
0x1ad: {  	v3 =	vld [tilespmem:s30+$0x9880];
	(erf) = vrcp.f32 v12  }
0x1ae: {  	v4 =	vld [tilespmem:s30+$0x9600];
	v8 =	vadd.f32 v10, v6  }
0x1af: {  	v6 =	vld [tilespmem:s30+$0x9380]  }
0x1b0: {  	v7 =	vld [tilespmem:s30+$0x9100];
	vm0 =	vgt.f32 v8, $0.0e+00;
	(erf) = vrcp.f32 v8  }
0x1b1: {  	v8 =	vld [tilespmem:s30+$0x8E80]  }
0x1b2: {  	v9 =	vld [tilespmem:s30+$0x8980]  }
0x1b3: {  	v10 =	vld [tilespmem:s30+$0x8700]  }
0x1b4: {  	v13 =	vld [tilespmem:s30+$0x8480]  }
0x1b5: {  	s10 =	sadd.s32 s11, s14;
	v14 =	vld [tilespmem:s30+$0x8200]  }
0x1b6: {  	s29 =	sand.u32 $0x60, s11;
	s24 =	sand.u32 $0x7F80, s10;
	vm1 =	vgt.f32 v12, $0.0e+00;
	v15 =	vld [tilespmem:s30+$0x7F80];
	v12 =	vpop (erf)  }
0x1b7: {  	s10 =	sor.u32 s29, s24;
	s29 =	sor.u32 s13, s24;
	v16 =	vld [tilespmem:s30+$0x7D00];
	v12 =	vnsel vm1, $0x0, v12  }
0x1b8: {  	v17 =	vld [tilespmem:s30+$0x7A80];
	[tilespmem:s10+$0x5000] =	vst v12  }
0x1b9: {  	v12 =	vld [tilespmem:s3+$0xFFFFEC10];
	v18 =	vpop (erf)  }
0x1ba: {  	v19 =	vld [tilespmem:s3+$0xFFFFEE90];
	v22 =	vnsel vm0, $0x0, v18  }
0x1bb: {  	v20 =	vld [tilespmem:s3+$0xFFFFF110]  }
0x1bc: {  	v21 =	vld [tilespmem:s3+$0xFFFFF390]  }
0x1bd: {  	v11 =	vadd.f32 v17, v11;
	v23 =	vld [tilespmem:s3+$0xFFFFF610]  }
0x1be: {  	v24 =	vld [tilespmem:s3+$0xFFFFF890]  }
0x1bf: {  	v11 =	vadd.f32 v16, v11;
	v12 =	vadd.f32 v19, v12;
	v19 =	vld [tilespmem:s3+$0xFFFFFB10]  }
0x1c0: {  	v18 =	vld [tilespmem:s3+$0xFFFFFD90]  }
0x1c1: {  	v11 =	vadd.f32 v15, v11;
	v12 =	vadd.f32 v20, v12;
	v17 =	vld [tilespmem:s3+$0x10]  }
0x1c2: {  	v16 =	vld [tilespmem:s3+$0x290]  }
0x1c3: {  	v11 =	vadd.f32 v14, v11;
	v12 =	vadd.f32 v21, v12;
	v15 =	vld [tilespmem:s3+$0x510]  }
.Ltmp3:
0x1c4: {  	v14 =	vld [tilespmem:s3+$0x790];
	(pc) =	sbr.rel @p0 .LBB2_8-.Ltmp3, $4  }
0x1c5: {  	v13 =	vadd.f32 v13, v11;
	v21 =	vadd.f32 v23, v12;
	v12 =	vld [tilespmem:s3+$0xA10]  }
0x1c6: {  	v11 =	vld [tilespmem:s3+$0xC90]  }
0x1c7: {  	v20 =	vadd.f32 v10, v13;
	v21 =	vadd.f32 v24, v21;
	v13 =	vld [tilespmem:s3+$0xF10]  }
0x1c8: {  	s11 =	sadd.s32 $0x20, s11;
	s9 =	sadd.s32 $0x20, s9;
	v10 =	vld [tilespmem:s3+$0x1190];
	[tilespmem:s29+$0x5000] =	vst v22  }
0x1c9: {  	v19 =	vadd.f32 v19, v21  }
0x1ca: {  	v9 =	vadd.f32 v9, v20  }
0x1cb: {  	v18 =	vadd.f32 v18, v19  }
0x1cc: {  	v5 =	vadd.f32 v5, v9  }
0x1cd: {  	v58 =	vadd.f32 v17, v18  }
0x1ce: {  	v5 =	vadd.f32 v8, v5  }
0x1cf: {  	v59 =	vadd.f32 v16, v58  }
0x1d0: {  	v5 =	vadd.f32 v7, v5  }
0x1d1: {  	v60 =	vadd.f32 v15, v59  }
0x1d2: {  	v5 =	vadd.f32 v6, v5  }
0x1d3: {  	v61 =	vadd.f32 v14, v60  }
0x1d4: {  	v4 =	vadd.f32 v4, v5  }
0x1d5: {  	v62 =	vadd.f32 v12, v61  }
0x1d6: {  	v3 =	vadd.f32 v3, v4  }
0x1d7: {  	v63 =	vadd.f32 v11, v62  }
0x1d8: {  	v2 =	vadd.f32 v2, v3  }
0x1d9: {  	v3 =	vadd.f32 v13, v63  }
0x1da: {  	v1 =	vadd.f32 v1, v2  }
0x1db: {  	v2 =	vadd.f32 v10, v3  }
0x1dc: {  	(erf) = vrcp.f32 v1  }
0x1dd: {  	(erf) = vrcp.f32 v2;
	_ =	sdelay $0x7  }
0x1de: {  	vm0 =	vgt.f32 v1, $0.0e+00;
	v1 =	vpop (erf)  }
0x1df: {  	vm1 =	vgt.f32 v2, $0.0e+00;
	v1 =	vnsel vm0, $0x0, v1;
	v2 =	vpop (erf)  }
0x1e0: {  	[tilespmem:s10+$0x2800] =	vst v1;
	v1 =	vnsel vm1, $0x0, v2  }
0x1e1: {  	[tilespmem:s29+$0x2800] =	vst v1  }
0x1e2: {  	s3 =	sld [smem:$0x7FB];
	_ =	sdelay $0x1  }
0x1e3: {  	s0 =	rddreg [dreg:$0x14]  }
0x1e4: {  	[spmem:s0] =	stream.strided.scatter [tilespmem:s3], [sflag:$0x7], $0x280, s18, s6, $0x38;
	[tilespmem:$0x1EB00] =	vst v63  }
0x1e5: {  	_ =	swait.ge [sflag:s8], $0x280  }
0x1e6: {  	s13 =	sld [smem:$0x7FC]  }
0x1e7: {  	[sflag:s8] =	ssyncset.done $0x0  }
0x1e8: {  	s11 =	rddreg [dreg:$0x15];
	[sflag:s8] =	ssyncadd.s32 $0xFFFFFD80  }
0x1e9: {  	[spmem:s11] =	stream.strided.scatter [tilespmem:s13], [sflag:$0x7], $0x280, s18, s6, $0x38;
	[tilespmem:$0x1EB00] =	vst v63  }
0x1ea: {  	_ =	swait.ge [sflag:s8], $0x280  }
0x1eb: {  	[sflag:s8] =	ssyncset.done $0x0  }
0x1ec: {  	[sflag:s8] =	ssyncadd.s32 $0xFFFFFD80  }
0x1ed: {  	[bflag:$0x0] =	sbarrier.arrive $0xFFFF  }
0x1ee: {  	s24 =	rddreg [dreg:$0x3]  }
0x1ef: {  	[tilespmem:s12], [sflag:$0x7] =	stream.strided.gather [spmem:s24], $0x2800, s18, s6, $0x38;
	[tilespmem:$0x1EB00] =	vst v63  }
0x1f0: {  	_ =	swait.ge [sflag:s8], $0x2800  }
0x1f1: {  	s29 =	sld [smem:$0x7FD]  }
0x1f2: {  	[sflag:s8] =	ssyncset.done $0x0  }
0x1f3: {  	[sflag:s8] =	ssyncadd.s32 $0xFFFFD800  }
0x1f4: {  	[tilespmem:s15], [sflag:$0x7] =	stream.strided.gather [spmem:s29], $0x2800, s18, s6, $0x38;
	[tilespmem:$0x1EB00] =	vst v63  }
0x1f5: {  	_ =	swait.ge [sflag:s8], $0x2800  }
0x1f6: {  	[sflag:s8] =	ssyncset.done $0x0  }
0x1f7: {  	s30 =	simm.s32 $0x7820;
	[sflag:s8] =	ssyncadd.s32 $0xFFFFD800  }
0x1f8: {  	[tilespmem:s30+$0xFFFFFFF0] =	vst v0  }
0x1f9: {  	[tilespmem:s30+$0x0] =	vst v0  }
0x1fa: {  	[tilespmem:s30+$0x10] =	vst v0  }
0x1fb: {  	s0 =	simm.s32 $0xA020;
	[tilespmem:s30+$0xFFFFFFE0] =	vst v0  }
0x1fc: {  	[tilespmem:s0+$0xFFFFFFF0] =	vst v0  }
0x1fd: {  	[tilespmem:s0+$0x0] =	vst v0  }
0x1fe: {  	[tilespmem:s0+$0x10] =	vst v0  }
0x1ff: {  	s3 =	simm.s32 $0xC820;
	[tilespmem:s0+$0xFFFFFFE0] =	vst v0  }
0x200: {  	[tilespmem:s3+$0xFFFFFFF0] =	vst v0  }
0x201: {  	[tilespmem:s3+$0x0] =	vst v0  }
0x202: {  	[tilespmem:s3+$0x10] =	vst v0  }
0x203: {  	s9 =	simm.s32 $0xF020;
	[tilespmem:s3+$0xFFFFFFE0] =	vst v0  }
0x204: {  	[tilespmem:s9+$0xFFFFFFF0] =	vst v0  }
0x205: {  	[tilespmem:s9+$0x0] =	vst v0  }
0x206: {  	[tilespmem:s9+$0x10] =	vst v0  }
0x207: {  	s10 =	simm.s32 $0x0;
	s11 =	simm.s32 $0x7860;
	[tilespmem:s9+$0xFFFFFFE0] =	vst v0  }
.LBB2_10:
0x208: {  	[tilespmem:s11+$0xFFFFFFF0] =	vst v0;
	s0 =	sadd.s32 $0x40, s0  }
0x209: {  	s3 =	sadd.s32 $0x40, s3;
	[tilespmem:s0+$0xFFFFFFF0] =	vst v0  }
0x20a: {  	s9 =	sadd.s32 $0x40, s9;
	[tilespmem:s3+$0xFFFFFFF0] =	vst v0  }
0x20b: {  	[tilespmem:s9+$0xFFFFFFF0] =	vst v0  }
0x20c: {  	[tilespmem:s11+$0x0] =	vst v0  }
0x20d: {  	[tilespmem:s0+$0x0] =	vst v0  }
0x20e: {  	[tilespmem:s3+$0x0] =	vst v0  }
0x20f: {  	[tilespmem:s9+$0x0] =	vst v0  }
0x210: {  	[tilespmem:s11+$0x10] =	vst v0  }
0x211: {  	s10 =	sadd.s32 $0x4, s10;
	[tilespmem:s0+$0x10] =	vst v0  }
0x212: {  	p0 =	slt.u32 s10, $0x27C;
	[tilespmem:s3+$0x10] =	vst v0  }
.Ltmp4:
0x213: {  	[tilespmem:s9+$0x10] =	vst v0;
	(pc) =	sbr.rel @p0 .LBB2_10-.Ltmp4, $4  }
0x214: {  	[tilespmem:s11+$0xFFFFFFE0] =	vst v0  }
0x215: {  	[tilespmem:s0+$0xFFFFFFE0] =	vst v0  }
0x216: {  	[tilespmem:s3+$0xFFFFFFE0] =	vst v0  }
0x217: {  	s11 =	sadd.s32 $0x40, s11;
	[tilespmem:s9+$0xFFFFFFE0] =	vst v0  }
0x218: {  	s3 =	simm.s32 $0x0;
	s30 =	simm.s32 $0x11800  }
0x219: {  	[tilespmem:s30], [sflag:$0x1] =	stream.linear.gather [hbm4b:s5+s3], $0x1F40, $0x38;
	[tilespmem:$0x1EB00] =	vst v63  }
0x21a: {  	s0 =	simm.s32 $0x15700  }
0x21b: {  	[tilespmem:s0], [sflag:$0x2] =	stream.linear.gather [hbm4b:s1+s3], $0x1F40, $0x38;
	[tilespmem:$0x1EB00] =	vst v63  }
0x21c: {  	_ = 	snop  }
0x21d: {  	[tilespmem:s16], [sflag:$0x4] =	stream.linear.gather [hbm4b:s2+s3], $0x1F40, $0x38;
	[tilespmem:$0x1EB00] =	vst v63  }
0x21e: {  	_ = 	snop  }
0x21f: {  	[tilespmem:s17], [sflag:$0x5] =	stream.linear.gather [hbm4b:s7+s3], $0x1F40, $0x38;
	[tilespmem:$0x1EB00] =	vst v63  }
0x220: {  	s24 =	smov.u32 s2;
	s2 =	smov.u32 s7;
	s7 =	simm.s32 $0x400  }
.LBB2_12:
0x221: {  	_ =	swait.ge [sflag:s21], $0x1F40  }
0x222: {  	[sflag:s21] =	ssyncset.done $0x0  }
0x223: {  	[sflag:s21] =	ssyncadd.s32 $0xFFFFE0C0  }
0x224: {  	_ =	swait.ge [sflag:s22], $0x1F40  }
0x225: {  	[sflag:s22] =	ssyncset.done $0x0  }
0x226: {  	s0 =	simm.s32 $0x11820;
	[sflag:s22] =	ssyncadd.s32 $0xFFFFE0C0  }
0x227: {  	v2 =	vld [tilespmem:s0+$0x10]  }
0x228: {  	v3 =	vld [tilespmem:s0+$0xFFFFFFF0]  }
0x229: {  	v4 =	vld [tilespmem:s0+$0xFFFFFFE0];
	_ =	sdelay $0x2  }
0x22a: {  	v6 =	vld [tilespmem:s0+$0x0];
	v5 =	vand.u32 $0xFFFF, v2  }
0x22b: {  	s29 =	simm.s32 $0x15720;
	v11 =	vand.u32 $0xFFFF, v3  }
0x22c: {  	v8 =	vld [tilespmem:s29+$0x10];
	v13 =	vand.u32 $0xFFFF, v4  }
0x22d: {  	v14 =	vld [tilespmem:s29+$0xFFFFFFE0]  }
0x22e: {  	v15 =	vld [tilespmem:s29+$0xFFFFFFF0]  }
0x22f: {  	v1 =	vand.u32 $0xFFFF, v6;
	v7 =	vld.idx.msk [tilespmem:v5+s4+$0x0], $0xffff  }
0x230: {  	v9 =	vld.idx.msk [tilespmem:v11+s4+$0x0], $0xffff  }
0x231: {  	v2 =	vshrl.u32 v2, $0x10;
	v10 =	vld.idx.msk [tilespmem:v13+s4+$0x0], $0xffff;
	_ =	sdelay $0x1  }
0x232: {  	v18 =	vld [tilespmem:s29+$0x0];
	v12 =	vshrl.u32 v4, $0x10  }
0x233: {  	s9 =	simm.s32 $0x11860;
	v16 =	vld.idx.msk [tilespmem:v1+s4+$0x0], $0xffff;
	v7 =	vmul.f32 v7, v8  }
0x234: {  	v17 =	vshrl.u32 v3, $0x10;
	v4 =	vmul.f32 v9, v15;
	v9 =	vld [tilespmem:s9+$0xFFFFFFF0]  }
0x235: {  	v3 =	vmul.f32 v10, v14;
	[tilespmem:v2+s19+$0x0] =	vst.idx.add.f32.msk $0xffff, v7  }
0x236: {  	v7 =	vld [tilespmem:s9+$0x10]  }
0x237: {  	[tilespmem:v12+s19+$0x0] =	vst.idx.add.f32.msk $0xffff, v3  }
0x238: {  	v2 =	vld.idx.msk [tilespmem:v2+s4+$0x0], $0xffff  }
0x239: {  	[tilespmem:v17+s19+$0x0] =	vst.idx.add.f32.msk $0xffff, v4  }
0x23a: {  	v6 =	vshrl.u32 v6, $0x10;
	v3 =	vmul.f32 v16, v18;
	v16 =	vld [tilespmem:s9+$0x0]  }
0x23b: {  	s0 =	simm.s32 $0x15760;
	v19 =	vld.idx.msk [tilespmem:v12+s4+$0x0], $0xffff  }
0x23c: {  	v12 =	vld [tilespmem:s0+$0x10];
	v4 =	vand.u32 $0xFFFF, v7  }
0x23d: {  	v2 =	vmul.f32 v2, v8;
	v8 =	vld [tilespmem:s9+$0xFFFFFFE0]  }
0x23e: {  	v17 =	vld.idx.msk [tilespmem:v17+s4+$0x0], $0xffff  }
0x23f: {  	[tilespmem:v6+s19+$0x0] =	vst.idx.add.f32.msk $0xffff, v3  }
0x240: {  	[tilespmem:v5+s20+$0x0] =	vst.idx.add.f32.msk $0xffff, v2;
	v2 =	vand.u32 $0xFFFF, v9  }
0x241: {  	v5 =	vand.u32 $0xFFFF, v16;
	v10 =	vld.idx.msk [tilespmem:v4+s4+$0x0], $0xffff  }
0x242: {  	v20 =	vld.idx.msk [tilespmem:v6+s4+$0x0], $0xffff;
	v3 =	vand.u32 $0xFFFF, v8  }
0x243: {  	v6 =	vld [tilespmem:s0+$0xFFFFFFF0];
	v21 =	vshrl.u32 v7, $0x10  }
0x244: {  	v7 =	vld [tilespmem:s0+$0xFFFFFFE0]  }
0x245: {  	v22 =	vld.idx.msk [tilespmem:v2+s4+$0x0], $0xffff  }
0x246: {  	v24 =	vld.idx.msk [tilespmem:v5+s4+$0x0], $0xffff;
	v10 =	vmul.f32 v10, v12  }
0x247: {  	v23 =	vld.idx.msk [tilespmem:v3+s4+$0x0], $0xffff  }
0x248: {  	v19 =	vmul.f32 v19, v14;
	v9 =	vshrl.u32 v9, $0x10;
	[tilespmem:v21+s19+$0x0] =	vst.idx.add.f32.msk $0xffff, v10  }
0x249: {  	v10 =	vshrl.u32 v8, $0x10;
	v8 =	vld [tilespmem:s0+$0x0]  }
0x24a: {  	v15 =	vmul.f32 v17, v15;
	[tilespmem:v13+s20+$0x0] =	vst.idx.add.f32.msk $0xffff, v19  }
0x24b: {  	v14 =	vld.idx.msk [tilespmem:v21+s4+$0x0], $0xffff;
	v63 =	vmul.f32 v22, v6  }
0x24c: {  	[tilespmem:v11+s20+$0x0] =	vst.idx.add.f32.msk $0xffff, v15;
	v17 =	vmul.f32 v23, v7  }
0x24d: {  	[tilespmem:v9+s19+$0x0] =	vst.idx.add.f32.msk $0xffff, v63  }
0x24e: {  	s10 =	simm.s32 $0x118A0;
	s9 =	simm.s32 $0x4;
	v11 =	vshrl.u32 v16, $0x10;
	v13 =	vmul.f32 v20, v18;
	v15 =	vmul.f32 v24, v8;
	[tilespmem:v10+s19+$0x0] =	vst.idx.add.f32.msk $0xffff, v17  }
.LBB2_13:
0x24f: {  	v16 =	vld [tilespmem:s10+$0x10];
	s9 =	sadd.s32 $0x4, s9  }
0x250: {  	v12 =	vmul.f32 v14, v12;
	v17 =	vld [tilespmem:s10+$0xFFFFFFF0];
	p0 =	slt.u32 s9, $0x1F0  }
0x251: {  	v14 =	vld [tilespmem:s10+$0x0]  }
0x252: {  	[tilespmem:v4+s20+$0x0] =	vst.idx.add.f32.msk $0xffff, v12  }
0x253: {  	v12 =	vld [tilespmem:s10+$0xFFFFFFE0]  }
0x254: {  	v4 =	vand.u32 $0xFFFF, v16;
	[tilespmem:v11+s19+$0x0] =	vst.idx.add.f32.msk $0xffff, v15  }
0x255: {  	v15 =	vshrl.u32 v17, $0x10;
	v17 =	vand.u32 $0xFFFF, v17;
	v18 =	vld.idx.msk [tilespmem:v10+s4+$0x0], $0xffff  }
0x256: {  	v10 =	vshrl.u32 v14, $0x10;
	v14 =	vand.u32 $0xFFFF, v14;
	v19 =	vld.idx.msk [tilespmem:v9+s4+$0x0], $0xffff;
	v9 =	vmov v15  }
0x257: {  	v15 =	vld.idx.msk [tilespmem:v11+s4+$0x0], $0xffff;
	v11 =	vmov v10  }
0x258: {  	v10 =	vshrl.u32 v12, $0x10;
	v20 =	vand.u32 $0xFFFF, v12;
	[tilespmem:v1+s20+$0x0] =	vst.idx.add.f32.msk $0xffff, v13;
	v1 =	vmovc v5;
	v5 =	vmov v14  }
0x259: {  	s0 =	sadd.s32 $0x40, s0;
	v21 =	vld.idx.msk [tilespmem:v4+s4+$0x0], $0xffff  }
0x25a: {  	v12 =	vld [tilespmem:s0+$0x10]  }
0x25b: {  	v18 =	vmul.f32 v18, v7;
	v22 =	vld.idx.msk [tilespmem:v17+s4+$0x0], $0xffff  }
0x25c: {  	v23 =	vld.idx.msk [tilespmem:v14+s4+$0x0], $0xffff;
	v14 =	vshrl.u32 v16, $0x10;
	v16 =	vmul.f32 v19, v6  }
0x25d: {  	v13 =	vmul.f32 v15, v8;
	v19 =	vld.idx.msk [tilespmem:v20+s4+$0x0], $0xffff  }
0x25e: {  	v7 =	vld [tilespmem:s0+$0xFFFFFFE0]  }
0x25f: {  	v6 =	vld [tilespmem:s0+$0xFFFFFFF0];
	v15 =	vmul.f32 v21, v12  }
0x260: {  	v8 =	vld [tilespmem:s0+$0x0]  }
0x261: {  	[tilespmem:v14+s19+$0x0] =	vst.idx.add.f32.msk $0xffff, v15  }
.Ltmp5:
0x262: {  	v14 =	vld.idx.msk [tilespmem:v14+s4+$0x0], $0xffff;
	(pc) =	sbr.rel @p0 .LBB2_13-.Ltmp5, $4  }
0x263: {  	v15 =	vmul.f32 v19, v7;
	[tilespmem:v3+s20+$0x0] =	vst.idx.add.f32.msk $0xffff, v18;
	v3 =	vmov v20  }
0x264: {  	v18 =	vmul.f32 v22, v6;
	[tilespmem:v2+s20+$0x0] =	vst.idx.add.f32.msk $0xffff, v16;
	v2 =	vmov v17  }
0x265: {  	[tilespmem:v10+s19+$0x0] =	vst.idx.add.f32.msk $0xffff, v15;
	v15 =	vmul.f32 v23, v8  }
0x266: {  	s10 =	sadd.s32 $0x40, s10;
	[tilespmem:v9+s19+$0x0] =	vst.idx.add.f32.msk $0xffff, v18  }
0x267: {  	_ =	sdelay $0x3  }
0x268: {  	[tilespmem:v11+s19+$0x0] =	vst.idx.add.f32.msk $0xffff, v15  }
0x269: {  	v10 =	vld.idx.msk [tilespmem:v10+s4+$0x0], $0xffff  }
0x26a: {  	v9 =	vld.idx.msk [tilespmem:v9+s4+$0x0], $0xffff  }
0x26b: {  	v11 =	vld.idx.msk [tilespmem:v11+s4+$0x0], $0xffff  }
0x26c: {  	v12 =	vmul.f32 v14, v12  }
0x26d: {  	p0 =	seq.s32 s3, $0x9  }
0x26e: {  	s0 =	smul.u32 @!p0 $0x3E80, s3;
	[tilespmem:v4+s20+$0x0] =	vst.idx.add.f32.msk $0xffff, v12;
	v4 =	vmul.f32 v10, v7  }
0x26f: {  	[tilespmem:v1+s20+$0x0] =	vst.idx.add.f32.msk $0xffff, v13;
	v1 =	vmul.f32 v9, v6  }
0x270: {  	s0 =	sshrl.u32 @!p0 s0, $0x3;
	v6 =	vmul.f32 v11, v8;
	[tilespmem:v3+s20+$0x0] =	vst.idx.add.f32.msk $0xffff, v4  }
0x271: {  	s0 =	sadd.s32 @!p0 $0x7D0, s0;
	[tilespmem:v2+s20+$0x0] =	vst.idx.add.f32.msk $0xffff, v1  }
0x272: {  	s10 =	simm.s32 @!p0 $0x0;
	s11 =	simm.s32 @!p0 $0x11800;
	s9 =	sadd.s32 @!p0 s5, s0;
	[tilespmem:v5+s20+$0x0] =	vst.idx.add.f32.msk $0xffff, v6  }
0x273: {  	[tilespmem:s11], [sflag:$0x1] =	stream.linear.gather @!p0 [hbm4b:s9+s10], $0x1F40, $0x38;
	[tilespmem:$0x1EB00] =	vst v63  }
0x274: {  	s0 =	sadd.s32 @!p0 s1, s0;
	s9 =	simm.s32 @!p0 $0x15700  }
0x275: {  	[tilespmem:s9], [sflag:$0x2] =	stream.linear.gather @!p0 [hbm4b:s0+s10], $0x1F40, $0x38;
	[tilespmem:$0x1EB00] =	vst v63  }
0x276: {  	_ =	swait.ge [sflag:s23], $0x1F40  }
0x277: {  	[sflag:s23] =	ssyncset.done $0x0  }
0x278: {  	[sflag:s23] =	ssyncadd.s32 $0xFFFFE0C0  }
0x279: {  	_ =	swait.ge [sflag:s25], $0x1F40  }
0x27a: {  	[sflag:s25] =	ssyncset.done $0x0  }
0x27b: {  	s11 =	simm.s32 $0x137A0;
	[sflag:s25] =	ssyncadd.s32 $0xFFFFE0C0  }
0x27c: {  	v2 =	vld [tilespmem:s11+$0x10]  }
0x27d: {  	v3 =	vld [tilespmem:s11+$0xFFFFFFF0]  }
0x27e: {  	v4 =	vld [tilespmem:s11+$0xFFFFFFE0];
	_ =	sdelay $0x2  }
0x27f: {  	v6 =	vld [tilespmem:s11+$0x0];
	v5 =	vand.u32 $0xFFFF, v2  }
0x280: {  	s13 =	simm.s32 $0x176A0;
	v11 =	vand.u32 $0xFFFF, v3  }
0x281: {  	v8 =	vld [tilespmem:s13+$0x10];
	v13 =	vand.u32 $0xFFFF, v4  }
0x282: {  	v14 =	vld [tilespmem:s13+$0xFFFFFFE0]  }
0x283: {  	v15 =	vld [tilespmem:s13+$0xFFFFFFF0]  }
0x284: {  	v1 =	vand.u32 $0xFFFF, v6;
	v7 =	vld.idx.msk [tilespmem:v5+s4+$0x0], $0xffff  }
0x285: {  	v9 =	vld.idx.msk [tilespmem:v11+s4+$0x0], $0xffff  }
0x286: {  	v2 =	vshrl.u32 v2, $0x10;
	v10 =	vld.idx.msk [tilespmem:v13+s4+$0x0], $0xffff;
	_ =	sdelay $0x1  }
0x287: {  	v18 =	vld [tilespmem:s13+$0x0];
	v12 =	vshrl.u32 v4, $0x10  }
0x288: {  	s29 =	simm.s32 $0x137E0;
	v16 =	vld.idx.msk [tilespmem:v1+s4+$0x0], $0xffff;
	v7 =	vmul.f32 v7, v8  }
0x289: {  	v17 =	vshrl.u32 v3, $0x10;
	v4 =	vmul.f32 v9, v15;
	v9 =	vld [tilespmem:s29+$0xFFFFFFF0]  }
0x28a: {  	v3 =	vmul.f32 v10, v14;
	[tilespmem:v2+s19+$0x0] =	vst.idx.add.f32.msk $0xffff, v7  }
0x28b: {  	v7 =	vld [tilespmem:s29+$0x10]  }
0x28c: {  	[tilespmem:v12+s19+$0x0] =	vst.idx.add.f32.msk $0xffff, v3  }
0x28d: {  	v2 =	vld.idx.msk [tilespmem:v2+s4+$0x0], $0xffff  }
0x28e: {  	[tilespmem:v17+s19+$0x0] =	vst.idx.add.f32.msk $0xffff, v4  }
0x28f: {  	v6 =	vshrl.u32 v6, $0x10;
	v3 =	vmul.f32 v16, v18;
	v16 =	vld [tilespmem:s29+$0x0]  }
0x290: {  	s0 =	simm.s32 $0x176E0;
	v19 =	vld.idx.msk [tilespmem:v12+s4+$0x0], $0xffff  }
0x291: {  	v12 =	vld [tilespmem:s0+$0x10];
	v4 =	vand.u32 $0xFFFF, v7  }
0x292: {  	v2 =	vmul.f32 v2, v8;
	v8 =	vld [tilespmem:s29+$0xFFFFFFE0]  }
0x293: {  	v17 =	vld.idx.msk [tilespmem:v17+s4+$0x0], $0xffff  }
0x294: {  	[tilespmem:v6+s19+$0x0] =	vst.idx.add.f32.msk $0xffff, v3  }
0x295: {  	[tilespmem:v5+s20+$0x0] =	vst.idx.add.f32.msk $0xffff, v2;
	v2 =	vand.u32 $0xFFFF, v9  }
0x296: {  	v5 =	vand.u32 $0xFFFF, v16;
	v10 =	vld.idx.msk [tilespmem:v4+s4+$0x0], $0xffff  }
0x297: {  	v20 =	vld.idx.msk [tilespmem:v6+s4+$0x0], $0xffff;
	v3 =	vand.u32 $0xFFFF, v8  }
0x298: {  	v6 =	vld [tilespmem:s0+$0xFFFFFFF0];
	v21 =	vshrl.u32 v7, $0x10  }
0x299: {  	v7 =	vld [tilespmem:s0+$0xFFFFFFE0]  }
0x29a: {  	v22 =	vld.idx.msk [tilespmem:v2+s4+$0x0], $0xffff  }
0x29b: {  	v24 =	vld.idx.msk [tilespmem:v5+s4+$0x0], $0xffff;
	v10 =	vmul.f32 v10, v12  }
0x29c: {  	v23 =	vld.idx.msk [tilespmem:v3+s4+$0x0], $0xffff  }
0x29d: {  	v19 =	vmul.f32 v19, v14;
	[tilespmem:v21+s19+$0x0] =	vst.idx.add.f32.msk $0xffff, v10;
	v10 =	vshrl.u32 v8, $0x10;
	v8 =	vshrl.u32 v9, $0x10  }
0x29e: {  	v9 =	vld [tilespmem:s0+$0x0]  }
0x29f: {  	v15 =	vmul.f32 v17, v15;
	[tilespmem:v13+s20+$0x0] =	vst.idx.add.f32.msk $0xffff, v19  }
0x2a0: {  	v14 =	vld.idx.msk [tilespmem:v21+s4+$0x0], $0xffff;
	v63 =	vmul.f32 v22, v6  }
0x2a1: {  	[tilespmem:v11+s20+$0x0] =	vst.idx.add.f32.msk $0xffff, v15;
	v17 =	vmul.f32 v23, v7  }
0x2a2: {  	[tilespmem:v8+s19+$0x0] =	vst.idx.add.f32.msk $0xffff, v63  }
0x2a3: {  	s9 =	simm.s32 $0x4;
	s10 =	simm.s32 $0x13820;
	v11 =	vshrl.u32 v16, $0x10;
	v13 =	vmul.f32 v20, v18;
	v15 =	vmul.f32 v24, v9;
	[tilespmem:v10+s19+$0x0] =	vst.idx.add.f32.msk $0xffff, v17  }
.LBB2_15:
0x2a4: {  	v16 =	vld [tilespmem:s10+$0x10];
	s9 =	sadd.s32 $0x4, s9  }
0x2a5: {  	v12 =	vmul.f32 v14, v12;
	v17 =	vld [tilespmem:s10+$0xFFFFFFF0];
	p1 =	slt.u32 s9, $0x1F0  }
0x2a6: {  	v14 =	vld [tilespmem:s10+$0x0]  }
0x2a7: {  	[tilespmem:v4+s20+$0x0] =	vst.idx.add.f32.msk $0xffff, v12  }
0x2a8: {  	v12 =	vld [tilespmem:s10+$0xFFFFFFE0]  }
0x2a9: {  	v4 =	vand.u32 $0xFFFF, v16;
	[tilespmem:v11+s19+$0x0] =	vst.idx.add.f32.msk $0xffff, v15  }
0x2aa: {  	v15 =	vshrl.u32 v17, $0x10;
	v17 =	vand.u32 $0xFFFF, v17;
	v18 =	vld.idx.msk [tilespmem:v10+s4+$0x0], $0xffff  }
0x2ab: {  	v10 =	vshrl.u32 v14, $0x10;
	v14 =	vand.u32 $0xFFFF, v14;
	v19 =	vld.idx.msk [tilespmem:v8+s4+$0x0], $0xffff;
	v8 =	vmov v15  }
0x2ac: {  	v15 =	vld.idx.msk [tilespmem:v11+s4+$0x0], $0xffff;
	v11 =	vmov v10  }
0x2ad: {  	v10 =	vshrl.u32 v12, $0x10;
	v20 =	vand.u32 $0xFFFF, v12;
	[tilespmem:v1+s20+$0x0] =	vst.idx.add.f32.msk $0xffff, v13;
	v1 =	vmovc v5;
	v5 =	vmov v14  }
0x2ae: {  	s0 =	sadd.s32 $0x40, s0;
	v21 =	vld.idx.msk [tilespmem:v4+s4+$0x0], $0xffff  }
0x2af: {  	v12 =	vld [tilespmem:s0+$0x10]  }
0x2b0: {  	v18 =	vmul.f32 v18, v7;
	v22 =	vld.idx.msk [tilespmem:v17+s4+$0x0], $0xffff  }
0x2b1: {  	v23 =	vld.idx.msk [tilespmem:v14+s4+$0x0], $0xffff;
	v14 =	vshrl.u32 v16, $0x10;
	v16 =	vmul.f32 v19, v6  }
0x2b2: {  	v13 =	vmul.f32 v15, v9;
	v19 =	vld.idx.msk [tilespmem:v20+s4+$0x0], $0xffff  }
0x2b3: {  	v7 =	vld [tilespmem:s0+$0xFFFFFFE0]  }
0x2b4: {  	v6 =	vld [tilespmem:s0+$0xFFFFFFF0];
	v15 =	vmul.f32 v21, v12  }
0x2b5: {  	v9 =	vld [tilespmem:s0+$0x0]  }
0x2b6: {  	[tilespmem:v14+s19+$0x0] =	vst.idx.add.f32.msk $0xffff, v15  }
.Ltmp6:
0x2b7: {  	v14 =	vld.idx.msk [tilespmem:v14+s4+$0x0], $0xffff;
	(pc) =	sbr.rel @p1 .LBB2_15-.Ltmp6, $4  }
0x2b8: {  	v15 =	vmul.f32 v19, v7;
	[tilespmem:v3+s20+$0x0] =	vst.idx.add.f32.msk $0xffff, v18;
	v3 =	vmov v20  }
0x2b9: {  	v18 =	vmul.f32 v22, v6;
	[tilespmem:v2+s20+$0x0] =	vst.idx.add.f32.msk $0xffff, v16;
	v2 =	vmov v17  }
0x2ba: {  	[tilespmem:v10+s19+$0x0] =	vst.idx.add.f32.msk $0xffff, v15;
	v15 =	vmul.f32 v23, v9  }
0x2bb: {  	s10 =	sadd.s32 $0x40, s10;
	[tilespmem:v8+s19+$0x0] =	vst.idx.add.f32.msk $0xffff, v18  }
0x2bc: {  	_ =	sdelay $0x3  }
0x2bd: {  	[tilespmem:v11+s19+$0x0] =	vst.idx.add.f32.msk $0xffff, v15  }
0x2be: {  	v10 =	vld.idx.msk [tilespmem:v10+s4+$0x0], $0xffff  }
0x2bf: {  	v8 =	vld.idx.msk [tilespmem:v8+s4+$0x0], $0xffff  }
0x2c0: {  	v11 =	vld.idx.msk [tilespmem:v11+s4+$0x0], $0xffff;
	_ =	sdelay $0x1  }
0x2c1: {  	v12 =	vmul.f32 v14, v12  }
.Ltmp7:
0x2c2: {  	[tilespmem:v1+s20+$0x0] =	vst.idx.add.f32.msk $0xffff, v13;
	v62 =	vmul.f32 v10, v7;
	(pc) =	sbr.rel @p0 .LBB2_18-.Ltmp7, $4  }
0x2c3: {  	[tilespmem:v4+s20+$0x0] =	vst.idx.add.f32.msk $0xffff, v12;
	v1 =	vmul.f32 v8, v6  }
0x2c4: {  	v63 =	vmul.f32 v11, v9;
	[tilespmem:v3+s20+$0x0] =	vst.idx.add.f32.msk $0xffff, v62  }
0x2c5: {  	[tilespmem:v2+s20+$0x0] =	vst.idx.add.f32.msk $0xffff, v1  }
0x2c6: {  	[tilespmem:v5+s20+$0x0] =	vst.idx.add.f32.msk $0xffff, v63  }
0x2c7: {  	s0 =	smul.u32 $0x3E80, s3;
	_ =	sdelay $0x1  }
0x2c8: {  	s0 =	sshrl.u32 s0, $0x3  }
.Ltmp8:
0x2c9: {  	s0 =	sadd.s32 $0xBB8, s0;
	(pc) =	sbr.rel .LBB2_12-.Ltmp8, $4  }
0x2ca: {  	s9 =	sadd.s32 s5, s0  }
0x2cb: {  	[tilespmem:s16], [sflag:$0x4] =	stream.linear.gather [hbm4b:s9+s4], $0x1F40, $0x38;
	[tilespmem:$0x1EB00] =	vst v63  }
0x2cc: {  	s3 =	sadd.s32 $0x1, s3;
	s0 =	sadd.s32 s1, s0  }
0x2cd: {  	[tilespmem:s17], [sflag:$0x5] =	stream.linear.gather [hbm4b:s0+s4], $0x1F40, $0x38;
	[tilespmem:$0x1EB00] =	vst v63  }
.LBB2_18:
0x2ce: {  	[tilespmem:s30], [sflag:$0x1] =	stream.linear.gather [hbm4b:s5+s4], $0x1F40, $0x38;
	[tilespmem:$0x1EB00] =	vst v63  }
0x2cf: {  	s0 =	simm.s32 $0x15700  }
0x2d0: {  	[tilespmem:s0], [sflag:$0x2] =	stream.linear.gather [hbm4b:s1+s4], $0x1F40, $0x38;
	[tilespmem:$0x1EB00] =	vst v63  }
0x2d1: {  	_ = 	snop  }
0x2d2: {  	[tilespmem:s16], [sflag:$0x4] =	stream.linear.gather [hbm4b:s24+s4], $0x1F40, $0x38;
	[tilespmem:$0x1EB00] =	vst v63  }
0x2d3: {  	s3 =	simm.s32 $0x7820  }
0x2d4: {  	[tilespmem:s17], [sflag:$0x5] =	stream.linear.gather [hbm4b:s2+s4], $0x1F40, $0x38;
	[tilespmem:$0x1EB00] =	vst v63  }
0x2d5: {  	s13 =	simm.s32 $0x2820;
	v1 =	vld [tilespmem:s3+$0x10]  }
0x2d6: {  	v2 =	vld [tilespmem:s13+$0x10]  }
0x2d7: {  	v3 =	vld [tilespmem:s13+$0xFFFFFFE0]  }
0x2d8: {  	v4 =	vld [tilespmem:s3+$0xFFFFFFF0]  }
0x2d9: {  	v5 =	vld [tilespmem:s13+$0xFFFFFFF0]  }
0x2da: {  	v6 =	vld [tilespmem:s3+$0x0]  }
0x2db: {  	v7 =	vld [tilespmem:s13+$0x0]  }
0x2dc: {  	s13 =	simm.s32 $0x7860;
	v1 =	vmul.f32 v2, v1;
	v2 =	vld [tilespmem:s3+$0xFFFFFFE0]  }
0x2dd: {  	v10 =	vld [tilespmem:s13+$0xFFFFFFF0]  }
0x2de: {  	s0 =	simm.s32 $0xC820;
	v12 =	vld [tilespmem:s13+$0x0];
	[tilespmem:s3+$0x10] =	vst v1;
	v1 =	vmul.f32 v5, v4  }
0x2df: {  	s11 =	simm.s32 $0x5020;
	v4 =	vld [tilespmem:s0+$0x10]  }
0x2e0: {  	v5 =	vld [tilespmem:s11+$0x10];
	[tilespmem:s3+$0xFFFFFFF0] =	vst v1;
	v1 =	vmul.f32 v7, v6  }
0x2e1: {  	v7 =	vld [tilespmem:s13+$0x10];
	v2 =	vmul.f32 v3, v2  }
0x2e2: {  	v3 =	vld [tilespmem:s0+$0xFFFFFFF0];
	[tilespmem:s3+$0x0] =	vst v1  }
0x2e3: {  	v6 =	vld [tilespmem:s11+$0xFFFFFFF0];
	[tilespmem:s3+$0xFFFFFFE0] =	vst v2;
	s3 =	simm.s32 $0x2860  }
0x2e4: {  	v8 =	vld [tilespmem:s3+$0x10]  }
0x2e5: {  	v1 =	vld [tilespmem:s0+$0x0]  }
0x2e6: {  	v2 =	vld [tilespmem:s0+$0xFFFFFFE0]  }
0x2e7: {  	v11 =	vld [tilespmem:s3+$0xFFFFFFF0]  }
0x2e8: {  	v9 =	vld [tilespmem:s3+$0xFFFFFFE0]  }
0x2e9: {  	v13 =	vld [tilespmem:s3+$0x0];
	v7 =	vmul.f32 v8, v7  }
0x2ea: {  	v8 =	vld [tilespmem:s13+$0xFFFFFFE0]  }
0x2eb: {  	s9 =	simm.s32 $0xC860;
	v4 =	vmul.f32 v5, v4;
	v5 =	vld [tilespmem:s11+$0xFFFFFFE0];
	[tilespmem:s13+$0x10] =	vst v7  }
0x2ec: {  	s10 =	simm.s32 $0x5060;
	v7 =	vmul.f32 v11, v10;
	v61 =	vld [tilespmem:s9+$0x10]  }
0x2ed: {  	[tilespmem:s0+$0x10] =	vst v4;
	v3 =	vmul.f32 v6, v3;
	v62 =	vld [tilespmem:s10+$0x10]  }
0x2ee: {  	v4 =	vld [tilespmem:s11+$0x0];
	[tilespmem:s13+$0xFFFFFFF0] =	vst v7;
	v7 =	vmul.f32 v13, v12  }
0x2ef: {  	[tilespmem:s0+$0xFFFFFFF0] =	vst v3;
	v8 =	vmul.f32 v9, v8;
	v3 =	vld [tilespmem:s9+$0xFFFFFFF0]  }
0x2f0: {  	v63 =	vmul.f32 v5, v2;
	v6 =	vld [tilespmem:s10+$0xFFFFFFF0];
	[tilespmem:s13+$0x0] =	vst v7  }
0x2f1: {  	[tilespmem:s13+$0xFFFFFFE0] =	vst v8;
	v5 =	vld [tilespmem:s9+$0x0]  }
0x2f2: {  	s29 =	simm.s32 $0x5060;
	s11 =	simm.s32 $0x4;
	[tilespmem:s0+$0xFFFFFFE0] =	vst v63;
	s13 =	simm.s32 $0x78A0;
	v2 =	vld [tilespmem:s9+$0xFFFFFFE0];
	v7 =	vmul.f32 v62, v61  }
.LBB2_19:
0x2f3: {  	v8 =	vld [tilespmem:s13+$0x10];
	s3 =	sadd.s32 $0x40, s3;
	v9 =	vmul.f32 v4, v1  }
0x2f4: {  	v4 =	vld [tilespmem:s3+$0x10];
	[tilespmem:s9+$0x10] =	vst v7  }
0x2f5: {  	s11 =	sadd.s32 $0x4, s11;
	v7 =	vld [tilespmem:s3+$0xFFFFFFE0];
	v3 =	vmul.f32 v6, v3;
	[tilespmem:s0+$0x0] =	vst v9;
	s0 =	smov.u32 s9  }
0x2f6: {  	p0 =	slt.u32 s11, $0x27C;
	v6 =	vld [tilespmem:s13+$0xFFFFFFF0];
	v1 =	vmov v5  }
0x2f7: {  	v5 =	vld [tilespmem:s3+$0xFFFFFFF0];
	[tilespmem:s9+$0xFFFFFFF0] =	vst v3  }
0x2f8: {  	v3 =	vld [tilespmem:s13+$0x0]  }
0x2f9: {  	v9 =	vld [tilespmem:s3+$0x0];
	v4 =	vmul.f32 v4, v8  }
0x2fa: {  	v8 =	vld [tilespmem:s13+$0xFFFFFFE0]  }
0x2fb: {  	s9 =	sadd.s32 $0x40, s9;
	[tilespmem:s13+$0x10] =	vst v4;
	v10 =	vld [tilespmem:s10+$0xFFFFFFE0]  }
0x2fc: {  	s10 =	sadd.s32 $0x40, s10;
	v4 =	vmul.f32 v5, v6;
	v11 =	vld [tilespmem:s9+$0x10]  }
0x2fd: {  	v12 =	vld [tilespmem:s10+$0x10]  }
.Ltmp9:
0x2fe: {  	[tilespmem:s13+$0xFFFFFFF0] =	vst v4;
	v5 =	vmul.f32 v9, v3;
	v4 =	vld [tilespmem:s29+$0x0];
	s29 =	smov.u32 s10;
	(pc) =	sbr.rel @p0 .LBB2_19-.Ltmp9, $4  }
0x2ff: {  	v7 =	vmul.f32 v7, v8;
	v3 =	vld [tilespmem:s9+$0xFFFFFFF0]  }
0x300: {  	v6 =	vld [tilespmem:s10+$0xFFFFFFF0];
	[tilespmem:s13+$0x0] =	vst v5;
	v8 =	vmul.f32 v10, v2  }
0x301: {  	[tilespmem:s13+$0xFFFFFFE0] =	vst v7;
	v5 =	vld [tilespmem:s9+$0x0]  }
0x302: {  	s13 =	sadd.s32 $0x40, s13;
	v2 =	vld [tilespmem:s9+$0xFFFFFFE0];
	v7 =	vmul.f32 v12, v11;
	[tilespmem:s0+$0xFFFFFFE0] =	vst v8  }
0x303: {  	v8 =	vld [tilespmem:s10+$0xFFFFFFE0]  }
0x304: {  	v9 =	vld [tilespmem:s29+$0x0];
	_ =	sdelay $0x1  }
0x305: {  	v1 =	vmul.f32 v4, v1  }
0x306: {  	[tilespmem:s9+$0x10] =	vst v7;
	v3 =	vmul.f32 v6, v3  }
0x307: {  	[tilespmem:s0+$0x0] =	vst v1;
	v1 =	vmul.f32 v8, v2  }
0x308: {  	[tilespmem:s9+$0xFFFFFFF0] =	vst v3;
	v2 =	vmul.f32 v9, v5  }
0x309: {  	[tilespmem:s9+$0xFFFFFFE0] =	vst v1  }
0x30a: {  	[tilespmem:s9+$0x0] =	vst v2  }
0x30b: {  	s0 =	rddreg [dreg:$0xf]  }
0x30c: {  	[hbm4b:s0+s6] =	stream.strided.scatter [tilespmem:s19], [sflag:$0x3], $0x2800, s7, s6, $0x38;
	[tilespmem:$0x1EB00] =	vst v63  }
0x30d: {  	s3 =	simm.s32 $0x0;
	s29 =	rddreg [dreg:$0x10]  }
0x30e: {  	[hbm4b:s29+s6] =	stream.strided.scatter [tilespmem:s20], [sflag:$0x6], $0x2800, s7, s6, $0x38;
	[tilespmem:$0x1EB00] =	vst v63  }
.LBB2_21:
0x30f: {  	_ =	swait.ge [sflag:s21], $0x1F40  }
0x310: {  	[sflag:s21] =	ssyncset.done $0x0  }
0x311: {  	[sflag:s21] =	ssyncadd.s32 $0xFFFFE0C0  }
0x312: {  	_ =	swait.ge [sflag:s22], $0x1F40  }
0x313: {  	[sflag:s22] =	ssyncset.done $0x0  }
0x314: {  	s0 =	simm.s32 $0x11820;
	[sflag:s22] =	ssyncadd.s32 $0xFFFFE0C0  }
0x315: {  	v2 =	vld [tilespmem:s0+$0x10]  }
0x316: {  	v3 =	vld [tilespmem:s0+$0xFFFFFFF0]  }
0x317: {  	v4 =	vld [tilespmem:s0+$0xFFFFFFE0];
	_ =	sdelay $0x2  }
0x318: {  	v6 =	vld [tilespmem:s0+$0x0];
	v5 =	vand.u32 $0xFFFF, v2  }
0x319: {  	s29 =	simm.s32 $0x15720;
	v11 =	vand.u32 $0xFFFF, v3  }
0x31a: {  	v8 =	vld [tilespmem:s29+$0x10];
	v13 =	vand.u32 $0xFFFF, v4  }
0x31b: {  	v14 =	vld [tilespmem:s29+$0xFFFFFFE0]  }
0x31c: {  	v15 =	vld [tilespmem:s29+$0xFFFFFFF0]  }
0x31d: {  	v1 =	vand.u32 $0xFFFF, v6;
	v7 =	vld.idx.msk [tilespmem:v5+s19+$0x0], $0xffff  }
0x31e: {  	v9 =	vld.idx.msk [tilespmem:v11+s19+$0x0], $0xffff  }
0x31f: {  	v2 =	vshrl.u32 v2, $0x10;
	v10 =	vld.idx.msk [tilespmem:v13+s19+$0x0], $0xffff;
	_ =	sdelay $0x1  }
0x320: {  	v18 =	vld [tilespmem:s29+$0x0];
	v12 =	vshrl.u32 v4, $0x10  }
0x321: {  	s9 =	simm.s32 $0x11860;
	v16 =	vld.idx.msk [tilespmem:v1+s19+$0x0], $0xffff;
	v7 =	vmul.f32 v7, v8  }
0x322: {  	v17 =	vshrl.u32 v3, $0x10;
	v4 =	vmul.f32 v9, v15;
	v9 =	vld [tilespmem:s9+$0xFFFFFFF0]  }
0x323: {  	v3 =	vmul.f32 v10, v14;
	[tilespmem:v2+s26+$0x0] =	vst.idx.add.f32.msk $0xffff, v7  }
0x324: {  	v7 =	vld [tilespmem:s9+$0x10]  }
0x325: {  	[tilespmem:v12+s26+$0x0] =	vst.idx.add.f32.msk $0xffff, v3  }
0x326: {  	v2 =	vld.idx.msk [tilespmem:v2+s20+$0x0], $0xffff  }
0x327: {  	[tilespmem:v17+s26+$0x0] =	vst.idx.add.f32.msk $0xffff, v4  }
0x328: {  	v6 =	vshrl.u32 v6, $0x10;
	v3 =	vmul.f32 v16, v18;
	v16 =	vld [tilespmem:s9+$0x0]  }
0x329: {  	s0 =	simm.s32 $0x15760;
	v19 =	vld.idx.msk [tilespmem:v12+s20+$0x0], $0xffff  }
0x32a: {  	v12 =	vld [tilespmem:s0+$0x10];
	v4 =	vand.u32 $0xFFFF, v7  }
0x32b: {  	v2 =	vmul.f32 v2, v8;
	v8 =	vld [tilespmem:s9+$0xFFFFFFE0]  }
0x32c: {  	v17 =	vld.idx.msk [tilespmem:v17+s20+$0x0], $0xffff  }
0x32d: {  	[tilespmem:v6+s26+$0x0] =	vst.idx.add.f32.msk $0xffff, v3  }
0x32e: {  	[tilespmem:v5+s28+$0x0] =	vst.idx.add.f32.msk $0xffff, v2;
	v2 =	vand.u32 $0xFFFF, v9  }
0x32f: {  	v5 =	vand.u32 $0xFFFF, v16;
	v10 =	vld.idx.msk [tilespmem:v4+s19+$0x0], $0xffff  }
0x330: {  	v20 =	vld.idx.msk [tilespmem:v6+s20+$0x0], $0xffff;
	v3 =	vand.u32 $0xFFFF, v8  }
0x331: {  	v6 =	vld [tilespmem:s0+$0xFFFFFFF0];
	v21 =	vshrl.u32 v7, $0x10  }
0x332: {  	v7 =	vld [tilespmem:s0+$0xFFFFFFE0]  }
0x333: {  	v22 =	vld.idx.msk [tilespmem:v2+s19+$0x0], $0xffff  }
0x334: {  	v24 =	vld.idx.msk [tilespmem:v5+s19+$0x0], $0xffff;
	v10 =	vmul.f32 v10, v12  }
0x335: {  	v23 =	vld.idx.msk [tilespmem:v3+s19+$0x0], $0xffff  }
0x336: {  	v19 =	vmul.f32 v19, v14;
	v9 =	vshrl.u32 v9, $0x10;
	[tilespmem:v21+s26+$0x0] =	vst.idx.add.f32.msk $0xffff, v10  }
0x337: {  	v10 =	vshrl.u32 v8, $0x10;
	v8 =	vld [tilespmem:s0+$0x0]  }
0x338: {  	v15 =	vmul.f32 v17, v15;
	[tilespmem:v13+s28+$0x0] =	vst.idx.add.f32.msk $0xffff, v19  }
0x339: {  	v14 =	vld.idx.msk [tilespmem:v21+s20+$0x0], $0xffff;
	v63 =	vmul.f32 v22, v6  }
0x33a: {  	[tilespmem:v11+s28+$0x0] =	vst.idx.add.f32.msk $0xffff, v15;
	v17 =	vmul.f32 v23, v7  }
0x33b: {  	[tilespmem:v9+s26+$0x0] =	vst.idx.add.f32.msk $0xffff, v63  }
0x33c: {  	s10 =	simm.s32 $0x118A0;
	s9 =	simm.s32 $0x4;
	v11 =	vshrl.u32 v16, $0x10;
	v13 =	vmul.f32 v20, v18;
	v15 =	vmul.f32 v24, v8;
	[tilespmem:v10+s26+$0x0] =	vst.idx.add.f32.msk $0xffff, v17  }
.LBB2_22:
0x33d: {  	v16 =	vld [tilespmem:s10+$0x10];
	s9 =	sadd.s32 $0x4, s9  }
0x33e: {  	v12 =	vmul.f32 v14, v12;
	v17 =	vld [tilespmem:s10+$0xFFFFFFF0];
	p0 =	slt.u32 s9, $0x1F0  }
0x33f: {  	v14 =	vld [tilespmem:s10+$0x0]  }
0x340: {  	[tilespmem:v4+s28+$0x0] =	vst.idx.add.f32.msk $0xffff, v12  }
0x341: {  	v12 =	vld [tilespmem:s10+$0xFFFFFFE0]  }
0x342: {  	v4 =	vand.u32 $0xFFFF, v16;
	[tilespmem:v11+s26+$0x0] =	vst.idx.add.f32.msk $0xffff, v15  }
0x343: {  	v15 =	vshrl.u32 v17, $0x10;
	v17 =	vand.u32 $0xFFFF, v17;
	v18 =	vld.idx.msk [tilespmem:v10+s20+$0x0], $0xffff  }
0x344: {  	v10 =	vshrl.u32 v14, $0x10;
	v14 =	vand.u32 $0xFFFF, v14;
	v19 =	vld.idx.msk [tilespmem:v9+s20+$0x0], $0xffff;
	v9 =	vmov v15  }
0x345: {  	v15 =	vld.idx.msk [tilespmem:v11+s20+$0x0], $0xffff;
	v11 =	vmov v10  }
0x346: {  	v10 =	vshrl.u32 v12, $0x10;
	v20 =	vand.u32 $0xFFFF, v12;
	[tilespmem:v1+s28+$0x0] =	vst.idx.add.f32.msk $0xffff, v13;
	v1 =	vmovc v5;
	v5 =	vmov v14  }
0x347: {  	s0 =	sadd.s32 $0x40, s0;
	v21 =	vld.idx.msk [tilespmem:v4+s19+$0x0], $0xffff  }
0x348: {  	v12 =	vld [tilespmem:s0+$0x10]  }
0x349: {  	v18 =	vmul.f32 v18, v7;
	v22 =	vld.idx.msk [tilespmem:v17+s19+$0x0], $0xffff  }
0x34a: {  	v23 =	vld.idx.msk [tilespmem:v14+s19+$0x0], $0xffff;
	v14 =	vshrl.u32 v16, $0x10;
	v16 =	vmul.f32 v19, v6  }
0x34b: {  	v13 =	vmul.f32 v15, v8;
	v19 =	vld.idx.msk [tilespmem:v20+s19+$0x0], $0xffff  }
0x34c: {  	v7 =	vld [tilespmem:s0+$0xFFFFFFE0]  }
0x34d: {  	v6 =	vld [tilespmem:s0+$0xFFFFFFF0];
	v15 =	vmul.f32 v21, v12  }
0x34e: {  	v8 =	vld [tilespmem:s0+$0x0]  }
0x34f: {  	[tilespmem:v14+s26+$0x0] =	vst.idx.add.f32.msk $0xffff, v15  }
.Ltmp10:
0x350: {  	v14 =	vld.idx.msk [tilespmem:v14+s20+$0x0], $0xffff;
	(pc) =	sbr.rel @p0 .LBB2_22-.Ltmp10, $4  }
0x351: {  	v15 =	vmul.f32 v19, v7;
	[tilespmem:v3+s28+$0x0] =	vst.idx.add.f32.msk $0xffff, v18;
	v3 =	vmov v20  }
0x352: {  	v18 =	vmul.f32 v22, v6;
	[tilespmem:v2+s28+$0x0] =	vst.idx.add.f32.msk $0xffff, v16;
	v2 =	vmov v17  }
0x353: {  	[tilespmem:v10+s26+$0x0] =	vst.idx.add.f32.msk $0xffff, v15;
	v15 =	vmul.f32 v23, v8  }
0x354: {  	s10 =	sadd.s32 $0x40, s10;
	[tilespmem:v9+s26+$0x0] =	vst.idx.add.f32.msk $0xffff, v18  }
0x355: {  	_ =	sdelay $0x3  }
0x356: {  	[tilespmem:v11+s26+$0x0] =	vst.idx.add.f32.msk $0xffff, v15  }
0x357: {  	v10 =	vld.idx.msk [tilespmem:v10+s20+$0x0], $0xffff  }
0x358: {  	v9 =	vld.idx.msk [tilespmem:v9+s20+$0x0], $0xffff  }
0x359: {  	v11 =	vld.idx.msk [tilespmem:v11+s20+$0x0], $0xffff  }
0x35a: {  	v12 =	vmul.f32 v14, v12  }
0x35b: {  	p0 =	seq.s32 s3, $0x9  }
0x35c: {  	s0 =	smul.u32 @!p0 $0x3E80, s3;
	[tilespmem:v4+s28+$0x0] =	vst.idx.add.f32.msk $0xffff, v12;
	v4 =	vmul.f32 v10, v7  }
0x35d: {  	[tilespmem:v1+s28+$0x0] =	vst.idx.add.f32.msk $0xffff, v13;
	v1 =	vmul.f32 v9, v6  }
0x35e: {  	s0 =	sshrl.u32 @!p0 s0, $0x3;
	v6 =	vmul.f32 v11, v8;
	[tilespmem:v3+s28+$0x0] =	vst.idx.add.f32.msk $0xffff, v4  }
0x35f: {  	s0 =	sadd.s32 @!p0 $0x7D0, s0;
	[tilespmem:v2+s28+$0x0] =	vst.idx.add.f32.msk $0xffff, v1  }
0x360: {  	s10 =	simm.s32 @!p0 $0x0;
	s11 =	simm.s32 @!p0 $0x11800;
	s9 =	sadd.s32 @!p0 s5, s0;
	[tilespmem:v5+s28+$0x0] =	vst.idx.add.f32.msk $0xffff, v6  }
0x361: {  	[tilespmem:s11], [sflag:$0x1] =	stream.linear.gather @!p0 [hbm4b:s9+s10], $0x1F40, $0x38;
	[tilespmem:$0x1EB00] =	vst v63  }
0x362: {  	s0 =	sadd.s32 @!p0 s1, s0;
	s9 =	simm.s32 @!p0 $0x15700  }
0x363: {  	[tilespmem:s9], [sflag:$0x2] =	stream.linear.gather @!p0 [hbm4b:s0+s10], $0x1F40, $0x38;
	[tilespmem:$0x1EB00] =	vst v63  }
0x364: {  	_ =	swait.ge [sflag:s23], $0x1F40  }
0x365: {  	[sflag:s23] =	ssyncset.done $0x0  }
0x366: {  	[sflag:s23] =	ssyncadd.s32 $0xFFFFE0C0  }
0x367: {  	_ =	swait.ge [sflag:s25], $0x1F40  }
0x368: {  	[sflag:s25] =	ssyncset.done $0x0  }
0x369: {  	s11 =	simm.s32 $0x137A0;
	[sflag:s25] =	ssyncadd.s32 $0xFFFFE0C0  }
0x36a: {  	v2 =	vld [tilespmem:s11+$0x10]  }
0x36b: {  	v3 =	vld [tilespmem:s11+$0xFFFFFFF0]  }
0x36c: {  	v4 =	vld [tilespmem:s11+$0xFFFFFFE0];
	_ =	sdelay $0x2  }
0x36d: {  	v6 =	vld [tilespmem:s11+$0x0];
	v5 =	vand.u32 $0xFFFF, v2  }
0x36e: {  	s13 =	simm.s32 $0x176A0;
	v11 =	vand.u32 $0xFFFF, v3  }
0x36f: {  	v8 =	vld [tilespmem:s13+$0x10];
	v13 =	vand.u32 $0xFFFF, v4  }
0x370: {  	v14 =	vld [tilespmem:s13+$0xFFFFFFE0]  }
0x371: {  	v15 =	vld [tilespmem:s13+$0xFFFFFFF0]  }
0x372: {  	v1 =	vand.u32 $0xFFFF, v6;
	v7 =	vld.idx.msk [tilespmem:v5+s19+$0x0], $0xffff  }
0x373: {  	v9 =	vld.idx.msk [tilespmem:v11+s19+$0x0], $0xffff  }
0x374: {  	v2 =	vshrl.u32 v2, $0x10;
	v10 =	vld.idx.msk [tilespmem:v13+s19+$0x0], $0xffff;
	_ =	sdelay $0x1  }
0x375: {  	v18 =	vld [tilespmem:s13+$0x0];
	v12 =	vshrl.u32 v4, $0x10  }
0x376: {  	s29 =	simm.s32 $0x137E0;
	v16 =	vld.idx.msk [tilespmem:v1+s19+$0x0], $0xffff;
	v7 =	vmul.f32 v7, v8  }
0x377: {  	v17 =	vshrl.u32 v3, $0x10;
	v4 =	vmul.f32 v9, v15;
	v9 =	vld [tilespmem:s29+$0xFFFFFFF0]  }
0x378: {  	v3 =	vmul.f32 v10, v14;
	[tilespmem:v2+s26+$0x0] =	vst.idx.add.f32.msk $0xffff, v7  }
0x379: {  	v7 =	vld [tilespmem:s29+$0x10]  }
0x37a: {  	[tilespmem:v12+s26+$0x0] =	vst.idx.add.f32.msk $0xffff, v3  }
0x37b: {  	v2 =	vld.idx.msk [tilespmem:v2+s20+$0x0], $0xffff  }
0x37c: {  	[tilespmem:v17+s26+$0x0] =	vst.idx.add.f32.msk $0xffff, v4  }
0x37d: {  	v6 =	vshrl.u32 v6, $0x10;
	v3 =	vmul.f32 v16, v18;
	v16 =	vld [tilespmem:s29+$0x0]  }
0x37e: {  	s0 =	simm.s32 $0x176E0;
	v19 =	vld.idx.msk [tilespmem:v12+s20+$0x0], $0xffff  }
0x37f: {  	v12 =	vld [tilespmem:s0+$0x10];
	v4 =	vand.u32 $0xFFFF, v7  }
0x380: {  	v2 =	vmul.f32 v2, v8;
	v8 =	vld [tilespmem:s29+$0xFFFFFFE0]  }
0x381: {  	v17 =	vld.idx.msk [tilespmem:v17+s20+$0x0], $0xffff  }
0x382: {  	[tilespmem:v6+s26+$0x0] =	vst.idx.add.f32.msk $0xffff, v3  }
0x383: {  	[tilespmem:v5+s28+$0x0] =	vst.idx.add.f32.msk $0xffff, v2;
	v2 =	vand.u32 $0xFFFF, v9  }
0x384: {  	v5 =	vand.u32 $0xFFFF, v16;
	v10 =	vld.idx.msk [tilespmem:v4+s19+$0x0], $0xffff  }
0x385: {  	v20 =	vld.idx.msk [tilespmem:v6+s20+$0x0], $0xffff;
	v3 =	vand.u32 $0xFFFF, v8  }
0x386: {  	v6 =	vld [tilespmem:s0+$0xFFFFFFF0];
	v21 =	vshrl.u32 v7, $0x10  }
0x387: {  	v7 =	vld [tilespmem:s0+$0xFFFFFFE0]  }
0x388: {  	v22 =	vld.idx.msk [tilespmem:v2+s19+$0x0], $0xffff  }
0x389: {  	v24 =	vld.idx.msk [tilespmem:v5+s19+$0x0], $0xffff;
	v10 =	vmul.f32 v10, v12  }
0x38a: {  	v23 =	vld.idx.msk [tilespmem:v3+s19+$0x0], $0xffff  }
0x38b: {  	v19 =	vmul.f32 v19, v14;
	[tilespmem:v21+s26+$0x0] =	vst.idx.add.f32.msk $0xffff, v10;
	v10 =	vshrl.u32 v8, $0x10;
	v8 =	vshrl.u32 v9, $0x10  }
0x38c: {  	v9 =	vld [tilespmem:s0+$0x0]  }
0x38d: {  	v15 =	vmul.f32 v17, v15;
	[tilespmem:v13+s28+$0x0] =	vst.idx.add.f32.msk $0xffff, v19  }
0x38e: {  	v14 =	vld.idx.msk [tilespmem:v21+s20+$0x0], $0xffff;
	v63 =	vmul.f32 v22, v6  }
0x38f: {  	[tilespmem:v11+s28+$0x0] =	vst.idx.add.f32.msk $0xffff, v15;
	v17 =	vmul.f32 v23, v7  }
0x390: {  	[tilespmem:v8+s26+$0x0] =	vst.idx.add.f32.msk $0xffff, v63  }
0x391: {  	s9 =	simm.s32 $0x4;
	s10 =	simm.s32 $0x13820;
	v11 =	vshrl.u32 v16, $0x10;
	v13 =	vmul.f32 v20, v18;
	v15 =	vmul.f32 v24, v9;
	[tilespmem:v10+s26+$0x0] =	vst.idx.add.f32.msk $0xffff, v17  }
.LBB2_24:
0x392: {  	v16 =	vld [tilespmem:s10+$0x10];
	s9 =	sadd.s32 $0x4, s9  }
0x393: {  	v12 =	vmul.f32 v14, v12;
	v17 =	vld [tilespmem:s10+$0xFFFFFFF0];
	p1 =	slt.u32 s9, $0x1F0  }
0x394: {  	v14 =	vld [tilespmem:s10+$0x0]  }
0x395: {  	[tilespmem:v4+s28+$0x0] =	vst.idx.add.f32.msk $0xffff, v12  }
0x396: {  	v12 =	vld [tilespmem:s10+$0xFFFFFFE0]  }
0x397: {  	v4 =	vand.u32 $0xFFFF, v16;
	[tilespmem:v11+s26+$0x0] =	vst.idx.add.f32.msk $0xffff, v15  }
0x398: {  	v15 =	vshrl.u32 v17, $0x10;
	v17 =	vand.u32 $0xFFFF, v17;
	v18 =	vld.idx.msk [tilespmem:v10+s20+$0x0], $0xffff  }
0x399: {  	v10 =	vshrl.u32 v14, $0x10;
	v14 =	vand.u32 $0xFFFF, v14;
	v19 =	vld.idx.msk [tilespmem:v8+s20+$0x0], $0xffff;
	v8 =	vmov v15  }
0x39a: {  	v15 =	vld.idx.msk [tilespmem:v11+s20+$0x0], $0xffff;
	v11 =	vmov v10  }
0x39b: {  	v10 =	vshrl.u32 v12, $0x10;
	v20 =	vand.u32 $0xFFFF, v12;
	[tilespmem:v1+s28+$0x0] =	vst.idx.add.f32.msk $0xffff, v13;
	v1 =	vmovc v5;
	v5 =	vmov v14  }
0x39c: {  	s0 =	sadd.s32 $0x40, s0;
	v21 =	vld.idx.msk [tilespmem:v4+s19+$0x0], $0xffff  }
0x39d: {  	v12 =	vld [tilespmem:s0+$0x10]  }
0x39e: {  	v18 =	vmul.f32 v18, v7;
	v22 =	vld.idx.msk [tilespmem:v17+s19+$0x0], $0xffff  }
0x39f: {  	v23 =	vld.idx.msk [tilespmem:v14+s19+$0x0], $0xffff;
	v14 =	vshrl.u32 v16, $0x10;
	v16 =	vmul.f32 v19, v6  }
0x3a0: {  	v13 =	vmul.f32 v15, v9;
	v19 =	vld.idx.msk [tilespmem:v20+s19+$0x0], $0xffff  }
0x3a1: {  	v7 =	vld [tilespmem:s0+$0xFFFFFFE0]  }
0x3a2: {  	v6 =	vld [tilespmem:s0+$0xFFFFFFF0];
	v15 =	vmul.f32 v21, v12  }
0x3a3: {  	v9 =	vld [tilespmem:s0+$0x0]  }
0x3a4: {  	[tilespmem:v14+s26+$0x0] =	vst.idx.add.f32.msk $0xffff, v15  }
.Ltmp11:
0x3a5: {  	v14 =	vld.idx.msk [tilespmem:v14+s20+$0x0], $0xffff;
	(pc) =	sbr.rel @p1 .LBB2_24-.Ltmp11, $4  }
0x3a6: {  	v15 =	vmul.f32 v19, v7;
	[tilespmem:v3+s28+$0x0] =	vst.idx.add.f32.msk $0xffff, v18;
	v3 =	vmov v20  }
0x3a7: {  	v18 =	vmul.f32 v22, v6;
	[tilespmem:v2+s28+$0x0] =	vst.idx.add.f32.msk $0xffff, v16;
	v2 =	vmov v17  }
0x3a8: {  	[tilespmem:v10+s26+$0x0] =	vst.idx.add.f32.msk $0xffff, v15;
	v15 =	vmul.f32 v23, v9  }
0x3a9: {  	s10 =	sadd.s32 $0x40, s10;
	[tilespmem:v8+s26+$0x0] =	vst.idx.add.f32.msk $0xffff, v18  }
0x3aa: {  	_ =	sdelay $0x3  }
0x3ab: {  	[tilespmem:v11+s26+$0x0] =	vst.idx.add.f32.msk $0xffff, v15  }
0x3ac: {  	v10 =	vld.idx.msk [tilespmem:v10+s20+$0x0], $0xffff  }
0x3ad: {  	v8 =	vld.idx.msk [tilespmem:v8+s20+$0x0], $0xffff  }
0x3ae: {  	v11 =	vld.idx.msk [tilespmem:v11+s20+$0x0], $0xffff;
	_ =	sdelay $0x1  }
0x3af: {  	v12 =	vmul.f32 v14, v12  }
.Ltmp12:
0x3b0: {  	[tilespmem:v1+s28+$0x0] =	vst.idx.add.f32.msk $0xffff, v13;
	v62 =	vmul.f32 v10, v7;
	(pc) =	sbr.rel @p0 .LBB2_26-.Ltmp12, $4  }
0x3b1: {  	[tilespmem:v4+s28+$0x0] =	vst.idx.add.f32.msk $0xffff, v12;
	v1 =	vmul.f32 v8, v6  }
0x3b2: {  	v63 =	vmul.f32 v11, v9;
	[tilespmem:v3+s28+$0x0] =	vst.idx.add.f32.msk $0xffff, v62  }
0x3b3: {  	[tilespmem:v2+s28+$0x0] =	vst.idx.add.f32.msk $0xffff, v1  }
0x3b4: {  	[tilespmem:v5+s28+$0x0] =	vst.idx.add.f32.msk $0xffff, v63  }
0x3b5: {  	s0 =	smul.u32 $0x3E80, s3;
	_ =	sdelay $0x1  }
0x3b6: {  	s0 =	sshrl.u32 s0, $0x3  }
.Ltmp13:
0x3b7: {  	s0 =	sadd.s32 $0xBB8, s0;
	(pc) =	sbr.rel .LBB2_21-.Ltmp13, $4  }
0x3b8: {  	s9 =	sadd.s32 s5, s0  }
0x3b9: {  	[tilespmem:s16], [sflag:$0x4] =	stream.linear.gather [hbm4b:s9+s4], $0x1F40, $0x38;
	[tilespmem:$0x1EB00] =	vst v63  }
0x3ba: {  	s3 =	sadd.s32 $0x1, s3;
	s0 =	sadd.s32 s1, s0  }
0x3bb: {  	[tilespmem:s17], [sflag:$0x5] =	stream.linear.gather [hbm4b:s0+s4], $0x1F40, $0x38;
	[tilespmem:$0x1EB00] =	vst v63  }
.LBB2_26:
0x3bc: {  	s3 =	simm.s32 $0xA020  }
0x3bd: {  	s9 =	simm.s32 $0x2820;
	v1 =	vld [tilespmem:s3+$0x10]  }
0x3be: {  	v2 =	vld [tilespmem:s9+$0x10]  }
0x3bf: {  	v3 =	vld [tilespmem:s9+$0xFFFFFFE0]  }
0x3c0: {  	v4 =	vld [tilespmem:s3+$0xFFFFFFF0]  }
0x3c1: {  	v5 =	vld [tilespmem:s9+$0xFFFFFFF0]  }
0x3c2: {  	v6 =	vld [tilespmem:s3+$0x0]  }
0x3c3: {  	v7 =	vld [tilespmem:s9+$0x0]  }
0x3c4: {  	s13 =	simm.s32 $0xA060;
	v1 =	vmul.f32 v2, v1;
	v2 =	vld [tilespmem:s3+$0xFFFFFFE0]  }
0x3c5: {  	v10 =	vld [tilespmem:s13+$0xFFFFFFF0]  }
0x3c6: {  	s0 =	simm.s32 $0xF020;
	v12 =	vld [tilespmem:s13+$0x0];
	[tilespmem:s3+$0x10] =	vst v1;
	v1 =	vmul.f32 v5, v4  }
0x3c7: {  	s11 =	simm.s32 $0x5020;
	v4 =	vld [tilespmem:s0+$0x10]  }
0x3c8: {  	v5 =	vld [tilespmem:s11+$0x10];
	[tilespmem:s3+$0xFFFFFFF0] =	vst v1;
	v1 =	vmul.f32 v7, v6  }
0x3c9: {  	v7 =	vld [tilespmem:s13+$0x10];
	v2 =	vmul.f32 v3, v2  }
0x3ca: {  	v3 =	vld [tilespmem:s0+$0xFFFFFFF0];
	[tilespmem:s3+$0x0] =	vst v1  }
0x3cb: {  	v6 =	vld [tilespmem:s11+$0xFFFFFFF0];
	[tilespmem:s3+$0xFFFFFFE0] =	vst v2;
	s3 =	simm.s32 $0x2860  }
0x3cc: {  	v8 =	vld [tilespmem:s3+$0x10]  }
0x3cd: {  	v1 =	vld [tilespmem:s0+$0x0]  }
0x3ce: {  	v2 =	vld [tilespmem:s0+$0xFFFFFFE0]  }
0x3cf: {  	v11 =	vld [tilespmem:s3+$0xFFFFFFF0]  }
0x3d0: {  	v9 =	vld [tilespmem:s3+$0xFFFFFFE0]  }
0x3d1: {  	v13 =	vld [tilespmem:s3+$0x0];
	v7 =	vmul.f32 v8, v7  }
0x3d2: {  	v8 =	vld [tilespmem:s13+$0xFFFFFFE0]  }
0x3d3: {  	s9 =	simm.s32 $0xF060;
	v4 =	vmul.f32 v5, v4;
	v5 =	vld [tilespmem:s11+$0xFFFFFFE0];
	[tilespmem:s13+$0x10] =	vst v7  }
0x3d4: {  	s10 =	simm.s32 $0x5060;
	v7 =	vmul.f32 v11, v10;
	v61 =	vld [tilespmem:s9+$0x10]  }
0x3d5: {  	[tilespmem:s0+$0x10] =	vst v4;
	v3 =	vmul.f32 v6, v3;
	v62 =	vld [tilespmem:s10+$0x10]  }
0x3d6: {  	v4 =	vld [tilespmem:s11+$0x0];
	[tilespmem:s13+$0xFFFFFFF0] =	vst v7;
	v7 =	vmul.f32 v13, v12  }
0x3d7: {  	[tilespmem:s0+$0xFFFFFFF0] =	vst v3;
	v8 =	vmul.f32 v9, v8;
	v3 =	vld [tilespmem:s9+$0xFFFFFFF0]  }
0x3d8: {  	v63 =	vmul.f32 v5, v2;
	v6 =	vld [tilespmem:s10+$0xFFFFFFF0];
	[tilespmem:s13+$0x0] =	vst v7  }
0x3d9: {  	[tilespmem:s13+$0xFFFFFFE0] =	vst v8;
	v5 =	vld [tilespmem:s9+$0x0]  }
0x3da: {  	s29 =	simm.s32 $0x5060;
	s11 =	simm.s32 $0x4;
	[tilespmem:s0+$0xFFFFFFE0] =	vst v63;
	s13 =	simm.s32 $0xA0A0;
	v2 =	vld [tilespmem:s9+$0xFFFFFFE0];
	v7 =	vmul.f32 v62, v61  }
.LBB2_27:
0x3db: {  	v8 =	vld [tilespmem:s13+$0x10];
	s3 =	sadd.s32 $0x40, s3;
	v9 =	vmul.f32 v4, v1  }
0x3dc: {  	v4 =	vld [tilespmem:s3+$0x10];
	[tilespmem:s9+$0x10] =	vst v7  }
0x3dd: {  	s11 =	sadd.s32 $0x4, s11;
	v7 =	vld [tilespmem:s3+$0xFFFFFFE0];
	v3 =	vmul.f32 v6, v3;
	[tilespmem:s0+$0x0] =	vst v9;
	s0 =	smov.u32 s9  }
0x3de: {  	p0 =	slt.u32 s11, $0x27C;
	v6 =	vld [tilespmem:s13+$0xFFFFFFF0];
	v1 =	vmov v5  }
0x3df: {  	v5 =	vld [tilespmem:s3+$0xFFFFFFF0];
	[tilespmem:s9+$0xFFFFFFF0] =	vst v3  }
0x3e0: {  	v3 =	vld [tilespmem:s13+$0x0]  }
0x3e1: {  	v9 =	vld [tilespmem:s3+$0x0];
	v4 =	vmul.f32 v4, v8  }
0x3e2: {  	v8 =	vld [tilespmem:s13+$0xFFFFFFE0]  }
0x3e3: {  	s9 =	sadd.s32 $0x40, s9;
	[tilespmem:s13+$0x10] =	vst v4;
	v10 =	vld [tilespmem:s10+$0xFFFFFFE0]  }
0x3e4: {  	s10 =	sadd.s32 $0x40, s10;
	v4 =	vmul.f32 v5, v6;
	v11 =	vld [tilespmem:s9+$0x10]  }
0x3e5: {  	v12 =	vld [tilespmem:s10+$0x10]  }
.Ltmp14:
0x3e6: {  	[tilespmem:s13+$0xFFFFFFF0] =	vst v4;
	v5 =	vmul.f32 v9, v3;
	v4 =	vld [tilespmem:s29+$0x0];
	s29 =	smov.u32 s10;
	(pc) =	sbr.rel @p0 .LBB2_27-.Ltmp14, $4  }
0x3e7: {  	v7 =	vmul.f32 v7, v8;
	v3 =	vld [tilespmem:s9+$0xFFFFFFF0]  }
0x3e8: {  	v6 =	vld [tilespmem:s10+$0xFFFFFFF0];
	[tilespmem:s13+$0x0] =	vst v5;
	v8 =	vmul.f32 v10, v2  }
0x3e9: {  	[tilespmem:s13+$0xFFFFFFE0] =	vst v7;
	v5 =	vld [tilespmem:s9+$0x0]  }
0x3ea: {  	s13 =	sadd.s32 $0x40, s13;
	v2 =	vld [tilespmem:s9+$0xFFFFFFE0];
	v7 =	vmul.f32 v12, v11;
	[tilespmem:s0+$0xFFFFFFE0] =	vst v8  }
0x3eb: {  	v8 =	vld [tilespmem:s10+$0xFFFFFFE0]  }
0x3ec: {  	v9 =	vld [tilespmem:s29+$0x0];
	_ =	sdelay $0x1  }
0x3ed: {  	v1 =	vmul.f32 v4, v1  }
0x3ee: {  	[tilespmem:s9+$0x10] =	vst v7;
	v3 =	vmul.f32 v6, v3  }
0x3ef: {  	[tilespmem:s0+$0x0] =	vst v1;
	v1 =	vmul.f32 v8, v2  }
0x3f0: {  	[tilespmem:s9+$0xFFFFFFF0] =	vst v3;
	v2 =	vmul.f32 v9, v5  }
0x3f1: {  	[tilespmem:s9+$0xFFFFFFE0] =	vst v1  }
0x3f2: {  	[tilespmem:s9+$0x0] =	vst v2;
	s9 =	simm.s32 $0x3  }
0x3f3: {  	_ =	swait.ge [sflag:s9], $0x2800  }
0x3f4: {  	[sflag:s9] =	ssyncset.done $0x0  }
0x3f5: {  	s10 =	simm.s32 $0x6;
	[sflag:s9] =	ssyncadd.s32 $0xFFFFD800  }
0x3f6: {  	_ =	swait.ge [sflag:s10], $0x2800  }
0x3f7: {  	[sflag:s10] =	ssyncset.done $0x0  }
0x3f8: {  	s11 =	rddreg [dreg:$0x11];
	[sflag:s10] =	ssyncadd.s32 $0xFFFFD800  }
0x3f9: {  	[hbm4b:s11+s6] =	stream.strided.scatter [tilespmem:s26], [sflag:$0x7], $0x2800, s7, s6, $0x38;
	[tilespmem:$0x1EB00] =	vst v63  }
0x3fa: {  	_ =	swait.ge [sflag:s8], $0x2800  }
0x3fb: {  	[sflag:s8] =	ssyncset.done $0x0  }
0x3fc: {  	s13 =	rddreg [dreg:$0x12];
	[sflag:s8] =	ssyncadd.s32 $0xFFFFD800  }
0x3fd: {  	[hbm4b:s13+s6] =	stream.strided.scatter [tilespmem:s28], [sflag:$0x7], $0x2800, s7, s6, $0x38;
	[tilespmem:$0x1EB00] =	vst v63  }
0x3fe: {  	_ =	swait.ge [sflag:s8], $0x2800  }
0x3ff: {  	s31 =	sadd.s32 $0x1, s31;
	s29 =	rddreg [dreg:$0x16]  }
0x400: {  	p0 =	sne.s32 s31, s29  }
.Ltmp15:
0x401: {  	_ = 	snop;
	(pc) =	sbr.rel @p0 .LBB2_1-.Ltmp15, $3  }
0x402: {  	_ =	sdelay $0x1  }
0x403: {  	[sflag:s8] =	ssyncset.done $0x0  }
0x404: {  	[sflag:s8] =	ssyncadd.s32 $0xFFFFD800  }
0x405: {  	_ =	sfence.sel $0x180000  }
0x406: {  	[bflag:$0x0] =	sbarrier.arrive $0xFFFF  }
0x407: {  	_ =	strace $0x90000047  }
0x408: {  	s0 =	stileid.u32;
	[bflag:$0x2] =	sbarrier.arrive $0xFFFF  }
0x409: {  	p0 =	sne.s32 s0, $0x0;
	s0 =	rddreg [dreg:$0x4]  }
0x40a: {  	s0 =	sadd.s32 @!p0 $0x100000, s0  }
0x40b: {  	[sflag:s0] =	ssyncadd.tile.s32 @!p0 $0x1;
	_ =	shalt  }
.Lfunc_end2:
_tile_overlayer_lowered:
.L_overlay_start_2:
0x40c: {  	(tag) =	ssettag $0x2  }
0x40d: {  	s0 =	rddreg [dreg:$0x0];
	s2 =	stileid.u32  }
0x40e: {  	s1 =	rddreg [dreg:$0x1];
	p0 =	sne.s32 s2, $0x0  }
0x40f: {  	s3 =	rddreg [dreg:$0x2];
	[bflag:$0x3] =	sbarrier.arrive $0xFFFF;
	s2 =	simm.s32 @!p0 $0x1C07  }
0x410: {  	[timem:s3], [sflag:s2] =	dma.local @!p0 [hbm:s0], s1  }
0x411: {  	s0 =	simm.s32 @!p0 $0x7  }
0x412: {  	_ =	swait.ge @!p0 [sflag:s0], s1  }
0x413: {  	s1 =	ssub.s32 @!p0 $0x0, s1;
	[sflag:s0] =	ssyncset.done @!p0 $0x0  }
0x414: {  	[sflag:s0] =	ssyncadd.s32 @!p0 s1  }
0x415: {  	[bflag:$0x3] =	sbarrier.arrive $0xFFFF  }
0x416: {  	_ =	shalt  }

</sc_bundles>
